<compile_context>
chip_gen: v7x
topology: tpu7x:2x2x1
jax: 0.10.2.dev20260603
libtpu: 0.0.44.dev20260713+nightly
codegen_flags: <defaults>
</compile_context>

<pallas_src>
import jax
import jax.numpy as jnp
from jax import lax
from jax.experimental import pallas as pl
from jax.experimental.pallas import tpu as pltpu
from jax.experimental.pallas import tpu_sc as plsc

B, N, D, P = 4, 16384, 64, 64
C = B * P
L = 16
V = N // L
RADIX = 256
CNT = RADIX * L
PART = 2
H = V // PART
NC, NS = 2, 16
NW = NC * NS
CPW = C // NW
NT = 4096

_SIGN = -2**31


def _normalize_theta(th):
    norm = jnp.sqrt(jnp.sum(th * th, axis=1, keepdims=True))
    return th / jnp.maximum(norm, 1e-8)


def _proj_body(x_ref, y_ref, th_ref, xo_ref, yo_ref):
    th = _normalize_theta(th_ref[...])
    dn = (((1,), (1,)), ((), ()))
    xo_ref[0] = lax.dot_general(th, x_ref[0], dn,
                                preferred_element_type=jnp.float32,
                                precision=lax.Precision.HIGHEST)
    yo_ref[0] = lax.dot_general(th, y_ref[0], dn,
                                preferred_element_type=jnp.float32,
                                precision=lax.Precision.HIGHEST)


def _project(x, y, theta_raw):
    grid = (B, N // NT)
    return pl.pallas_call(
        _proj_body,
        grid=grid,
        in_specs=[
            pl.BlockSpec((1, NT, D), lambda b, n: (b, n, 0)),
            pl.BlockSpec((1, NT, D), lambda b, n: (b, n, 0)),
            pl.BlockSpec((P, D), lambda b, n: (0, 0)),
        ],
        out_specs=[
            pl.BlockSpec((1, P, NT), lambda b, n: (b, 0, n)),
            pl.BlockSpec((1, P, NT), lambda b, n: (b, 0, n)),
        ],
        out_shape=[
            jax.ShapeDtypeStruct((B, P, N), jnp.float32),
            jax.ShapeDtypeStruct((B, P, N), jnp.float32),
        ],
    )(x, y, theta_raw)


def _encode(u):
    m = lax.shift_right_arithmetic(u, 31)
    return u ^ (m | _SIGN)


def _decode(e):
    m = lax.shift_right_arithmetic(e, 31)
    return e ^ (~m | _SIGN)


def _sc_body(x_hbm, y_hbm, out_hbm, ak, av, bk, bv, yb, ck, cntx, cnty):
    wid = lax.axis_index("s") * NC + lax.axis_index("c")
    lane = lax.iota(jnp.int32, L)
    ones = jnp.ones((L,), jnp.int32)
    zeros = jnp.zeros((L,), jnp.int32)

    def rank_to_mem(r):
        return (r & (V - 1)) * L + lax.shift_right_logical(r, 10)

    def radix_pass(xk_src, xv_src, xv_dst, yk_src, shift, first, last,
                   xk_dst=None, yk_dst=None, out=None):
        def loadx(v):
            k = xk_src[pl.ds(v * L, L)]
            return _encode(k) if first else k

        def loady(v):
            k = yk_src[pl.ds(v * L, L)]
            return _encode(k) if first else k

        @plsc.parallel_loop(0, PART * CNT // L, unroll=4)
        def _zero(i):
            sl = pl.ds(i * L, L)
            cntx[sl] = zeros
            cnty[sl] = zeros

        def hist_one(v, p):
            kx = loadx(v)
            dx = lax.shift_right_logical(kx, shift) & 255
            plsc.addupdate_scatter(cntx, [p * CNT + dx * L + lane], ones)
            ky = loady(v)
            dy = lax.shift_right_logical(ky, shift) & 255
            plsc.addupdate_scatter(cnty, [p * CNT + dy * L + lane], ones)

        @plsc.parallel_loop(0, H, unroll=4)
        def _hist(i):
            for p in range(PART):
                hist_one(i + p * H, p)

        @plsc.parallel_loop(0, CNT // L, carry=(jnp.int32(0), jnp.int32(0)))
        def _scan(i, carry):
            cax, cay = carry
            sls = [pl.ds(p * CNT + i * L, L) for p in range(PART)]
            cxs = [cntx[sl] for sl in sls]
            sx = sum(cxs)
            px = plsc.cumsum(sx) - sx + cax
            for p in range(PART):
                cntx[sls[p]] = px
                px = px + cxs[p]
            cax = cax + jnp.sum(sx)
            cys = [cnty[sl] for sl in sls]
            sy = sum(cys)
            py = plsc.cumsum(sy) - sy + cay
            for p in range(PART):
                cnty[sls[p]] = py
                py = py + cys[p]
            cay = cay + jnp.sum(sy)
            return cax, cay

        def permx(v, p, store_keys):
            kx = loadx(v)
            dx = lax.shift_right_logical(kx, shift) & 255
            ix = p * CNT + dx * L + lane
            ox = plsc.load_gather(cntx, [ix])
            plsc.store_scatter(cntx, [ix], ox + 1)
            memx = rank_to_mem(ox)
            if store_keys:
                plsc.store_scatter(xk_dst, [memx], kx)
            val = (v * L + lane) if first else xv_src[pl.ds(v * L, L)]
            plsc.store_scatter(xv_dst, [memx], val)

        def permy(v, p):
            ky = loady(v)
            dy = lax.shift_right_logical(ky, shift) & 255
            iy = p * CNT + dy * L + lane
            oy = plsc.load_gather(cnty, [iy])
            plsc.store_scatter(cnty, [iy], oy + 1)
            memy = rank_to_mem(oy)
            if not last:
                plsc.store_scatter(yk_dst, [memy], ky)
            else:
                pos = plsc.load_gather(xv_dst, [memy])
                plsc.store_scatter(out, [pos], _decode(ky))

        if not last:
            def perm(i, _):
                for u in range(2):
                    for p in range(PART):
                        v = i * 2 + u + p * H
                        permx(v, p, True)
                        permy(v, p)
                return 0
            lax.fori_loop(0, H // 2, perm, 0)
        else:
            def perm_x(i, _):
                for u in range(2):
                    for p in range(PART):
                        permx(i * 2 + u + p * H, p, False)
                return 0
            lax.fori_loop(0, H // 2, perm_x, 0)

            def perm_y(i, _):
                for u in range(2):
                    for p in range(PART):
                        permy(i * 2 + u + p * H, p)
                return 0
            lax.fori_loop(0, H // 2, perm_y, 0)

    def column(j, _):
        col = wid * CPW + j
        pltpu.sync_copy(x_hbm.at[col], ak)
        pltpu.sync_copy(y_hbm.at[col], yb)
        radix_pass(ak, None, bv, yb, 0, True, False, xk_dst=bk, yk_dst=ck)
        radix_pass(bk, bv, av, ck, 8, False, False, xk_dst=ak, yk_dst=yb)
        radix_pass(ak, av, bv, yb, 16, False, False, xk_dst=bk, yk_dst=ck)
        radix_pass(bk, bv, av, ck, 24, False, True, out=ak)
        pltpu.sync_copy(ak, out_hbm.at[col])
        return 0

    lax.fori_loop(0, CPW, column, 0)


def _sc_transport(xT_bits, yT_bits):
    mesh = plsc.VectorSubcoreMesh(core_axis_name="c", subcore_axis_name="s",
                                  num_cores=NC, num_subcores=NS)
    f = pl.kernel(
        _sc_body,
        out_type=jax.ShapeDtypeStruct((C, N), jnp.int32),
        mesh=mesh,
        compiler_params=pltpu.CompilerParams(needs_layout_passes=False),
        scratch_types=[
            pltpu.VMEM((N,), jnp.int32),
            pltpu.VMEM((N,), jnp.int32),
            pltpu.VMEM((N,), jnp.int32),
            pltpu.VMEM((N,), jnp.int32),
            pltpu.VMEM((N,), jnp.int32),
            pltpu.VMEM((N,), jnp.int32),
            pltpu.VMEM((PART * CNT,), jnp.int32),
            pltpu.VMEM((PART * CNT,), jnp.int32),
        ],
    )
    return f(xT_bits, yT_bits)


def _assemble_body(scale_ref, t_ref, xp_ref, x_ref, th_ref, o_ref):
    th = _normalize_theta(th_ref[...])
    transported = lax.bitcast_convert_type(t_ref[0], jnp.float32)
    diff = transported - xp_ref[0]
    dn = (((0,), (0,)), ((), ()))
    t = lax.dot_general(diff, th, dn,
                        preferred_element_type=jnp.float32,
                        precision=lax.Precision.HIGHEST)
    o_ref[0] = x_ref[0] + t * scale_ref[0]


def _assemble(transT_bits, xT, x, theta_raw, n_projections):
    grid = (B, N // NT)
    scale = (1.0 / jnp.asarray(n_projections, jnp.float32)).reshape(1)
    return pl.pallas_call(
        _assemble_body,
        grid=grid,
        in_specs=[
            pl.BlockSpec(memory_space=pltpu.SMEM),
            pl.BlockSpec((1, P, NT), lambda b, n: (b, 0, n)),
            pl.BlockSpec((1, P, NT), lambda b, n: (b, 0, n)),
            pl.BlockSpec((1, NT, D), lambda b, n: (b, n, 0)),
            pl.BlockSpec((P, D), lambda b, n: (0, 0)),
        ],
        out_specs=pl.BlockSpec((1, NT, D), lambda b, n: (b, n, 0)),
        out_shape=jax.ShapeDtypeStruct((B, N, D), jnp.float32),
    )(scale, transT_bits, xT, x, theta_raw)


def kernel(x_batch, y_batch, eps, n_projections, theta_raw):
    del eps
    xT, yT = _project(x_batch, y_batch, theta_raw)
    xT_bits = lax.bitcast_convert_type(xT, jnp.int32).reshape(C, N)
    yT_bits = lax.bitcast_convert_type(yT, jnp.int32).reshape(C, N)
    transT_bits = _sc_transport(xT_bits, yT_bits).reshape(B, P, N)
    return _assemble(transT_bits, xT, x_batch, theta_raw, n_projections)

# --- scband reference (transcript-rebuilt; emitter-appended) ---
"""Pipeline reference for scband-transport-module-45835890983689 (READ-ONLY COPY).

The authoritative reference and input builder live on the scoring server;
editing this copy changes nothing except your own understanding.
"""

import jax, jax.numpy as jnp
import numpy as np


def setup_inputs(seed: int = 0) -> dict:
    key = jax.random.key(seed)
    k1, k2, k3 = jax.random.split(key, 3)
    x_batch = jax.random.normal(k1, (4, 16384, 64), dtype=jnp.float32)
    y_batch = jax.random.normal(k2, (4, 16384, 64), dtype=jnp.float32)
    theta_raw = jax.random.normal(k3, (64, 64), dtype=jnp.float32)
    return {"x_batch": x_batch, "y_batch": y_batch, "eps": 1, "n_projections": 64, "theta_raw": theta_raw}


def reference(x_batch, y_batch, eps, n_projections, theta_raw):
    # Memory gate: B*N*N*4 bytes = 4*16384^2*4 ~ 4.3 GB > 100 MB limit -> sliced OT path.
    # N = 16384 <= 256*256 so n_proj = n_projections (no reduction).
    # theta: random projections, normalized like F.normalize(theta, dim=1, eps=1e-8)
    norm = jnp.sqrt(jnp.sum(theta_raw ** 2, axis=1, keepdims=True))
    theta = theta_raw / jnp.maximum(norm, 1e-8)  # (P, d)
    # project points onto each direction: x @ theta^T
    x_proj = jnp.einsum('bnd,pd->bnp', x_batch, theta)  # (B, N, P)
    y_proj = jnp.einsum('bnd,pd->bnp', y_batch, theta)  # (B, N, P)
    # sort x projections (keep indices) and y projections (values)
    x_indices = jnp.argsort(x_proj, axis=1)  # (B, N, P), permutation per (b, p)
    y_sorted = jnp.sort(y_proj, axis=1)      # (B, N, P)
    # torch scatter_(1, x_indices, y_sorted): out[b, x_indices[b,n,p], p] = y_sorted[b,n,p]
    # equivalent to gathering y_sorted with the inverse permutation of x_indices
    inv_perm = jnp.argsort(x_indices, axis=1)
    transported_proj = jnp.take_along_axis(y_sorted, inv_perm, axis=1)  # (B, N, P)
    diff = transported_proj - x_proj
    transported = jnp.einsum('bnp,pd->bnd', diff, theta)  # (B, N, d)
    return x_batch + transported / n_projections

if __name__ == "__main__":
    import jax
    _d = setup_inputs()
    print(jax.jit(kernel)(*tuple(_d.values())))

</pallas_src>

<mosaic_0001>
#map = affine_map<(d0, d1) -> (0, 0)>
module attributes {stable_mosaic.version = 14 : i64} {
  func.func @_sc_body(%arg0: i32, %arg1: i32, %arg2: memref<256x16384xi32, #tpu.memory_space<hbm>>, %arg3: memref<256x16384xi32, #tpu.memory_space<hbm>>, %arg4: memref<256x16384xi32, #tpu.memory_space<hbm>>, %arg5: memref<16384xi32, #tpu.memory_space<vmem>>, %arg6: memref<16384xi32, #tpu.memory_space<vmem>>, %arg7: memref<16384xi32, #tpu.memory_space<vmem>>, %arg8: memref<16384xi32, #tpu.memory_space<vmem>>, %arg9: memref<16384xi32, #tpu.memory_space<vmem>>, %arg10: memref<16384xi32, #tpu.memory_space<vmem>>, %arg11: memref<8192xi32, #tpu.memory_space<vmem>>, %arg12: memref<8192xi32, #tpu.memory_space<vmem>>) attributes {dimension_semantics = [#tpu.dimension_semantics<core_parallel>, #tpu.dimension_semantics<subcore_parallel>], iteration_bounds = array<i64: 2, 16>, scalar_prefetch = 0 : i64, scratch_operands = 8 : i64, tpu.core_type = #tpu.core_type<sc_vector_subcore>, window_params = [{transform_indices = #map}, {transform_indices = #map}, {transform_indices = #map}]} {
    %mul3A = arith.constant 2 : i32
    %mul3A_0 = arith.muli %arg1, %mul3A : i32
    %add3A = arith.addi %mul3A_0, %arg0 : i32
    %iota3A = tpu.iota {dimensions = array<i32: 0>} : vector<16xi32>
    %broadcast_in_dim3A = arith.constant 1 : i32
    %broadcast_in_dim3A_1 = vector.broadcast %broadcast_in_dim3A : i32 to vector<16xi32>
    %broadcast_in_dim3A_2 = arith.constant 0 : i32
    %broadcast_in_dim3A_3 = vector.broadcast %broadcast_in_dim3A_2 : i32 to vector<16xi32>
    %scan3A = arith.constant 0 : i32
    %scan3A_4 = arith.constant 0 : i32
    %scan3A_5 = arith.constant 8 : i32
    %scan3A_6 = arith.addi %scan3A_4, %scan3A_5 : i32
    %scan3A_7 = arith.constant 1 : i32
    %scan3A_8 = scf.for %scan3A_10 = %scan3A_4 to %scan3A_6 step %scan3A_7 iter_args(%scan3A_11 = %scan3A) -> (i32)  : i32 {
      %mul3A_12 = arith.constant 8 : i32
      %mul3A_13 = arith.muli %add3A, %mul3A_12 : i32
      %add3A_14 = arith.addi %mul3A_13, %scan3A_10 : i32
      "tpu.region"() ({
        %run_scoped3A = tpu.sem_alloc : memref<!tpu.dma_semaphore, #tpu.memory_space<semaphore_mem>>
        %dma_start3A = arith.constant 0 : i32
        %dma_start3A_98 = tpu.memref_slice %arg2[%add3A_14, %dma_start3A] : memref<256x16384xi32, #tpu.memory_space<hbm>> -> memref<1x16384xi32, #tpu.memory_space<hbm>>
        %dma_start3A_99 = tpu.memref_squeeze %dma_start3A_98 : memref<1x16384xi32, #tpu.memory_space<hbm>> -> memref<16384xi32, #tpu.memory_space<hbm>>
        %dma_start3A_100 = arith.constant 0 : i32
        %dma_start3A_101 = tpu.memref_slice %arg2[%add3A_14, %dma_start3A_100] : memref<256x16384xi32, #tpu.memory_space<hbm>> -> memref<1x16384xi32, #tpu.memory_space<hbm>>
        %dma_start3A_102 = tpu.memref_squeeze %dma_start3A_101 : memref<1x16384xi32, #tpu.memory_space<hbm>> -> memref<16384xi32, #tpu.memory_space<hbm>>
        tpu.enqueue_dma source(%dma_start3A_102 : memref<16384xi32, #tpu.memory_space<hbm>>) target(%arg5 : memref<16384xi32, #tpu.memory_space<vmem>>) target_semaphore(%run_scoped3A : memref<!tpu.dma_semaphore, #tpu.memory_space<semaphore_mem>>)
        %dma_wait3A = arith.constant 0 : i32
        %dma_wait3A_103 = tpu.memref_slice %arg2[%add3A_14, %dma_wait3A] : memref<256x16384xi32, #tpu.memory_space<hbm>> -> memref<1x16384xi32, #tpu.memory_space<hbm>>
        %dma_wait3A_104 = tpu.memref_squeeze %dma_wait3A_103 : memref<1x16384xi32, #tpu.memory_space<hbm>> -> memref<16384xi32, #tpu.memory_space<hbm>>
        %dma_wait3A_105 = arith.constant 0 : i32
        %dma_wait3A_106 = tpu.memref_slice %arg2[%add3A_14, %dma_wait3A_105] : memref<256x16384xi32, #tpu.memory_space<hbm>> -> memref<1x16384xi32, #tpu.memory_space<hbm>>
        %dma_wait3A_107 = tpu.memref_squeeze %dma_wait3A_106 : memref<1x16384xi32, #tpu.memory_space<hbm>> -> memref<16384xi32, #tpu.memory_space<hbm>>
        tpu.wait_dma2 semaphore(%run_scoped3A : memref<!tpu.dma_semaphore, #tpu.memory_space<semaphore_mem>>) src(%dma_wait3A_107 : memref<16384xi32, #tpu.memory_space<hbm>>) dst(%arg5 : memref<16384xi32, #tpu.memory_space<vmem>>)
        tpu.yield
      }) : () -> ()
      "tpu.region"() ({
        %run_scoped3A = tpu.sem_alloc : memref<!tpu.dma_semaphore, #tpu.memory_space<semaphore_mem>>
        %dma_start3A = arith.constant 0 : i32
        %dma_start3A_98 = tpu.memref_slice %arg3[%add3A_14, %dma_start3A] : memref<256x16384xi32, #tpu.memory_space<hbm>> -> memref<1x16384xi32, #tpu.memory_space<hbm>>
        %dma_start3A_99 = tpu.memref_squeeze %dma_start3A_98 : memref<1x16384xi32, #tpu.memory_space<hbm>> -> memref<16384xi32, #tpu.memory_space<hbm>>
        %dma_start3A_100 = arith.constant 0 : i32
        %dma_start3A_101 = tpu.memref_slice %arg3[%add3A_14, %dma_start3A_100] : memref<256x16384xi32, #tpu.memory_space<hbm>> -> memref<1x16384xi32, #tpu.memory_space<hbm>>
        %dma_start3A_102 = tpu.memref_squeeze %dma_start3A_101 : memref<1x16384xi32, #tpu.memory_space<hbm>> -> memref<16384xi32, #tpu.memory_space<hbm>>
        tpu.enqueue_dma source(%dma_start3A_102 : memref<16384xi32, #tpu.memory_space<hbm>>) target(%arg9 : memref<16384xi32, #tpu.memory_space<vmem>>) target_semaphore(%run_scoped3A : memref<!tpu.dma_semaphore, #tpu.memory_space<semaphore_mem>>)
        %dma_wait3A = arith.constant 0 : i32
        %dma_wait3A_103 = tpu.memref_slice %arg3[%add3A_14, %dma_wait3A] : memref<256x16384xi32, #tpu.memory_space<hbm>> -> memref<1x16384xi32, #tpu.memory_space<hbm>>
        %dma_wait3A_104 = tpu.memref_squeeze %dma_wait3A_103 : memref<1x16384xi32, #tpu.memory_space<hbm>> -> memref<16384xi32, #tpu.memory_space<hbm>>
        %dma_wait3A_105 = arith.constant 0 : i32
        %dma_wait3A_106 = tpu.memref_slice %arg3[%add3A_14, %dma_wait3A_105] : memref<256x16384xi32, #tpu.memory_space<hbm>> -> memref<1x16384xi32, #tpu.memory_space<hbm>>
        %dma_wait3A_107 = tpu.memref_squeeze %dma_wait3A_106 : memref<1x16384xi32, #tpu.memory_space<hbm>> -> memref<16384xi32, #tpu.memory_space<hbm>>
        tpu.wait_dma2 semaphore(%run_scoped3A : memref<!tpu.dma_semaphore, #tpu.memory_space<semaphore_mem>>) src(%dma_wait3A_107 : memref<16384xi32, #tpu.memory_space<hbm>>) dst(%arg9 : memref<16384xi32, #tpu.memory_space<vmem>>)
        tpu.yield
      }) : () -> ()
      %parallel_loop3A = arith.constant 0 : i32
      %parallel_loop3A_15 = arith.constant 512 : i32
      %parallel_loop3A_16 = arith.constant 1 : i32
      scf.for %parallel_loop3A_98 = %parallel_loop3A to %parallel_loop3A_15 step %parallel_loop3A_16  : i32 {
        %parallel_loop3A_99 = arith.constant 16 : i32
        %parallel_loop3A_100 = arith.muli %parallel_loop3A_98, %parallel_loop3A_99 : i32
        %parallel_loop3A_101 = arith.index_cast %parallel_loop3A_100 : i32 to index
        %parallel_loop3A_102 = tpu.vector_load %arg11[%parallel_loop3A_101] {strides = array<i32>} : memref<8192xi32, #tpu.memory_space<vmem>>, vector<16xi32>,
        tpu.vector_store %arg11[%parallel_loop3A_101], %broadcast_in_dim3A_3 {strides = array<i32>} : memref<8192xi32, #tpu.memory_space<vmem>>, vector<16xi32>,
        %parallel_loop3A_103 = arith.index_cast %parallel_loop3A_100 : i32 to index
        %parallel_loop3A_104 = tpu.vector_load %arg12[%parallel_loop3A_103] {strides = array<i32>} : memref<8192xi32, #tpu.memory_space<vmem>>, vector<16xi32>,
        tpu.vector_store %arg12[%parallel_loop3A_103], %broadcast_in_dim3A_3 {strides = array<i32>} : memref<8192xi32, #tpu.memory_space<vmem>>, vector<16xi32>,
      } {sc.loop_unroll_factor = 4 : i64, sc.parallel_access}
      %parallel_loop3A_17 = arith.constant 0 : i32
      %parallel_loop3A_18 = arith.constant 512 : i32
      %parallel_loop3A_19 = arith.constant 1 : i32
      scf.for %parallel_loop3A_98 = %parallel_loop3A_17 to %parallel_loop3A_18 step %parallel_loop3A_19  : i32 {
        %parallel_loop3A_99 = arith.constant 0 : i32
        %parallel_loop3A_100 = arith.addi %parallel_loop3A_98, %parallel_loop3A_99 : i32
        %parallel_loop3A_101 = arith.constant 16 : i32
        %parallel_loop3A_102 = arith.muli %parallel_loop3A_100, %parallel_loop3A_101 : i32
        %parallel_loop3A_103 = arith.index_cast %parallel_loop3A_102 : i32 to index
        %parallel_loop3A_104 = tpu.vector_load %arg5[%parallel_loop3A_103] {strides = array<i32>} : memref<16384xi32, #tpu.memory_space<vmem>>, vector<16xi32>,
        %parallel_loop3A_105 = arith.constant 31 : i32
        %parallel_loop3A_106 = vector.broadcast %parallel_loop3A_105 : i32 to vector<16xi32>
        %parallel_loop3A_107 = arith.shrsi %parallel_loop3A_104, %parallel_loop3A_106 : vector<16xi32>
        %parallel_loop3A_108 = arith.constant -2147483648 : i32
        %parallel_loop3A_109 = vector.broadcast %parallel_loop3A_108 : i32 to vector<16xi32>
        %parallel_loop3A_110 = arith.ori %parallel_loop3A_107, %parallel_loop3A_109 : vector<16xi32>
        %parallel_loop3A_111 = arith.xori %parallel_loop3A_104, %parallel_loop3A_110 : vector<16xi32>
        %parallel_loop3A_112 = arith.constant 0 : i32
        %parallel_loop3A_113 = vector.broadcast %parallel_loop3A_112 : i32 to vector<16xi32>
        %parallel_loop3A_114 = arith.shrui %parallel_loop3A_111, %parallel_loop3A_113 : vector<16xi32>
        %parallel_loop3A_115 = arith.constant 255 : i32
        %parallel_loop3A_116 = vector.broadcast %parallel_loop3A_115 : i32 to vector<16xi32>
        %parallel_loop3A_117 = arith.andi %parallel_loop3A_114, %parallel_loop3A_116 : vector<16xi32>
        %parallel_loop3A_118 = arith.constant 16 : i32
        %parallel_loop3A_119 = vector.broadcast %parallel_loop3A_118 : i32 to vector<16xi32>
        %parallel_loop3A_120 = arith.muli %parallel_loop3A_117, %parallel_loop3A_119 : vector<16xi32>
        %parallel_loop3A_121 = arith.constant 0 : i32
        %parallel_loop3A_122 = vector.broadcast %parallel_loop3A_121 : i32 to vector<16xi32>
        %parallel_loop3A_123 = arith.addi %parallel_loop3A_122, %parallel_loop3A_120 : vector<16xi32>
        %parallel_loop3A_124 = arith.addi %parallel_loop3A_123, %iota3A : vector<16xi32>
        tpu.vector_store_idx %arg11[%parallel_loop3A_124], %broadcast_in_dim3A_1 {add = true} : memref<8192xi32, #tpu.memory_space<vmem>>[vector<16xi32>], vector<16xi32>,
        %parallel_loop3A_125 = arith.constant 16 : i32
        %parallel_loop3A_126 = arith.muli %parallel_loop3A_100, %parallel_loop3A_125 : i32
        %parallel_loop3A_127 = arith.index_cast %parallel_loop3A_126 : i32 to index
        %parallel_loop3A_128 = tpu.vector_load %arg9[%parallel_loop3A_127] {strides = array<i32>} : memref<16384xi32, #tpu.memory_space<vmem>>, vector<16xi32>,
        %parallel_loop3A_129 = arith.constant 31 : i32
        %parallel_loop3A_130 = vector.broadcast %parallel_loop3A_129 : i32 to vector<16xi32>
        %parallel_loop3A_131 = arith.shrsi %parallel_loop3A_128, %parallel_loop3A_130 : vector<16xi32>
        %parallel_loop3A_132 = arith.constant -2147483648 : i32
        %parallel_loop3A_133 = vector.broadcast %parallel_loop3A_132 : i32 to vector<16xi32>
        %parallel_loop3A_134 = arith.ori %parallel_loop3A_131, %parallel_loop3A_133 : vector<16xi32>
        %parallel_loop3A_135 = arith.xori %parallel_loop3A_128, %parallel_loop3A_134 : vector<16xi32>
        %parallel_loop3A_136 = arith.constant 0 : i32
        %parallel_loop3A_137 = vector.broadcast %parallel_loop3A_136 : i32 to vector<16xi32>
        %parallel_loop3A_138 = arith.shrui %parallel_loop3A_135, %parallel_loop3A_137 : vector<16xi32>
        %parallel_loop3A_139 = arith.constant 255 : i32
        %parallel_loop3A_140 = vector.broadcast %parallel_loop3A_139 : i32 to vector<16xi32>
        %parallel_loop3A_141 = arith.andi %parallel_loop3A_138, %parallel_loop3A_140 : vector<16xi32>
        %parallel_loop3A_142 = arith.constant 16 : i32
        %parallel_loop3A_143 = vector.broadcast %parallel_loop3A_142 : i32 to vector<16xi32>
        %parallel_loop3A_144 = arith.muli %parallel_loop3A_141, %parallel_loop3A_143 : vector<16xi32>
        %parallel_loop3A_145 = arith.constant 0 : i32
        %parallel_loop3A_146 = vector.broadcast %parallel_loop3A_145 : i32 to vector<16xi32>
        %parallel_loop3A_147 = arith.addi %parallel_loop3A_146, %parallel_loop3A_144 : vector<16xi32>
        %parallel_loop3A_148 = arith.addi %parallel_loop3A_147, %iota3A : vector<16xi32>
        tpu.vector_store_idx %arg12[%parallel_loop3A_148], %broadcast_in_dim3A_1 {add = true} : memref<8192xi32, #tpu.memory_space<vmem>>[vector<16xi32>], vector<16xi32>,
        %parallel_loop3A_149 = arith.constant 512 : i32
        %parallel_loop3A_150 = arith.addi %parallel_loop3A_98, %parallel_loop3A_149 : i32
        %parallel_loop3A_151 = arith.constant 16 : i32
        %parallel_loop3A_152 = arith.muli %parallel_loop3A_150, %parallel_loop3A_151 : i32
        %parallel_loop3A_153 = arith.index_cast %parallel_loop3A_152 : i32 to index
        %parallel_loop3A_154 = tpu.vector_load %arg5[%parallel_loop3A_153] {strides = array<i32>} : memref<16384xi32, #tpu.memory_space<vmem>>, vector<16xi32>,
        %parallel_loop3A_155 = arith.constant 31 : i32
        %parallel_loop3A_156 = vector.broadcast %parallel_loop3A_155 : i32 to vector<16xi32>
        %parallel_loop3A_157 = arith.shrsi %parallel_loop3A_154, %parallel_loop3A_156 : vector<16xi32>
        %parallel_loop3A_158 = arith.constant -2147483648 : i32
        %parallel_loop3A_159 = vector.broadcast %parallel_loop3A_158 : i32 to vector<16xi32>
        %parallel_loop3A_160 = arith.ori %parallel_loop3A_157, %parallel_loop3A_159 : vector<16xi32>
        %parallel_loop3A_161 = arith.xori %parallel_loop3A_154, %parallel_loop3A_160 : vector<16xi32>
        %parallel_loop3A_162 = arith.constant 0 : i32
        %parallel_loop3A_163 = vector.broadcast %parallel_loop3A_162 : i32 to vector<16xi32>
        %parallel_loop3A_164 = arith.shrui %parallel_loop3A_161, %parallel_loop3A_163 : vector<16xi32>
        %parallel_loop3A_165 = arith.constant 255 : i32
        %parallel_loop3A_166 = vector.broadcast %parallel_loop3A_165 : i32 to vector<16xi32>
        %parallel_loop3A_167 = arith.andi %parallel_loop3A_164, %parallel_loop3A_166 : vector<16xi32>
        %parallel_loop3A_168 = arith.constant 16 : i32
        %parallel_loop3A_169 = vector.broadcast %parallel_loop3A_168 : i32 to vector<16xi32>
        %parallel_loop3A_170 = arith.muli %parallel_loop3A_167, %parallel_loop3A_169 : vector<16xi32>
        %parallel_loop3A_171 = arith.constant 4096 : i32
        %parallel_loop3A_172 = vector.broadcast %parallel_loop3A_171 : i32 to vector<16xi32>
        %parallel_loop3A_173 = arith.addi %parallel_loop3A_172, %parallel_loop3A_170 : vector<16xi32>
        %parallel_loop3A_174 = arith.addi %parallel_loop3A_173, %iota3A : vector<16xi32>
        tpu.vector_store_idx %arg11[%parallel_loop3A_174], %broadcast_in_dim3A_1 {add = true} : memref<8192xi32, #tpu.memory_space<vmem>>[vector<16xi32>], vector<16xi32>,
        %parallel_loop3A_175 = arith.constant 16 : i32
        %parallel_loop3A_176 = arith.muli %parallel_loop3A_150, %parallel_loop3A_175 : i32
        %parallel_loop3A_177 = arith.index_cast %parallel_loop3A_176 : i32 to index
        %parallel_loop3A_178 = tpu.vector_load %arg9[%parallel_loop3A_177] {strides = array<i32>} : memref<16384xi32, #tpu.memory_space<vmem>>, vector<16xi32>,
        %parallel_loop3A_179 = arith.constant 31 : i32
        %parallel_loop3A_180 = vector.broadcast %parallel_loop3A_179 : i32 to vector<16xi32>
        %parallel_loop3A_181 = arith.shrsi %parallel_loop3A_178, %parallel_loop3A_180 : vector<16xi32>
        %parallel_loop3A_182 = arith.constant -2147483648 : i32
        %parallel_loop3A_183 = vector.broadcast %parallel_loop3A_182 : i32 to vector<16xi32>
        %parallel_loop3A_184 = arith.ori %parallel_loop3A_181, %parallel_loop3A_183 : vector<16xi32>
        %parallel_loop3A_185 = arith.xori %parallel_loop3A_178, %parallel_loop3A_184 : vector<16xi32>
        %parallel_loop3A_186 = arith.constant 0 : i32
        %parallel_loop3A_187 = vector.broadcast %parallel_loop3A_186 : i32 to vector<16xi32>
        %parallel_loop3A_188 = arith.shrui %parallel_loop3A_185, %parallel_loop3A_187 : vector<16xi32>
        %parallel_loop3A_189 = arith.constant 255 : i32
        %parallel_loop3A_190 = vector.broadcast %parallel_loop3A_189 : i32 to vector<16xi32>
        %parallel_loop3A_191 = arith.andi %parallel_loop3A_188, %parallel_loop3A_190 : vector<16xi32>
        %parallel_loop3A_192 = arith.constant 16 : i32
        %parallel_loop3A_193 = vector.broadcast %parallel_loop3A_192 : i32 to vector<16xi32>
        %parallel_loop3A_194 = arith.muli %parallel_loop3A_191, %parallel_loop3A_193 : vector<16xi32>
        %parallel_loop3A_195 = arith.constant 4096 : i32
        %parallel_loop3A_196 = vector.broadcast %parallel_loop3A_195 : i32 to vector<16xi32>
        %parallel_loop3A_197 = arith.addi %parallel_loop3A_196, %parallel_loop3A_194 : vector<16xi32>
        %parallel_loop3A_198 = arith.addi %parallel_loop3A_197, %iota3A : vector<16xi32>
        tpu.vector_store_idx %arg12[%parallel_loop3A_198], %broadcast_in_dim3A_1 {add = true} : memref<8192xi32, #tpu.memory_space<vmem>>[vector<16xi32>], vector<16xi32>,
      } {sc.loop_unroll_factor = 4 : i64, sc.parallel_access}
      %parallel_loop3A_20 = arith.constant 0 : i32
      %parallel_loop3A_21 = arith.constant 256 : i32
      %parallel_loop3A_22 = arith.constant 1 : i32
      %parallel_loop3A_23 = arith.constant 0 : i32
      %parallel_loop3A_24 = arith.constant 0 : i32
      %parallel_loop3A_25:2 = scf.for %parallel_loop3A_98 = %parallel_loop3A_20 to %parallel_loop3A_21 step %parallel_loop3A_22 iter_args(%parallel_loop3A_99 = %parallel_loop3A_23, %parallel_loop3A_100 = %parallel_loop3A_24) -> (i32, i32)  : i32 {
        %parallel_loop3A_101 = arith.constant 16 : i32
        %parallel_loop3A_102 = arith.muli %parallel_loop3A_98, %parallel_loop3A_101 : i32
        %parallel_loop3A_103 = arith.constant 0 : i32
        %parallel_loop3A_104 = arith.addi %parallel_loop3A_103, %parallel_loop3A_102 : i32
        %parallel_loop3A_105 = arith.constant 16 : i32
        %parallel_loop3A_106 = arith.muli %parallel_loop3A_98, %parallel_loop3A_105 : i32
        %parallel_loop3A_107 = arith.constant 4096 : i32
        %parallel_loop3A_108 = arith.addi %parallel_loop3A_107, %parallel_loop3A_106 : i32
        %parallel_loop3A_109 = arith.index_cast %parallel_loop3A_104 : i32 to index
        %parallel_loop3A_110 = tpu.vector_load %arg11[%parallel_loop3A_109] {strides = array<i32>} : memref<8192xi32, #tpu.memory_space<vmem>>, vector<16xi32>,
        %parallel_loop3A_111 = arith.index_cast %parallel_loop3A_108 : i32 to index
        %parallel_loop3A_112 = tpu.vector_load %arg11[%parallel_loop3A_111] {strides = array<i32>} : memref<8192xi32, #tpu.memory_space<vmem>>, vector<16xi32>,
        %parallel_loop3A_113 = arith.constant 0 : i32
        %parallel_loop3A_114 = vector.broadcast %parallel_loop3A_113 : i32 to vector<16xi32>
        %parallel_loop3A_115 = arith.addi %parallel_loop3A_114, %parallel_loop3A_110 : vector<16xi32>
        %parallel_loop3A_116 = arith.addi %parallel_loop3A_115, %parallel_loop3A_112 : vector<16xi32>
        %parallel_loop3A_117 = arith.constant true
        %parallel_loop3A_118 = vector.broadcast %parallel_loop3A_117 : i1 to vector<16xi1>
        %parallel_loop3A_119 = tpu.scan <sum>, %parallel_loop3A_116 masked %parallel_loop3A_118 : vector<16xi32>, vector<16xi1> -> vector<16xi32>
        %parallel_loop3A_120 = arith.subi %parallel_loop3A_119, %parallel_loop3A_116 : vector<16xi32>
        %parallel_loop3A_121 = vector.broadcast %parallel_loop3A_99 : i32 to vector<16xi32>
        %parallel_loop3A_122 = arith.addi %parallel_loop3A_120, %parallel_loop3A_121 : vector<16xi32>
        %parallel_loop3A_123 = arith.index_cast %parallel_loop3A_104 : i32 to index
        %parallel_loop3A_124 = tpu.vector_load %arg11[%parallel_loop3A_123] {strides = array<i32>} : memref<8192xi32, #tpu.memory_space<vmem>>, vector<16xi32>,
        tpu.vector_store %arg11[%parallel_loop3A_123], %parallel_loop3A_122 {strides = array<i32>} : memref<8192xi32, #tpu.memory_space<vmem>>, vector<16xi32>,
        %parallel_loop3A_125 = arith.addi %parallel_loop3A_122, %parallel_loop3A_110 : vector<16xi32>
        %parallel_loop3A_126 = arith.index_cast %parallel_loop3A_108 : i32 to index
        %parallel_loop3A_127 = tpu.vector_load %arg11[%parallel_loop3A_126] {strides = array<i32>} : memref<8192xi32, #tpu.memory_space<vmem>>, vector<16xi32>,
        tpu.vector_store %arg11[%parallel_loop3A_126], %parallel_loop3A_125 {strides = array<i32>} : memref<8192xi32, #tpu.memory_space<vmem>>, vector<16xi32>,
        %parallel_loop3A_128 = arith.addi %parallel_loop3A_125, %parallel_loop3A_112 : vector<16xi32>
        %parallel_loop3A_129 = arith.constant true
        %parallel_loop3A_130 = vector.broadcast %parallel_loop3A_129 : i1 to vector<16xi1>
        %parallel_loop3A_131 = tpu.scan <sum>, %parallel_loop3A_116 masked %parallel_loop3A_130 : vector<16xi32>, vector<16xi1> -> vector<16xi32>
        %parallel_loop3A_132 = vector.extract %parallel_loop3A_131[15] : i32 from vector<16xi32>
        %parallel_loop3A_133 = arith.addi %parallel_loop3A_99, %parallel_loop3A_132 : i32
        %parallel_loop3A_134 = arith.index_cast %parallel_loop3A_104 : i32 to index
        %parallel_loop3A_135 = tpu.vector_load %arg12[%parallel_loop3A_134] {strides = array<i32>} : memref<8192xi32, #tpu.memory_space<vmem>>, vector<16xi32>,
        %parallel_loop3A_136 = arith.index_cast %parallel_loop3A_108 : i32 to index
        %parallel_loop3A_137 = tpu.vector_load %arg12[%parallel_loop3A_136] {strides = array<i32>} : memref<8192xi32, #tpu.memory_space<vmem>>, vector<16xi32>,
        %parallel_loop3A_138 = arith.constant 0 : i32
        %parallel_loop3A_139 = vector.broadcast %parallel_loop3A_138 : i32 to vector<16xi32>
        %parallel_loop3A_140 = arith.addi %parallel_loop3A_139, %parallel_loop3A_135 : vector<16xi32>
        %parallel_loop3A_141 = arith.addi %parallel_loop3A_140, %parallel_loop3A_137 : vector<16xi32>
        %parallel_loop3A_142 = arith.constant true
        %parallel_loop3A_143 = vector.broadcast %parallel_loop3A_142 : i1 to vector<16xi1>
        %parallel_loop3A_144 = tpu.scan <sum>, %parallel_loop3A_141 masked %parallel_loop3A_143 : vector<16xi32>, vector<16xi1> -> vector<16xi32>
        %parallel_loop3A_145 = arith.subi %parallel_loop3A_144, %parallel_loop3A_141 : vector<16xi32>
        %parallel_loop3A_146 = vector.broadcast %parallel_loop3A_100 : i32 to vector<16xi32>
        %parallel_loop3A_147 = arith.addi %parallel_loop3A_145, %parallel_loop3A_146 : vector<16xi32>
        %parallel_loop3A_148 = arith.index_cast %parallel_loop3A_104 : i32 to index
        %parallel_loop3A_149 = tpu.vector_load %arg12[%parallel_loop3A_148] {strides = array<i32>} : memref<8192xi32, #tpu.memory_space<vmem>>, vector<16xi32>,
        tpu.vector_store %arg12[%parallel_loop3A_148], %parallel_loop3A_147 {strides = array<i32>} : memref<8192xi32, #tpu.memory_space<vmem>>, vector<16xi32>,
        %parallel_loop3A_150 = arith.addi %parallel_loop3A_147, %parallel_loop3A_135 : vector<16xi32>
        %parallel_loop3A_151 = arith.index_cast %parallel_loop3A_108 : i32 to index
        %parallel_loop3A_152 = tpu.vector_load %arg12[%parallel_loop3A_151] {strides = array<i32>} : memref<8192xi32, #tpu.memory_space<vmem>>, vector<16xi32>,
        tpu.vector_store %arg12[%parallel_loop3A_151], %parallel_loop3A_150 {strides = array<i32>} : memref<8192xi32, #tpu.memory_space<vmem>>, vector<16xi32>,
        %parallel_loop3A_153 = arith.addi %parallel_loop3A_150, %parallel_loop3A_137 : vector<16xi32>
        %parallel_loop3A_154 = arith.constant true
        %parallel_loop3A_155 = vector.broadcast %parallel_loop3A_154 : i1 to vector<16xi1>
        %parallel_loop3A_156 = tpu.scan <sum>, %parallel_loop3A_141 masked %parallel_loop3A_155 : vector<16xi32>, vector<16xi1> -> vector<16xi32>
        %parallel_loop3A_157 = vector.extract %parallel_loop3A_156[15] : i32 from vector<16xi32>
        %parallel_loop3A_158 = arith.addi %parallel_loop3A_100, %parallel_loop3A_157 : i32
        scf.yield %parallel_loop3A_133, %parallel_loop3A_158 : i32, i32
      } {sc.loop_unroll_factor = 1 : i64, sc.parallel_access}
      %scan3A_26 = arith.constant 0 : i32
      %scan3A_27 = arith.constant 0 : i32
      %scan3A_28 = arith.constant 256 : i32
      %scan3A_29 = arith.addi %scan3A_27, %scan3A_28 : i32
      %scan3A_30 = arith.constant 1 : i32
      %scan3A_31 = scf.for %scan3A_98 = %scan3A_27 to %scan3A_29 step %scan3A_30 iter_args(%scan3A_99 = %scan3A_26) -> (i32)  : i32 {
        %mul3A_100 = arith.constant 2 : i32
        %mul3A_101 = arith.muli %scan3A_98, %mul3A_100 : i32
        %add3A_102 = arith.constant 0 : i32
        %add3A_103 = arith.addi %mul3A_101, %add3A_102 : i32
        %add3A_104 = arith.constant 0 : i32
        %add3A_105 = arith.addi %add3A_103, %add3A_104 : i32
        %mul3A_106 = arith.constant 16 : i32
        %mul3A_107 = arith.muli %add3A_105, %mul3A_106 : i32
        %get3A = arith.index_cast %mul3A_107 : i32 to index
        %get3A_108 = tpu.vector_load %arg5[%get3A] {strides = array<i32>} : memref<16384xi32, #tpu.memory_space<vmem>>, vector<16xi32>,
        %shift_right_arithmetic3A = arith.constant 31 : i32
        %shift_right_arithmetic3A_109 = vector.broadcast %shift_right_arithmetic3A : i32 to vector<16xi32>
        %shift_right_arithmetic3A_110 = arith.shrsi %get3A_108, %shift_right_arithmetic3A_109 : vector<16xi32>
        %or3A = arith.constant -2147483648 : i32
        %or3A_111 = vector.broadcast %or3A : i32 to vector<16xi32>
        %or3A_112 = arith.ori %shift_right_arithmetic3A_110, %or3A_111 : vector<16xi32>
        %xor3A = arith.xori %get3A_108, %or3A_112 : vector<16xi32>
        %shift_right_logical3A = arith.constant 0 : i32
        %shift_right_logical3A_113 = vector.broadcast %shift_right_logical3A : i32 to vector<16xi32>
        %shift_right_logical3A_114 = arith.shrui %xor3A, %shift_right_logical3A_113 : vector<16xi32>
        %and3A = arith.constant 255 : i32
        %and3A_115 = vector.broadcast %and3A : i32 to vector<16xi32>
        %and3A_116 = arith.andi %shift_right_logical3A_114, %and3A_115 : vector<16xi32>
        %mul3A_117 = arith.constant 16 : i32
        %mul3A_118 = vector.broadcast %mul3A_117 : i32 to vector<16xi32>
        %mul3A_119 = arith.muli %and3A_116, %mul3A_118 : vector<16xi32>
        %add3A_120 = arith.constant 0 : i32
        %add3A_121 = vector.broadcast %add3A_120 : i32 to vector<16xi32>
        %add3A_122 = arith.addi %add3A_121, %mul3A_119 : vector<16xi32>
        %add3A_123 = arith.addi %add3A_122, %iota3A : vector<16xi32>
        %gather3A = tpu.vector_load_idx %arg11[%add3A_123] : memref<8192xi32, #tpu.memory_space<vmem>>[vector<16xi32>], vector<16xi32>,
        %add3A_124 = arith.constant 1 : i32
        %add3A_125 = vector.broadcast %add3A_124 : i32 to vector<16xi32>
        %add3A_126 = arith.addi %gather3A, %add3A_125 : vector<16xi32>
        tpu.vector_store_idx %arg11[%add3A_123], %add3A_126 : memref<8192xi32, #tpu.memory_space<vmem>>[vector<16xi32>], vector<16xi32>,
        %and3A_127 = arith.constant 1023 : i32
        %and3A_128 = vector.broadcast %and3A_127 : i32 to vector<16xi32>
        %and3A_129 = arith.andi %gather3A, %and3A_128 : vector<16xi32>
        %mul3A_130 = arith.constant 16 : i32
        %mul3A_131 = vector.broadcast %mul3A_130 : i32 to vector<16xi32>
        %mul3A_132 = arith.muli %and3A_129, %mul3A_131 : vector<16xi32>
        %shift_right_logical3A_133 = arith.constant 10 : i32
        %shift_right_logical3A_134 = vector.broadcast %shift_right_logical3A_133 : i32 to vector<16xi32>
        %shift_right_logical3A_135 = arith.shrui %gather3A, %shift_right_logical3A_134 : vector<16xi32>
        %add3A_136 = arith.addi %mul3A_132, %shift_right_logical3A_135 : vector<16xi32>
        tpu.vector_store_idx %arg7[%add3A_136], %xor3A : memref<16384xi32, #tpu.memory_space<vmem>>[vector<16xi32>], vector<16xi32>,
        %mul3A_137 = arith.constant 16 : i32
        %mul3A_138 = arith.muli %add3A_105, %mul3A_137 : i32
        %add3A_139 = vector.broadcast %mul3A_138 : i32 to vector<16xi32>
        %add3A_140 = arith.addi %add3A_139, %iota3A : vector<16xi32>
        tpu.vector_store_idx %arg8[%add3A_136], %add3A_140 : memref<16384xi32, #tpu.memory_space<vmem>>[vector<16xi32>], vector<16xi32>,
        %mul3A_141 = arith.constant 16 : i32
        %mul3A_142 = arith.muli %add3A_105, %mul3A_141 : i32
        %get3A_143 = arith.index_cast %mul3A_142 : i32 to index
        %get3A_144 = tpu.vector_load %arg9[%get3A_143] {strides = array<i32>} : memref<16384xi32, #tpu.memory_space<vmem>>, vector<16xi32>,
        %shift_right_arithmetic3A_145 = arith.constant 31 : i32
        %shift_right_arithmetic3A_146 = vector.broadcast %shift_right_arithmetic3A_145 : i32 to vector<16xi32>
        %shift_right_arithmetic3A_147 = arith.shrsi %get3A_144, %shift_right_arithmetic3A_146 : vector<16xi32>
        %or3A_148 = arith.constant -2147483648 : i32
        %or3A_149 = vector.broadcast %or3A_148 : i32 to vector<16xi32>
        %or3A_150 = arith.ori %shift_right_arithmetic3A_147, %or3A_149 : vector<16xi32>
        %xor3A_151 = arith.xori %get3A_144, %or3A_150 : vector<16xi32>
        %shift_right_logical3A_152 = arith.constant 0 : i32
        %shift_right_logical3A_153 = vector.broadcast %shift_right_logical3A_152 : i32 to vector<16xi32>
        %shift_right_logical3A_154 = arith.shrui %xor3A_151, %shift_right_logical3A_153 : vector<16xi32>
        %and3A_155 = arith.constant 255 : i32
        %and3A_156 = vector.broadcast %and3A_155 : i32 to vector<16xi32>
        %and3A_157 = arith.andi %shift_right_logical3A_154, %and3A_156 : vector<16xi32>
        %mul3A_158 = arith.constant 16 : i32
        %mul3A_159 = vector.broadcast %mul3A_158 : i32 to vector<16xi32>
        %mul3A_160 = arith.muli %and3A_157, %mul3A_159 : vector<16xi32>
        %add3A_161 = arith.constant 0 : i32
        %add3A_162 = vector.broadcast %add3A_161 : i32 to vector<16xi32>
        %add3A_163 = arith.addi %add3A_162, %mul3A_160 : vector<16xi32>
        %add3A_164 = arith.addi %add3A_163, %iota3A : vector<16xi32>
        %gather3A_165 = tpu.vector_load_idx %arg12[%add3A_164] : memref<8192xi32, #tpu.memory_space<vmem>>[vector<16xi32>], vector<16xi32>,
        %add3A_166 = arith.constant 1 : i32
        %add3A_167 = vector.broadcast %add3A_166 : i32 to vector<16xi32>
        %add3A_168 = arith.addi %gather3A_165, %add3A_167 : vector<16xi32>
        tpu.vector_store_idx %arg12[%add3A_164], %add3A_168 : memref<8192xi32, #tpu.memory_space<vmem>>[vector<16xi32>], vector<16xi32>,
        %and3A_169 = arith.constant 1023 : i32
        %and3A_170 = vector.broadcast %and3A_169 : i32 to vector<16xi32>
        %and3A_171 = arith.andi %gather3A_165, %and3A_170 : vector<16xi32>
        %mul3A_172 = arith.constant 16 : i32
        %mul3A_173 = vector.broadcast %mul3A_172 : i32 to vector<16xi32>
        %mul3A_174 = arith.muli %and3A_171, %mul3A_173 : vector<16xi32>
        %shift_right_logical3A_175 = arith.constant 10 : i32
        %shift_right_logical3A_176 = vector.broadcast %shift_right_logical3A_175 : i32 to vector<16xi32>
        %shift_right_logical3A_177 = arith.shrui %gather3A_165, %shift_right_logical3A_176 : vector<16xi32>
        %add3A_178 = arith.addi %mul3A_174, %shift_right_logical3A_177 : vector<16xi32>
        tpu.vector_store_idx %arg10[%add3A_178], %xor3A_151 : memref<16384xi32, #tpu.memory_space<vmem>>[vector<16xi32>], vector<16xi32>,
        %mul3A_179 = arith.constant 2 : i32
        %mul3A_180 = arith.muli %scan3A_98, %mul3A_179 : i32
        %add3A_181 = arith.constant 0 : i32
        %add3A_182 = arith.addi %mul3A_180, %add3A_181 : i32
        %add3A_183 = arith.constant 512 : i32
        %add3A_184 = arith.addi %add3A_182, %add3A_183 : i32
        %mul3A_185 = arith.constant 16 : i32
        %mul3A_186 = arith.muli %add3A_184, %mul3A_185 : i32
        %get3A_187 = arith.index_cast %mul3A_186 : i32 to index
        %get3A_188 = tpu.vector_load %arg5[%get3A_187] {strides = array<i32>} : memref<16384xi32, #tpu.memory_space<vmem>>, vector<16xi32>,
        %shift_right_arithmetic3A_189 = arith.constant 31 : i32
        %shift_right_arithmetic3A_190 = vector.broadcast %shift_right_arithmetic3A_189 : i32 to vector<16xi32>
        %shift_right_arithmetic3A_191 = arith.shrsi %get3A_188, %shift_right_arithmetic3A_190 : vector<16xi32>
        %or3A_192 = arith.constant -2147483648 : i32
        %or3A_193 = vector.broadcast %or3A_192 : i32 to vector<16xi32>
        %or3A_194 = arith.ori %shift_right_arithmetic3A_191, %or3A_193 : vector<16xi32>
        %xor3A_195 = arith.xori %get3A_188, %or3A_194 : vector<16xi32>
        %shift_right_logical3A_196 = arith.constant 0 : i32
        %shift_right_logical3A_197 = vector.broadcast %shift_right_logical3A_196 : i32 to vector<16xi32>
        %shift_right_logical3A_198 = arith.shrui %xor3A_195, %shift_right_logical3A_197 : vector<16xi32>
        %and3A_199 = arith.constant 255 : i32
        %and3A_200 = vector.broadcast %and3A_199 : i32 to vector<16xi32>
        %and3A_201 = arith.andi %shift_right_logical3A_198, %and3A_200 : vector<16xi32>
        %mul3A_202 = arith.constant 16 : i32
        %mul3A_203 = vector.broadcast %mul3A_202 : i32 to vector<16xi32>
        %mul3A_204 = arith.muli %and3A_201, %mul3A_203 : vector<16xi32>
        %add3A_205 = arith.constant 4096 : i32
        %add3A_206 = vector.broadcast %add3A_205 : i32 to vector<16xi32>
        %add3A_207 = arith.addi %add3A_206, %mul3A_204 : vector<16xi32>
        %add3A_208 = arith.addi %add3A_207, %iota3A : vector<16xi32>
        %gather3A_209 = tpu.vector_load_idx %arg11[%add3A_208] : memref<8192xi32, #tpu.memory_space<vmem>>[vector<16xi32>], vector<16xi32>,
        %add3A_210 = arith.constant 1 : i32
        %add3A_211 = vector.broadcast %add3A_210 : i32 to vector<16xi32>
        %add3A_212 = arith.addi %gather3A_209, %add3A_211 : vector<16xi32>
        tpu.vector_store_idx %arg11[%add3A_208], %add3A_212 : memref<8192xi32, #tpu.memory_space<vmem>>[vector<16xi32>], vector<16xi32>,
        %and3A_213 = arith.constant 1023 : i32
        %and3A_214 = vector.broadcast %and3A_213 : i32 to vector<16xi32>
        %and3A_215 = arith.andi %gather3A_209, %and3A_214 : vector<16xi32>
        %mul3A_216 = arith.constant 16 : i32
        %mul3A_217 = vector.broadcast %mul3A_216 : i32 to vector<16xi32>
        %mul3A_218 = arith.muli %and3A_215, %mul3A_217 : vector<16xi32>
        %shift_right_logical3A_219 = arith.constant 10 : i32
        %shift_right_logical3A_220 = vector.broadcast %shift_right_logical3A_219 : i32 to vector<16xi32>
        %shift_right_logical3A_221 = arith.shrui %gather3A_209, %shift_right_logical3A_220 : vector<16xi32>
        %add3A_222 = arith.addi %mul3A_218, %shift_right_logical3A_221 : vector<16xi32>
        tpu.vector_store_idx %arg7[%add3A_222], %xor3A_195 : memref<16384xi32, #tpu.memory_space<vmem>>[vector<16xi32>], vector<16xi32>,
        %mul3A_223 = arith.constant 16 : i32
        %mul3A_224 = arith.muli %add3A_184, %mul3A_223 : i32
        %add3A_225 = vector.broadcast %mul3A_224 : i32 to vector<16xi32>
        %add3A_226 = arith.addi %add3A_225, %iota3A : vector<16xi32>
        tpu.vector_store_idx %arg8[%add3A_222], %add3A_226 : memref<16384xi32, #tpu.memory_space<vmem>>[vector<16xi32>], vector<16xi32>,
        %mul3A_227 = arith.constant 16 : i32
        %mul3A_228 = arith.muli %add3A_184, %mul3A_227 : i32
        %get3A_229 = arith.index_cast %mul3A_228 : i32 to index
        %get3A_230 = tpu.vector_load %arg9[%get3A_229] {strides = array<i32>} : memref<16384xi32, #tpu.memory_space<vmem>>, vector<16xi32>,
        %shift_right_arithmetic3A_231 = arith.constant 31 : i32
        %shift_right_arithmetic3A_232 = vector.broadcast %shift_right_arithmetic3A_231 : i32 to vector<16xi32>
        %shift_right_arithmetic3A_233 = arith.shrsi %get3A_230, %shift_right_arithmetic3A_232 : vector<16xi32>
        %or3A_234 = arith.constant -2147483648 : i32
        %or3A_235 = vector.broadcast %or3A_234 : i32 to vector<16xi32>
        %or3A_236 = arith.ori %shift_right_arithmetic3A_233, %or3A_235 : vector<16xi32>
        %xor3A_237 = arith.xori %get3A_230, %or3A_236 : vector<16xi32>
        %shift_right_logical3A_238 = arith.constant 0 : i32
        %shift_right_logical3A_239 = vector.broadcast %shift_right_logical3A_238 : i32 to vector<16xi32>
        %shift_right_logical3A_240 = arith.shrui %xor3A_237, %shift_right_logical3A_239 : vector<16xi32>
        %and3A_241 = arith.constant 255 : i32
        %and3A_242 = vector.broadcast %and3A_241 : i32 to vector<16xi32>
        %and3A_243 = arith.andi %shift_right_logical3A_240, %and3A_242 : vector<16xi32>
        %mul3A_244 = arith.constant 16 : i32
        %mul3A_245 = vector.broadcast %mul3A_244 : i32 to vector<16xi32>
        %mul3A_246 = arith.muli %and3A_243, %mul3A_245 : vector<16xi32>
        %add3A_247 = arith.constant 4096 : i32
        %add3A_248 = vector.broadcast %add3A_247 : i32 to vector<16xi32>
        %add3A_249 = arith.addi %add3A_248, %mul3A_246 : vector<16xi32>
        %add3A_250 = arith.addi %add3A_249, %iota3A : vector<16xi32>
        %gather3A_251 = tpu.vector_load_idx %arg12[%add3A_250] : memref<8192xi32, #tpu.memory_space<vmem>>[vector<16xi32>], vector<16xi32>,
        %add3A_252 = arith.constant 1 : i32
        %add3A_253 = vector.broadcast %add3A_252 : i32 to vector<16xi32>
        %add3A_254 = arith.addi %gather3A_251, %add3A_253 : vector<16xi32>
        tpu.vector_store_idx %arg12[%add3A_250], %add3A_254 : memref<8192xi32, #tpu.memory_space<vmem>>[vector<16xi32>], vector<16xi32>,
        %and3A_255 = arith.constant 1023 : i32
        %and3A_256 = vector.broadcast %and3A_255 : i32 to vector<16xi32>
        %and3A_257 = arith.andi %gather3A_251, %and3A_256 : vector<16xi32>
        %mul3A_258 = arith.constant 16 : i32
        %mul3A_259 = vector.broadcast %mul3A_258 : i32 to vector<16xi32>
        %mul3A_260 = arith.muli %and3A_257, %mul3A_259 : vector<16xi32>
        %shift_right_logical3A_261 = arith.constant 10 : i32
        %shift_right_logical3A_262 = vector.broadcast %shift_right_logical3A_261 : i32 to vector<16xi32>
        %shift_right_logical3A_263 = arith.shrui %gather3A_251, %shift_right_logical3A_262 : vector<16xi32>
        %add3A_264 = arith.addi %mul3A_260, %shift_right_logical3A_263 : vector<16xi32>
        tpu.vector_store_idx %arg10[%add3A_264], %xor3A_237 : memref<16384xi32, #tpu.memory_space<vmem>>[vector<16xi32>], vector<16xi32>,
        %mul3A_265 = arith.constant 2 : i32
        %mul3A_266 = arith.muli %scan3A_98, %mul3A_265 : i32
        %add3A_267 = arith.constant 1 : i32
        %add3A_268 = arith.addi %mul3A_266, %add3A_267 : i32
        %add3A_269 = arith.constant 0 : i32
        %add3A_270 = arith.addi %add3A_268, %add3A_269 : i32
        %mul3A_271 = arith.constant 16 : i32
        %mul3A_272 = arith.muli %add3A_270, %mul3A_271 : i32
        %get3A_273 = arith.index_cast %mul3A_272 : i32 to index
        %get3A_274 = tpu.vector_load %arg5[%get3A_273] {strides = array<i32>} : memref<16384xi32, #tpu.memory_space<vmem>>, vector<16xi32>,
        %shift_right_arithmetic3A_275 = arith.constant 31 : i32
        %shift_right_arithmetic3A_276 = vector.broadcast %shift_right_arithmetic3A_275 : i32 to vector<16xi32>
        %shift_right_arithmetic3A_277 = arith.shrsi %get3A_274, %shift_right_arithmetic3A_276 : vector<16xi32>
        %or3A_278 = arith.constant -2147483648 : i32
        %or3A_279 = vector.broadcast %or3A_278 : i32 to vector<16xi32>
        %or3A_280 = arith.ori %shift_right_arithmetic3A_277, %or3A_279 : vector<16xi32>
        %xor3A_281 = arith.xori %get3A_274, %or3A_280 : vector<16xi32>
        %shift_right_logical3A_282 = arith.constant 0 : i32
        %shift_right_logical3A_283 = vector.broadcast %shift_right_logical3A_282 : i32 to vector<16xi32>
        %shift_right_logical3A_284 = arith.shrui %xor3A_281, %shift_right_logical3A_283 : vector<16xi32>
        %and3A_285 = arith.constant 255 : i32
        %and3A_286 = vector.broadcast %and3A_285 : i32 to vector<16xi32>
        %and3A_287 = arith.andi %shift_right_logical3A_284, %and3A_286 : vector<16xi32>
        %mul3A_288 = arith.constant 16 : i32
        %mul3A_289 = vector.broadcast %mul3A_288 : i32 to vector<16xi32>
        %mul3A_290 = arith.muli %and3A_287, %mul3A_289 : vector<16xi32>
        %add3A_291 = arith.constant 0 : i32
        %add3A_292 = vector.broadcast %add3A_291 : i32 to vector<16xi32>
        %add3A_293 = arith.addi %add3A_292, %mul3A_290 : vector<16xi32>
        %add3A_294 = arith.addi %add3A_293, %iota3A : vector<16xi32>
        %gather3A_295 = tpu.vector_load_idx %arg11[%add3A_294] : memref<8192xi32, #tpu.memory_space<vmem>>[vector<16xi32>], vector<16xi32>,
        %add3A_296 = arith.constant 1 : i32
        %add3A_297 = vector.broadcast %add3A_296 : i32 to vector<16xi32>
        %add3A_298 = arith.addi %gather3A_295, %add3A_297 : vector<16xi32>
        tpu.vector_store_idx %arg11[%add3A_294], %add3A_298 : memref<8192xi32, #tpu.memory_space<vmem>>[vector<16xi32>], vector<16xi32>,
        %and3A_299 = arith.constant 1023 : i32
        %and3A_300 = vector.broadcast %and3A_299 : i32 to vector<16xi32>
        %and3A_301 = arith.andi %gather3A_295, %and3A_300 : vector<16xi32>
        %mul3A_302 = arith.constant 16 : i32
        %mul3A_303 = vector.broadcast %mul3A_302 : i32 to vector<16xi32>
        %mul3A_304 = arith.muli %and3A_301, %mul3A_303 : vector<16xi32>
        %shift_right_logical3A_305 = arith.constant 10 : i32
        %shift_right_logical3A_306 = vector.broadcast %shift_right_logical3A_305 : i32 to vector<16xi32>
        %shift_right_logical3A_307 = arith.shrui %gather3A_295, %shift_right_logical3A_306 : vector<16xi32>
        %add3A_308 = arith.addi %mul3A_304, %shift_right_logical3A_307 : vector<16xi32>
        tpu.vector_store_idx %arg7[%add3A_308], %xor3A_281 : memref<16384xi32, #tpu.memory_space<vmem>>[vector<16xi32>], vector<16xi32>,
        %mul3A_309 = arith.constant 16 : i32
        %mul3A_310 = arith.muli %add3A_270, %mul3A_309 : i32
        %add3A_311 = vector.broadcast %mul3A_310 : i32 to vector<16xi32>
        %add3A_312 = arith.addi %add3A_311, %iota3A : vector<16xi32>
        tpu.vector_store_idx %arg8[%add3A_308], %add3A_312 : memref<16384xi32, #tpu.memory_space<vmem>>[vector<16xi32>], vector<16xi32>,
        %mul3A_313 = arith.constant 16 : i32
        %mul3A_314 = arith.muli %add3A_270, %mul3A_313 : i32
        %get3A_315 = arith.index_cast %mul3A_314 : i32 to index
        %get3A_316 = tpu.vector_load %arg9[%get3A_315] {strides = array<i32>} : memref<16384xi32, #tpu.memory_space<vmem>>, vector<16xi32>,
        %shift_right_arithmetic3A_317 = arith.constant 31 : i32
        %shift_right_arithmetic3A_318 = vector.broadcast %shift_right_arithmetic3A_317 : i32 to vector<16xi32>
        %shift_right_arithmetic3A_319 = arith.shrsi %get3A_316, %shift_right_arithmetic3A_318 : vector<16xi32>
        %or3A_320 = arith.constant -2147483648 : i32
        %or3A_321 = vector.broadcast %or3A_320 : i32 to vector<16xi32>
        %or3A_322 = arith.ori %shift_right_arithmetic3A_319, %or3A_321 : vector<16xi32>
        %xor3A_323 = arith.xori %get3A_316, %or3A_322 : vector<16xi32>
        %shift_right_logical3A_324 = arith.constant 0 : i32
        %shift_right_logical3A_325 = vector.broadcast %shift_right_logical3A_324 : i32 to vector<16xi32>
        %shift_right_logical3A_326 = arith.shrui %xor3A_323, %shift_right_logical3A_325 : vector<16xi32>
        %and3A_327 = arith.constant 255 : i32
        %and3A_328 = vector.broadcast %and3A_327 : i32 to vector<16xi32>
        %and3A_329 = arith.andi %shift_right_logical3A_326, %and3A_328 : vector<16xi32>
        %mul3A_330 = arith.constant 16 : i32
        %mul3A_331 = vector.broadcast %mul3A_330 : i32 to vector<16xi32>
        %mul3A_332 = arith.muli %and3A_329, %mul3A_331 : vector<16xi32>
        %add3A_333 = arith.constant 0 : i32
        %add3A_334 = vector.broadcast %add3A_333 : i32 to vector<16xi32>
        %add3A_335 = arith.addi %add3A_334, %mul3A_332 : vector<16xi32>
        %add3A_336 = arith.addi %add3A_335, %iota3A : vector<16xi32>
        %gather3A_337 = tpu.vector_load_idx %arg12[%add3A_336] : memref<8192xi32, #tpu.memory_space<vmem>>[vector<16xi32>], vector<16xi32>,
        %add3A_338 = arith.constant 1 : i32
        %add3A_339 = vector.broadcast %add3A_338 : i32 to vector<16xi32>
        %add3A_340 = arith.addi %gather3A_337, %add3A_339 : vector<16xi32>
        tpu.vector_store_idx %arg12[%add3A_336], %add3A_340 : memref<8192xi32, #tpu.memory_space<vmem>>[vector<16xi32>], vector<16xi32>,
        %and3A_341 = arith.constant 1023 : i32
        %and3A_342 = vector.broadcast %and3A_341 : i32 to vector<16xi32>
        %and3A_343 = arith.andi %gather3A_337, %and3A_342 : vector<16xi32>
        %mul3A_344 = arith.constant 16 : i32
        %mul3A_345 = vector.broadcast %mul3A_344 : i32 to vector<16xi32>
        %mul3A_346 = arith.muli %and3A_343, %mul3A_345 : vector<16xi32>
        %shift_right_logical3A_347 = arith.constant 10 : i32
        %shift_right_logical3A_348 = vector.broadcast %shift_right_logical3A_347 : i32 to vector<16xi32>
        %shift_right_logical3A_349 = arith.shrui %gather3A_337, %shift_right_logical3A_348 : vector<16xi32>
        %add3A_350 = arith.addi %mul3A_346, %shift_right_logical3A_349 : vector<16xi32>
        tpu.vector_store_idx %arg10[%add3A_350], %xor3A_323 : memref<16384xi32, #tpu.memory_space<vmem>>[vector<16xi32>], vector<16xi32>,
        %mul3A_351 = arith.constant 2 : i32
        %mul3A_352 = arith.muli %scan3A_98, %mul3A_351 : i32
        %add3A_353 = arith.constant 1 : i32
        %add3A_354 = arith.addi %mul3A_352, %add3A_353 : i32
        %add3A_355 = arith.constant 512 : i32
        %add3A_356 = arith.addi %add3A_354, %add3A_355 : i32
        %mul3A_357 = arith.constant 16 : i32
        %mul3A_358 = arith.muli %add3A_356, %mul3A_357 : i32
        %get3A_359 = arith.index_cast %mul3A_358 : i32 to index
        %get3A_360 = tpu.vector_load %arg5[%get3A_359] {strides = array<i32>} : memref<16384xi32, #tpu.memory_space<vmem>>, vector<16xi32>,
        %shift_right_arithmetic3A_361 = arith.constant 31 : i32
        %shift_right_arithmetic3A_362 = vector.broadcast %shift_right_arithmetic3A_361 : i32 to vector<16xi32>
        %shift_right_arithmetic3A_363 = arith.shrsi %get3A_360, %shift_right_arithmetic3A_362 : vector<16xi32>
        %or3A_364 = arith.constant -2147483648 : i32
        %or3A_365 = vector.broadcast %or3A_364 : i32 to vector<16xi32>
        %or3A_366 = arith.ori %shift_right_arithmetic3A_363, %or3A_365 : vector<16xi32>
        %xor3A_367 = arith.xori %get3A_360, %or3A_366 : vector<16xi32>
        %shift_right_logical3A_368 = arith.constant 0 : i32
        %shift_right_logical3A_369 = vector.broadcast %shift_right_logical3A_368 : i32 to vector<16xi32>
        %shift_right_logical3A_370 = arith.shrui %xor3A_367, %shift_right_logical3A_369 : vector<16xi32>
        %and3A_371 = arith.constant 255 : i32
        %and3A_372 = vector.broadcast %and3A_371 : i32 to vector<16xi32>
        %and3A_373 = arith.andi %shift_right_logical3A_370, %and3A_372 : vector<16xi32>
        %mul3A_374 = arith.constant 16 : i32
        %mul3A_375 = vector.broadcast %mul3A_374 : i32 to vector<16xi32>
        %mul3A_376 = arith.muli %and3A_373, %mul3A_375 : vector<16xi32>
        %add3A_377 = arith.constant 4096 : i32
        %add3A_378 = vector.broadcast %add3A_377 : i32 to vector<16xi32>
        %add3A_379 = arith.addi %add3A_378, %mul3A_376 : vector<16xi32>
        %add3A_380 = arith.addi %add3A_379, %iota3A : vector<16xi32>
        %gather3A_381 = tpu.vector_load_idx %arg11[%add3A_380] : memref<8192xi32, #tpu.memory_space<vmem>>[vector<16xi32>], vector<16xi32>,
        %add3A_382 = arith.constant 1 : i32
        %add3A_383 = vector.broadcast %add3A_382 : i32 to vector<16xi32>
        %add3A_384 = arith.addi %gather3A_381, %add3A_383 : vector<16xi32>
        tpu.vector_store_idx %arg11[%add3A_380], %add3A_384 : memref<8192xi32, #tpu.memory_space<vmem>>[vector<16xi32>], vector<16xi32>,
        %and3A_385 = arith.constant 1023 : i32
        %and3A_386 = vector.broadcast %and3A_385 : i32 to vector<16xi32>
        %and3A_387 = arith.andi %gather3A_381, %and3A_386 : vector<16xi32>
        %mul3A_388 = arith.constant 16 : i32
        %mul3A_389 = vector.broadcast %mul3A_388 : i32 to vector<16xi32>
        %mul3A_390 = arith.muli %and3A_387, %mul3A_389 : vector<16xi32>
        %shift_right_logical3A_391 = arith.constant 10 : i32
        %shift_right_logical3A_392 = vector.broadcast %shift_right_logical3A_391 : i32 to vector<16xi32>
        %shift_right_logical3A_393 = arith.shrui %gather3A_381, %shift_right_logical3A_392 : vector<16xi32>
        %add3A_394 = arith.addi %mul3A_390, %shift_right_logical3A_393 : vector<16xi32>
        tpu.vector_store_idx %arg7[%add3A_394], %xor3A_367 : memref<16384xi32, #tpu.memory_space<vmem>>[vector<16xi32>], vector<16xi32>,
        %mul3A_395 = arith.constant 16 : i32
        %mul3A_396 = arith.muli %add3A_356, %mul3A_395 : i32
        %add3A_397 = vector.broadcast %mul3A_396 : i32 to vector<16xi32>
        %add3A_398 = arith.addi %add3A_397, %iota3A : vector<16xi32>
        tpu.vector_store_idx %arg8[%add3A_394], %add3A_398 : memref<16384xi32, #tpu.memory_space<vmem>>[vector<16xi32>], vector<16xi32>,
        %mul3A_399 = arith.constant 16 : i32
        %mul3A_400 = arith.muli %add3A_356, %mul3A_399 : i32
        %get3A_401 = arith.index_cast %mul3A_400 : i32 to index
        %get3A_402 = tpu.vector_load %arg9[%get3A_401] {strides = array<i32>} : memref<16384xi32, #tpu.memory_space<vmem>>, vector<16xi32>,
        %shift_right_arithmetic3A_403 = arith.constant 31 : i32
        %shift_right_arithmetic3A_404 = vector.broadcast %shift_right_arithmetic3A_403 : i32 to vector<16xi32>
        %shift_right_arithmetic3A_405 = arith.shrsi %get3A_402, %shift_right_arithmetic3A_404 : vector<16xi32>
        %or3A_406 = arith.constant -2147483648 : i32
        %or3A_407 = vector.broadcast %or3A_406 : i32 to vector<16xi32>
        %or3A_408 = arith.ori %shift_right_arithmetic3A_405, %or3A_407 : vector<16xi32>
        %xor3A_409 = arith.xori %get3A_402, %or3A_408 : vector<16xi32>
        %shift_right_logical3A_410 = arith.constant 0 : i32
        %shift_right_logical3A_411 = vector.broadcast %shift_right_logical3A_410 : i32 to vector<16xi32>
        %shift_right_logical3A_412 = arith.shrui %xor3A_409, %shift_right_logical3A_411 : vector<16xi32>
        %and3A_413 = arith.constant 255 : i32
        %and3A_414 = vector.broadcast %and3A_413 : i32 to vector<16xi32>
        %and3A_415 = arith.andi %shift_right_logical3A_412, %and3A_414 : vector<16xi32>
        %mul3A_416 = arith.constant 16 : i32
        %mul3A_417 = vector.broadcast %mul3A_416 : i32 to vector<16xi32>
        %mul3A_418 = arith.muli %and3A_415, %mul3A_417 : vector<16xi32>
        %add3A_419 = arith.constant 4096 : i32
        %add3A_420 = vector.broadcast %add3A_419 : i32 to vector<16xi32>
        %add3A_421 = arith.addi %add3A_420, %mul3A_418 : vector<16xi32>
        %add3A_422 = arith.addi %add3A_421, %iota3A : vector<16xi32>
        %gather3A_423 = tpu.vector_load_idx %arg12[%add3A_422] : memref<8192xi32, #tpu.memory_space<vmem>>[vector<16xi32>], vector<16xi32>,
        %add3A_424 = arith.constant 1 : i32
        %add3A_425 = vector.broadcast %add3A_424 : i32 to vector<16xi32>
        %add3A_426 = arith.addi %gather3A_423, %add3A_425 : vector<16xi32>
        tpu.vector_store_idx %arg12[%add3A_422], %add3A_426 : memref<8192xi32, #tpu.memory_space<vmem>>[vector<16xi32>], vector<16xi32>,
        %and3A_427 = arith.constant 1023 : i32
        %and3A_428 = vector.broadcast %and3A_427 : i32 to vector<16xi32>
        %and3A_429 = arith.andi %gather3A_423, %and3A_428 : vector<16xi32>
        %mul3A_430 = arith.constant 16 : i32
        %mul3A_431 = vector.broadcast %mul3A_430 : i32 to vector<16xi32>
        %mul3A_432 = arith.muli %and3A_429, %mul3A_431 : vector<16xi32>
        %shift_right_logical3A_433 = arith.constant 10 : i32
        %shift_right_logical3A_434 = vector.broadcast %shift_right_logical3A_433 : i32 to vector<16xi32>
        %shift_right_logical3A_435 = arith.shrui %gather3A_423, %shift_right_logical3A_434 : vector<16xi32>
        %add3A_436 = arith.addi %mul3A_432, %shift_right_logical3A_435 : vector<16xi32>
        tpu.vector_store_idx %arg10[%add3A_436], %xor3A_409 : memref<16384xi32, #tpu.memory_space<vmem>>[vector<16xi32>], vector<16xi32>,
        %scan3A_437 = arith.constant 0 : i32
        scf.yield %scan3A_437 : i32
      }
      %scan3A_32 = arith.constant 256 : i32
      %parallel_loop3A_33 = arith.constant 0 : i32
      %parallel_loop3A_34 = arith.constant 512 : i32
      %parallel_loop3A_35 = arith.constant 1 : i32
      scf.for %parallel_loop3A_98 = %parallel_loop3A_33 to %parallel_loop3A_34 step %parallel_loop3A_35  : i32 {
        %parallel_loop3A_99 = arith.constant 16 : i32
        %parallel_loop3A_100 = arith.muli %parallel_loop3A_98, %parallel_loop3A_99 : i32
        %parallel_loop3A_101 = arith.index_cast %parallel_loop3A_100 : i32 to index
        %parallel_loop3A_102 = tpu.vector_load %arg11[%parallel_loop3A_101] {strides = array<i32>} : memref<8192xi32, #tpu.memory_space<vmem>>, vector<16xi32>,
        tpu.vector_store %arg11[%parallel_loop3A_101], %broadcast_in_dim3A_3 {strides = array<i32>} : memref<8192xi32, #tpu.memory_space<vmem>>, vector<16xi32>,
        %parallel_loop3A_103 = arith.index_cast %parallel_loop3A_100 : i32 to index
        %parallel_loop3A_104 = tpu.vector_load %arg12[%parallel_loop3A_103] {strides = array<i32>} : memref<8192xi32, #tpu.memory_space<vmem>>, vector<16xi32>,
        tpu.vector_store %arg12[%parallel_loop3A_103], %broadcast_in_dim3A_3 {strides = array<i32>} : memref<8192xi32, #tpu.memory_space<vmem>>, vector<16xi32>,
      } {sc.loop_unroll_factor = 4 : i64, sc.parallel_access}
      %parallel_loop3A_36 = arith.constant 0 : i32
      %parallel_loop3A_37 = arith.constant 512 : i32
      %parallel_loop3A_38 = arith.constant 1 : i32
      scf.for %parallel_loop3A_98 = %parallel_loop3A_36 to %parallel_loop3A_37 step %parallel_loop3A_38  : i32 {
        %parallel_loop3A_99 = arith.constant 0 : i32
        %parallel_loop3A_100 = arith.addi %parallel_loop3A_98, %parallel_loop3A_99 : i32
        %parallel_loop3A_101 = arith.constant 16 : i32
        %parallel_loop3A_102 = arith.muli %parallel_loop3A_100, %parallel_loop3A_101 : i32
        %parallel_loop3A_103 = arith.index_cast %parallel_loop3A_102 : i32 to index
        %parallel_loop3A_104 = tpu.vector_load %arg7[%parallel_loop3A_103] {strides = array<i32>} : memref<16384xi32, #tpu.memory_space<vmem>>, vector<16xi32>,
        %parallel_loop3A_105 = arith.constant 8 : i32
        %parallel_loop3A_106 = vector.broadcast %parallel_loop3A_105 : i32 to vector<16xi32>
        %parallel_loop3A_107 = arith.shrui %parallel_loop3A_104, %parallel_loop3A_106 : vector<16xi32>
        %parallel_loop3A_108 = arith.constant 255 : i32
        %parallel_loop3A_109 = vector.broadcast %parallel_loop3A_108 : i32 to vector<16xi32>
        %parallel_loop3A_110 = arith.andi %parallel_loop3A_107, %parallel_loop3A_109 : vector<16xi32>
        %parallel_loop3A_111 = arith.constant 16 : i32
        %parallel_loop3A_112 = vector.broadcast %parallel_loop3A_111 : i32 to vector<16xi32>
        %parallel_loop3A_113 = arith.muli %parallel_loop3A_110, %parallel_loop3A_112 : vector<16xi32>
        %parallel_loop3A_114 = arith.constant 0 : i32
        %parallel_loop3A_115 = vector.broadcast %parallel_loop3A_114 : i32 to vector<16xi32>
        %parallel_loop3A_116 = arith.addi %parallel_loop3A_115, %parallel_loop3A_113 : vector<16xi32>
        %parallel_loop3A_117 = arith.addi %parallel_loop3A_116, %iota3A : vector<16xi32>
        tpu.vector_store_idx %arg11[%parallel_loop3A_117], %broadcast_in_dim3A_1 {add = true} : memref<8192xi32, #tpu.memory_space<vmem>>[vector<16xi32>], vector<16xi32>,
        %parallel_loop3A_118 = arith.constant 16 : i32
        %parallel_loop3A_119 = arith.muli %parallel_loop3A_100, %parallel_loop3A_118 : i32
        %parallel_loop3A_120 = arith.index_cast %parallel_loop3A_119 : i32 to index
        %parallel_loop3A_121 = tpu.vector_load %arg10[%parallel_loop3A_120] {strides = array<i32>} : memref<16384xi32, #tpu.memory_space<vmem>>, vector<16xi32>,
        %parallel_loop3A_122 = arith.constant 8 : i32
        %parallel_loop3A_123 = vector.broadcast %parallel_loop3A_122 : i32 to vector<16xi32>
        %parallel_loop3A_124 = arith.shrui %parallel_loop3A_121, %parallel_loop3A_123 : vector<16xi32>
        %parallel_loop3A_125 = arith.constant 255 : i32
        %parallel_loop3A_126 = vector.broadcast %parallel_loop3A_125 : i32 to vector<16xi32>
        %parallel_loop3A_127 = arith.andi %parallel_loop3A_124, %parallel_loop3A_126 : vector<16xi32>
        %parallel_loop3A_128 = arith.constant 16 : i32
        %parallel_loop3A_129 = vector.broadcast %parallel_loop3A_128 : i32 to vector<16xi32>
        %parallel_loop3A_130 = arith.muli %parallel_loop3A_127, %parallel_loop3A_129 : vector<16xi32>
        %parallel_loop3A_131 = arith.constant 0 : i32
        %parallel_loop3A_132 = vector.broadcast %parallel_loop3A_131 : i32 to vector<16xi32>
        %parallel_loop3A_133 = arith.addi %parallel_loop3A_132, %parallel_loop3A_130 : vector<16xi32>
        %parallel_loop3A_134 = arith.addi %parallel_loop3A_133, %iota3A : vector<16xi32>
        tpu.vector_store_idx %arg12[%parallel_loop3A_134], %broadcast_in_dim3A_1 {add = true} : memref<8192xi32, #tpu.memory_space<vmem>>[vector<16xi32>], vector<16xi32>,
        %parallel_loop3A_135 = arith.constant 512 : i32
        %parallel_loop3A_136 = arith.addi %parallel_loop3A_98, %parallel_loop3A_135 : i32
        %parallel_loop3A_137 = arith.constant 16 : i32
        %parallel_loop3A_138 = arith.muli %parallel_loop3A_136, %parallel_loop3A_137 : i32
        %parallel_loop3A_139 = arith.index_cast %parallel_loop3A_138 : i32 to index
        %parallel_loop3A_140 = tpu.vector_load %arg7[%parallel_loop3A_139] {strides = array<i32>} : memref<16384xi32, #tpu.memory_space<vmem>>, vector<16xi32>,
        %parallel_loop3A_141 = arith.constant 8 : i32
        %parallel_loop3A_142 = vector.broadcast %parallel_loop3A_141 : i32 to vector<16xi32>
        %parallel_loop3A_143 = arith.shrui %parallel_loop3A_140, %parallel_loop3A_142 : vector<16xi32>
        %parallel_loop3A_144 = arith.constant 255 : i32
        %parallel_loop3A_145 = vector.broadcast %parallel_loop3A_144 : i32 to vector<16xi32>
        %parallel_loop3A_146 = arith.andi %parallel_loop3A_143, %parallel_loop3A_145 : vector<16xi32>
        %parallel_loop3A_147 = arith.constant 16 : i32
        %parallel_loop3A_148 = vector.broadcast %parallel_loop3A_147 : i32 to vector<16xi32>
        %parallel_loop3A_149 = arith.muli %parallel_loop3A_146, %parallel_loop3A_148 : vector<16xi32>
        %parallel_loop3A_150 = arith.constant 4096 : i32
        %parallel_loop3A_151 = vector.broadcast %parallel_loop3A_150 : i32 to vector<16xi32>
        %parallel_loop3A_152 = arith.addi %parallel_loop3A_151, %parallel_loop3A_149 : vector<16xi32>
        %parallel_loop3A_153 = arith.addi %parallel_loop3A_152, %iota3A : vector<16xi32>
        tpu.vector_store_idx %arg11[%parallel_loop3A_153], %broadcast_in_dim3A_1 {add = true} : memref<8192xi32, #tpu.memory_space<vmem>>[vector<16xi32>], vector<16xi32>,
        %parallel_loop3A_154 = arith.constant 16 : i32
        %parallel_loop3A_155 = arith.muli %parallel_loop3A_136, %parallel_loop3A_154 : i32
        %parallel_loop3A_156 = arith.index_cast %parallel_loop3A_155 : i32 to index
        %parallel_loop3A_157 = tpu.vector_load %arg10[%parallel_loop3A_156] {strides = array<i32>} : memref<16384xi32, #tpu.memory_space<vmem>>, vector<16xi32>,
        %parallel_loop3A_158 = arith.constant 8 : i32
        %parallel_loop3A_159 = vector.broadcast %parallel_loop3A_158 : i32 to vector<16xi32>
        %parallel_loop3A_160 = arith.shrui %parallel_loop3A_157, %parallel_loop3A_159 : vector<16xi32>
        %parallel_loop3A_161 = arith.constant 255 : i32
        %parallel_loop3A_162 = vector.broadcast %parallel_loop3A_161 : i32 to vector<16xi32>
        %parallel_loop3A_163 = arith.andi %parallel_loop3A_160, %parallel_loop3A_162 : vector<16xi32>
        %parallel_loop3A_164 = arith.constant 16 : i32
        %parallel_loop3A_165 = vector.broadcast %parallel_loop3A_164 : i32 to vector<16xi32>
        %parallel_loop3A_166 = arith.muli %parallel_loop3A_163, %parallel_loop3A_165 : vector<16xi32>
        %parallel_loop3A_167 = arith.constant 4096 : i32
        %parallel_loop3A_168 = vector.broadcast %parallel_loop3A_167 : i32 to vector<16xi32>
        %parallel_loop3A_169 = arith.addi %parallel_loop3A_168, %parallel_loop3A_166 : vector<16xi32>
        %parallel_loop3A_170 = arith.addi %parallel_loop3A_169, %iota3A : vector<16xi32>
        tpu.vector_store_idx %arg12[%parallel_loop3A_170], %broadcast_in_dim3A_1 {add = true} : memref<8192xi32, #tpu.memory_space<vmem>>[vector<16xi32>], vector<16xi32>,
      } {sc.loop_unroll_factor = 4 : i64, sc.parallel_access}
      %parallel_loop3A_39 = arith.constant 0 : i32
      %parallel_loop3A_40 = arith.constant 256 : i32
      %parallel_loop3A_41 = arith.constant 1 : i32
      %parallel_loop3A_42 = arith.constant 0 : i32
      %parallel_loop3A_43 = arith.constant 0 : i32
      %parallel_loop3A_44:2 = scf.for %parallel_loop3A_98 = %parallel_loop3A_39 to %parallel_loop3A_40 step %parallel_loop3A_41 iter_args(%parallel_loop3A_99 = %parallel_loop3A_42, %parallel_loop3A_100 = %parallel_loop3A_43) -> (i32, i32)  : i32 {
        %parallel_loop3A_101 = arith.constant 16 : i32
        %parallel_loop3A_102 = arith.muli %parallel_loop3A_98, %parallel_loop3A_101 : i32
        %parallel_loop3A_103 = arith.constant 0 : i32
        %parallel_loop3A_104 = arith.addi %parallel_loop3A_103, %parallel_loop3A_102 : i32
        %parallel_loop3A_105 = arith.constant 16 : i32
        %parallel_loop3A_106 = arith.muli %parallel_loop3A_98, %parallel_loop3A_105 : i32
        %parallel_loop3A_107 = arith.constant 4096 : i32
        %parallel_loop3A_108 = arith.addi %parallel_loop3A_107, %parallel_loop3A_106 : i32
        %parallel_loop3A_109 = arith.index_cast %parallel_loop3A_104 : i32 to index
        %parallel_loop3A_110 = tpu.vector_load %arg11[%parallel_loop3A_109] {strides = array<i32>} : memref<8192xi32, #tpu.memory_space<vmem>>, vector<16xi32>,
        %parallel_loop3A_111 = arith.index_cast %parallel_loop3A_108 : i32 to index
        %parallel_loop3A_112 = tpu.vector_load %arg11[%parallel_loop3A_111] {strides = array<i32>} : memref<8192xi32, #tpu.memory_space<vmem>>, vector<16xi32>,
        %parallel_loop3A_113 = arith.constant 0 : i32
        %parallel_loop3A_114 = vector.broadcast %parallel_loop3A_113 : i32 to vector<16xi32>
        %parallel_loop3A_115 = arith.addi %parallel_loop3A_114, %parallel_loop3A_110 : vector<16xi32>
        %parallel_loop3A_116 = arith.addi %parallel_loop3A_115, %parallel_loop3A_112 : vector<16xi32>
        %parallel_loop3A_117 = arith.constant true
        %parallel_loop3A_118 = vector.broadcast %parallel_loop3A_117 : i1 to vector<16xi1>
        %parallel_loop3A_119 = tpu.scan <sum>, %parallel_loop3A_116 masked %parallel_loop3A_118 : vector<16xi32>, vector<16xi1> -> vector<16xi32>
        %parallel_loop3A_120 = arith.subi %parallel_loop3A_119, %parallel_loop3A_116 : vector<16xi32>
        %parallel_loop3A_121 = vector.broadcast %parallel_loop3A_99 : i32 to vector<16xi32>
        %parallel_loop3A_122 = arith.addi %parallel_loop3A_120, %parallel_loop3A_121 : vector<16xi32>
        %parallel_loop3A_123 = arith.index_cast %parallel_loop3A_104 : i32 to index
        %parallel_loop3A_124 = tpu.vector_load %arg11[%parallel_loop3A_123] {strides = array<i32>} : memref<8192xi32, #tpu.memory_space<vmem>>, vector<16xi32>,
        tpu.vector_store %arg11[%parallel_loop3A_123], %parallel_loop3A_122 {strides = array<i32>} : memref<8192xi32, #tpu.memory_space<vmem>>, vector<16xi32>,
        %parallel_loop3A_125 = arith.addi %parallel_loop3A_122, %parallel_loop3A_110 : vector<16xi32>
        %parallel_loop3A_126 = arith.index_cast %parallel_loop3A_108 : i32 to index
        %parallel_loop3A_127 = tpu.vector_load %arg11[%parallel_loop3A_126] {strides = array<i32>} : memref<8192xi32, #tpu.memory_space<vmem>>, vector<16xi32>,
        tpu.vector_store %arg11[%parallel_loop3A_126], %parallel_loop3A_125 {strides = array<i32>} : memref<8192xi32, #tpu.memory_space<vmem>>, vector<16xi32>,
        %parallel_loop3A_128 = arith.addi %parallel_loop3A_125, %parallel_loop3A_112 : vector<16xi32>
        %parallel_loop3A_129 = arith.constant true
        %parallel_loop3A_130 = vector.broadcast %parallel_loop3A_129 : i1 to vector<16xi1>
        %parallel_loop3A_131 = tpu.scan <sum>, %parallel_loop3A_116 masked %parallel_loop3A_130 : vector<16xi32>, vector<16xi1> -> vector<16xi32>
        %parallel_loop3A_132 = vector.extract %parallel_loop3A_131[15] : i32 from vector<16xi32>
        %parallel_loop3A_133 = arith.addi %parallel_loop3A_99, %parallel_loop3A_132 : i32
        %parallel_loop3A_134 = arith.index_cast %parallel_loop3A_104 : i32 to index
        %parallel_loop3A_135 = tpu.vector_load %arg12[%parallel_loop3A_134] {strides = array<i32>} : memref<8192xi32, #tpu.memory_space<vmem>>, vector<16xi32>,
        %parallel_loop3A_136 = arith.index_cast %parallel_loop3A_108 : i32 to index
        %parallel_loop3A_137 = tpu.vector_load %arg12[%parallel_loop3A_136] {strides = array<i32>} : memref<8192xi32, #tpu.memory_space<vmem>>, vector<16xi32>,
        %parallel_loop3A_138 = arith.constant 0 : i32
        %parallel_loop3A_139 = vector.broadcast %parallel_loop3A_138 : i32 to vector<16xi32>
        %parallel_loop3A_140 = arith.addi %parallel_loop3A_139, %parallel_loop3A_135 : vector<16xi32>
        %parallel_loop3A_141 = arith.addi %parallel_loop3A_140, %parallel_loop3A_137 : vector<16xi32>
        %parallel_loop3A_142 = arith.constant true
        %parallel_loop3A_143 = vector.broadcast %parallel_loop3A_142 : i1 to vector<16xi1>
        %parallel_loop3A_144 = tpu.scan <sum>, %parallel_loop3A_141 masked %parallel_loop3A_143 : vector<16xi32>, vector<16xi1> -> vector<16xi32>
        %parallel_loop3A_145 = arith.subi %parallel_loop3A_144, %parallel_loop3A_141 : vector<16xi32>
        %parallel_loop3A_146 = vector.broadcast %parallel_loop3A_100 : i32 to vector<16xi32>
        %parallel_loop3A_147 = arith.addi %parallel_loop3A_145, %parallel_loop3A_146 : vector<16xi32>
        %parallel_loop3A_148 = arith.index_cast %parallel_loop3A_104 : i32 to index
        %parallel_loop3A_149 = tpu.vector_load %arg12[%parallel_loop3A_148] {strides = array<i32>} : memref<8192xi32, #tpu.memory_space<vmem>>, vector<16xi32>,
        tpu.vector_store %arg12[%parallel_loop3A_148], %parallel_loop3A_147 {strides = array<i32>} : memref<8192xi32, #tpu.memory_space<vmem>>, vector<16xi32>,
        %parallel_loop3A_150 = arith.addi %parallel_loop3A_147, %parallel_loop3A_135 : vector<16xi32>
        %parallel_loop3A_151 = arith.index_cast %parallel_loop3A_108 : i32 to index
        %parallel_loop3A_152 = tpu.vector_load %arg12[%parallel_loop3A_151] {strides = array<i32>} : memref<8192xi32, #tpu.memory_space<vmem>>, vector<16xi32>,
        tpu.vector_store %arg12[%parallel_loop3A_151], %parallel_loop3A_150 {strides = array<i32>} : memref<8192xi32, #tpu.memory_space<vmem>>, vector<16xi32>,
        %parallel_loop3A_153 = arith.addi %parallel_loop3A_150, %parallel_loop3A_137 : vector<16xi32>
        %parallel_loop3A_154 = arith.constant true
        %parallel_loop3A_155 = vector.broadcast %parallel_loop3A_154 : i1 to vector<16xi1>
        %parallel_loop3A_156 = tpu.scan <sum>, %parallel_loop3A_141 masked %parallel_loop3A_155 : vector<16xi32>, vector<16xi1> -> vector<16xi32>
        %parallel_loop3A_157 = vector.extract %parallel_loop3A_156[15] : i32 from vector<16xi32>
        %parallel_loop3A_158 = arith.addi %parallel_loop3A_100, %parallel_loop3A_157 : i32
        scf.yield %parallel_loop3A_133, %parallel_loop3A_158 : i32, i32
      } {sc.loop_unroll_factor = 1 : i64, sc.parallel_access}
      %scan3A_45 = arith.constant 0 : i32
      %scan3A_46 = arith.constant 0 : i32
      %scan3A_47 = arith.constant 256 : i32
      %scan3A_48 = arith.addi %scan3A_46, %scan3A_47 : i32
      %scan3A_49 = arith.constant 1 : i32
      %scan3A_50 = scf.for %scan3A_98 = %scan3A_46 to %scan3A_48 step %scan3A_49 iter_args(%scan3A_99 = %scan3A_45) -> (i32)  : i32 {
        %mul3A_100 = arith.constant 2 : i32
        %mul3A_101 = arith.muli %scan3A_98, %mul3A_100 : i32
        %add3A_102 = arith.constant 0 : i32
        %add3A_103 = arith.addi %mul3A_101, %add3A_102 : i32
        %add3A_104 = arith.constant 0 : i32
        %add3A_105 = arith.addi %add3A_103, %add3A_104 : i32
        %mul3A_106 = arith.constant 16 : i32
        %mul3A_107 = arith.muli %add3A_105, %mul3A_106 : i32
        %get3A = arith.index_cast %mul3A_107 : i32 to index
        %get3A_108 = tpu.vector_load %arg7[%get3A] {strides = array<i32>} : memref<16384xi32, #tpu.memory_space<vmem>>, vector<16xi32>,
        %shift_right_logical3A = arith.constant 8 : i32
        %shift_right_logical3A_109 = vector.broadcast %shift_right_logical3A : i32 to vector<16xi32>
        %shift_right_logical3A_110 = arith.shrui %get3A_108, %shift_right_logical3A_109 : vector<16xi32>
        %and3A = arith.constant 255 : i32
        %and3A_111 = vector.broadcast %and3A : i32 to vector<16xi32>
        %and3A_112 = arith.andi %shift_right_logical3A_110, %and3A_111 : vector<16xi32>
        %mul3A_113 = arith.constant 16 : i32
        %mul3A_114 = vector.broadcast %mul3A_113 : i32 to vector<16xi32>
        %mul3A_115 = arith.muli %and3A_112, %mul3A_114 : vector<16xi32>
        %add3A_116 = arith.constant 0 : i32
        %add3A_117 = vector.broadcast %add3A_116 : i32 to vector<16xi32>
        %add3A_118 = arith.addi %add3A_117, %mul3A_115 : vector<16xi32>
        %add3A_119 = arith.addi %add3A_118, %iota3A : vector<16xi32>
        %gather3A = tpu.vector_load_idx %arg11[%add3A_119] : memref<8192xi32, #tpu.memory_space<vmem>>[vector<16xi32>], vector<16xi32>,
        %add3A_120 = arith.constant 1 : i32
        %add3A_121 = vector.broadcast %add3A_120 : i32 to vector<16xi32>
        %add3A_122 = arith.addi %gather3A, %add3A_121 : vector<16xi32>
        tpu.vector_store_idx %arg11[%add3A_119], %add3A_122 : memref<8192xi32, #tpu.memory_space<vmem>>[vector<16xi32>], vector<16xi32>,
        %and3A_123 = arith.constant 1023 : i32
        %and3A_124 = vector.broadcast %and3A_123 : i32 to vector<16xi32>
        %and3A_125 = arith.andi %gather3A, %and3A_124 : vector<16xi32>
        %mul3A_126 = arith.constant 16 : i32
        %mul3A_127 = vector.broadcast %mul3A_126 : i32 to vector<16xi32>
        %mul3A_128 = arith.muli %and3A_125, %mul3A_127 : vector<16xi32>
        %shift_right_logical3A_129 = arith.constant 10 : i32
        %shift_right_logical3A_130 = vector.broadcast %shift_right_logical3A_129 : i32 to vector<16xi32>
        %shift_right_logical3A_131 = arith.shrui %gather3A, %shift_right_logical3A_130 : vector<16xi32>
        %add3A_132 = arith.addi %mul3A_128, %shift_right_logical3A_131 : vector<16xi32>
        tpu.vector_store_idx %arg5[%add3A_132], %get3A_108 : memref<16384xi32, #tpu.memory_space<vmem>>[vector<16xi32>], vector<16xi32>,
        %mul3A_133 = arith.constant 16 : i32
        %mul3A_134 = arith.muli %add3A_105, %mul3A_133 : i32
        %get3A_135 = arith.index_cast %mul3A_134 : i32 to index
        %get3A_136 = tpu.vector_load %arg8[%get3A_135] {strides = array<i32>} : memref<16384xi32, #tpu.memory_space<vmem>>, vector<16xi32>,
        tpu.vector_store_idx %arg6[%add3A_132], %get3A_136 : memref<16384xi32, #tpu.memory_space<vmem>>[vector<16xi32>], vector<16xi32>,
        %mul3A_137 = arith.constant 16 : i32
        %mul3A_138 = arith.muli %add3A_105, %mul3A_137 : i32
        %get3A_139 = arith.index_cast %mul3A_138 : i32 to index
        %get3A_140 = tpu.vector_load %arg10[%get3A_139] {strides = array<i32>} : memref<16384xi32, #tpu.memory_space<vmem>>, vector<16xi32>,
        %shift_right_logical3A_141 = arith.constant 8 : i32
        %shift_right_logical3A_142 = vector.broadcast %shift_right_logical3A_141 : i32 to vector<16xi32>
        %shift_right_logical3A_143 = arith.shrui %get3A_140, %shift_right_logical3A_142 : vector<16xi32>
        %and3A_144 = arith.constant 255 : i32
        %and3A_145 = vector.broadcast %and3A_144 : i32 to vector<16xi32>
        %and3A_146 = arith.andi %shift_right_logical3A_143, %and3A_145 : vector<16xi32>
        %mul3A_147 = arith.constant 16 : i32
        %mul3A_148 = vector.broadcast %mul3A_147 : i32 to vector<16xi32>
        %mul3A_149 = arith.muli %and3A_146, %mul3A_148 : vector<16xi32>
        %add3A_150 = arith.constant 0 : i32
        %add3A_151 = vector.broadcast %add3A_150 : i32 to vector<16xi32>
        %add3A_152 = arith.addi %add3A_151, %mul3A_149 : vector<16xi32>
        %add3A_153 = arith.addi %add3A_152, %iota3A : vector<16xi32>
        %gather3A_154 = tpu.vector_load_idx %arg12[%add3A_153] : memref<8192xi32, #tpu.memory_space<vmem>>[vector<16xi32>], vector<16xi32>,
        %add3A_155 = arith.constant 1 : i32
        %add3A_156 = vector.broadcast %add3A_155 : i32 to vector<16xi32>
        %add3A_157 = arith.addi %gather3A_154, %add3A_156 : vector<16xi32>
        tpu.vector_store_idx %arg12[%add3A_153], %add3A_157 : memref<8192xi32, #tpu.memory_space<vmem>>[vector<16xi32>], vector<16xi32>,
        %and3A_158 = arith.constant 1023 : i32
        %and3A_159 = vector.broadcast %and3A_158 : i32 to vector<16xi32>
        %and3A_160 = arith.andi %gather3A_154, %and3A_159 : vector<16xi32>
        %mul3A_161 = arith.constant 16 : i32
        %mul3A_162 = vector.broadcast %mul3A_161 : i32 to vector<16xi32>
        %mul3A_163 = arith.muli %and3A_160, %mul3A_162 : vector<16xi32>
        %shift_right_logical3A_164 = arith.constant 10 : i32
        %shift_right_logical3A_165 = vector.broadcast %shift_right_logical3A_164 : i32 to vector<16xi32>
        %shift_right_logical3A_166 = arith.shrui %gather3A_154, %shift_right_logical3A_165 : vector<16xi32>
        %add3A_167 = arith.addi %mul3A_163, %shift_right_logical3A_166 : vector<16xi32>
        tpu.vector_store_idx %arg9[%add3A_167], %get3A_140 : memref<16384xi32, #tpu.memory_space<vmem>>[vector<16xi32>], vector<16xi32>,
        %mul3A_168 = arith.constant 2 : i32
        %mul3A_169 = arith.muli %scan3A_98, %mul3A_168 : i32
        %add3A_170 = arith.constant 0 : i32
        %add3A_171 = arith.addi %mul3A_169, %add3A_170 : i32
        %add3A_172 = arith.constant 512 : i32
        %add3A_173 = arith.addi %add3A_171, %add3A_172 : i32
        %mul3A_174 = arith.constant 16 : i32
        %mul3A_175 = arith.muli %add3A_173, %mul3A_174 : i32
        %get3A_176 = arith.index_cast %mul3A_175 : i32 to index
        %get3A_177 = tpu.vector_load %arg7[%get3A_176] {strides = array<i32>} : memref<16384xi32, #tpu.memory_space<vmem>>, vector<16xi32>,
        %shift_right_logical3A_178 = arith.constant 8 : i32
        %shift_right_logical3A_179 = vector.broadcast %shift_right_logical3A_178 : i32 to vector<16xi32>
        %shift_right_logical3A_180 = arith.shrui %get3A_177, %shift_right_logical3A_179 : vector<16xi32>
        %and3A_181 = arith.constant 255 : i32
        %and3A_182 = vector.broadcast %and3A_181 : i32 to vector<16xi32>
        %and3A_183 = arith.andi %shift_right_logical3A_180, %and3A_182 : vector<16xi32>
        %mul3A_184 = arith.constant 16 : i32
        %mul3A_185 = vector.broadcast %mul3A_184 : i32 to vector<16xi32>
        %mul3A_186 = arith.muli %and3A_183, %mul3A_185 : vector<16xi32>
        %add3A_187 = arith.constant 4096 : i32
        %add3A_188 = vector.broadcast %add3A_187 : i32 to vector<16xi32>
        %add3A_189 = arith.addi %add3A_188, %mul3A_186 : vector<16xi32>
        %add3A_190 = arith.addi %add3A_189, %iota3A : vector<16xi32>
        %gather3A_191 = tpu.vector_load_idx %arg11[%add3A_190] : memref<8192xi32, #tpu.memory_space<vmem>>[vector<16xi32>], vector<16xi32>,
        %add3A_192 = arith.constant 1 : i32
        %add3A_193 = vector.broadcast %add3A_192 : i32 to vector<16xi32>
        %add3A_194 = arith.addi %gather3A_191, %add3A_193 : vector<16xi32>
        tpu.vector_store_idx %arg11[%add3A_190], %add3A_194 : memref<8192xi32, #tpu.memory_space<vmem>>[vector<16xi32>], vector<16xi32>,
        %and3A_195 = arith.constant 1023 : i32
        %and3A_196 = vector.broadcast %and3A_195 : i32 to vector<16xi32>
        %and3A_197 = arith.andi %gather3A_191, %and3A_196 : vector<16xi32>
        %mul3A_198 = arith.constant 16 : i32
        %mul3A_199 = vector.broadcast %mul3A_198 : i32 to vector<16xi32>
        %mul3A_200 = arith.muli %and3A_197, %mul3A_199 : vector<16xi32>
        %shift_right_logical3A_201 = arith.constant 10 : i32
        %shift_right_logical3A_202 = vector.broadcast %shift_right_logical3A_201 : i32 to vector<16xi32>
        %shift_right_logical3A_203 = arith.shrui %gather3A_191, %shift_right_logical3A_202 : vector<16xi32>
        %add3A_204 = arith.addi %mul3A_200, %shift_right_logical3A_203 : vector<16xi32>
        tpu.vector_store_idx %arg5[%add3A_204], %get3A_177 : memref<16384xi32, #tpu.memory_space<vmem>>[vector<16xi32>], vector<16xi32>,
        %mul3A_205 = arith.constant 16 : i32
        %mul3A_206 = arith.muli %add3A_173, %mul3A_205 : i32
        %get3A_207 = arith.index_cast %mul3A_206 : i32 to index
        %get3A_208 = tpu.vector_load %arg8[%get3A_207] {strides = array<i32>} : memref<16384xi32, #tpu.memory_space<vmem>>, vector<16xi32>,
        tpu.vector_store_idx %arg6[%add3A_204], %get3A_208 : memref<16384xi32, #tpu.memory_space<vmem>>[vector<16xi32>], vector<16xi32>,
        %mul3A_209 = arith.constant 16 : i32
        %mul3A_210 = arith.muli %add3A_173, %mul3A_209 : i32
        %get3A_211 = arith.index_cast %mul3A_210 : i32 to index
        %get3A_212 = tpu.vector_load %arg10[%get3A_211] {strides = array<i32>} : memref<16384xi32, #tpu.memory_space<vmem>>, vector<16xi32>,
        %shift_right_logical3A_213 = arith.constant 8 : i32
        %shift_right_logical3A_214 = vector.broadcast %shift_right_logical3A_213 : i32 to vector<16xi32>
        %shift_right_logical3A_215 = arith.shrui %get3A_212, %shift_right_logical3A_214 : vector<16xi32>
        %and3A_216 = arith.constant 255 : i32
        %and3A_217 = vector.broadcast %and3A_216 : i32 to vector<16xi32>
        %and3A_218 = arith.andi %shift_right_logical3A_215, %and3A_217 : vector<16xi32>
        %mul3A_219 = arith.constant 16 : i32
        %mul3A_220 = vector.broadcast %mul3A_219 : i32 to vector<16xi32>
        %mul3A_221 = arith.muli %and3A_218, %mul3A_220 : vector<16xi32>
        %add3A_222 = arith.constant 4096 : i32
        %add3A_223 = vector.broadcast %add3A_222 : i32 to vector<16xi32>
        %add3A_224 = arith.addi %add3A_223, %mul3A_221 : vector<16xi32>
        %add3A_225 = arith.addi %add3A_224, %iota3A : vector<16xi32>
        %gather3A_226 = tpu.vector_load_idx %arg12[%add3A_225] : memref<8192xi32, #tpu.memory_space<vmem>>[vector<16xi32>], vector<16xi32>,
        %add3A_227 = arith.constant 1 : i32
        %add3A_228 = vector.broadcast %add3A_227 : i32 to vector<16xi32>
        %add3A_229 = arith.addi %gather3A_226, %add3A_228 : vector<16xi32>
        tpu.vector_store_idx %arg12[%add3A_225], %add3A_229 : memref<8192xi32, #tpu.memory_space<vmem>>[vector<16xi32>], vector<16xi32>,
        %and3A_230 = arith.constant 1023 : i32
        %and3A_231 = vector.broadcast %and3A_230 : i32 to vector<16xi32>
        %and3A_232 = arith.andi %gather3A_226, %and3A_231 : vector<16xi32>
        %mul3A_233 = arith.constant 16 : i32
        %mul3A_234 = vector.broadcast %mul3A_233 : i32 to vector<16xi32>
        %mul3A_235 = arith.muli %and3A_232, %mul3A_234 : vector<16xi32>
        %shift_right_logical3A_236 = arith.constant 10 : i32
        %shift_right_logical3A_237 = vector.broadcast %shift_right_logical3A_236 : i32 to vector<16xi32>
        %shift_right_logical3A_238 = arith.shrui %gather3A_226, %shift_right_logical3A_237 : vector<16xi32>
        %add3A_239 = arith.addi %mul3A_235, %shift_right_logical3A_238 : vector<16xi32>
        tpu.vector_store_idx %arg9[%add3A_239], %get3A_212 : memref<16384xi32, #tpu.memory_space<vmem>>[vector<16xi32>], vector<16xi32>,
        %mul3A_240 = arith.constant 2 : i32
        %mul3A_241 = arith.muli %scan3A_98, %mul3A_240 : i32
        %add3A_242 = arith.constant 1 : i32
        %add3A_243 = arith.addi %mul3A_241, %add3A_242 : i32
        %add3A_244 = arith.constant 0 : i32
        %add3A_245 = arith.addi %add3A_243, %add3A_244 : i32
        %mul3A_246 = arith.constant 16 : i32
        %mul3A_247 = arith.muli %add3A_245, %mul3A_246 : i32
        %get3A_248 = arith.index_cast %mul3A_247 : i32 to index
        %get3A_249 = tpu.vector_load %arg7[%get3A_248] {strides = array<i32>} : memref<16384xi32, #tpu.memory_space<vmem>>, vector<16xi32>,
        %shift_right_logical3A_250 = arith.constant 8 : i32
        %shift_right_logical3A_251 = vector.broadcast %shift_right_logical3A_250 : i32 to vector<16xi32>
        %shift_right_logical3A_252 = arith.shrui %get3A_249, %shift_right_logical3A_251 : vector<16xi32>
        %and3A_253 = arith.constant 255 : i32
        %and3A_254 = vector.broadcast %and3A_253 : i32 to vector<16xi32>
        %and3A_255 = arith.andi %shift_right_logical3A_252, %and3A_254 : vector<16xi32>
        %mul3A_256 = arith.constant 16 : i32
        %mul3A_257 = vector.broadcast %mul3A_256 : i32 to vector<16xi32>
        %mul3A_258 = arith.muli %and3A_255, %mul3A_257 : vector<16xi32>
        %add3A_259 = arith.constant 0 : i32
        %add3A_260 = vector.broadcast %add3A_259 : i32 to vector<16xi32>
        %add3A_261 = arith.addi %add3A_260, %mul3A_258 : vector<16xi32>
        %add3A_262 = arith.addi %add3A_261, %iota3A : vector<16xi32>
        %gather3A_263 = tpu.vector_load_idx %arg11[%add3A_262] : memref<8192xi32, #tpu.memory_space<vmem>>[vector<16xi32>], vector<16xi32>,
        %add3A_264 = arith.constant 1 : i32
        %add3A_265 = vector.broadcast %add3A_264 : i32 to vector<16xi32>
        %add3A_266 = arith.addi %gather3A_263, %add3A_265 : vector<16xi32>
        tpu.vector_store_idx %arg11[%add3A_262], %add3A_266 : memref<8192xi32, #tpu.memory_space<vmem>>[vector<16xi32>], vector<16xi32>,
        %and3A_267 = arith.constant 1023 : i32
        %and3A_268 = vector.broadcast %and3A_267 : i32 to vector<16xi32>
        %and3A_269 = arith.andi %gather3A_263, %and3A_268 : vector<16xi32>
        %mul3A_270 = arith.constant 16 : i32
        %mul3A_271 = vector.broadcast %mul3A_270 : i32 to vector<16xi32>
        %mul3A_272 = arith.muli %and3A_269, %mul3A_271 : vector<16xi32>
        %shift_right_logical3A_273 = arith.constant 10 : i32
        %shift_right_logical3A_274 = vector.broadcast %shift_right_logical3A_273 : i32 to vector<16xi32>
        %shift_right_logical3A_275 = arith.shrui %gather3A_263, %shift_right_logical3A_274 : vector<16xi32>
        %add3A_276 = arith.addi %mul3A_272, %shift_right_logical3A_275 : vector<16xi32>
        tpu.vector_store_idx %arg5[%add3A_276], %get3A_249 : memref<16384xi32, #tpu.memory_space<vmem>>[vector<16xi32>], vector<16xi32>,
        %mul3A_277 = arith.constant 16 : i32
        %mul3A_278 = arith.muli %add3A_245, %mul3A_277 : i32
        %get3A_279 = arith.index_cast %mul3A_278 : i32 to index
        %get3A_280 = tpu.vector_load %arg8[%get3A_279] {strides = array<i32>} : memref<16384xi32, #tpu.memory_space<vmem>>, vector<16xi32>,
        tpu.vector_store_idx %arg6[%add3A_276], %get3A_280 : memref<16384xi32, #tpu.memory_space<vmem>>[vector<16xi32>], vector<16xi32>,
        %mul3A_281 = arith.constant 16 : i32
        %mul3A_282 = arith.muli %add3A_245, %mul3A_281 : i32
        %get3A_283 = arith.index_cast %mul3A_282 : i32 to index
        %get3A_284 = tpu.vector_load %arg10[%get3A_283] {strides = array<i32>} : memref<16384xi32, #tpu.memory_space<vmem>>, vector<16xi32>,
        %shift_right_logical3A_285 = arith.constant 8 : i32
        %shift_right_logical3A_286 = vector.broadcast %shift_right_logical3A_285 : i32 to vector<16xi32>
        %shift_right_logical3A_287 = arith.shrui %get3A_284, %shift_right_logical3A_286 : vector<16xi32>
        %and3A_288 = arith.constant 255 : i32
        %and3A_289 = vector.broadcast %and3A_288 : i32 to vector<16xi32>
        %and3A_290 = arith.andi %shift_right_logical3A_287, %and3A_289 : vector<16xi32>
        %mul3A_291 = arith.constant 16 : i32
        %mul3A_292 = vector.broadcast %mul3A_291 : i32 to vector<16xi32>
        %mul3A_293 = arith.muli %and3A_290, %mul3A_292 : vector<16xi32>
        %add3A_294 = arith.constant 0 : i32
        %add3A_295 = vector.broadcast %add3A_294 : i32 to vector<16xi32>
        %add3A_296 = arith.addi %add3A_295, %mul3A_293 : vector<16xi32>
        %add3A_297 = arith.addi %add3A_296, %iota3A : vector<16xi32>
        %gather3A_298 = tpu.vector_load_idx %arg12[%add3A_297] : memref<8192xi32, #tpu.memory_space<vmem>>[vector<16xi32>], vector<16xi32>,
        %add3A_299 = arith.constant 1 : i32
        %add3A_300 = vector.broadcast %add3A_299 : i32 to vector<16xi32>
        %add3A_301 = arith.addi %gather3A_298, %add3A_300 : vector<16xi32>
        tpu.vector_store_idx %arg12[%add3A_297], %add3A_301 : memref<8192xi32, #tpu.memory_space<vmem>>[vector<16xi32>], vector<16xi32>,
        %and3A_302 = arith.constant 1023 : i32
        %and3A_303 = vector.broadcast %and3A_302 : i32 to vector<16xi32>
        %and3A_304 = arith.andi %gather3A_298, %and3A_303 : vector<16xi32>
        %mul3A_305 = arith.constant 16 : i32
        %mul3A_306 = vector.broadcast %mul3A_305 : i32 to vector<16xi32>
        %mul3A_307 = arith.muli %and3A_304, %mul3A_306 : vector<16xi32>
        %shift_right_logical3A_308 = arith.constant 10 : i32
        %shift_right_logical3A_309 = vector.broadcast %shift_right_logical3A_308 : i32 to vector<16xi32>
        %shift_right_logical3A_310 = arith.shrui %gather3A_298, %shift_right_logical3A_309 : vector<16xi32>
        %add3A_311 = arith.addi %mul3A_307, %shift_right_logical3A_310 : vector<16xi32>
        tpu.vector_store_idx %arg9[%add3A_311], %get3A_284 : memref<16384xi32, #tpu.memory_space<vmem>>[vector<16xi32>], vector<16xi32>,
        %mul3A_312 = arith.constant 2 : i32
        %mul3A_313 = arith.muli %scan3A_98, %mul3A_312 : i32
        %add3A_314 = arith.constant 1 : i32
        %add3A_315 = arith.addi %mul3A_313, %add3A_314 : i32
        %add3A_316 = arith.constant 512 : i32
        %add3A_317 = arith.addi %add3A_315, %add3A_316 : i32
        %mul3A_318 = arith.constant 16 : i32
        %mul3A_319 = arith.muli %add3A_317, %mul3A_318 : i32
        %get3A_320 = arith.index_cast %mul3A_319 : i32 to index
        %get3A_321 = tpu.vector_load %arg7[%get3A_320] {strides = array<i32>} : memref<16384xi32, #tpu.memory_space<vmem>>, vector<16xi32>,
        %shift_right_logical3A_322 = arith.constant 8 : i32
        %shift_right_logical3A_323 = vector.broadcast %shift_right_logical3A_322 : i32 to vector<16xi32>
        %shift_right_logical3A_324 = arith.shrui %get3A_321, %shift_right_logical3A_323 : vector<16xi32>
        %and3A_325 = arith.constant 255 : i32
        %and3A_326 = vector.broadcast %and3A_325 : i32 to vector<16xi32>
        %and3A_327 = arith.andi %shift_right_logical3A_324, %and3A_326 : vector<16xi32>
        %mul3A_328 = arith.constant 16 : i32
        %mul3A_329 = vector.broadcast %mul3A_328 : i32 to vector<16xi32>
        %mul3A_330 = arith.muli %and3A_327, %mul3A_329 : vector<16xi32>
        %add3A_331 = arith.constant 4096 : i32
        %add3A_332 = vector.broadcast %add3A_331 : i32 to vector<16xi32>
        %add3A_333 = arith.addi %add3A_332, %mul3A_330 : vector<16xi32>
        %add3A_334 = arith.addi %add3A_333, %iota3A : vector<16xi32>
        %gather3A_335 = tpu.vector_load_idx %arg11[%add3A_334] : memref<8192xi32, #tpu.memory_space<vmem>>[vector<16xi32>], vector<16xi32>,
        %add3A_336 = arith.constant 1 : i32
        %add3A_337 = vector.broadcast %add3A_336 : i32 to vector<16xi32>
        %add3A_338 = arith.addi %gather3A_335, %add3A_337 : vector<16xi32>
        tpu.vector_store_idx %arg11[%add3A_334], %add3A_338 : memref<8192xi32, #tpu.memory_space<vmem>>[vector<16xi32>], vector<16xi32>,
        %and3A_339 = arith.constant 1023 : i32
        %and3A_340 = vector.broadcast %and3A_339 : i32 to vector<16xi32>
        %and3A_341 = arith.andi %gather3A_335, %and3A_340 : vector<16xi32>
        %mul3A_342 = arith.constant 16 : i32
        %mul3A_343 = vector.broadcast %mul3A_342 : i32 to vector<16xi32>
        %mul3A_344 = arith.muli %and3A_341, %mul3A_343 : vector<16xi32>
        %shift_right_logical3A_345 = arith.constant 10 : i32
        %shift_right_logical3A_346 = vector.broadcast %shift_right_logical3A_345 : i32 to vector<16xi32>
        %shift_right_logical3A_347 = arith.shrui %gather3A_335, %shift_right_logical3A_346 : vector<16xi32>
        %add3A_348 = arith.addi %mul3A_344, %shift_right_logical3A_347 : vector<16xi32>
        tpu.vector_store_idx %arg5[%add3A_348], %get3A_321 : memref<16384xi32, #tpu.memory_space<vmem>>[vector<16xi32>], vector<16xi32>,
        %mul3A_349 = arith.constant 16 : i32
        %mul3A_350 = arith.muli %add3A_317, %mul3A_349 : i32
        %get3A_351 = arith.index_cast %mul3A_350 : i32 to index
        %get3A_352 = tpu.vector_load %arg8[%get3A_351] {strides = array<i32>} : memref<16384xi32, #tpu.memory_space<vmem>>, vector<16xi32>,
        tpu.vector_store_idx %arg6[%add3A_348], %get3A_352 : memref<16384xi32, #tpu.memory_space<vmem>>[vector<16xi32>], vector<16xi32>,
        %mul3A_353 = arith.constant 16 : i32
        %mul3A_354 = arith.muli %add3A_317, %mul3A_353 : i32
        %get3A_355 = arith.index_cast %mul3A_354 : i32 to index
        %get3A_356 = tpu.vector_load %arg10[%get3A_355] {strides = array<i32>} : memref<16384xi32, #tpu.memory_space<vmem>>, vector<16xi32>,
        %shift_right_logical3A_357 = arith.constant 8 : i32
        %shift_right_logical3A_358 = vector.broadcast %shift_right_logical3A_357 : i32 to vector<16xi32>
        %shift_right_logical3A_359 = arith.shrui %get3A_356, %shift_right_logical3A_358 : vector<16xi32>
        %and3A_360 = arith.constant 255 : i32
        %and3A_361 = vector.broadcast %and3A_360 : i32 to vector<16xi32>
        %and3A_362 = arith.andi %shift_right_logical3A_359, %and3A_361 : vector<16xi32>
        %mul3A_363 = arith.constant 16 : i32
        %mul3A_364 = vector.broadcast %mul3A_363 : i32 to vector<16xi32>
        %mul3A_365 = arith.muli %and3A_362, %mul3A_364 : vector<16xi32>
        %add3A_366 = arith.constant 4096 : i32
        %add3A_367 = vector.broadcast %add3A_366 : i32 to vector<16xi32>
        %add3A_368 = arith.addi %add3A_367, %mul3A_365 : vector<16xi32>
        %add3A_369 = arith.addi %add3A_368, %iota3A : vector<16xi32>
        %gather3A_370 = tpu.vector_load_idx %arg12[%add3A_369] : memref<8192xi32, #tpu.memory_space<vmem>>[vector<16xi32>], vector<16xi32>,
        %add3A_371 = arith.constant 1 : i32
        %add3A_372 = vector.broadcast %add3A_371 : i32 to vector<16xi32>
        %add3A_373 = arith.addi %gather3A_370, %add3A_372 : vector<16xi32>
        tpu.vector_store_idx %arg12[%add3A_369], %add3A_373 : memref<8192xi32, #tpu.memory_space<vmem>>[vector<16xi32>], vector<16xi32>,
        %and3A_374 = arith.constant 1023 : i32
        %and3A_375 = vector.broadcast %and3A_374 : i32 to vector<16xi32>
        %and3A_376 = arith.andi %gather3A_370, %and3A_375 : vector<16xi32>
        %mul3A_377 = arith.constant 16 : i32
        %mul3A_378 = vector.broadcast %mul3A_377 : i32 to vector<16xi32>
        %mul3A_379 = arith.muli %and3A_376, %mul3A_378 : vector<16xi32>
        %shift_right_logical3A_380 = arith.constant 10 : i32
        %shift_right_logical3A_381 = vector.broadcast %shift_right_logical3A_380 : i32 to vector<16xi32>
        %shift_right_logical3A_382 = arith.shrui %gather3A_370, %shift_right_logical3A_381 : vector<16xi32>
        %add3A_383 = arith.addi %mul3A_379, %shift_right_logical3A_382 : vector<16xi32>
        tpu.vector_store_idx %arg9[%add3A_383], %get3A_356 : memref<16384xi32, #tpu.memory_space<vmem>>[vector<16xi32>], vector<16xi32>,
        %scan3A_384 = arith.constant 0 : i32
        scf.yield %scan3A_384 : i32
      }
      %scan3A_51 = arith.constant 256 : i32
      %parallel_loop3A_52 = arith.constant 0 : i32
      %parallel_loop3A_53 = arith.constant 512 : i32
      %parallel_loop3A_54 = arith.constant 1 : i32
      scf.for %parallel_loop3A_98 = %parallel_loop3A_52 to %parallel_loop3A_53 step %parallel_loop3A_54  : i32 {
        %parallel_loop3A_99 = arith.constant 16 : i32
        %parallel_loop3A_100 = arith.muli %parallel_loop3A_98, %parallel_loop3A_99 : i32
        %parallel_loop3A_101 = arith.index_cast %parallel_loop3A_100 : i32 to index
        %parallel_loop3A_102 = tpu.vector_load %arg11[%parallel_loop3A_101] {strides = array<i32>} : memref<8192xi32, #tpu.memory_space<vmem>>, vector<16xi32>,
        tpu.vector_store %arg11[%parallel_loop3A_101], %broadcast_in_dim3A_3 {strides = array<i32>} : memref<8192xi32, #tpu.memory_space<vmem>>, vector<16xi32>,
        %parallel_loop3A_103 = arith.index_cast %parallel_loop3A_100 : i32 to index
        %parallel_loop3A_104 = tpu.vector_load %arg12[%parallel_loop3A_103] {strides = array<i32>} : memref<8192xi32, #tpu.memory_space<vmem>>, vector<16xi32>,
        tpu.vector_store %arg12[%parallel_loop3A_103], %broadcast_in_dim3A_3 {strides = array<i32>} : memref<8192xi32, #tpu.memory_space<vmem>>, vector<16xi32>,
      } {sc.loop_unroll_factor = 4 : i64, sc.parallel_access}
      %parallel_loop3A_55 = arith.constant 0 : i32
      %parallel_loop3A_56 = arith.constant 512 : i32
      %parallel_loop3A_57 = arith.constant 1 : i32
      scf.for %parallel_loop3A_98 = %parallel_loop3A_55 to %parallel_loop3A_56 step %parallel_loop3A_57  : i32 {
        %parallel_loop3A_99 = arith.constant 0 : i32
        %parallel_loop3A_100 = arith.addi %parallel_loop3A_98, %parallel_loop3A_99 : i32
        %parallel_loop3A_101 = arith.constant 16 : i32
        %parallel_loop3A_102 = arith.muli %parallel_loop3A_100, %parallel_loop3A_101 : i32
        %parallel_loop3A_103 = arith.index_cast %parallel_loop3A_102 : i32 to index
        %parallel_loop3A_104 = tpu.vector_load %arg5[%parallel_loop3A_103] {strides = array<i32>} : memref<16384xi32, #tpu.memory_space<vmem>>, vector<16xi32>,
        %parallel_loop3A_105 = arith.constant 16 : i32
        %parallel_loop3A_106 = vector.broadcast %parallel_loop3A_105 : i32 to vector<16xi32>
        %parallel_loop3A_107 = arith.shrui %parallel_loop3A_104, %parallel_loop3A_106 : vector<16xi32>
        %parallel_loop3A_108 = arith.constant 255 : i32
        %parallel_loop3A_109 = vector.broadcast %parallel_loop3A_108 : i32 to vector<16xi32>
        %parallel_loop3A_110 = arith.andi %parallel_loop3A_107, %parallel_loop3A_109 : vector<16xi32>
        %parallel_loop3A_111 = arith.constant 16 : i32
        %parallel_loop3A_112 = vector.broadcast %parallel_loop3A_111 : i32 to vector<16xi32>
        %parallel_loop3A_113 = arith.muli %parallel_loop3A_110, %parallel_loop3A_112 : vector<16xi32>
        %parallel_loop3A_114 = arith.constant 0 : i32
        %parallel_loop3A_115 = vector.broadcast %parallel_loop3A_114 : i32 to vector<16xi32>
        %parallel_loop3A_116 = arith.addi %parallel_loop3A_115, %parallel_loop3A_113 : vector<16xi32>
        %parallel_loop3A_117 = arith.addi %parallel_loop3A_116, %iota3A : vector<16xi32>
        tpu.vector_store_idx %arg11[%parallel_loop3A_117], %broadcast_in_dim3A_1 {add = true} : memref<8192xi32, #tpu.memory_space<vmem>>[vector<16xi32>], vector<16xi32>,
        %parallel_loop3A_118 = arith.constant 16 : i32
        %parallel_loop3A_119 = arith.muli %parallel_loop3A_100, %parallel_loop3A_118 : i32
        %parallel_loop3A_120 = arith.index_cast %parallel_loop3A_119 : i32 to index
        %parallel_loop3A_121 = tpu.vector_load %arg9[%parallel_loop3A_120] {strides = array<i32>} : memref<16384xi32, #tpu.memory_space<vmem>>, vector<16xi32>,
        %parallel_loop3A_122 = arith.constant 16 : i32
        %parallel_loop3A_123 = vector.broadcast %parallel_loop3A_122 : i32 to vector<16xi32>
        %parallel_loop3A_124 = arith.shrui %parallel_loop3A_121, %parallel_loop3A_123 : vector<16xi32>
        %parallel_loop3A_125 = arith.constant 255 : i32
        %parallel_loop3A_126 = vector.broadcast %parallel_loop3A_125 : i32 to vector<16xi32>
        %parallel_loop3A_127 = arith.andi %parallel_loop3A_124, %parallel_loop3A_126 : vector<16xi32>
        %parallel_loop3A_128 = arith.constant 16 : i32
        %parallel_loop3A_129 = vector.broadcast %parallel_loop3A_128 : i32 to vector<16xi32>
        %parallel_loop3A_130 = arith.muli %parallel_loop3A_127, %parallel_loop3A_129 : vector<16xi32>
        %parallel_loop3A_131 = arith.constant 0 : i32
        %parallel_loop3A_132 = vector.broadcast %parallel_loop3A_131 : i32 to vector<16xi32>
        %parallel_loop3A_133 = arith.addi %parallel_loop3A_132, %parallel_loop3A_130 : vector<16xi32>
        %parallel_loop3A_134 = arith.addi %parallel_loop3A_133, %iota3A : vector<16xi32>
        tpu.vector_store_idx %arg12[%parallel_loop3A_134], %broadcast_in_dim3A_1 {add = true} : memref<8192xi32, #tpu.memory_space<vmem>>[vector<16xi32>], vector<16xi32>,
        %parallel_loop3A_135 = arith.constant 512 : i32
        %parallel_loop3A_136 = arith.addi %parallel_loop3A_98, %parallel_loop3A_135 : i32
        %parallel_loop3A_137 = arith.constant 16 : i32
        %parallel_loop3A_138 = arith.muli %parallel_loop3A_136, %parallel_loop3A_137 : i32
        %parallel_loop3A_139 = arith.index_cast %parallel_loop3A_138 : i32 to index
        %parallel_loop3A_140 = tpu.vector_load %arg5[%parallel_loop3A_139] {strides = array<i32>} : memref<16384xi32, #tpu.memory_space<vmem>>, vector<16xi32>,
        %parallel_loop3A_141 = arith.constant 16 : i32
        %parallel_loop3A_142 = vector.broadcast %parallel_loop3A_141 : i32 to vector<16xi32>
        %parallel_loop3A_143 = arith.shrui %parallel_loop3A_140, %parallel_loop3A_142 : vector<16xi32>
        %parallel_loop3A_144 = arith.constant 255 : i32
        %parallel_loop3A_145 = vector.broadcast %parallel_loop3A_144 : i32 to vector<16xi32>
        %parallel_loop3A_146 = arith.andi %parallel_loop3A_143, %parallel_loop3A_145 : vector<16xi32>
        %parallel_loop3A_147 = arith.constant 16 : i32
        %parallel_loop3A_148 = vector.broadcast %parallel_loop3A_147 : i32 to vector<16xi32>
        %parallel_loop3A_149 = arith.muli %parallel_loop3A_146, %parallel_loop3A_148 : vector<16xi32>
        %parallel_loop3A_150 = arith.constant 4096 : i32
        %parallel_loop3A_151 = vector.broadcast %parallel_loop3A_150 : i32 to vector<16xi32>
        %parallel_loop3A_152 = arith.addi %parallel_loop3A_151, %parallel_loop3A_149 : vector<16xi32>
        %parallel_loop3A_153 = arith.addi %parallel_loop3A_152, %iota3A : vector<16xi32>
        tpu.vector_store_idx %arg11[%parallel_loop3A_153], %broadcast_in_dim3A_1 {add = true} : memref<8192xi32, #tpu.memory_space<vmem>>[vector<16xi32>], vector<16xi32>,
        %parallel_loop3A_154 = arith.constant 16 : i32
        %parallel_loop3A_155 = arith.muli %parallel_loop3A_136, %parallel_loop3A_154 : i32
        %parallel_loop3A_156 = arith.index_cast %parallel_loop3A_155 : i32 to index
        %parallel_loop3A_157 = tpu.vector_load %arg9[%parallel_loop3A_156] {strides = array<i32>} : memref<16384xi32, #tpu.memory_space<vmem>>, vector<16xi32>,
        %parallel_loop3A_158 = arith.constant 16 : i32
        %parallel_loop3A_159 = vector.broadcast %parallel_loop3A_158 : i32 to vector<16xi32>
        %parallel_loop3A_160 = arith.shrui %parallel_loop3A_157, %parallel_loop3A_159 : vector<16xi32>
        %parallel_loop3A_161 = arith.constant 255 : i32
        %parallel_loop3A_162 = vector.broadcast %parallel_loop3A_161 : i32 to vector<16xi32>
        %parallel_loop3A_163 = arith.andi %parallel_loop3A_160, %parallel_loop3A_162 : vector<16xi32>
        %parallel_loop3A_164 = arith.constant 16 : i32
        %parallel_loop3A_165 = vector.broadcast %parallel_loop3A_164 : i32 to vector<16xi32>
        %parallel_loop3A_166 = arith.muli %parallel_loop3A_163, %parallel_loop3A_165 : vector<16xi32>
        %parallel_loop3A_167 = arith.constant 4096 : i32
        %parallel_loop3A_168 = vector.broadcast %parallel_loop3A_167 : i32 to vector<16xi32>
        %parallel_loop3A_169 = arith.addi %parallel_loop3A_168, %parallel_loop3A_166 : vector<16xi32>
        %parallel_loop3A_170 = arith.addi %parallel_loop3A_169, %iota3A : vector<16xi32>
        tpu.vector_store_idx %arg12[%parallel_loop3A_170], %broadcast_in_dim3A_1 {add = true} : memref<8192xi32, #tpu.memory_space<vmem>>[vector<16xi32>], vector<16xi32>,
      } {sc.loop_unroll_factor = 4 : i64, sc.parallel_access}
      %parallel_loop3A_58 = arith.constant 0 : i32
      %parallel_loop3A_59 = arith.constant 256 : i32
      %parallel_loop3A_60 = arith.constant 1 : i32
      %parallel_loop3A_61 = arith.constant 0 : i32
      %parallel_loop3A_62 = arith.constant 0 : i32
      %parallel_loop3A_63:2 = scf.for %parallel_loop3A_98 = %parallel_loop3A_58 to %parallel_loop3A_59 step %parallel_loop3A_60 iter_args(%parallel_loop3A_99 = %parallel_loop3A_61, %parallel_loop3A_100 = %parallel_loop3A_62) -> (i32, i32)  : i32 {
        %parallel_loop3A_101 = arith.constant 16 : i32
        %parallel_loop3A_102 = arith.muli %parallel_loop3A_98, %parallel_loop3A_101 : i32
        %parallel_loop3A_103 = arith.constant 0 : i32
        %parallel_loop3A_104 = arith.addi %parallel_loop3A_103, %parallel_loop3A_102 : i32
        %parallel_loop3A_105 = arith.constant 16 : i32
        %parallel_loop3A_106 = arith.muli %parallel_loop3A_98, %parallel_loop3A_105 : i32
        %parallel_loop3A_107 = arith.constant 4096 : i32
        %parallel_loop3A_108 = arith.addi %parallel_loop3A_107, %parallel_loop3A_106 : i32
        %parallel_loop3A_109 = arith.index_cast %parallel_loop3A_104 : i32 to index
        %parallel_loop3A_110 = tpu.vector_load %arg11[%parallel_loop3A_109] {strides = array<i32>} : memref<8192xi32, #tpu.memory_space<vmem>>, vector<16xi32>,
        %parallel_loop3A_111 = arith.index_cast %parallel_loop3A_108 : i32 to index
        %parallel_loop3A_112 = tpu.vector_load %arg11[%parallel_loop3A_111] {strides = array<i32>} : memref<8192xi32, #tpu.memory_space<vmem>>, vector<16xi32>,
        %parallel_loop3A_113 = arith.constant 0 : i32
        %parallel_loop3A_114 = vector.broadcast %parallel_loop3A_113 : i32 to vector<16xi32>
        %parallel_loop3A_115 = arith.addi %parallel_loop3A_114, %parallel_loop3A_110 : vector<16xi32>
        %parallel_loop3A_116 = arith.addi %parallel_loop3A_115, %parallel_loop3A_112 : vector<16xi32>
        %parallel_loop3A_117 = arith.constant true
        %parallel_loop3A_118 = vector.broadcast %parallel_loop3A_117 : i1 to vector<16xi1>
        %parallel_loop3A_119 = tpu.scan <sum>, %parallel_loop3A_116 masked %parallel_loop3A_118 : vector<16xi32>, vector<16xi1> -> vector<16xi32>
        %parallel_loop3A_120 = arith.subi %parallel_loop3A_119, %parallel_loop3A_116 : vector<16xi32>
        %parallel_loop3A_121 = vector.broadcast %parallel_loop3A_99 : i32 to vector<16xi32>
        %parallel_loop3A_122 = arith.addi %parallel_loop3A_120, %parallel_loop3A_121 : vector<16xi32>
        %parallel_loop3A_123 = arith.index_cast %parallel_loop3A_104 : i32 to index
        %parallel_loop3A_124 = tpu.vector_load %arg11[%parallel_loop3A_123] {strides = array<i32>} : memref<8192xi32, #tpu.memory_space<vmem>>, vector<16xi32>,
        tpu.vector_store %arg11[%parallel_loop3A_123], %parallel_loop3A_122 {strides = array<i32>} : memref<8192xi32, #tpu.memory_space<vmem>>, vector<16xi32>,
        %parallel_loop3A_125 = arith.addi %parallel_loop3A_122, %parallel_loop3A_110 : vector<16xi32>
        %parallel_loop3A_126 = arith.index_cast %parallel_loop3A_108 : i32 to index
        %parallel_loop3A_127 = tpu.vector_load %arg11[%parallel_loop3A_126] {strides = array<i32>} : memref<8192xi32, #tpu.memory_space<vmem>>, vector<16xi32>,
        tpu.vector_store %arg11[%parallel_loop3A_126], %parallel_loop3A_125 {strides = array<i32>} : memref<8192xi32, #tpu.memory_space<vmem>>, vector<16xi32>,
        %parallel_loop3A_128 = arith.addi %parallel_loop3A_125, %parallel_loop3A_112 : vector<16xi32>
        %parallel_loop3A_129 = arith.constant true
        %parallel_loop3A_130 = vector.broadcast %parallel_loop3A_129 : i1 to vector<16xi1>
        %parallel_loop3A_131 = tpu.scan <sum>, %parallel_loop3A_116 masked %parallel_loop3A_130 : vector<16xi32>, vector<16xi1> -> vector<16xi32>
        %parallel_loop3A_132 = vector.extract %parallel_loop3A_131[15] : i32 from vector<16xi32>
        %parallel_loop3A_133 = arith.addi %parallel_loop3A_99, %parallel_loop3A_132 : i32
        %parallel_loop3A_134 = arith.index_cast %parallel_loop3A_104 : i32 to index
        %parallel_loop3A_135 = tpu.vector_load %arg12[%parallel_loop3A_134] {strides = array<i32>} : memref<8192xi32, #tpu.memory_space<vmem>>, vector<16xi32>,
        %parallel_loop3A_136 = arith.index_cast %parallel_loop3A_108 : i32 to index
        %parallel_loop3A_137 = tpu.vector_load %arg12[%parallel_loop3A_136] {strides = array<i32>} : memref<8192xi32, #tpu.memory_space<vmem>>, vector<16xi32>,
        %parallel_loop3A_138 = arith.constant 0 : i32
        %parallel_loop3A_139 = vector.broadcast %parallel_loop3A_138 : i32 to vector<16xi32>
        %parallel_loop3A_140 = arith.addi %parallel_loop3A_139, %parallel_loop3A_135 : vector<16xi32>
        %parallel_loop3A_141 = arith.addi %parallel_loop3A_140, %parallel_loop3A_137 : vector<16xi32>
        %parallel_loop3A_142 = arith.constant true
        %parallel_loop3A_143 = vector.broadcast %parallel_loop3A_142 : i1 to vector<16xi1>
        %parallel_loop3A_144 = tpu.scan <sum>, %parallel_loop3A_141 masked %parallel_loop3A_143 : vector<16xi32>, vector<16xi1> -> vector<16xi32>
        %parallel_loop3A_145 = arith.subi %parallel_loop3A_144, %parallel_loop3A_141 : vector<16xi32>
        %parallel_loop3A_146 = vector.broadcast %parallel_loop3A_100 : i32 to vector<16xi32>
        %parallel_loop3A_147 = arith.addi %parallel_loop3A_145, %parallel_loop3A_146 : vector<16xi32>
        %parallel_loop3A_148 = arith.index_cast %parallel_loop3A_104 : i32 to index
        %parallel_loop3A_149 = tpu.vector_load %arg12[%parallel_loop3A_148] {strides = array<i32>} : memref<8192xi32, #tpu.memory_space<vmem>>, vector<16xi32>,
        tpu.vector_store %arg12[%parallel_loop3A_148], %parallel_loop3A_147 {strides = array<i32>} : memref<8192xi32, #tpu.memory_space<vmem>>, vector<16xi32>,
        %parallel_loop3A_150 = arith.addi %parallel_loop3A_147, %parallel_loop3A_135 : vector<16xi32>
        %parallel_loop3A_151 = arith.index_cast %parallel_loop3A_108 : i32 to index
        %parallel_loop3A_152 = tpu.vector_load %arg12[%parallel_loop3A_151] {strides = array<i32>} : memref<8192xi32, #tpu.memory_space<vmem>>, vector<16xi32>,
        tpu.vector_store %arg12[%parallel_loop3A_151], %parallel_loop3A_150 {strides = array<i32>} : memref<8192xi32, #tpu.memory_space<vmem>>, vector<16xi32>,
        %parallel_loop3A_153 = arith.addi %parallel_loop3A_150, %parallel_loop3A_137 : vector<16xi32>
        %parallel_loop3A_154 = arith.constant true
        %parallel_loop3A_155 = vector.broadcast %parallel_loop3A_154 : i1 to vector<16xi1>
        %parallel_loop3A_156 = tpu.scan <sum>, %parallel_loop3A_141 masked %parallel_loop3A_155 : vector<16xi32>, vector<16xi1> -> vector<16xi32>
        %parallel_loop3A_157 = vector.extract %parallel_loop3A_156[15] : i32 from vector<16xi32>
        %parallel_loop3A_158 = arith.addi %parallel_loop3A_100, %parallel_loop3A_157 : i32
        scf.yield %parallel_loop3A_133, %parallel_loop3A_158 : i32, i32
      } {sc.loop_unroll_factor = 1 : i64, sc.parallel_access}
      %scan3A_64 = arith.constant 0 : i32
      %scan3A_65 = arith.constant 0 : i32
      %scan3A_66 = arith.constant 256 : i32
      %scan3A_67 = arith.addi %scan3A_65, %scan3A_66 : i32
      %scan3A_68 = arith.constant 1 : i32
      %scan3A_69 = scf.for %scan3A_98 = %scan3A_65 to %scan3A_67 step %scan3A_68 iter_args(%scan3A_99 = %scan3A_64) -> (i32)  : i32 {
        %mul3A_100 = arith.constant 2 : i32
        %mul3A_101 = arith.muli %scan3A_98, %mul3A_100 : i32
        %add3A_102 = arith.constant 0 : i32
        %add3A_103 = arith.addi %mul3A_101, %add3A_102 : i32
        %add3A_104 = arith.constant 0 : i32
        %add3A_105 = arith.addi %add3A_103, %add3A_104 : i32
        %mul3A_106 = arith.constant 16 : i32
        %mul3A_107 = arith.muli %add3A_105, %mul3A_106 : i32
        %get3A = arith.index_cast %mul3A_107 : i32 to index
        %get3A_108 = tpu.vector_load %arg5[%get3A] {strides = array<i32>} : memref<16384xi32, #tpu.memory_space<vmem>>, vector<16xi32>,
        %shift_right_logical3A = arith.constant 16 : i32
        %shift_right_logical3A_109 = vector.broadcast %shift_right_logical3A : i32 to vector<16xi32>
        %shift_right_logical3A_110 = arith.shrui %get3A_108, %shift_right_logical3A_109 : vector<16xi32>
        %and3A = arith.constant 255 : i32
        %and3A_111 = vector.broadcast %and3A : i32 to vector<16xi32>
        %and3A_112 = arith.andi %shift_right_logical3A_110, %and3A_111 : vector<16xi32>
        %mul3A_113 = arith.constant 16 : i32
        %mul3A_114 = vector.broadcast %mul3A_113 : i32 to vector<16xi32>
        %mul3A_115 = arith.muli %and3A_112, %mul3A_114 : vector<16xi32>
        %add3A_116 = arith.constant 0 : i32
        %add3A_117 = vector.broadcast %add3A_116 : i32 to vector<16xi32>
        %add3A_118 = arith.addi %add3A_117, %mul3A_115 : vector<16xi32>
        %add3A_119 = arith.addi %add3A_118, %iota3A : vector<16xi32>
        %gather3A = tpu.vector_load_idx %arg11[%add3A_119] : memref<8192xi32, #tpu.memory_space<vmem>>[vector<16xi32>], vector<16xi32>,
        %add3A_120 = arith.constant 1 : i32
        %add3A_121 = vector.broadcast %add3A_120 : i32 to vector<16xi32>
        %add3A_122 = arith.addi %gather3A, %add3A_121 : vector<16xi32>
        tpu.vector_store_idx %arg11[%add3A_119], %add3A_122 : memref<8192xi32, #tpu.memory_space<vmem>>[vector<16xi32>], vector<16xi32>,
        %and3A_123 = arith.constant 1023 : i32
        %and3A_124 = vector.broadcast %and3A_123 : i32 to vector<16xi32>
        %and3A_125 = arith.andi %gather3A, %and3A_124 : vector<16xi32>
        %mul3A_126 = arith.constant 16 : i32
        %mul3A_127 = vector.broadcast %mul3A_126 : i32 to vector<16xi32>
        %mul3A_128 = arith.muli %and3A_125, %mul3A_127 : vector<16xi32>
        %shift_right_logical3A_129 = arith.constant 10 : i32
        %shift_right_logical3A_130 = vector.broadcast %shift_right_logical3A_129 : i32 to vector<16xi32>
        %shift_right_logical3A_131 = arith.shrui %gather3A, %shift_right_logical3A_130 : vector<16xi32>
        %add3A_132 = arith.addi %mul3A_128, %shift_right_logical3A_131 : vector<16xi32>
        tpu.vector_store_idx %arg7[%add3A_132], %get3A_108 : memref<16384xi32, #tpu.memory_space<vmem>>[vector<16xi32>], vector<16xi32>,
        %mul3A_133 = arith.constant 16 : i32
        %mul3A_134 = arith.muli %add3A_105, %mul3A_133 : i32
        %get3A_135 = arith.index_cast %mul3A_134 : i32 to index
        %get3A_136 = tpu.vector_load %arg6[%get3A_135] {strides = array<i32>} : memref<16384xi32, #tpu.memory_space<vmem>>, vector<16xi32>,
        tpu.vector_store_idx %arg8[%add3A_132], %get3A_136 : memref<16384xi32, #tpu.memory_space<vmem>>[vector<16xi32>], vector<16xi32>,
        %mul3A_137 = arith.constant 16 : i32
        %mul3A_138 = arith.muli %add3A_105, %mul3A_137 : i32
        %get3A_139 = arith.index_cast %mul3A_138 : i32 to index
        %get3A_140 = tpu.vector_load %arg9[%get3A_139] {strides = array<i32>} : memref<16384xi32, #tpu.memory_space<vmem>>, vector<16xi32>,
        %shift_right_logical3A_141 = arith.constant 16 : i32
        %shift_right_logical3A_142 = vector.broadcast %shift_right_logical3A_141 : i32 to vector<16xi32>
        %shift_right_logical3A_143 = arith.shrui %get3A_140, %shift_right_logical3A_142 : vector<16xi32>
        %and3A_144 = arith.constant 255 : i32
        %and3A_145 = vector.broadcast %and3A_144 : i32 to vector<16xi32>
        %and3A_146 = arith.andi %shift_right_logical3A_143, %and3A_145 : vector<16xi32>
        %mul3A_147 = arith.constant 16 : i32
        %mul3A_148 = vector.broadcast %mul3A_147 : i32 to vector<16xi32>
        %mul3A_149 = arith.muli %and3A_146, %mul3A_148 : vector<16xi32>
        %add3A_150 = arith.constant 0 : i32
        %add3A_151 = vector.broadcast %add3A_150 : i32 to vector<16xi32>
        %add3A_152 = arith.addi %add3A_151, %mul3A_149 : vector<16xi32>
        %add3A_153 = arith.addi %add3A_152, %iota3A : vector<16xi32>
        %gather3A_154 = tpu.vector_load_idx %arg12[%add3A_153] : memref<8192xi32, #tpu.memory_space<vmem>>[vector<16xi32>], vector<16xi32>,
        %add3A_155 = arith.constant 1 : i32
        %add3A_156 = vector.broadcast %add3A_155 : i32 to vector<16xi32>
        %add3A_157 = arith.addi %gather3A_154, %add3A_156 : vector<16xi32>
        tpu.vector_store_idx %arg12[%add3A_153], %add3A_157 : memref<8192xi32, #tpu.memory_space<vmem>>[vector<16xi32>], vector<16xi32>,
        %and3A_158 = arith.constant 1023 : i32
        %and3A_159 = vector.broadcast %and3A_158 : i32 to vector<16xi32>
        %and3A_160 = arith.andi %gather3A_154, %and3A_159 : vector<16xi32>
        %mul3A_161 = arith.constant 16 : i32
        %mul3A_162 = vector.broadcast %mul3A_161 : i32 to vector<16xi32>
        %mul3A_163 = arith.muli %and3A_160, %mul3A_162 : vector<16xi32>
        %shift_right_logical3A_164 = arith.constant 10 : i32
        %shift_right_logical3A_165 = vector.broadcast %shift_right_logical3A_164 : i32 to vector<16xi32>
        %shift_right_logical3A_166 = arith.shrui %gather3A_154, %shift_right_logical3A_165 : vector<16xi32>
        %add3A_167 = arith.addi %mul3A_163, %shift_right_logical3A_166 : vector<16xi32>
        tpu.vector_store_idx %arg10[%add3A_167], %get3A_140 : memref<16384xi32, #tpu.memory_space<vmem>>[vector<16xi32>], vector<16xi32>,
        %mul3A_168 = arith.constant 2 : i32
        %mul3A_169 = arith.muli %scan3A_98, %mul3A_168 : i32
        %add3A_170 = arith.constant 0 : i32
        %add3A_171 = arith.addi %mul3A_169, %add3A_170 : i32
        %add3A_172 = arith.constant 512 : i32
        %add3A_173 = arith.addi %add3A_171, %add3A_172 : i32
        %mul3A_174 = arith.constant 16 : i32
        %mul3A_175 = arith.muli %add3A_173, %mul3A_174 : i32
        %get3A_176 = arith.index_cast %mul3A_175 : i32 to index
        %get3A_177 = tpu.vector_load %arg5[%get3A_176] {strides = array<i32>} : memref<16384xi32, #tpu.memory_space<vmem>>, vector<16xi32>,
        %shift_right_logical3A_178 = arith.constant 16 : i32
        %shift_right_logical3A_179 = vector.broadcast %shift_right_logical3A_178 : i32 to vector<16xi32>
        %shift_right_logical3A_180 = arith.shrui %get3A_177, %shift_right_logical3A_179 : vector<16xi32>
        %and3A_181 = arith.constant 255 : i32
        %and3A_182 = vector.broadcast %and3A_181 : i32 to vector<16xi32>
        %and3A_183 = arith.andi %shift_right_logical3A_180, %and3A_182 : vector<16xi32>
        %mul3A_184 = arith.constant 16 : i32
        %mul3A_185 = vector.broadcast %mul3A_184 : i32 to vector<16xi32>
        %mul3A_186 = arith.muli %and3A_183, %mul3A_185 : vector<16xi32>
        %add3A_187 = arith.constant 4096 : i32
        %add3A_188 = vector.broadcast %add3A_187 : i32 to vector<16xi32>
        %add3A_189 = arith.addi %add3A_188, %mul3A_186 : vector<16xi32>
        %add3A_190 = arith.addi %add3A_189, %iota3A : vector<16xi32>
        %gather3A_191 = tpu.vector_load_idx %arg11[%add3A_190] : memref<8192xi32, #tpu.memory_space<vmem>>[vector<16xi32>], vector<16xi32>,
        %add3A_192 = arith.constant 1 : i32
        %add3A_193 = vector.broadcast %add3A_192 : i32 to vector<16xi32>
        %add3A_194 = arith.addi %gather3A_191, %add3A_193 : vector<16xi32>
        tpu.vector_store_idx %arg11[%add3A_190], %add3A_194 : memref<8192xi32, #tpu.memory_space<vmem>>[vector<16xi32>], vector<16xi32>,
        %and3A_195 = arith.constant 1023 : i32
        %and3A_196 = vector.broadcast %and3A_195 : i32 to vector<16xi32>
        %and3A_197 = arith.andi %gather3A_191, %and3A_196 : vector<16xi32>
        %mul3A_198 = arith.constant 16 : i32
        %mul3A_199 = vector.broadcast %mul3A_198 : i32 to vector<16xi32>
        %mul3A_200 = arith.muli %and3A_197, %mul3A_199 : vector<16xi32>
        %shift_right_logical3A_201 = arith.constant 10 : i32
        %shift_right_logical3A_202 = vector.broadcast %shift_right_logical3A_201 : i32 to vector<16xi32>
        %shift_right_logical3A_203 = arith.shrui %gather3A_191, %shift_right_logical3A_202 : vector<16xi32>
        %add3A_204 = arith.addi %mul3A_200, %shift_right_logical3A_203 : vector<16xi32>
        tpu.vector_store_idx %arg7[%add3A_204], %get3A_177 : memref<16384xi32, #tpu.memory_space<vmem>>[vector<16xi32>], vector<16xi32>,
        %mul3A_205 = arith.constant 16 : i32
        %mul3A_206 = arith.muli %add3A_173, %mul3A_205 : i32
        %get3A_207 = arith.index_cast %mul3A_206 : i32 to index
        %get3A_208 = tpu.vector_load %arg6[%get3A_207] {strides = array<i32>} : memref<16384xi32, #tpu.memory_space<vmem>>, vector<16xi32>,
        tpu.vector_store_idx %arg8[%add3A_204], %get3A_208 : memref<16384xi32, #tpu.memory_space<vmem>>[vector<16xi32>], vector<16xi32>,
        %mul3A_209 = arith.constant 16 : i32
        %mul3A_210 = arith.muli %add3A_173, %mul3A_209 : i32
        %get3A_211 = arith.index_cast %mul3A_210 : i32 to index
        %get3A_212 = tpu.vector_load %arg9[%get3A_211] {strides = array<i32>} : memref<16384xi32, #tpu.memory_space<vmem>>, vector<16xi32>,
        %shift_right_logical3A_213 = arith.constant 16 : i32
        %shift_right_logical3A_214 = vector.broadcast %shift_right_logical3A_213 : i32 to vector<16xi32>
        %shift_right_logical3A_215 = arith.shrui %get3A_212, %shift_right_logical3A_214 : vector<16xi32>
        %and3A_216 = arith.constant 255 : i32
        %and3A_217 = vector.broadcast %and3A_216 : i32 to vector<16xi32>
        %and3A_218 = arith.andi %shift_right_logical3A_215, %and3A_217 : vector<16xi32>
        %mul3A_219 = arith.constant 16 : i32
        %mul3A_220 = vector.broadcast %mul3A_219 : i32 to vector<16xi32>
        %mul3A_221 = arith.muli %and3A_218, %mul3A_220 : vector<16xi32>
        %add3A_222 = arith.constant 4096 : i32
        %add3A_223 = vector.broadcast %add3A_222 : i32 to vector<16xi32>
        %add3A_224 = arith.addi %add3A_223, %mul3A_221 : vector<16xi32>
        %add3A_225 = arith.addi %add3A_224, %iota3A : vector<16xi32>
        %gather3A_226 = tpu.vector_load_idx %arg12[%add3A_225] : memref<8192xi32, #tpu.memory_space<vmem>>[vector<16xi32>], vector<16xi32>,
        %add3A_227 = arith.constant 1 : i32
        %add3A_228 = vector.broadcast %add3A_227 : i32 to vector<16xi32>
        %add3A_229 = arith.addi %gather3A_226, %add3A_228 : vector<16xi32>
        tpu.vector_store_idx %arg12[%add3A_225], %add3A_229 : memref<8192xi32, #tpu.memory_space<vmem>>[vector<16xi32>], vector<16xi32>,
        %and3A_230 = arith.constant 1023 : i32
        %and3A_231 = vector.broadcast %and3A_230 : i32 to vector<16xi32>
        %and3A_232 = arith.andi %gather3A_226, %and3A_231 : vector<16xi32>
        %mul3A_233 = arith.constant 16 : i32
        %mul3A_234 = vector.broadcast %mul3A_233 : i32 to vector<16xi32>
        %mul3A_235 = arith.muli %and3A_232, %mul3A_234 : vector<16xi32>
        %shift_right_logical3A_236 = arith.constant 10 : i32
        %shift_right_logical3A_237 = vector.broadcast %shift_right_logical3A_236 : i32 to vector<16xi32>
        %shift_right_logical3A_238 = arith.shrui %gather3A_226, %shift_right_logical3A_237 : vector<16xi32>
        %add3A_239 = arith.addi %mul3A_235, %shift_right_logical3A_238 : vector<16xi32>
        tpu.vector_store_idx %arg10[%add3A_239], %get3A_212 : memref<16384xi32, #tpu.memory_space<vmem>>[vector<16xi32>], vector<16xi32>,
        %mul3A_240 = arith.constant 2 : i32
        %mul3A_241 = arith.muli %scan3A_98, %mul3A_240 : i32
        %add3A_242 = arith.constant 1 : i32
        %add3A_243 = arith.addi %mul3A_241, %add3A_242 : i32
        %add3A_244 = arith.constant 0 : i32
        %add3A_245 = arith.addi %add3A_243, %add3A_244 : i32
        %mul3A_246 = arith.constant 16 : i32
        %mul3A_247 = arith.muli %add3A_245, %mul3A_246 : i32
        %get3A_248 = arith.index_cast %mul3A_247 : i32 to index
        %get3A_249 = tpu.vector_load %arg5[%get3A_248] {strides = array<i32>} : memref<16384xi32, #tpu.memory_space<vmem>>, vector<16xi32>,
        %shift_right_logical3A_250 = arith.constant 16 : i32
        %shift_right_logical3A_251 = vector.broadcast %shift_right_logical3A_250 : i32 to vector<16xi32>
        %shift_right_logical3A_252 = arith.shrui %get3A_249, %shift_right_logical3A_251 : vector<16xi32>
        %and3A_253 = arith.constant 255 : i32
        %and3A_254 = vector.broadcast %and3A_253 : i32 to vector<16xi32>
        %and3A_255 = arith.andi %shift_right_logical3A_252, %and3A_254 : vector<16xi32>
        %mul3A_256 = arith.constant 16 : i32
        %mul3A_257 = vector.broadcast %mul3A_256 : i32 to vector<16xi32>
        %mul3A_258 = arith.muli %and3A_255, %mul3A_257 : vector<16xi32>
        %add3A_259 = arith.constant 0 : i32
        %add3A_260 = vector.broadcast %add3A_259 : i32 to vector<16xi32>
        %add3A_261 = arith.addi %add3A_260, %mul3A_258 : vector<16xi32>
        %add3A_262 = arith.addi %add3A_261, %iota3A : vector<16xi32>
        %gather3A_263 = tpu.vector_load_idx %arg11[%add3A_262] : memref<8192xi32, #tpu.memory_space<vmem>>[vector<16xi32>], vector<16xi32>,
        %add3A_264 = arith.constant 1 : i32
        %add3A_265 = vector.broadcast %add3A_264 : i32 to vector<16xi32>
        %add3A_266 = arith.addi %gather3A_263, %add3A_265 : vector<16xi32>
        tpu.vector_store_idx %arg11[%add3A_262], %add3A_266 : memref<8192xi32, #tpu.memory_space<vmem>>[vector<16xi32>], vector<16xi32>,
        %and3A_267 = arith.constant 1023 : i32
        %and3A_268 = vector.broadcast %and3A_267 : i32 to vector<16xi32>
        %and3A_269 = arith.andi %gather3A_263, %and3A_268 : vector<16xi32>
        %mul3A_270 = arith.constant 16 : i32
        %mul3A_271 = vector.broadcast %mul3A_270 : i32 to vector<16xi32>
        %mul3A_272 = arith.muli %and3A_269, %mul3A_271 : vector<16xi32>
        %shift_right_logical3A_273 = arith.constant 10 : i32
        %shift_right_logical3A_274 = vector.broadcast %shift_right_logical3A_273 : i32 to vector<16xi32>
        %shift_right_logical3A_275 = arith.shrui %gather3A_263, %shift_right_logical3A_274 : vector<16xi32>
        %add3A_276 = arith.addi %mul3A_272, %shift_right_logical3A_275 : vector<16xi32>
        tpu.vector_store_idx %arg7[%add3A_276], %get3A_249 : memref<16384xi32, #tpu.memory_space<vmem>>[vector<16xi32>], vector<16xi32>,
        %mul3A_277 = arith.constant 16 : i32
        %mul3A_278 = arith.muli %add3A_245, %mul3A_277 : i32
        %get3A_279 = arith.index_cast %mul3A_278 : i32 to index
        %get3A_280 = tpu.vector_load %arg6[%get3A_279] {strides = array<i32>} : memref<16384xi32, #tpu.memory_space<vmem>>, vector<16xi32>,
        tpu.vector_store_idx %arg8[%add3A_276], %get3A_280 : memref<16384xi32, #tpu.memory_space<vmem>>[vector<16xi32>], vector<16xi32>,
        %mul3A_281 = arith.constant 16 : i32
        %mul3A_282 = arith.muli %add3A_245, %mul3A_281 : i32
        %get3A_283 = arith.index_cast %mul3A_282 : i32 to index
        %get3A_284 = tpu.vector_load %arg9[%get3A_283] {strides = array<i32>} : memref<16384xi32, #tpu.memory_space<vmem>>, vector<16xi32>,
        %shift_right_logical3A_285 = arith.constant 16 : i32
        %shift_right_logical3A_286 = vector.broadcast %shift_right_logical3A_285 : i32 to vector<16xi32>
        %shift_right_logical3A_287 = arith.shrui %get3A_284, %shift_right_logical3A_286 : vector<16xi32>
        %and3A_288 = arith.constant 255 : i32
        %and3A_289 = vector.broadcast %and3A_288 : i32 to vector<16xi32>
        %and3A_290 = arith.andi %shift_right_logical3A_287, %and3A_289 : vector<16xi32>
        %mul3A_291 = arith.constant 16 : i32
        %mul3A_292 = vector.broadcast %mul3A_291 : i32 to vector<16xi32>
        %mul3A_293 = arith.muli %and3A_290, %mul3A_292 : vector<16xi32>
        %add3A_294 = arith.constant 0 : i32
        %add3A_295 = vector.broadcast %add3A_294 : i32 to vector<16xi32>
        %add3A_296 = arith.addi %add3A_295, %mul3A_293 : vector<16xi32>
        %add3A_297 = arith.addi %add3A_296, %iota3A : vector<16xi32>
        %gather3A_298 = tpu.vector_load_idx %arg12[%add3A_297] : memref<8192xi32, #tpu.memory_space<vmem>>[vector<16xi32>], vector<16xi32>,
        %add3A_299 = arith.constant 1 : i32
        %add3A_300 = vector.broadcast %add3A_299 : i32 to vector<16xi32>
        %add3A_301 = arith.addi %gather3A_298, %add3A_300 : vector<16xi32>
        tpu.vector_store_idx %arg12[%add3A_297], %add3A_301 : memref<8192xi32, #tpu.memory_space<vmem>>[vector<16xi32>], vector<16xi32>,
        %and3A_302 = arith.constant 1023 : i32
        %and3A_303 = vector.broadcast %and3A_302 : i32 to vector<16xi32>
        %and3A_304 = arith.andi %gather3A_298, %and3A_303 : vector<16xi32>
        %mul3A_305 = arith.constant 16 : i32
        %mul3A_306 = vector.broadcast %mul3A_305 : i32 to vector<16xi32>
        %mul3A_307 = arith.muli %and3A_304, %mul3A_306 : vector<16xi32>
        %shift_right_logical3A_308 = arith.constant 10 : i32
        %shift_right_logical3A_309 = vector.broadcast %shift_right_logical3A_308 : i32 to vector<16xi32>
        %shift_right_logical3A_310 = arith.shrui %gather3A_298, %shift_right_logical3A_309 : vector<16xi32>
        %add3A_311 = arith.addi %mul3A_307, %shift_right_logical3A_310 : vector<16xi32>
        tpu.vector_store_idx %arg10[%add3A_311], %get3A_284 : memref<16384xi32, #tpu.memory_space<vmem>>[vector<16xi32>], vector<16xi32>,
        %mul3A_312 = arith.constant 2 : i32
        %mul3A_313 = arith.muli %scan3A_98, %mul3A_312 : i32
        %add3A_314 = arith.constant 1 : i32
        %add3A_315 = arith.addi %mul3A_313, %add3A_314 : i32
        %add3A_316 = arith.constant 512 : i32
        %add3A_317 = arith.addi %add3A_315, %add3A_316 : i32
        %mul3A_318 = arith.constant 16 : i32
        %mul3A_319 = arith.muli %add3A_317, %mul3A_318 : i32
        %get3A_320 = arith.index_cast %mul3A_319 : i32 to index
        %get3A_321 = tpu.vector_load %arg5[%get3A_320] {strides = array<i32>} : memref<16384xi32, #tpu.memory_space<vmem>>, vector<16xi32>,
        %shift_right_logical3A_322 = arith.constant 16 : i32
        %shift_right_logical3A_323 = vector.broadcast %shift_right_logical3A_322 : i32 to vector<16xi32>
        %shift_right_logical3A_324 = arith.shrui %get3A_321, %shift_right_logical3A_323 : vector<16xi32>
        %and3A_325 = arith.constant 255 : i32
        %and3A_326 = vector.broadcast %and3A_325 : i32 to vector<16xi32>
        %and3A_327 = arith.andi %shift_right_logical3A_324, %and3A_326 : vector<16xi32>
        %mul3A_328 = arith.constant 16 : i32
        %mul3A_329 = vector.broadcast %mul3A_328 : i32 to vector<16xi32>
        %mul3A_330 = arith.muli %and3A_327, %mul3A_329 : vector<16xi32>
        %add3A_331 = arith.constant 4096 : i32
        %add3A_332 = vector.broadcast %add3A_331 : i32 to vector<16xi32>
        %add3A_333 = arith.addi %add3A_332, %mul3A_330 : vector<16xi32>
        %add3A_334 = arith.addi %add3A_333, %iota3A : vector<16xi32>
        %gather3A_335 = tpu.vector_load_idx %arg11[%add3A_334] : memref<8192xi32, #tpu.memory_space<vmem>>[vector<16xi32>], vector<16xi32>,
        %add3A_336 = arith.constant 1 : i32
        %add3A_337 = vector.broadcast %add3A_336 : i32 to vector<16xi32>
        %add3A_338 = arith.addi %gather3A_335, %add3A_337 : vector<16xi32>
        tpu.vector_store_idx %arg11[%add3A_334], %add3A_338 : memref<8192xi32, #tpu.memory_space<vmem>>[vector<16xi32>], vector<16xi32>,
        %and3A_339 = arith.constant 1023 : i32
        %and3A_340 = vector.broadcast %and3A_339 : i32 to vector<16xi32>
        %and3A_341 = arith.andi %gather3A_335, %and3A_340 : vector<16xi32>
        %mul3A_342 = arith.constant 16 : i32
        %mul3A_343 = vector.broadcast %mul3A_342 : i32 to vector<16xi32>
        %mul3A_344 = arith.muli %and3A_341, %mul3A_343 : vector<16xi32>
        %shift_right_logical3A_345 = arith.constant 10 : i32
        %shift_right_logical3A_346 = vector.broadcast %shift_right_logical3A_345 : i32 to vector<16xi32>
        %shift_right_logical3A_347 = arith.shrui %gather3A_335, %shift_right_logical3A_346 : vector<16xi32>
        %add3A_348 = arith.addi %mul3A_344, %shift_right_logical3A_347 : vector<16xi32>
        tpu.vector_store_idx %arg7[%add3A_348], %get3A_321 : memref<16384xi32, #tpu.memory_space<vmem>>[vector<16xi32>], vector<16xi32>,
        %mul3A_349 = arith.constant 16 : i32
        %mul3A_350 = arith.muli %add3A_317, %mul3A_349 : i32
        %get3A_351 = arith.index_cast %mul3A_350 : i32 to index
        %get3A_352 = tpu.vector_load %arg6[%get3A_351] {strides = array<i32>} : memref<16384xi32, #tpu.memory_space<vmem>>, vector<16xi32>,
        tpu.vector_store_idx %arg8[%add3A_348], %get3A_352 : memref<16384xi32, #tpu.memory_space<vmem>>[vector<16xi32>], vector<16xi32>,
        %mul3A_353 = arith.constant 16 : i32
        %mul3A_354 = arith.muli %add3A_317, %mul3A_353 : i32
        %get3A_355 = arith.index_cast %mul3A_354 : i32 to index
        %get3A_356 = tpu.vector_load %arg9[%get3A_355] {strides = array<i32>} : memref<16384xi32, #tpu.memory_space<vmem>>, vector<16xi32>,
        %shift_right_logical3A_357 = arith.constant 16 : i32
        %shift_right_logical3A_358 = vector.broadcast %shift_right_logical3A_357 : i32 to vector<16xi32>
        %shift_right_logical3A_359 = arith.shrui %get3A_356, %shift_right_logical3A_358 : vector<16xi32>
        %and3A_360 = arith.constant 255 : i32
        %and3A_361 = vector.broadcast %and3A_360 : i32 to vector<16xi32>
        %and3A_362 = arith.andi %shift_right_logical3A_359, %and3A_361 : vector<16xi32>
        %mul3A_363 = arith.constant 16 : i32
        %mul3A_364 = vector.broadcast %mul3A_363 : i32 to vector<16xi32>
        %mul3A_365 = arith.muli %and3A_362, %mul3A_364 : vector<16xi32>
        %add3A_366 = arith.constant 4096 : i32
        %add3A_367 = vector.broadcast %add3A_366 : i32 to vector<16xi32>
        %add3A_368 = arith.addi %add3A_367, %mul3A_365 : vector<16xi32>
        %add3A_369 = arith.addi %add3A_368, %iota3A : vector<16xi32>
        %gather3A_370 = tpu.vector_load_idx %arg12[%add3A_369] : memref<8192xi32, #tpu.memory_space<vmem>>[vector<16xi32>], vector<16xi32>,
        %add3A_371 = arith.constant 1 : i32
        %add3A_372 = vector.broadcast %add3A_371 : i32 to vector<16xi32>
        %add3A_373 = arith.addi %gather3A_370, %add3A_372 : vector<16xi32>
        tpu.vector_store_idx %arg12[%add3A_369], %add3A_373 : memref<8192xi32, #tpu.memory_space<vmem>>[vector<16xi32>], vector<16xi32>,
        %and3A_374 = arith.constant 1023 : i32
        %and3A_375 = vector.broadcast %and3A_374 : i32 to vector<16xi32>
        %and3A_376 = arith.andi %gather3A_370, %and3A_375 : vector<16xi32>
        %mul3A_377 = arith.constant 16 : i32
        %mul3A_378 = vector.broadcast %mul3A_377 : i32 to vector<16xi32>
        %mul3A_379 = arith.muli %and3A_376, %mul3A_378 : vector<16xi32>
        %shift_right_logical3A_380 = arith.constant 10 : i32
        %shift_right_logical3A_381 = vector.broadcast %shift_right_logical3A_380 : i32 to vector<16xi32>
        %shift_right_logical3A_382 = arith.shrui %gather3A_370, %shift_right_logical3A_381 : vector<16xi32>
        %add3A_383 = arith.addi %mul3A_379, %shift_right_logical3A_382 : vector<16xi32>
        tpu.vector_store_idx %arg10[%add3A_383], %get3A_356 : memref<16384xi32, #tpu.memory_space<vmem>>[vector<16xi32>], vector<16xi32>,
        %scan3A_384 = arith.constant 0 : i32
        scf.yield %scan3A_384 : i32
      }
      %scan3A_70 = arith.constant 256 : i32
      %parallel_loop3A_71 = arith.constant 0 : i32
      %parallel_loop3A_72 = arith.constant 512 : i32
      %parallel_loop3A_73 = arith.constant 1 : i32
      scf.for %parallel_loop3A_98 = %parallel_loop3A_71 to %parallel_loop3A_72 step %parallel_loop3A_73  : i32 {
        %parallel_loop3A_99 = arith.constant 16 : i32
        %parallel_loop3A_100 = arith.muli %parallel_loop3A_98, %parallel_loop3A_99 : i32
        %parallel_loop3A_101 = arith.index_cast %parallel_loop3A_100 : i32 to index
        %parallel_loop3A_102 = tpu.vector_load %arg11[%parallel_loop3A_101] {strides = array<i32>} : memref<8192xi32, #tpu.memory_space<vmem>>, vector<16xi32>,
        tpu.vector_store %arg11[%parallel_loop3A_101], %broadcast_in_dim3A_3 {strides = array<i32>} : memref<8192xi32, #tpu.memory_space<vmem>>, vector<16xi32>,
        %parallel_loop3A_103 = arith.index_cast %parallel_loop3A_100 : i32 to index
        %parallel_loop3A_104 = tpu.vector_load %arg12[%parallel_loop3A_103] {strides = array<i32>} : memref<8192xi32, #tpu.memory_space<vmem>>, vector<16xi32>,
        tpu.vector_store %arg12[%parallel_loop3A_103], %broadcast_in_dim3A_3 {strides = array<i32>} : memref<8192xi32, #tpu.memory_space<vmem>>, vector<16xi32>,
      } {sc.loop_unroll_factor = 4 : i64, sc.parallel_access}
      %parallel_loop3A_74 = arith.constant 0 : i32
      %parallel_loop3A_75 = arith.constant 512 : i32
      %parallel_loop3A_76 = arith.constant 1 : i32
      scf.for %parallel_loop3A_98 = %parallel_loop3A_74 to %parallel_loop3A_75 step %parallel_loop3A_76  : i32 {
        %parallel_loop3A_99 = arith.constant 0 : i32
        %parallel_loop3A_100 = arith.addi %parallel_loop3A_98, %parallel_loop3A_99 : i32
        %parallel_loop3A_101 = arith.constant 16 : i32
        %parallel_loop3A_102 = arith.muli %parallel_loop3A_100, %parallel_loop3A_101 : i32
        %parallel_loop3A_103 = arith.index_cast %parallel_loop3A_102 : i32 to index
        %parallel_loop3A_104 = tpu.vector_load %arg7[%parallel_loop3A_103] {strides = array<i32>} : memref<16384xi32, #tpu.memory_space<vmem>>, vector<16xi32>,
        %parallel_loop3A_105 = arith.constant 24 : i32
        %parallel_loop3A_106 = vector.broadcast %parallel_loop3A_105 : i32 to vector<16xi32>
        %parallel_loop3A_107 = arith.shrui %parallel_loop3A_104, %parallel_loop3A_106 : vector<16xi32>
        %parallel_loop3A_108 = arith.constant 255 : i32
        %parallel_loop3A_109 = vector.broadcast %parallel_loop3A_108 : i32 to vector<16xi32>
        %parallel_loop3A_110 = arith.andi %parallel_loop3A_107, %parallel_loop3A_109 : vector<16xi32>
        %parallel_loop3A_111 = arith.constant 16 : i32
        %parallel_loop3A_112 = vector.broadcast %parallel_loop3A_111 : i32 to vector<16xi32>
        %parallel_loop3A_113 = arith.muli %parallel_loop3A_110, %parallel_loop3A_112 : vector<16xi32>
        %parallel_loop3A_114 = arith.constant 0 : i32
        %parallel_loop3A_115 = vector.broadcast %parallel_loop3A_114 : i32 to vector<16xi32>
        %parallel_loop3A_116 = arith.addi %parallel_loop3A_115, %parallel_loop3A_113 : vector<16xi32>
        %parallel_loop3A_117 = arith.addi %parallel_loop3A_116, %iota3A : vector<16xi32>
        tpu.vector_store_idx %arg11[%parallel_loop3A_117], %broadcast_in_dim3A_1 {add = true} : memref<8192xi32, #tpu.memory_space<vmem>>[vector<16xi32>], vector<16xi32>,
        %parallel_loop3A_118 = arith.constant 16 : i32
        %parallel_loop3A_119 = arith.muli %parallel_loop3A_100, %parallel_loop3A_118 : i32
        %parallel_loop3A_120 = arith.index_cast %parallel_loop3A_119 : i32 to index
        %parallel_loop3A_121 = tpu.vector_load %arg10[%parallel_loop3A_120] {strides = array<i32>} : memref<16384xi32, #tpu.memory_space<vmem>>, vector<16xi32>,
        %parallel_loop3A_122 = arith.constant 24 : i32
        %parallel_loop3A_123 = vector.broadcast %parallel_loop3A_122 : i32 to vector<16xi32>
        %parallel_loop3A_124 = arith.shrui %parallel_loop3A_121, %parallel_loop3A_123 : vector<16xi32>
        %parallel_loop3A_125 = arith.constant 255 : i32
        %parallel_loop3A_126 = vector.broadcast %parallel_loop3A_125 : i32 to vector<16xi32>
        %parallel_loop3A_127 = arith.andi %parallel_loop3A_124, %parallel_loop3A_126 : vector<16xi32>
        %parallel_loop3A_128 = arith.constant 16 : i32
        %parallel_loop3A_129 = vector.broadcast %parallel_loop3A_128 : i32 to vector<16xi32>
        %parallel_loop3A_130 = arith.muli %parallel_loop3A_127, %parallel_loop3A_129 : vector<16xi32>
        %parallel_loop3A_131 = arith.constant 0 : i32
        %parallel_loop3A_132 = vector.broadcast %parallel_loop3A_131 : i32 to vector<16xi32>
        %parallel_loop3A_133 = arith.addi %parallel_loop3A_132, %parallel_loop3A_130 : vector<16xi32>
        %parallel_loop3A_134 = arith.addi %parallel_loop3A_133, %iota3A : vector<16xi32>
        tpu.vector_store_idx %arg12[%parallel_loop3A_134], %broadcast_in_dim3A_1 {add = true} : memref<8192xi32, #tpu.memory_space<vmem>>[vector<16xi32>], vector<16xi32>,
        %parallel_loop3A_135 = arith.constant 512 : i32
        %parallel_loop3A_136 = arith.addi %parallel_loop3A_98, %parallel_loop3A_135 : i32
        %parallel_loop3A_137 = arith.constant 16 : i32
        %parallel_loop3A_138 = arith.muli %parallel_loop3A_136, %parallel_loop3A_137 : i32
        %parallel_loop3A_139 = arith.index_cast %parallel_loop3A_138 : i32 to index
        %parallel_loop3A_140 = tpu.vector_load %arg7[%parallel_loop3A_139] {strides = array<i32>} : memref<16384xi32, #tpu.memory_space<vmem>>, vector<16xi32>,
        %parallel_loop3A_141 = arith.constant 24 : i32
        %parallel_loop3A_142 = vector.broadcast %parallel_loop3A_141 : i32 to vector<16xi32>
        %parallel_loop3A_143 = arith.shrui %parallel_loop3A_140, %parallel_loop3A_142 : vector<16xi32>
        %parallel_loop3A_144 = arith.constant 255 : i32
        %parallel_loop3A_145 = vector.broadcast %parallel_loop3A_144 : i32 to vector<16xi32>
        %parallel_loop3A_146 = arith.andi %parallel_loop3A_143, %parallel_loop3A_145 : vector<16xi32>
        %parallel_loop3A_147 = arith.constant 16 : i32
        %parallel_loop3A_148 = vector.broadcast %parallel_loop3A_147 : i32 to vector<16xi32>
        %parallel_loop3A_149 = arith.muli %parallel_loop3A_146, %parallel_loop3A_148 : vector<16xi32>
        %parallel_loop3A_150 = arith.constant 4096 : i32
        %parallel_loop3A_151 = vector.broadcast %parallel_loop3A_150 : i32 to vector<16xi32>
        %parallel_loop3A_152 = arith.addi %parallel_loop3A_151, %parallel_loop3A_149 : vector<16xi32>
        %parallel_loop3A_153 = arith.addi %parallel_loop3A_152, %iota3A : vector<16xi32>
        tpu.vector_store_idx %arg11[%parallel_loop3A_153], %broadcast_in_dim3A_1 {add = true} : memref<8192xi32, #tpu.memory_space<vmem>>[vector<16xi32>], vector<16xi32>,
        %parallel_loop3A_154 = arith.constant 16 : i32
        %parallel_loop3A_155 = arith.muli %parallel_loop3A_136, %parallel_loop3A_154 : i32
        %parallel_loop3A_156 = arith.index_cast %parallel_loop3A_155 : i32 to index
        %parallel_loop3A_157 = tpu.vector_load %arg10[%parallel_loop3A_156] {strides = array<i32>} : memref<16384xi32, #tpu.memory_space<vmem>>, vector<16xi32>,
        %parallel_loop3A_158 = arith.constant 24 : i32
        %parallel_loop3A_159 = vector.broadcast %parallel_loop3A_158 : i32 to vector<16xi32>
        %parallel_loop3A_160 = arith.shrui %parallel_loop3A_157, %parallel_loop3A_159 : vector<16xi32>
        %parallel_loop3A_161 = arith.constant 255 : i32
        %parallel_loop3A_162 = vector.broadcast %parallel_loop3A_161 : i32 to vector<16xi32>
        %parallel_loop3A_163 = arith.andi %parallel_loop3A_160, %parallel_loop3A_162 : vector<16xi32>
        %parallel_loop3A_164 = arith.constant 16 : i32
        %parallel_loop3A_165 = vector.broadcast %parallel_loop3A_164 : i32 to vector<16xi32>
        %parallel_loop3A_166 = arith.muli %parallel_loop3A_163, %parallel_loop3A_165 : vector<16xi32>
        %parallel_loop3A_167 = arith.constant 4096 : i32
        %parallel_loop3A_168 = vector.broadcast %parallel_loop3A_167 : i32 to vector<16xi32>
        %parallel_loop3A_169 = arith.addi %parallel_loop3A_168, %parallel_loop3A_166 : vector<16xi32>
        %parallel_loop3A_170 = arith.addi %parallel_loop3A_169, %iota3A : vector<16xi32>
        tpu.vector_store_idx %arg12[%parallel_loop3A_170], %broadcast_in_dim3A_1 {add = true} : memref<8192xi32, #tpu.memory_space<vmem>>[vector<16xi32>], vector<16xi32>,
      } {sc.loop_unroll_factor = 4 : i64, sc.parallel_access}
      %parallel_loop3A_77 = arith.constant 0 : i32
      %parallel_loop3A_78 = arith.constant 256 : i32
      %parallel_loop3A_79 = arith.constant 1 : i32
      %parallel_loop3A_80 = arith.constant 0 : i32
      %parallel_loop3A_81 = arith.constant 0 : i32
      %parallel_loop3A_82:2 = scf.for %parallel_loop3A_98 = %parallel_loop3A_77 to %parallel_loop3A_78 step %parallel_loop3A_79 iter_args(%parallel_loop3A_99 = %parallel_loop3A_80, %parallel_loop3A_100 = %parallel_loop3A_81) -> (i32, i32)  : i32 {
        %parallel_loop3A_101 = arith.constant 16 : i32
        %parallel_loop3A_102 = arith.muli %parallel_loop3A_98, %parallel_loop3A_101 : i32
        %parallel_loop3A_103 = arith.constant 0 : i32
        %parallel_loop3A_104 = arith.addi %parallel_loop3A_103, %parallel_loop3A_102 : i32
        %parallel_loop3A_105 = arith.constant 16 : i32
        %parallel_loop3A_106 = arith.muli %parallel_loop3A_98, %parallel_loop3A_105 : i32
        %parallel_loop3A_107 = arith.constant 4096 : i32
        %parallel_loop3A_108 = arith.addi %parallel_loop3A_107, %parallel_loop3A_106 : i32
        %parallel_loop3A_109 = arith.index_cast %parallel_loop3A_104 : i32 to index
        %parallel_loop3A_110 = tpu.vector_load %arg11[%parallel_loop3A_109] {strides = array<i32>} : memref<8192xi32, #tpu.memory_space<vmem>>, vector<16xi32>,
        %parallel_loop3A_111 = arith.index_cast %parallel_loop3A_108 : i32 to index
        %parallel_loop3A_112 = tpu.vector_load %arg11[%parallel_loop3A_111] {strides = array<i32>} : memref<8192xi32, #tpu.memory_space<vmem>>, vector<16xi32>,
        %parallel_loop3A_113 = arith.constant 0 : i32
        %parallel_loop3A_114 = vector.broadcast %parallel_loop3A_113 : i32 to vector<16xi32>
        %parallel_loop3A_115 = arith.addi %parallel_loop3A_114, %parallel_loop3A_110 : vector<16xi32>
        %parallel_loop3A_116 = arith.addi %parallel_loop3A_115, %parallel_loop3A_112 : vector<16xi32>
        %parallel_loop3A_117 = arith.constant true
        %parallel_loop3A_118 = vector.broadcast %parallel_loop3A_117 : i1 to vector<16xi1>
        %parallel_loop3A_119 = tpu.scan <sum>, %parallel_loop3A_116 masked %parallel_loop3A_118 : vector<16xi32>, vector<16xi1> -> vector<16xi32>
        %parallel_loop3A_120 = arith.subi %parallel_loop3A_119, %parallel_loop3A_116 : vector<16xi32>
        %parallel_loop3A_121 = vector.broadcast %parallel_loop3A_99 : i32 to vector<16xi32>
        %parallel_loop3A_122 = arith.addi %parallel_loop3A_120, %parallel_loop3A_121 : vector<16xi32>
        %parallel_loop3A_123 = arith.index_cast %parallel_loop3A_104 : i32 to index
        %parallel_loop3A_124 = tpu.vector_load %arg11[%parallel_loop3A_123] {strides = array<i32>} : memref<8192xi32, #tpu.memory_space<vmem>>, vector<16xi32>,
        tpu.vector_store %arg11[%parallel_loop3A_123], %parallel_loop3A_122 {strides = array<i32>} : memref<8192xi32, #tpu.memory_space<vmem>>, vector<16xi32>,
        %parallel_loop3A_125 = arith.addi %parallel_loop3A_122, %parallel_loop3A_110 : vector<16xi32>
        %parallel_loop3A_126 = arith.index_cast %parallel_loop3A_108 : i32 to index
        %parallel_loop3A_127 = tpu.vector_load %arg11[%parallel_loop3A_126] {strides = array<i32>} : memref<8192xi32, #tpu.memory_space<vmem>>, vector<16xi32>,
        tpu.vector_store %arg11[%parallel_loop3A_126], %parallel_loop3A_125 {strides = array<i32>} : memref<8192xi32, #tpu.memory_space<vmem>>, vector<16xi32>,
        %parallel_loop3A_128 = arith.addi %parallel_loop3A_125, %parallel_loop3A_112 : vector<16xi32>
        %parallel_loop3A_129 = arith.constant true
        %parallel_loop3A_130 = vector.broadcast %parallel_loop3A_129 : i1 to vector<16xi1>
        %parallel_loop3A_131 = tpu.scan <sum>, %parallel_loop3A_116 masked %parallel_loop3A_130 : vector<16xi32>, vector<16xi1> -> vector<16xi32>
        %parallel_loop3A_132 = vector.extract %parallel_loop3A_131[15] : i32 from vector<16xi32>
        %parallel_loop3A_133 = arith.addi %parallel_loop3A_99, %parallel_loop3A_132 : i32
        %parallel_loop3A_134 = arith.index_cast %parallel_loop3A_104 : i32 to index
        %parallel_loop3A_135 = tpu.vector_load %arg12[%parallel_loop3A_134] {strides = array<i32>} : memref<8192xi32, #tpu.memory_space<vmem>>, vector<16xi32>,
        %parallel_loop3A_136 = arith.index_cast %parallel_loop3A_108 : i32 to index
        %parallel_loop3A_137 = tpu.vector_load %arg12[%parallel_loop3A_136] {strides = array<i32>} : memref<8192xi32, #tpu.memory_space<vmem>>, vector<16xi32>,
        %parallel_loop3A_138 = arith.constant 0 : i32
        %parallel_loop3A_139 = vector.broadcast %parallel_loop3A_138 : i32 to vector<16xi32>
        %parallel_loop3A_140 = arith.addi %parallel_loop3A_139, %parallel_loop3A_135 : vector<16xi32>
        %parallel_loop3A_141 = arith.addi %parallel_loop3A_140, %parallel_loop3A_137 : vector<16xi32>
        %parallel_loop3A_142 = arith.constant true
        %parallel_loop3A_143 = vector.broadcast %parallel_loop3A_142 : i1 to vector<16xi1>
        %parallel_loop3A_144 = tpu.scan <sum>, %parallel_loop3A_141 masked %parallel_loop3A_143 : vector<16xi32>, vector<16xi1> -> vector<16xi32>
        %parallel_loop3A_145 = arith.subi %parallel_loop3A_144, %parallel_loop3A_141 : vector<16xi32>
        %parallel_loop3A_146 = vector.broadcast %parallel_loop3A_100 : i32 to vector<16xi32>
        %parallel_loop3A_147 = arith.addi %parallel_loop3A_145, %parallel_loop3A_146 : vector<16xi32>
        %parallel_loop3A_148 = arith.index_cast %parallel_loop3A_104 : i32 to index
        %parallel_loop3A_149 = tpu.vector_load %arg12[%parallel_loop3A_148] {strides = array<i32>} : memref<8192xi32, #tpu.memory_space<vmem>>, vector<16xi32>,
        tpu.vector_store %arg12[%parallel_loop3A_148], %parallel_loop3A_147 {strides = array<i32>} : memref<8192xi32, #tpu.memory_space<vmem>>, vector<16xi32>,
        %parallel_loop3A_150 = arith.addi %parallel_loop3A_147, %parallel_loop3A_135 : vector<16xi32>
        %parallel_loop3A_151 = arith.index_cast %parallel_loop3A_108 : i32 to index
        %parallel_loop3A_152 = tpu.vector_load %arg12[%parallel_loop3A_151] {strides = array<i32>} : memref<8192xi32, #tpu.memory_space<vmem>>, vector<16xi32>,
        tpu.vector_store %arg12[%parallel_loop3A_151], %parallel_loop3A_150 {strides = array<i32>} : memref<8192xi32, #tpu.memory_space<vmem>>, vector<16xi32>,
        %parallel_loop3A_153 = arith.addi %parallel_loop3A_150, %parallel_loop3A_137 : vector<16xi32>
        %parallel_loop3A_154 = arith.constant true
        %parallel_loop3A_155 = vector.broadcast %parallel_loop3A_154 : i1 to vector<16xi1>
        %parallel_loop3A_156 = tpu.scan <sum>, %parallel_loop3A_141 masked %parallel_loop3A_155 : vector<16xi32>, vector<16xi1> -> vector<16xi32>
        %parallel_loop3A_157 = vector.extract %parallel_loop3A_156[15] : i32 from vector<16xi32>
        %parallel_loop3A_158 = arith.addi %parallel_loop3A_100, %parallel_loop3A_157 : i32
        scf.yield %parallel_loop3A_133, %parallel_loop3A_158 : i32, i32
      } {sc.loop_unroll_factor = 1 : i64, sc.parallel_access}
      %scan3A_83 = arith.constant 0 : i32
      %scan3A_84 = arith.constant 0 : i32
      %scan3A_85 = arith.constant 256 : i32
      %scan3A_86 = arith.addi %scan3A_84, %scan3A_85 : i32
      %scan3A_87 = arith.constant 1 : i32
      %scan3A_88 = scf.for %scan3A_98 = %scan3A_84 to %scan3A_86 step %scan3A_87 iter_args(%scan3A_99 = %scan3A_83) -> (i32)  : i32 {
        %mul3A_100 = arith.constant 2 : i32
        %mul3A_101 = arith.muli %scan3A_98, %mul3A_100 : i32
        %add3A_102 = arith.constant 0 : i32
        %add3A_103 = arith.addi %mul3A_101, %add3A_102 : i32
        %add3A_104 = arith.constant 0 : i32
        %add3A_105 = arith.addi %add3A_103, %add3A_104 : i32
        %mul3A_106 = arith.constant 16 : i32
        %mul3A_107 = arith.muli %add3A_105, %mul3A_106 : i32
        %get3A = arith.index_cast %mul3A_107 : i32 to index
        %get3A_108 = tpu.vector_load %arg7[%get3A] {strides = array<i32>} : memref<16384xi32, #tpu.memory_space<vmem>>, vector<16xi32>,
        %shift_right_logical3A = arith.constant 24 : i32
        %shift_right_logical3A_109 = vector.broadcast %shift_right_logical3A : i32 to vector<16xi32>
        %shift_right_logical3A_110 = arith.shrui %get3A_108, %shift_right_logical3A_109 : vector<16xi32>
        %and3A = arith.constant 255 : i32
        %and3A_111 = vector.broadcast %and3A : i32 to vector<16xi32>
        %and3A_112 = arith.andi %shift_right_logical3A_110, %and3A_111 : vector<16xi32>
        %mul3A_113 = arith.constant 16 : i32
        %mul3A_114 = vector.broadcast %mul3A_113 : i32 to vector<16xi32>
        %mul3A_115 = arith.muli %and3A_112, %mul3A_114 : vector<16xi32>
        %add3A_116 = arith.constant 0 : i32
        %add3A_117 = vector.broadcast %add3A_116 : i32 to vector<16xi32>
        %add3A_118 = arith.addi %add3A_117, %mul3A_115 : vector<16xi32>
        %add3A_119 = arith.addi %add3A_118, %iota3A : vector<16xi32>
        %gather3A = tpu.vector_load_idx %arg11[%add3A_119] : memref<8192xi32, #tpu.memory_space<vmem>>[vector<16xi32>], vector<16xi32>,
        %add3A_120 = arith.constant 1 : i32
        %add3A_121 = vector.broadcast %add3A_120 : i32 to vector<16xi32>
        %add3A_122 = arith.addi %gather3A, %add3A_121 : vector<16xi32>
        tpu.vector_store_idx %arg11[%add3A_119], %add3A_122 : memref<8192xi32, #tpu.memory_space<vmem>>[vector<16xi32>], vector<16xi32>,
        %and3A_123 = arith.constant 1023 : i32
        %and3A_124 = vector.broadcast %and3A_123 : i32 to vector<16xi32>
        %and3A_125 = arith.andi %gather3A, %and3A_124 : vector<16xi32>
        %mul3A_126 = arith.constant 16 : i32
        %mul3A_127 = vector.broadcast %mul3A_126 : i32 to vector<16xi32>
        %mul3A_128 = arith.muli %and3A_125, %mul3A_127 : vector<16xi32>
        %shift_right_logical3A_129 = arith.constant 10 : i32
        %shift_right_logical3A_130 = vector.broadcast %shift_right_logical3A_129 : i32 to vector<16xi32>
        %shift_right_logical3A_131 = arith.shrui %gather3A, %shift_right_logical3A_130 : vector<16xi32>
        %add3A_132 = arith.addi %mul3A_128, %shift_right_logical3A_131 : vector<16xi32>
        %mul3A_133 = arith.constant 16 : i32
        %mul3A_134 = arith.muli %add3A_105, %mul3A_133 : i32
        %get3A_135 = arith.index_cast %mul3A_134 : i32 to index
        %get3A_136 = tpu.vector_load %arg8[%get3A_135] {strides = array<i32>} : memref<16384xi32, #tpu.memory_space<vmem>>, vector<16xi32>,
        tpu.vector_store_idx %arg6[%add3A_132], %get3A_136 : memref<16384xi32, #tpu.memory_space<vmem>>[vector<16xi32>], vector<16xi32>,
        %mul3A_137 = arith.constant 2 : i32
        %mul3A_138 = arith.muli %scan3A_98, %mul3A_137 : i32
        %add3A_139 = arith.constant 0 : i32
        %add3A_140 = arith.addi %mul3A_138, %add3A_139 : i32
        %add3A_141 = arith.constant 512 : i32
        %add3A_142 = arith.addi %add3A_140, %add3A_141 : i32
        %mul3A_143 = arith.constant 16 : i32
        %mul3A_144 = arith.muli %add3A_142, %mul3A_143 : i32
        %get3A_145 = arith.index_cast %mul3A_144 : i32 to index
        %get3A_146 = tpu.vector_load %arg7[%get3A_145] {strides = array<i32>} : memref<16384xi32, #tpu.memory_space<vmem>>, vector<16xi32>,
        %shift_right_logical3A_147 = arith.constant 24 : i32
        %shift_right_logical3A_148 = vector.broadcast %shift_right_logical3A_147 : i32 to vector<16xi32>
        %shift_right_logical3A_149 = arith.shrui %get3A_146, %shift_right_logical3A_148 : vector<16xi32>
        %and3A_150 = arith.constant 255 : i32
        %and3A_151 = vector.broadcast %and3A_150 : i32 to vector<16xi32>
        %and3A_152 = arith.andi %shift_right_logical3A_149, %and3A_151 : vector<16xi32>
        %mul3A_153 = arith.constant 16 : i32
        %mul3A_154 = vector.broadcast %mul3A_153 : i32 to vector<16xi32>
        %mul3A_155 = arith.muli %and3A_152, %mul3A_154 : vector<16xi32>
        %add3A_156 = arith.constant 4096 : i32
        %add3A_157 = vector.broadcast %add3A_156 : i32 to vector<16xi32>
        %add3A_158 = arith.addi %add3A_157, %mul3A_155 : vector<16xi32>
        %add3A_159 = arith.addi %add3A_158, %iota3A : vector<16xi32>
        %gather3A_160 = tpu.vector_load_idx %arg11[%add3A_159] : memref<8192xi32, #tpu.memory_space<vmem>>[vector<16xi32>], vector<16xi32>,
        %add3A_161 = arith.constant 1 : i32
        %add3A_162 = vector.broadcast %add3A_161 : i32 to vector<16xi32>
        %add3A_163 = arith.addi %gather3A_160, %add3A_162 : vector<16xi32>
        tpu.vector_store_idx %arg11[%add3A_159], %add3A_163 : memref<8192xi32, #tpu.memory_space<vmem>>[vector<16xi32>], vector<16xi32>,
        %and3A_164 = arith.constant 1023 : i32
        %and3A_165 = vector.broadcast %and3A_164 : i32 to vector<16xi32>
        %and3A_166 = arith.andi %gather3A_160, %and3A_165 : vector<16xi32>
        %mul3A_167 = arith.constant 16 : i32
        %mul3A_168 = vector.broadcast %mul3A_167 : i32 to vector<16xi32>
        %mul3A_169 = arith.muli %and3A_166, %mul3A_168 : vector<16xi32>
        %shift_right_logical3A_170 = arith.constant 10 : i32
        %shift_right_logical3A_171 = vector.broadcast %shift_right_logical3A_170 : i32 to vector<16xi32>
        %shift_right_logical3A_172 = arith.shrui %gather3A_160, %shift_right_logical3A_171 : vector<16xi32>
        %add3A_173 = arith.addi %mul3A_169, %shift_right_logical3A_172 : vector<16xi32>
        %mul3A_174 = arith.constant 16 : i32
        %mul3A_175 = arith.muli %add3A_142, %mul3A_174 : i32
        %get3A_176 = arith.index_cast %mul3A_175 : i32 to index
        %get3A_177 = tpu.vector_load %arg8[%get3A_176] {strides = array<i32>} : memref<16384xi32, #tpu.memory_space<vmem>>, vector<16xi32>,
        tpu.vector_store_idx %arg6[%add3A_173], %get3A_177 : memref<16384xi32, #tpu.memory_space<vmem>>[vector<16xi32>], vector<16xi32>,
        %mul3A_178 = arith.constant 2 : i32
        %mul3A_179 = arith.muli %scan3A_98, %mul3A_178 : i32
        %add3A_180 = arith.constant 1 : i32
        %add3A_181 = arith.addi %mul3A_179, %add3A_180 : i32
        %add3A_182 = arith.constant 0 : i32
        %add3A_183 = arith.addi %add3A_181, %add3A_182 : i32
        %mul3A_184 = arith.constant 16 : i32
        %mul3A_185 = arith.muli %add3A_183, %mul3A_184 : i32
        %get3A_186 = arith.index_cast %mul3A_185 : i32 to index
        %get3A_187 = tpu.vector_load %arg7[%get3A_186] {strides = array<i32>} : memref<16384xi32, #tpu.memory_space<vmem>>, vector<16xi32>,
        %shift_right_logical3A_188 = arith.constant 24 : i32
        %shift_right_logical3A_189 = vector.broadcast %shift_right_logical3A_188 : i32 to vector<16xi32>
        %shift_right_logical3A_190 = arith.shrui %get3A_187, %shift_right_logical3A_189 : vector<16xi32>
        %and3A_191 = arith.constant 255 : i32
        %and3A_192 = vector.broadcast %and3A_191 : i32 to vector<16xi32>
        %and3A_193 = arith.andi %shift_right_logical3A_190, %and3A_192 : vector<16xi32>
        %mul3A_194 = arith.constant 16 : i32
        %mul3A_195 = vector.broadcast %mul3A_194 : i32 to vector<16xi32>
        %mul3A_196 = arith.muli %and3A_193, %mul3A_195 : vector<16xi32>
        %add3A_197 = arith.constant 0 : i32
        %add3A_198 = vector.broadcast %add3A_197 : i32 to vector<16xi32>
        %add3A_199 = arith.addi %add3A_198, %mul3A_196 : vector<16xi32>
        %add3A_200 = arith.addi %add3A_199, %iota3A : vector<16xi32>
        %gather3A_201 = tpu.vector_load_idx %arg11[%add3A_200] : memref<8192xi32, #tpu.memory_space<vmem>>[vector<16xi32>], vector<16xi32>,
        %add3A_202 = arith.constant 1 : i32
        %add3A_203 = vector.broadcast %add3A_202 : i32 to vector<16xi32>
        %add3A_204 = arith.addi %gather3A_201, %add3A_203 : vector<16xi32>
        tpu.vector_store_idx %arg11[%add3A_200], %add3A_204 : memref<8192xi32, #tpu.memory_space<vmem>>[vector<16xi32>], vector<16xi32>,
        %and3A_205 = arith.constant 1023 : i32
        %and3A_206 = vector.broadcast %and3A_205 : i32 to vector<16xi32>
        %and3A_207 = arith.andi %gather3A_201, %and3A_206 : vector<16xi32>
        %mul3A_208 = arith.constant 16 : i32
        %mul3A_209 = vector.broadcast %mul3A_208 : i32 to vector<16xi32>
        %mul3A_210 = arith.muli %and3A_207, %mul3A_209 : vector<16xi32>
        %shift_right_logical3A_211 = arith.constant 10 : i32
        %shift_right_logical3A_212 = vector.broadcast %shift_right_logical3A_211 : i32 to vector<16xi32>
        %shift_right_logical3A_213 = arith.shrui %gather3A_201, %shift_right_logical3A_212 : vector<16xi32>
        %add3A_214 = arith.addi %mul3A_210, %shift_right_logical3A_213 : vector<16xi32>
        %mul3A_215 = arith.constant 16 : i32
        %mul3A_216 = arith.muli %add3A_183, %mul3A_215 : i32
        %get3A_217 = arith.index_cast %mul3A_216 : i32 to index
        %get3A_218 = tpu.vector_load %arg8[%get3A_217] {strides = array<i32>} : memref<16384xi32, #tpu.memory_space<vmem>>, vector<16xi32>,
        tpu.vector_store_idx %arg6[%add3A_214], %get3A_218 : memref<16384xi32, #tpu.memory_space<vmem>>[vector<16xi32>], vector<16xi32>,
        %mul3A_219 = arith.constant 2 : i32
        %mul3A_220 = arith.muli %scan3A_98, %mul3A_219 : i32
        %add3A_221 = arith.constant 1 : i32
        %add3A_222 = arith.addi %mul3A_220, %add3A_221 : i32
        %add3A_223 = arith.constant 512 : i32
        %add3A_224 = arith.addi %add3A_222, %add3A_223 : i32
        %mul3A_225 = arith.constant 16 : i32
        %mul3A_226 = arith.muli %add3A_224, %mul3A_225 : i32
        %get3A_227 = arith.index_cast %mul3A_226 : i32 to index
        %get3A_228 = tpu.vector_load %arg7[%get3A_227] {strides = array<i32>} : memref<16384xi32, #tpu.memory_space<vmem>>, vector<16xi32>,
        %shift_right_logical3A_229 = arith.constant 24 : i32
        %shift_right_logical3A_230 = vector.broadcast %shift_right_logical3A_229 : i32 to vector<16xi32>
        %shift_right_logical3A_231 = arith.shrui %get3A_228, %shift_right_logical3A_230 : vector<16xi32>
        %and3A_232 = arith.constant 255 : i32
        %and3A_233 = vector.broadcast %and3A_232 : i32 to vector<16xi32>
        %and3A_234 = arith.andi %shift_right_logical3A_231, %and3A_233 : vector<16xi32>
        %mul3A_235 = arith.constant 16 : i32
        %mul3A_236 = vector.broadcast %mul3A_235 : i32 to vector<16xi32>
        %mul3A_237 = arith.muli %and3A_234, %mul3A_236 : vector<16xi32>
        %add3A_238 = arith.constant 4096 : i32
        %add3A_239 = vector.broadcast %add3A_238 : i32 to vector<16xi32>
        %add3A_240 = arith.addi %add3A_239, %mul3A_237 : vector<16xi32>
        %add3A_241 = arith.addi %add3A_240, %iota3A : vector<16xi32>
        %gather3A_242 = tpu.vector_load_idx %arg11[%add3A_241] : memref<8192xi32, #tpu.memory_space<vmem>>[vector<16xi32>], vector<16xi32>,
        %add3A_243 = arith.constant 1 : i32
        %add3A_244 = vector.broadcast %add3A_243 : i32 to vector<16xi32>
        %add3A_245 = arith.addi %gather3A_242, %add3A_244 : vector<16xi32>
        tpu.vector_store_idx %arg11[%add3A_241], %add3A_245 : memref<8192xi32, #tpu.memory_space<vmem>>[vector<16xi32>], vector<16xi32>,
        %and3A_246 = arith.constant 1023 : i32
        %and3A_247 = vector.broadcast %and3A_246 : i32 to vector<16xi32>
        %and3A_248 = arith.andi %gather3A_242, %and3A_247 : vector<16xi32>
        %mul3A_249 = arith.constant 16 : i32
        %mul3A_250 = vector.broadcast %mul3A_249 : i32 to vector<16xi32>
        %mul3A_251 = arith.muli %and3A_248, %mul3A_250 : vector<16xi32>
        %shift_right_logical3A_252 = arith.constant 10 : i32
        %shift_right_logical3A_253 = vector.broadcast %shift_right_logical3A_252 : i32 to vector<16xi32>
        %shift_right_logical3A_254 = arith.shrui %gather3A_242, %shift_right_logical3A_253 : vector<16xi32>
        %add3A_255 = arith.addi %mul3A_251, %shift_right_logical3A_254 : vector<16xi32>
        %mul3A_256 = arith.constant 16 : i32
        %mul3A_257 = arith.muli %add3A_224, %mul3A_256 : i32
        %get3A_258 = arith.index_cast %mul3A_257 : i32 to index
        %get3A_259 = tpu.vector_load %arg8[%get3A_258] {strides = array<i32>} : memref<16384xi32, #tpu.memory_space<vmem>>, vector<16xi32>,
        tpu.vector_store_idx %arg6[%add3A_255], %get3A_259 : memref<16384xi32, #tpu.memory_space<vmem>>[vector<16xi32>], vector<16xi32>,
        %scan3A_260 = arith.constant 0 : i32
        scf.yield %scan3A_260 : i32
      }
      %scan3A_89 = arith.constant 256 : i32
      %scan3A_90 = arith.constant 0 : i32
      %scan3A_91 = arith.constant 0 : i32
      %scan3A_92 = arith.constant 256 : i32
      %scan3A_93 = arith.addi %scan3A_91, %scan3A_92 : i32
      %scan3A_94 = arith.constant 1 : i32
      %scan3A_95 = scf.for %scan3A_98 = %scan3A_91 to %scan3A_93 step %scan3A_94 iter_args(%scan3A_99 = %scan3A_90) -> (i32)  : i32 {
        %mul3A_100 = arith.constant 2 : i32
        %mul3A_101 = arith.muli %scan3A_98, %mul3A_100 : i32
        %add3A_102 = arith.constant 0 : i32
        %add3A_103 = arith.addi %mul3A_101, %add3A_102 : i32
        %add3A_104 = arith.constant 0 : i32
        %add3A_105 = arith.addi %add3A_103, %add3A_104 : i32
        %mul3A_106 = arith.constant 16 : i32
        %mul3A_107 = arith.muli %add3A_105, %mul3A_106 : i32
        %get3A = arith.index_cast %mul3A_107 : i32 to index
        %get3A_108 = tpu.vector_load %arg10[%get3A] {strides = array<i32>} : memref<16384xi32, #tpu.memory_space<vmem>>, vector<16xi32>,
        %shift_right_logical3A = arith.constant 24 : i32
        %shift_right_logical3A_109 = vector.broadcast %shift_right_logical3A : i32 to vector<16xi32>
        %shift_right_logical3A_110 = arith.shrui %get3A_108, %shift_right_logical3A_109 : vector<16xi32>
        %and3A = arith.constant 255 : i32
        %and3A_111 = vector.broadcast %and3A : i32 to vector<16xi32>
        %and3A_112 = arith.andi %shift_right_logical3A_110, %and3A_111 : vector<16xi32>
        %mul3A_113 = arith.constant 16 : i32
        %mul3A_114 = vector.broadcast %mul3A_113 : i32 to vector<16xi32>
        %mul3A_115 = arith.muli %and3A_112, %mul3A_114 : vector<16xi32>
        %add3A_116 = arith.constant 0 : i32
        %add3A_117 = vector.broadcast %add3A_116 : i32 to vector<16xi32>
        %add3A_118 = arith.addi %add3A_117, %mul3A_115 : vector<16xi32>
        %add3A_119 = arith.addi %add3A_118, %iota3A : vector<16xi32>
        %gather3A = tpu.vector_load_idx %arg12[%add3A_119] : memref<8192xi32, #tpu.memory_space<vmem>>[vector<16xi32>], vector<16xi32>,
        %add3A_120 = arith.constant 1 : i32
        %add3A_121 = vector.broadcast %add3A_120 : i32 to vector<16xi32>
        %add3A_122 = arith.addi %gather3A, %add3A_121 : vector<16xi32>
        tpu.vector_store_idx %arg12[%add3A_119], %add3A_122 : memref<8192xi32, #tpu.memory_space<vmem>>[vector<16xi32>], vector<16xi32>,
        %and3A_123 = arith.constant 1023 : i32
        %and3A_124 = vector.broadcast %and3A_123 : i32 to vector<16xi32>
        %and3A_125 = arith.andi %gather3A, %and3A_124 : vector<16xi32>
        %mul3A_126 = arith.constant 16 : i32
        %mul3A_127 = vector.broadcast %mul3A_126 : i32 to vector<16xi32>
        %mul3A_128 = arith.muli %and3A_125, %mul3A_127 : vector<16xi32>
        %shift_right_logical3A_129 = arith.constant 10 : i32
        %shift_right_logical3A_130 = vector.broadcast %shift_right_logical3A_129 : i32 to vector<16xi32>
        %shift_right_logical3A_131 = arith.shrui %gather3A, %shift_right_logical3A_130 : vector<16xi32>
        %add3A_132 = arith.addi %mul3A_128, %shift_right_logical3A_131 : vector<16xi32>
        %gather3A_133 = tpu.vector_load_idx %arg6[%add3A_132] : memref<16384xi32, #tpu.memory_space<vmem>>[vector<16xi32>], vector<16xi32>,
        %shift_right_arithmetic3A = arith.constant 31 : i32
        %shift_right_arithmetic3A_134 = vector.broadcast %shift_right_arithmetic3A : i32 to vector<16xi32>
        %shift_right_arithmetic3A_135 = arith.shrsi %get3A_108, %shift_right_arithmetic3A_134 : vector<16xi32>
        %not3A = arith.constant dense<-1> : vector<16xi32>
        %not3A_136 = arith.xori %shift_right_arithmetic3A_135, %not3A : vector<16xi32>
        %or3A = arith.constant -2147483648 : i32
        %or3A_137 = vector.broadcast %or3A : i32 to vector<16xi32>
        %or3A_138 = arith.ori %not3A_136, %or3A_137 : vector<16xi32>
        %xor3A = arith.xori %get3A_108, %or3A_138 : vector<16xi32>
        tpu.vector_store_idx %arg5[%gather3A_133], %xor3A : memref<16384xi32, #tpu.memory_space<vmem>>[vector<16xi32>], vector<16xi32>,
        %mul3A_139 = arith.constant 2 : i32
        %mul3A_140 = arith.muli %scan3A_98, %mul3A_139 : i32
        %add3A_141 = arith.constant 0 : i32
        %add3A_142 = arith.addi %mul3A_140, %add3A_141 : i32
        %add3A_143 = arith.constant 512 : i32
        %add3A_144 = arith.addi %add3A_142, %add3A_143 : i32
        %mul3A_145 = arith.constant 16 : i32
        %mul3A_146 = arith.muli %add3A_144, %mul3A_145 : i32
        %get3A_147 = arith.index_cast %mul3A_146 : i32 to index
        %get3A_148 = tpu.vector_load %arg10[%get3A_147] {strides = array<i32>} : memref<16384xi32, #tpu.memory_space<vmem>>, vector<16xi32>,
        %shift_right_logical3A_149 = arith.constant 24 : i32
        %shift_right_logical3A_150 = vector.broadcast %shift_right_logical3A_149 : i32 to vector<16xi32>
        %shift_right_logical3A_151 = arith.shrui %get3A_148, %shift_right_logical3A_150 : vector<16xi32>
        %and3A_152 = arith.constant 255 : i32
        %and3A_153 = vector.broadcast %and3A_152 : i32 to vector<16xi32>
        %and3A_154 = arith.andi %shift_right_logical3A_151, %and3A_153 : vector<16xi32>
        %mul3A_155 = arith.constant 16 : i32
        %mul3A_156 = vector.broadcast %mul3A_155 : i32 to vector<16xi32>
        %mul3A_157 = arith.muli %and3A_154, %mul3A_156 : vector<16xi32>
        %add3A_158 = arith.constant 4096 : i32
        %add3A_159 = vector.broadcast %add3A_158 : i32 to vector<16xi32>
        %add3A_160 = arith.addi %add3A_159, %mul3A_157 : vector<16xi32>
        %add3A_161 = arith.addi %add3A_160, %iota3A : vector<16xi32>
        %gather3A_162 = tpu.vector_load_idx %arg12[%add3A_161] : memref<8192xi32, #tpu.memory_space<vmem>>[vector<16xi32>], vector<16xi32>,
        %add3A_163 = arith.constant 1 : i32
        %add3A_164 = vector.broadcast %add3A_163 : i32 to vector<16xi32>
        %add3A_165 = arith.addi %gather3A_162, %add3A_164 : vector<16xi32>
        tpu.vector_store_idx %arg12[%add3A_161], %add3A_165 : memref<8192xi32, #tpu.memory_space<vmem>>[vector<16xi32>], vector<16xi32>,
        %and3A_166 = arith.constant 1023 : i32
        %and3A_167 = vector.broadcast %and3A_166 : i32 to vector<16xi32>
        %and3A_168 = arith.andi %gather3A_162, %and3A_167 : vector<16xi32>
        %mul3A_169 = arith.constant 16 : i32
        %mul3A_170 = vector.broadcast %mul3A_169 : i32 to vector<16xi32>
        %mul3A_171 = arith.muli %and3A_168, %mul3A_170 : vector<16xi32>
        %shift_right_logical3A_172 = arith.constant 10 : i32
        %shift_right_logical3A_173 = vector.broadcast %shift_right_logical3A_172 : i32 to vector<16xi32>
        %shift_right_logical3A_174 = arith.shrui %gather3A_162, %shift_right_logical3A_173 : vector<16xi32>
        %add3A_175 = arith.addi %mul3A_171, %shift_right_logical3A_174 : vector<16xi32>
        %gather3A_176 = tpu.vector_load_idx %arg6[%add3A_175] : memref<16384xi32, #tpu.memory_space<vmem>>[vector<16xi32>], vector<16xi32>,
        %shift_right_arithmetic3A_177 = arith.constant 31 : i32
        %shift_right_arithmetic3A_178 = vector.broadcast %shift_right_arithmetic3A_177 : i32 to vector<16xi32>
        %shift_right_arithmetic3A_179 = arith.shrsi %get3A_148, %shift_right_arithmetic3A_178 : vector<16xi32>
        %not3A_180 = arith.constant dense<-1> : vector<16xi32>
        %not3A_181 = arith.xori %shift_right_arithmetic3A_179, %not3A_180 : vector<16xi32>
        %or3A_182 = arith.constant -2147483648 : i32
        %or3A_183 = vector.broadcast %or3A_182 : i32 to vector<16xi32>
        %or3A_184 = arith.ori %not3A_181, %or3A_183 : vector<16xi32>
        %xor3A_185 = arith.xori %get3A_148, %or3A_184 : vector<16xi32>
        tpu.vector_store_idx %arg5[%gather3A_176], %xor3A_185 : memref<16384xi32, #tpu.memory_space<vmem>>[vector<16xi32>], vector<16xi32>,
        %mul3A_186 = arith.constant 2 : i32
        %mul3A_187 = arith.muli %scan3A_98, %mul3A_186 : i32
        %add3A_188 = arith.constant 1 : i32
        %add3A_189 = arith.addi %mul3A_187, %add3A_188 : i32
        %add3A_190 = arith.constant 0 : i32
        %add3A_191 = arith.addi %add3A_189, %add3A_190 : i32
        %mul3A_192 = arith.constant 16 : i32
        %mul3A_193 = arith.muli %add3A_191, %mul3A_192 : i32
        %get3A_194 = arith.index_cast %mul3A_193 : i32 to index
        %get3A_195 = tpu.vector_load %arg10[%get3A_194] {strides = array<i32>} : memref<16384xi32, #tpu.memory_space<vmem>>, vector<16xi32>,
        %shift_right_logical3A_196 = arith.constant 24 : i32
        %shift_right_logical3A_197 = vector.broadcast %shift_right_logical3A_196 : i32 to vector<16xi32>
        %shift_right_logical3A_198 = arith.shrui %get3A_195, %shift_right_logical3A_197 : vector<16xi32>
        %and3A_199 = arith.constant 255 : i32
        %and3A_200 = vector.broadcast %and3A_199 : i32 to vector<16xi32>
        %and3A_201 = arith.andi %shift_right_logical3A_198, %and3A_200 : vector<16xi32>
        %mul3A_202 = arith.constant 16 : i32
        %mul3A_203 = vector.broadcast %mul3A_202 : i32 to vector<16xi32>
        %mul3A_204 = arith.muli %and3A_201, %mul3A_203 : vector<16xi32>
        %add3A_205 = arith.constant 0 : i32
        %add3A_206 = vector.broadcast %add3A_205 : i32 to vector<16xi32>
        %add3A_207 = arith.addi %add3A_206, %mul3A_204 : vector<16xi32>
        %add3A_208 = arith.addi %add3A_207, %iota3A : vector<16xi32>
        %gather3A_209 = tpu.vector_load_idx %arg12[%add3A_208] : memref<8192xi32, #tpu.memory_space<vmem>>[vector<16xi32>], vector<16xi32>,
        %add3A_210 = arith.constant 1 : i32
        %add3A_211 = vector.broadcast %add3A_210 : i32 to vector<16xi32>
        %add3A_212 = arith.addi %gather3A_209, %add3A_211 : vector<16xi32>
        tpu.vector_store_idx %arg12[%add3A_208], %add3A_212 : memref<8192xi32, #tpu.memory_space<vmem>>[vector<16xi32>], vector<16xi32>,
        %and3A_213 = arith.constant 1023 : i32
        %and3A_214 = vector.broadcast %and3A_213 : i32 to vector<16xi32>
        %and3A_215 = arith.andi %gather3A_209, %and3A_214 : vector<16xi32>
        %mul3A_216 = arith.constant 16 : i32
        %mul3A_217 = vector.broadcast %mul3A_216 : i32 to vector<16xi32>
        %mul3A_218 = arith.muli %and3A_215, %mul3A_217 : vector<16xi32>
        %shift_right_logical3A_219 = arith.constant 10 : i32
        %shift_right_logical3A_220 = vector.broadcast %shift_right_logical3A_219 : i32 to vector<16xi32>
        %shift_right_logical3A_221 = arith.shrui %gather3A_209, %shift_right_logical3A_220 : vector<16xi32>
        %add3A_222 = arith.addi %mul3A_218, %shift_right_logical3A_221 : vector<16xi32>
        %gather3A_223 = tpu.vector_load_idx %arg6[%add3A_222] : memref<16384xi32, #tpu.memory_space<vmem>>[vector<16xi32>], vector<16xi32>,
        %shift_right_arithmetic3A_224 = arith.constant 31 : i32
        %shift_right_arithmetic3A_225 = vector.broadcast %shift_right_arithmetic3A_224 : i32 to vector<16xi32>
        %shift_right_arithmetic3A_226 = arith.shrsi %get3A_195, %shift_right_arithmetic3A_225 : vector<16xi32>
        %not3A_227 = arith.constant dense<-1> : vector<16xi32>
        %not3A_228 = arith.xori %shift_right_arithmetic3A_226, %not3A_227 : vector<16xi32>
        %or3A_229 = arith.constant -2147483648 : i32
        %or3A_230 = vector.broadcast %or3A_229 : i32 to vector<16xi32>
        %or3A_231 = arith.ori %not3A_228, %or3A_230 : vector<16xi32>
        %xor3A_232 = arith.xori %get3A_195, %or3A_231 : vector<16xi32>
        tpu.vector_store_idx %arg5[%gather3A_223], %xor3A_232 : memref<16384xi32, #tpu.memory_space<vmem>>[vector<16xi32>], vector<16xi32>,
        %mul3A_233 = arith.constant 2 : i32
        %mul3A_234 = arith.muli %scan3A_98, %mul3A_233 : i32
        %add3A_235 = arith.constant 1 : i32
        %add3A_236 = arith.addi %mul3A_234, %add3A_235 : i32
        %add3A_237 = arith.constant 512 : i32
        %add3A_238 = arith.addi %add3A_236, %add3A_237 : i32
        %mul3A_239 = arith.constant 16 : i32
        %mul3A_240 = arith.muli %add3A_238, %mul3A_239 : i32
        %get3A_241 = arith.index_cast %mul3A_240 : i32 to index
        %get3A_242 = tpu.vector_load %arg10[%get3A_241] {strides = array<i32>} : memref<16384xi32, #tpu.memory_space<vmem>>, vector<16xi32>,
        %shift_right_logical3A_243 = arith.constant 24 : i32
        %shift_right_logical3A_244 = vector.broadcast %shift_right_logical3A_243 : i32 to vector<16xi32>
        %shift_right_logical3A_245 = arith.shrui %get3A_242, %shift_right_logical3A_244 : vector<16xi32>
        %and3A_246 = arith.constant 255 : i32
        %and3A_247 = vector.broadcast %and3A_246 : i32 to vector<16xi32>
        %and3A_248 = arith.andi %shift_right_logical3A_245, %and3A_247 : vector<16xi32>
        %mul3A_249 = arith.constant 16 : i32
        %mul3A_250 = vector.broadcast %mul3A_249 : i32 to vector<16xi32>
        %mul3A_251 = arith.muli %and3A_248, %mul3A_250 : vector<16xi32>
        %add3A_252 = arith.constant 4096 : i32
        %add3A_253 = vector.broadcast %add3A_252 : i32 to vector<16xi32>
        %add3A_254 = arith.addi %add3A_253, %mul3A_251 : vector<16xi32>
        %add3A_255 = arith.addi %add3A_254, %iota3A : vector<16xi32>
        %gather3A_256 = tpu.vector_load_idx %arg12[%add3A_255] : memref<8192xi32, #tpu.memory_space<vmem>>[vector<16xi32>], vector<16xi32>,
        %add3A_257 = arith.constant 1 : i32
        %add3A_258 = vector.broadcast %add3A_257 : i32 to vector<16xi32>
        %add3A_259 = arith.addi %gather3A_256, %add3A_258 : vector<16xi32>
        tpu.vector_store_idx %arg12[%add3A_255], %add3A_259 : memref<8192xi32, #tpu.memory_space<vmem>>[vector<16xi32>], vector<16xi32>,
        %and3A_260 = arith.constant 1023 : i32
        %and3A_261 = vector.broadcast %and3A_260 : i32 to vector<16xi32>
        %and3A_262 = arith.andi %gather3A_256, %and3A_261 : vector<16xi32>
        %mul3A_263 = arith.constant 16 : i32
        %mul3A_264 = vector.broadcast %mul3A_263 : i32 to vector<16xi32>
        %mul3A_265 = arith.muli %and3A_262, %mul3A_264 : vector<16xi32>
        %shift_right_logical3A_266 = arith.constant 10 : i32
        %shift_right_logical3A_267 = vector.broadcast %shift_right_logical3A_266 : i32 to vector<16xi32>
        %shift_right_logical3A_268 = arith.shrui %gather3A_256, %shift_right_logical3A_267 : vector<16xi32>
        %add3A_269 = arith.addi %mul3A_265, %shift_right_logical3A_268 : vector<16xi32>
        %gather3A_270 = tpu.vector_load_idx %arg6[%add3A_269] : memref<16384xi32, #tpu.memory_space<vmem>>[vector<16xi32>], vector<16xi32>,
        %shift_right_arithmetic3A_271 = arith.constant 31 : i32
        %shift_right_arithmetic3A_272 = vector.broadcast %shift_right_arithmetic3A_271 : i32 to vector<16xi32>
        %shift_right_arithmetic3A_273 = arith.shrsi %get3A_242, %shift_right_arithmetic3A_272 : vector<16xi32>
        %not3A_274 = arith.constant dense<-1> : vector<16xi32>
        %not3A_275 = arith.xori %shift_right_arithmetic3A_273, %not3A_274 : vector<16xi32>
        %or3A_276 = arith.constant -2147483648 : i32
        %or3A_277 = vector.broadcast %or3A_276 : i32 to vector<16xi32>
        %or3A_278 = arith.ori %not3A_275, %or3A_277 : vector<16xi32>
        %xor3A_279 = arith.xori %get3A_242, %or3A_278 : vector<16xi32>
        tpu.vector_store_idx %arg5[%gather3A_270], %xor3A_279 : memref<16384xi32, #tpu.memory_space<vmem>>[vector<16xi32>], vector<16xi32>,
        %scan3A_280 = arith.constant 0 : i32
        scf.yield %scan3A_280 : i32
      }
      %scan3A_96 = arith.constant 256 : i32
      "tpu.region"() ({
        %run_scoped3A = tpu.sem_alloc : memref<!tpu.dma_semaphore, #tpu.memory_space<semaphore_mem>>
        %dma_start3A = arith.constant 0 : i32
        %dma_start3A_98 = tpu.memref_slice %arg4[%add3A_14, %dma_start3A] : memref<256x16384xi32, #tpu.memory_space<hbm>> -> memref<1x16384xi32, #tpu.memory_space<hbm>>
        %dma_start3A_99 = tpu.memref_squeeze %dma_start3A_98 : memref<1x16384xi32, #tpu.memory_space<hbm>> -> memref<16384xi32, #tpu.memory_space<hbm>>
        %dma_start3A_100 = arith.constant 0 : i32
        %dma_start3A_101 = tpu.memref_slice %arg4[%add3A_14, %dma_start3A_100] : memref<256x16384xi32, #tpu.memory_space<hbm>> -> memref<1x16384xi32, #tpu.memory_space<hbm>>
        %dma_start3A_102 = tpu.memref_squeeze %dma_start3A_101 : memref<1x16384xi32, #tpu.memory_space<hbm>> -> memref<16384xi32, #tpu.memory_space<hbm>>
        tpu.enqueue_dma source(%arg5 : memref<16384xi32, #tpu.memory_space<vmem>>) target(%dma_start3A_102 : memref<16384xi32, #tpu.memory_space<hbm>>) target_semaphore(%run_scoped3A : memref<!tpu.dma_semaphore, #tpu.memory_space<semaphore_mem>>)
        %dma_wait3A = arith.constant 0 : i32
        %dma_wait3A_103 = tpu.memref_slice %arg4[%add3A_14, %dma_wait3A] : memref<256x16384xi32, #tpu.memory_space<hbm>> -> memref<1x16384xi32, #tpu.memory_space<hbm>>
        %dma_wait3A_104 = tpu.memref_squeeze %dma_wait3A_103 : memref<1x16384xi32, #tpu.memory_space<hbm>> -> memref<16384xi32, #tpu.memory_space<hbm>>
        %dma_wait3A_105 = arith.constant 0 : i32
        %dma_wait3A_106 = tpu.memref_slice %arg4[%add3A_14, %dma_wait3A_105] : memref<256x16384xi32, #tpu.memory_space<hbm>> -> memref<1x16384xi32, #tpu.memory_space<hbm>>
        %dma_wait3A_107 = tpu.memref_squeeze %dma_wait3A_106 : memref<1x16384xi32, #tpu.memory_space<hbm>> -> memref<16384xi32, #tpu.memory_space<hbm>>
        tpu.wait_dma2 semaphore(%run_scoped3A : memref<!tpu.dma_semaphore, #tpu.memory_space<semaphore_mem>>) src(%arg5 : memref<16384xi32, #tpu.memory_space<vmem>>) dst(%dma_wait3A_107 : memref<16384xi32, #tpu.memory_space<hbm>>)
        tpu.yield
      }) : () -> ()
      %scan3A_97 = arith.constant 0 : i32
      scf.yield %scan3A_97 : i32
    }
    %scan3A_9 = arith.constant 8 : i32
    return
  }
}

module attributes {stable_mosaic.version = 14 : i64} {
  func.func @_proj_body(%arg0: i32, %arg1: i32, %arg2: memref<1x4096x64xf32, #tpu.memory_space<vmem>>, %arg3: memref<1x4096x64xf32, #tpu.memory_space<vmem>>, %arg4: memref<64x64xf32, #tpu.memory_space<vmem>>, %arg5: memref<1x64x4096xf32, #tpu.memory_space<vmem>>, %arg6: memref<1x64x4096xf32, #tpu.memory_space<vmem>>) attributes {dimension_semantics = [#tpu.dimension_semantics<arbitrary>, #tpu.dimension_semantics<arbitrary>], iteration_bounds = array<i64: 4, 4>, scalar_prefetch = 0 : i64, scratch_operands = 0 : i64, tpu.core_type = #tpu.core_type<tc>, window_params = [{transform_indices = @transform_0, window_bounds = array<i64: 1, 4096, 64>}, {transform_indices = @transform_1, window_bounds = array<i64: 1, 4096, 64>}, {pipeline_mode = #tpu.pipeline_mode<synchronous>, transform_indices = @transform_2, window_bounds = array<i64: 64, 64>}, {transform_indices = @transform_3, window_bounds = array<i64: 1, 64, 4096>}, {transform_indices = @transform_4, window_bounds = array<i64: 1, 64, 4096>}]} {
    %get3A = arith.constant 0 : index
    %get3A_0 = arith.constant 0 : index
    %get3A_1 = vector.load %arg4[%get3A, %get3A_0] : memref<64x64xf32, #tpu.memory_space<vmem>>, vector<64x64xf32>
    %mul3A = arith.mulf %get3A_1, %get3A_1 : vector<64x64xf32>
    %reduce_sum3A = arith.constant dense<0.000000e+00> : vector<64xf32>
    %reduce_sum3A_2 = vector.multi_reduction <add>, %mul3A, %reduce_sum3A [1] : vector<64x64xf32> to vector<64xf32>
    %broadcast_in_dim3A = vector.shape_cast %reduce_sum3A_2 : vector<64xf32> to vector<64x1xf32>
    %sqrt3A = math.sqrt %broadcast_in_dim3A : vector<64x1xf32>
    %max3A = arith.constant 9.99999993E-9 : f32
    %max3A_3 = vector.broadcast %max3A : f32 to vector<64x1xf32>
    %max3A_4 = arith.maximumf %sqrt3A, %max3A_3 : vector<64x1xf32>
    %div3A = vector.broadcast %max3A_4 : vector<64x1xf32> to vector<64x64xf32>
    %div3A_5 = arith.divf %get3A_1, %div3A : vector<64x64xf32>
    %get3A_6 = arith.constant 0 : index
    %get3A_7 = arith.constant 0 : index
    %get3A_8 = arith.constant 0 : index
    %get3A_9 = vector.load %arg2[%get3A_6, %get3A_7, %get3A_8] : memref<1x4096x64xf32, #tpu.memory_space<vmem>>, vector<1x4096x64xf32>
    %get3A_10 = vector.shape_cast %get3A_9 : vector<1x4096x64xf32> to vector<4096x64xf32>
    %dot_general3A = arith.constant dense<0.000000e+00> : vector<64x4096xf32>
    %dot_general3A_11 = tpu.matmul %div3A_5, %get3A_10, %dot_general3A {dimension_numbers = #tpu.dot_dimension_numbers<[1], [1], [0], [0], [0, 0, 1, 0], [], []>, precision = #tpu.contract_precision<fp32>, transpose_lhs_hint = false} : vector<64x64xf32>, vector<4096x64xf32>, vector<64x4096xf32> -> vector<64x4096xf32>
    %swap3A = arith.constant 0 : index
    %swap3A_12 = arith.constant 0 : index
    %swap3A_13 = arith.constant 0 : index
    %swap3A_14 = vector.load %arg5[%swap3A, %swap3A_12, %swap3A_13] : memref<1x64x4096xf32, #tpu.memory_space<vmem>>, vector<1x64x4096xf32>
    %swap3A_15 = vector.shape_cast %swap3A_14 : vector<1x64x4096xf32> to vector<64x4096xf32>
    %swap3A_16 = vector.shape_cast %dot_general3A_11 : vector<64x4096xf32> to vector<1x64x4096xf32>
    tpu.vector_store %arg5[%swap3A, %swap3A_12, %swap3A_13], %swap3A_16 {strides = array<i32>} : memref<1x64x4096xf32, #tpu.memory_space<vmem>>, vector<1x64x4096xf32>,
    %get3A_17 = arith.constant 0 : index
    %get3A_18 = arith.constant 0 : index
    %get3A_19 = arith.constant 0 : index
    %get3A_20 = vector.load %arg3[%get3A_17, %get3A_18, %get3A_19] : memref<1x4096x64xf32, #tpu.memory_space<vmem>>, vector<1x4096x64xf32>
    %get3A_21 = vector.shape_cast %get3A_20 : vector<1x4096x64xf32> to vector<4096x64xf32>
    %dot_general3A_22 = arith.constant dense<0.000000e+00> : vector<64x4096xf32>
    %dot_general3A_23 = tpu.matmul %div3A_5, %get3A_21, %dot_general3A_22 {dimension_numbers = #tpu.dot_dimension_numbers<[1], [1], [0], [0], [0, 0, 1, 0], [], []>, precision = #tpu.contract_precision<fp32>, transpose_lhs_hint = false} : vector<64x64xf32>, vector<4096x64xf32>, vector<64x4096xf32> -> vector<64x4096xf32>
    %swap3A_24 = arith.constant 0 : index
    %swap3A_25 = arith.constant 0 : index
    %swap3A_26 = arith.constant 0 : index
    %swap3A_27 = vector.load %arg6[%swap3A_24, %swap3A_25, %swap3A_26] : memref<1x64x4096xf32, #tpu.memory_space<vmem>>, vector<1x64x4096xf32>
    %swap3A_28 = vector.shape_cast %swap3A_27 : vector<1x64x4096xf32> to vector<64x4096xf32>
    %swap3A_29 = vector.shape_cast %dot_general3A_23 : vector<64x4096xf32> to vector<1x64x4096xf32>
    tpu.vector_store %arg6[%swap3A_24, %swap3A_25, %swap3A_26], %swap3A_29 {strides = array<i32>} : memref<1x64x4096xf32, #tpu.memory_space<vmem>>, vector<1x64x4096xf32>,
    return
  }
  func.func @transform_0(%arg0: i32, %arg1: i32) -> (i32, i32, i32) {
    %c0_i32 = arith.constant 0 : i32
    %c0_i32_0 = arith.constant 0 : i32
    return %arg0, %arg1, %c0_i32 : i32, i32, i32
  }
  func.func @transform_1(%arg0: i32, %arg1: i32) -> (i32, i32, i32) {
    %c0_i32 = arith.constant 0 : i32
    %c0_i32_0 = arith.constant 0 : i32
    return %arg0, %arg1, %c0_i32 : i32, i32, i32
  }
  func.func @transform_2(%arg0: i32, %arg1: i32) -> (i32, i32) {
    %c0_i32 = arith.constant 0 : i32
    %c0_i32_0 = arith.constant 0 : i32
    %c0_i32_1 = arith.constant 0 : i32
    return %c0_i32, %c0_i32_0 : i32, i32
  }
  func.func @transform_3(%arg0: i32, %arg1: i32) -> (i32, i32, i32) {
    %c0_i32 = arith.constant 0 : i32
    %c0_i32_0 = arith.constant 0 : i32
    return %arg0, %c0_i32, %arg1 : i32, i32, i32
  }
  func.func @transform_4(%arg0: i32, %arg1: i32) -> (i32, i32, i32) {
    %c0_i32 = arith.constant 0 : i32
    %c0_i32_0 = arith.constant 0 : i32
    return %arg0, %c0_i32, %arg1 : i32, i32, i32
  }
}

module attributes {stable_mosaic.version = 14 : i64} {
  func.func @_assemble_body(%arg0: i32, %arg1: i32, %arg2: memref<1xf32, #tpu.memory_space<smem>>, %arg3: memref<1x64x4096xi32, #tpu.memory_space<vmem>>, %arg4: memref<1x64x4096xf32, #tpu.memory_space<vmem>>, %arg5: memref<1x4096x64xf32, #tpu.memory_space<vmem>>, %arg6: memref<64x64xf32, #tpu.memory_space<vmem>>, %arg7: memref<1x4096x64xf32, #tpu.memory_space<vmem>>) attributes {dimension_semantics = [#tpu.dimension_semantics<arbitrary>, #tpu.dimension_semantics<arbitrary>], iteration_bounds = array<i64: 4, 4>, scalar_prefetch = 0 : i64, scratch_operands = 0 : i64, tpu.core_type = #tpu.core_type<tc>, window_params = [{transform_indices = @transform_0, window_bounds = array<i64: 1>}, {transform_indices = @transform_1, window_bounds = array<i64: 1, 64, 4096>}, {transform_indices = @transform_2, window_bounds = array<i64: 1, 64, 4096>}, {transform_indices = @transform_3, window_bounds = array<i64: 1, 4096, 64>}, {pipeline_mode = #tpu.pipeline_mode<synchronous>, transform_indices = @transform_4, window_bounds = array<i64: 64, 64>}, {transform_indices = @transform_5, window_bounds = array<i64: 1, 4096, 64>}]} {
    %get3A = arith.constant 0 : index
    %get3A_0 = arith.constant 0 : index
    %get3A_1 = vector.load %arg6[%get3A, %get3A_0] : memref<64x64xf32, #tpu.memory_space<vmem>>, vector<64x64xf32>
    %mul3A = arith.mulf %get3A_1, %get3A_1 : vector<64x64xf32>
    %reduce_sum3A = arith.constant dense<0.000000e+00> : vector<64xf32>
    %reduce_sum3A_2 = vector.multi_reduction <add>, %mul3A, %reduce_sum3A [1] : vector<64x64xf32> to vector<64xf32>
    %broadcast_in_dim3A = vector.shape_cast %reduce_sum3A_2 : vector<64xf32> to vector<64x1xf32>
    %sqrt3A = math.sqrt %broadcast_in_dim3A : vector<64x1xf32>
    %max3A = arith.constant 9.99999993E-9 : f32
    %max3A_3 = vector.broadcast %max3A : f32 to vector<64x1xf32>
    %max3A_4 = arith.maximumf %sqrt3A, %max3A_3 : vector<64x1xf32>
    %div3A = vector.broadcast %max3A_4 : vector<64x1xf32> to vector<64x64xf32>
    %div3A_5 = arith.divf %get3A_1, %div3A : vector<64x64xf32>
    %get3A_6 = arith.constant 0 : index
    %get3A_7 = arith.constant 0 : index
    %get3A_8 = arith.constant 0 : index
    %get3A_9 = vector.load %arg3[%get3A_6, %get3A_7, %get3A_8] : memref<1x64x4096xi32, #tpu.memory_space<vmem>>, vector<1x64x4096xi32>
    %get3A_10 = vector.shape_cast %get3A_9 : vector<1x64x4096xi32> to vector<64x4096xi32>
    %bitcast_convert_type3A = tpu.bitcast %get3A_10 : vector<64x4096xi32> -> vector<64x4096xf32>
    %get3A_11 = arith.constant 0 : index
    %get3A_12 = arith.constant 0 : index
    %get3A_13 = arith.constant 0 : index
    %get3A_14 = vector.load %arg4[%get3A_11, %get3A_12, %get3A_13] : memref<1x64x4096xf32, #tpu.memory_space<vmem>>, vector<1x64x4096xf32>
    %get3A_15 = vector.shape_cast %get3A_14 : vector<1x64x4096xf32> to vector<64x4096xf32>
    %sub3A = arith.subf %bitcast_convert_type3A, %get3A_15 : vector<64x4096xf32>
    %dot_general3A = arith.constant dense<0.000000e+00> : vector<4096x64xf32>
    %dot_general3A_16 = tpu.matmul %sub3A, %div3A_5, %dot_general3A {dimension_numbers = #tpu.dot_dimension_numbers<[0], [0], [1], [1], [0, 1, 1, 1], [], []>, precision = #tpu.contract_precision<fp32>, transpose_lhs_hint = false} : vector<64x4096xf32>, vector<64x64xf32>, vector<4096x64xf32> -> vector<4096x64xf32>
    %get3A_17 = arith.constant 0 : index
    %get3A_18 = arith.constant 0 : index
    %get3A_19 = arith.constant 0 : index
    %get3A_20 = vector.load %arg5[%get3A_17, %get3A_18, %get3A_19] : memref<1x4096x64xf32, #tpu.memory_space<vmem>>, vector<1x4096x64xf32>
    %get3A_21 = vector.shape_cast %get3A_20 : vector<1x4096x64xf32> to vector<4096x64xf32>
    %get3A_22 = arith.constant 0 : index
    %get3A_23 = memref.load %arg2[%get3A_22] : memref<1xf32, #tpu.memory_space<smem>>
    %mul3A_24 = vector.broadcast %get3A_23 : f32 to vector<4096x64xf32>
    %mul3A_25 = arith.mulf %dot_general3A_16, %mul3A_24 : vector<4096x64xf32>
    %add3A = arith.addf %get3A_21, %mul3A_25 : vector<4096x64xf32>
    %swap3A = arith.constant 0 : index
    %swap3A_26 = arith.constant 0 : index
    %swap3A_27 = arith.constant 0 : index
    %swap3A_28 = vector.load %arg7[%swap3A, %swap3A_26, %swap3A_27] : memref<1x4096x64xf32, #tpu.memory_space<vmem>>, vector<1x4096x64xf32>
    %swap3A_29 = vector.shape_cast %swap3A_28 : vector<1x4096x64xf32> to vector<4096x64xf32>
    %swap3A_30 = vector.shape_cast %add3A : vector<4096x64xf32> to vector<1x4096x64xf32>
    tpu.vector_store %arg7[%swap3A, %swap3A_26, %swap3A_27], %swap3A_30 {strides = array<i32>} : memref<1x4096x64xf32, #tpu.memory_space<vmem>>, vector<1x4096x64xf32>,
    return
  }
  func.func @transform_0(%arg0: i32, %arg1: i32) -> i32 {
    %c0_i32 = arith.constant 0 : i32
    %c0_i32_0 = arith.constant 0 : i32
    return %c0_i32 : i32
  }
  func.func @transform_1(%arg0: i32, %arg1: i32) -> (i32, i32, i32) {
    %c0_i32 = arith.constant 0 : i32
    %c0_i32_0 = arith.constant 0 : i32
    return %arg0, %c0_i32, %arg1 : i32, i32, i32
  }
  func.func @transform_2(%arg0: i32, %arg1: i32) -> (i32, i32, i32) {
    %c0_i32 = arith.constant 0 : i32
    %c0_i32_0 = arith.constant 0 : i32
    return %arg0, %c0_i32, %arg1 : i32, i32, i32
  }
  func.func @transform_3(%arg0: i32, %arg1: i32) -> (i32, i32, i32) {
    %c0_i32 = arith.constant 0 : i32
    %c0_i32_0 = arith.constant 0 : i32
    return %arg0, %arg1, %c0_i32 : i32, i32, i32
  }
  func.func @transform_4(%arg0: i32, %arg1: i32) -> (i32, i32) {
    %c0_i32 = arith.constant 0 : i32
    %c0_i32_0 = arith.constant 0 : i32
    %c0_i32_1 = arith.constant 0 : i32
    return %c0_i32, %c0_i32_0 : i32, i32
  }
  func.func @transform_5(%arg0: i32, %arg1: i32) -> (i32, i32, i32) {
    %c0_i32 = arith.constant 0 : i32
    %c0_i32_0 = arith.constant 0 : i32
    return %arg0, %arg1, %c0_i32 : i32, i32, i32
  }
}

</mosaic_0001>

<sc_bundles>
// kernel: kernel.5.cloned.1.call-start
scs
__scs_entry_jumppad:
0x0: {  	(pc) =	sbr.rel $0x88, $3  }
0x1: {  	(tag) =	ssettag $0x0;
	lr =	simm.s32 $0x1  }
0x2: {  	[smem:$0x3F9D] =	sst lr;
	_ =	strace $0xD0000000  }
0x3: {  	_ = 	snop  }
0x4: {  	_ = 	snop  }
0x5: {  	_ = 	snop  }
0x6: {  	_ = 	snop  }
0x7: {  	_ = 	snop  }
__scs_overlays_trampoline_lowered:
0x8: {  	[smem:$0x3FAC] =	sst s0  }
0x9: {  	[smem:$0x3FAD] =	sst s1  }
0xa: {  	[smem:$0x3FAE] =	sst s2  }
0xb: {  	[smem:$0x3FAF] =	sst s3  }
0xc: {  	[smem:$0x3FB0] =	sst s4  }
0xd: {  	[smem:$0x3FB1] =	sst s5  }
0xe: {  	[smem:$0x3FB2] =	sst s6  }
0xf: {  	[smem:$0x3FB3] =	sst s7  }
0x10: {  	[smem:$0x3FB4] =	sst s8  }
0x11: {  	[smem:$0x3FB5] =	sst s9;
	s0 =	simm.s32 @!p0 $0x0  }
0x12: {  	s1 =	sld [smem:$0x3F9B];
	s0 =	simm.s32 @p0 $0x1  }
0x13: {  	[smem:$0x3FB6] =	sst s0;
	s0 =	simm.s32 @!p1 $0x0  }
0x14: {  	s2 =	sld [smem:$0x3F9A];
	s0 =	simm.s32 @p1 $0x1  }
0x15: {  	[smem:$0x3FB7] =	sst s0;
	s0 =	simm.s32 @!p2 $0x0  }
0x16: {  	s3 =	sld [smem:$0x3FDB];
	s0 =	simm.s32 @p2 $0x1  }
0x17: {  	s4 =	simm.s32 $0x1BF5;
	[smem:$0x3FB9] =	sst s0  }
0x18: {  	s0 =	sld [smem:$0x3F9C];
	_ =	swait.ge [sflag:s4], $0x0  }
0x19: {  	s7 =	sld [smem:$0x3F9D]  }
0x1a: {  	s8 =	sadd.s32 $0xFFFFE003, lr  }
0x1b: {  	s9 =	sadd.s32 $0xFFFFFEF7, lr;
	s5 =	simm.s32 $0xFFFFFFFF;
	p2 =	slt.u32 s8, $0xFFFFF086  }
0x1c: {  	p1 =	slt.u32 s9, $0xF7A;
	s5 =	simm.s32 @!p2 $0x0  }
0x1d: {  	s5 =	simm.s32 @p1 $0x1;
	p0 =	seq.s32 s7, s2  }
0x1e: {  	s7 =	smul.u32 @!p0 $0xF7A, s2;
	p2 =	seq.s32 @!p0 s5, $0x0  }
0x1f: {  	s9 =	smul.u32 $0xF7A, s1;
	s8 =	simm.s32 @!p0 $0x1BF5;
	p2 =	por !p2, p0  }
0x20: {  	[sflag:s8] =	ssyncset.s32 @!p0 $0xFFFFF086;
	s6 =	sadd.s32 @!p0 s3, s7;
	s7 =	simm.s32 @!p0 $0x108  }
0x21: {  	s3 =	sadd.s32 s3, s9;
	s6 =	sadd.s32 @!p0 $0x88, s6;
	s7 =	simm.s32 @p2 $0x1082  }
0x22: {  	[simem:s7], [sflag:s8] =	dma.local @!p0 [hbm:s6], $0xF7A  }
0x23: {  	s9 =	sor.u32 $0xD0000000, s2;
	s6 =	simm.s32 $0x108;
	_ =	swait.ge @!p0 [sflag:s8], $0x0  }
0x24: {  	s3 =	sadd.s32 $0x88, s3;
	s6 =	simm.s32 @!p1 $0x1082;
	[sflag:s4] =	ssyncset.s32 $0xFFFFF086  }
0x25: {  	[simem:s6], [sflag:s4] =	dma.local [hbm:s3], $0xF7A  }
0x26: {  	[smem:$0x3F9D] =	sst s1;
	(tag) =	ssettag s2;
	_ =	strace s9  }
0x27: {  	s1 =	sld [smem:$0x3FAD]  }
0x28: {  	s2 =	sld [smem:$0x3FAE]  }
0x29: {  	s4 =	sld [smem:$0x3FB0]  }
0x2a: {  	p0 =	seq.s32 s5, $0x0;
	s5 =	sld [smem:$0x3FB1]  }
0x2b: {  	s6 =	sld [smem:$0x3FB2]  }
0x2c: {  	s7 =	sld [smem:$0x3FB3]  }
0x2d: {  	s3 =	simm.s32 $0x108;
	s8 =	sld [smem:$0x3FB4]  }
0x2e: {  	s3 =	simm.s32 @!p0 $0x1082;
	s9 =	sld [smem:$0x3FB5]  }
0x2f: {  	lr =	sadd.s32 s0, s3;
	s0 =	sld [smem:$0x3FAC]  }
0x30: {  	s3 =	sld [smem:$0x3FAF]  }
0x31: {  	[smem:$0x3FB8] =	sst s10  }
0x32: {  	s10 =	sld [smem:$0x3FB6];
	_ =	sdelay $0x3  }
0x33: {  	p0 =	seq.s32 s10, $0x1;
	s10 =	sld [smem:$0x3FB8];
	_ =	sdelay $0x3  }
0x34: {  	[smem:$0x3FB8] =	sst s10  }
0x35: {  	s10 =	sld [smem:$0x3FB7];
	_ =	sdelay $0x3  }
0x36: {  	p1 =	seq.s32 s10, $0x1;
	s10 =	sld [smem:$0x3FB8];
	_ =	sdelay $0x3  }
0x37: {  	[smem:$0x3FB8] =	sst s10  }
0x38: {  	s10 =	sld [smem:$0x3FB9]  }
0x39: {  	_ = 	snop;
	(pc) =	sbr.ind lr, $3  }
0x3a: {  	_ = 	snop  }
0x3b: {  	_ = 	snop  }
0x3c: {  	p2 =	seq.s32 s10, $0x1;
	s10 =	sld [smem:$0x3FB8]  }
0x3d: {  	_ =	shalt  }
0x3e: {  	_ =	shalt  }
0x3f: {  	_ =	shalt  }
0x40: {  	_ =	shalt  }
0x41: {  	_ =	shalt  }
0x42: {  	_ =	shalt  }
0x43: {  	_ =	shalt  }
0x44: {  	_ =	shalt  }
0x45: {  	_ =	shalt  }
0x46: {  	_ =	shalt  }
0x47: {  	_ =	shalt  }
0x48: {  	_ =	shalt  }
0x49: {  	_ =	shalt  }
0x4a: {  	_ =	shalt  }
0x4b: {  	_ =	shalt  }
0x4c: {  	_ =	shalt  }
0x4d: {  	_ =	shalt  }
0x4e: {  	_ =	shalt  }
0x4f: {  	_ =	shalt  }
0x50: {  	_ =	shalt  }
0x51: {  	_ =	shalt  }
0x52: {  	_ =	shalt  }
0x53: {  	_ =	shalt  }
0x54: {  	_ =	shalt  }
0x55: {  	_ =	shalt  }
0x56: {  	_ =	shalt  }
0x57: {  	_ =	shalt  }
0x58: {  	_ =	shalt  }
0x59: {  	_ =	shalt  }
0x5a: {  	_ =	shalt  }
0x5b: {  	_ =	shalt  }
0x5c: {  	_ =	shalt  }
0x5d: {  	_ =	shalt  }
0x5e: {  	_ =	shalt  }
0x5f: {  	_ =	shalt  }
0x60: {  	_ =	shalt  }
0x61: {  	_ =	shalt  }
0x62: {  	_ =	shalt  }
0x63: {  	_ =	shalt  }
0x64: {  	_ =	shalt  }
0x65: {  	_ =	shalt  }
0x66: {  	_ =	shalt  }
0x67: {  	_ =	shalt  }
0x68: {  	_ =	shalt  }
0x69: {  	_ =	shalt  }
0x6a: {  	_ =	shalt  }
0x6b: {  	_ =	shalt  }
0x6c: {  	_ =	shalt  }
0x6d: {  	_ =	shalt  }
0x6e: {  	_ =	shalt  }
0x6f: {  	_ =	shalt  }
0x70: {  	_ =	shalt  }
0x71: {  	_ =	shalt  }
0x72: {  	_ =	shalt  }
0x73: {  	_ =	shalt  }
0x74: {  	_ =	shalt  }
0x75: {  	_ =	shalt  }
0x76: {  	_ =	shalt  }
0x77: {  	_ =	shalt  }
0x78: {  	_ =	shalt  }
0x79: {  	_ =	shalt  }
0x7a: {  	_ =	shalt  }
0x7b: {  	_ =	shalt  }
0x7c: {  	_ =	shalt  }
0x7d: {  	_ =	shalt  }
0x7e: {  	_ =	shalt  }
0x7f: {  	_ =	shalt  }
0x80: {  	_ =	shalt  }
0x81: {  	_ =	shalt  }
0x82: {  	_ =	shalt  }
0x83: {  	_ =	shalt  }
0x84: {  	_ =	shalt  }
0x85: {  	_ =	shalt  }
0x86: {  	_ =	shalt  }
0x87: {  	_ =	shalt  }
.Lfunc_end0:
.L_simem_size_0:
called_computation_lowered:
.L_overlay_start_0:
0x88: {  	s2 =	sld [smem:$0x3FD9]  }
0x89: {  	s3 =	sld [smem:$0x3FFE];
	_ =	sdelay $0x1  }
0x8a: {  	s1 =	srdreg.scid  }
0x8b: {  	s0 =	sand.u32 $0x1, s1  }
0x8c: {  	s17 =	sshll.u32 s0, $0xA;
	s2 =	sadd.s32 s3, s2  }
0x8d: {  	s2 =	sadd.s32 s2, s17  }
0x8e: {  	[smem:$0x3FC4] =	sst s2  }
0x8f: {  	_ = 	snop  }
0x90: {  	s2 =	sld [smem:$0x3FD0];
	(tm) =	ssettm $0x1  }
0x91: {  	s18 =	sld [smem:$0x3FFB];
	_ =	sdelay $0x3  }
0x92: {  	_ =	strace s18  }
0x93: {  	s3 =	sld [smem:$0x3FFC];
	_ =	sdelay $0x3  }
0x94: {  	_ =	strace s3  }
0x95: {  	s3 =	sld [smem:$0x3FFD];
	_ =	sdelay $0x3  }
0x96: {  	_ =	strace s3  }
0x97: {  	_ =	strace $0x8FFFFFFF  }
0x98: {  	s19 =	sld [smem:$0x3FDB];
	_ =	sdelay $0x1  }
0x99: {  	s4 =	simm.s32 $_scs_section_size  }
0x9a: {  	s5 =	simm.s32 $_size__tile_overlayer_lowered;
	s6 =	simm.s32 $_tile_overlayer_lowered  }
0x9b: {  	s22 =	simm.s32 $0x1BFF;
	s21 =	sshll.u32 s6, $0x1;
	s3 =	sadd.s32 s4, s19  }
0x9c: {  	s7 =	simm.s32 $0x0;
	s20 =	sshll.u32 s5, $0x1;
	s5 =	sadd.s32 s21, s3  }
0x9d: {  	[timem:s7], [sflag:s22] =	dma.local [hbm:s5], s20  }
0x9e: {  	_ =	swait.ge [sflag:s22], s20  }
0x9f: {  	s4 =	ssub.s32 $0x0, s20;
	[sflag:s22] =	ssyncset.done $0x0  }
0xa0: {  	[sflag:s22] =	ssyncadd.s32 s4;
	_ =	sdelay $0x1  }
0xa1: {  	s23 =	simm.s32 $0x1B8B  }
0xa2: {  	_ =	swait.ge [sflag:s23], $0x1  }
0xa3: {  	[sflag:s23] =	ssyncset.done $0x0  }
0xa4: {  	s25 =	simm.s32 $0x1B8E;
	s24 =	sld [smem:$0x3FFE];
	[sflag:s23] =	ssyncadd.s32 $0xFFFFFFFF  }
0xa5: {  	s26 =	simm.s32 $execute0_lowered;
	[smem:$0x3FD2] =	sst s25  }
0xa6: {  	s5 =	sshll.u32 s26, $0x1;
	_ =	strace $0x80000046;
	[dreg:$0x1] =	wrdreg $0xFFFFFFFF  }
0xa7: {  	s28 =	simm.s32 $_size_execute0_lowered;
	s3 =	sadd.s32 s3, s5;
	[dreg:$0x0] =	wrdreg $0x0  }
0xa8: {  	s5 =	sshll.u32 s28, $0x1;
	[dreg:$0x2] =	wrdreg s3  }
0xa9: {  	[dreg:$0x3] =	wrdreg s5  }
0xaa: {  	[dreg:$0x4] =	wrdreg $0xC0  }
0xab: {  	_ =	task [dreg:s7], $0x5FFFF  }
0xac: {  	[dreg:$0x1] =	wrdreg $0xFFFFFFFF  }
0xad: {  	[dreg:$0x0] =	wrdreg $0x60  }
0xae: {  	[dreg:$0x2] =	wrdreg s24  }
0xaf: {  	[dreg:$0x3] =	wrdreg s2  }
0xb0: {  	[dreg:$0x4] =	wrdreg $0x9  }
0xb1: {  	_ =	task.clear_ibuf [dreg:s7], $0x5FFFF;
	_ =	strace $0x90000046  }
0xb2: {  	s29 =	simm.s32 $0x9;
	_ =	strace $0x80000048  }
0xb3: {  	_ =	swait.ge [sflag:s29], $0x1  }
0xb4: {  	[sflag:s29] =	ssyncadd.s32 $0xFFFFFFFF  }
0xb5: {  	_ =	strace $0x90000048  }
0xb6: {  	_ =	sfence  }
0xb7: {  	s30 =	sld [smem:$0x0];
	_ =	sdelay $0x2  }
0xb8: {  	s31 =	sshll.u32 s1, $0xD;
	s1 =	sshrl.u32 s1, $0x2  }
0xb9: {  	s3 =	sand.u32 $0x4000, s31;
	s1 =	sadd.s32 s1, s30  }
0xba: {  	s0 =	sor.u32 s3, s0;
	s1 =	sshll.u32 s1, $0x11  }
0xbb: {  	s0 =	sor.u32 s1, s0  }
0xbc: {  	s0 =	sadd.s32 $0x8F2B, s0  }
0xbd: {  	[sflag:s0] =	ssyncadd.remote.s32 $0x1  }
0xbe: {  	_ =	sfence.sel $0xFFFF  }
0xbf: {  	[dreg:$0x0] =	wrdreg $0xFFFFFFFF;
	(pc) =	sbr.abs _section_cstart, $3  }
0xc0: {  	[dreg:$0x1] =	wrdreg $0xFFFFFFFF  }
0xc1: {  	_ =	task.clear_ibuf [dreg:s7], $0x2FFFF;
	_ =	strace $0x9FFFFFFF  }
0xc2: {  	(tm) =	ssettm $0x7FFFFFFF  }
0xc3: {  	_ =	shalt  }
tec
execute0_lowered:
.L_overlay_start_1:
0x0: {  	(tag) =	ssettag $0x1  }
0x1: {  	s0 =	rddreg [dreg:$0x0]  }
0x2: {  	s1 =	rddreg [dreg:$0x1];
	s2 =	simm.s32 $0x0  }
0x3: {  	s3 =	srdreg.scid;
	s30 =	stileid.u32;
	s10 =	simm.s32 $0x1  }
0x4: {  	s11 =	simm.s32 $0x10000;
	s12 =	simm.s32 $0x18000;
	s13 =	simm.s32 $0x1A000  }
0x5: {  	s14 =	simm.s32 $0x8000;
	s15 =	simm.s32 $0xC000;
	s16 =	simm.s32 $0x14000  }
0x6: {  	s17 =	simm.s32 $0x4000;
	s18 =	simm.s32 $0x0;
	s5 =	sand.u32 $0x1, s3  }
.Ltmp0:
0x7: {  	[smem:$0x7FF] =	sst s2;
	s6 =	ssub.s32 $0x2, s5;
	(pc) =	sbr.rel .LBB2_1-.Ltmp0, $4  }
0x8: {  	s4 =	sadd.s32 $0x180E00, s0;
	s8 =	sshll.u32 s30, $0xF;
	s7 =	sshrl.u32 s6, $0x1  }
0x9: {  	_ =	strace $0x80000047;
	s9 =	sshll.u32 s5, $0xE;
	s31 =	ssub.s32 s6, s7  }
0xa: {  	v0 =	vimm.s32 $0x0;
	v1 =	vlaneseq.u32;
	s5 =	sadd.s32 $0x200E00, s0;
	s6 =	sor.u32 s9, s8;
	s0 =	smax.u32 s31, $0x1  }
0xb: {  	v2 =	vimm.s32 $0x1;
	v4 =	vimm.s32 $0x80000000;
	v3 =	vor.u32 $0x1000, v1;
	s8 =	simm.s32 $0x80;
	s9 =	simm.s32 $0x400;
	[dreg:$0x3] =	wrdreg s0  }
.LBB2_77:
0xc: {  	s18 =	sadd.s32 $0x1, s18;
	s0 =	rddreg [dreg:$0x3]  }
0xd: {  	p0 =	sne.s32 s18, s0  }
.Ltmp1:
0xe: {  	_ = 	snop;
	(pc) =	sbr.rel @!p0 .LBB2_78-.Ltmp1, $1  }
0xf: {  	_ =	sdelay $0x3  }
.LBB2_1:
0x10: {  	s19 =	simm.s32 $0x0  }
.LBB2_2:
0x11: {  	s0 =	sshll.u32 s19, $0x4  }
0x12: {  	s20 =	sadd.s32 s6, s0  }
0x13: {  	s0 =	sadd.s32 s4, s20  }
0x14: {  	[tilespmem:s2], [sflag:$0x1] =	stream.strided.gather [hbm4b:s0+s8], $0x4000, s9, s8, $0x38;
	[tilespmem:$0x1C000] =	vst v63  }
0x15: {  	_ =	swait.ge [sflag:s10], $0x4000  }
0x16: {  	[sflag:s10] =	ssyncset.done $0x0  }
0x17: {  	s31 =	sadd.s32 s5, s20;
	[sflag:s10] =	ssyncadd.s32 $0xFFFFC000  }
0x18: {  	[tilespmem:s11], [sflag:$0x1] =	stream.strided.gather [hbm4b:s31+s8], $0x4000, s9, s8, $0x38;
	[tilespmem:$0x1C000] =	vst v63  }
0x19: {  	_ =	swait.ge [sflag:s10], $0x4000  }
0x1a: {  	[sflag:s10] =	ssyncset.done $0x0  }
0x1b: {  	s21 =	simm.s32 $0x18020;
	[sflag:s10] =	ssyncadd.s32 $0xFFFFC000  }
0x1c: {  	[tilespmem:s21+$0xFFFFFFF0] =	vst v0  }
0x1d: {  	[tilespmem:s21+$0x0] =	vst v0  }
0x1e: {  	[tilespmem:s21+$0x10] =	vst v0  }
0x1f: {  	s0 =	simm.s32 $0x1A020;
	[tilespmem:s21+$0xFFFFFFE0] =	vst v0  }
0x20: {  	[tilespmem:s0+$0xFFFFFFF0] =	vst v0  }
0x21: {  	[tilespmem:s0+$0x0] =	vst v0  }
0x22: {  	s25 =	simm.s32 $0x2000;
	[tilespmem:s0+$0x10] =	vst v0  }
0x23: {  	s22 =	simm.s32 $0x18060;
	s24 =	simm.s32 $0x12000;
	s21 =	simm.s32 $0x0;
	[tilespmem:s0+$0xFFFFFFE0] =	vst v0  }
.LBB2_3:
0x24: {  	[tilespmem:s22+$0xFFFFFFF0] =	vst v0;
	s0 =	sadd.s32 $0x40, s0  }
0x25: {  	s21 =	sadd.s32 $0x4, s21;
	[tilespmem:s0+$0xFFFFFFF0] =	vst v0  }
0x26: {  	p0 =	slt.u32 s21, $0x1FC;
	[tilespmem:s22+$0x0] =	vst v0  }
.Ltmp2:
0x27: {  	[tilespmem:s0+$0x0] =	vst v0;
	(pc) =	sbr.rel @p0 .LBB2_3-.Ltmp2, $4  }
0x28: {  	[tilespmem:s22+$0x10] =	vst v0  }
0x29: {  	[tilespmem:s0+$0x10] =	vst v0  }
0x2a: {  	[tilespmem:s22+$0xFFFFFFE0] =	vst v0  }
0x2b: {  	s22 =	sadd.s32 $0x40, s22;
	[tilespmem:s0+$0xFFFFFFE0] =	vst v0  }
0x2c: {  	v5 =	vld [tilespmem:s25+$0xFFFFE010];
	_ =	sdelay $0x1  }
0x2d: {  	v6 =	vld [tilespmem:s25+$0xFFFFE000]  }
0x2e: {  	v7 =	vld [tilespmem:s25+$0xFFFFE030];
	_ =	sdelay $0x1  }
0x2f: {  	v8 =	vshra.s32 v5, $0x1F  }
0x30: {  	v5 =	vxor.u32 v5, v8  }
0x31: {  	v8 =	vshra.s32 v6, $0x1F;
	v5 =	vshll.u32 v5, $0x4  }
0x32: {  	v6 =	vxor.u32 v6, v8;
	v8 =	vshra.s32 v7, $0x1F;
	v5 =	vor.u32 v1, v5  }
0x33: {  	v6 =	vshll.u32 v6, $0x4;
	v7 =	vxor.u32 v7, v8;
	v5 =	vand.u32 $0xFFF, v5  }
0x34: {  	v6 =	vor.u32 v1, v6;
	v7 =	vshll.u32 v7, $0x4  }
0x35: {  	v6 =	vand.u32 $0xFFF, v6;
	v7 =	vor.u32 v1, v7  }
0x36: {  	v7 =	vand.u32 $0xFFF, v7  }
0x37: {  	v8 =	vld [tilespmem:s25+$0xFFFFE020]  }
0x38: {  	[tilespmem:v5+s12+$0x0] =	vst.idx.add.s32.msk $0xffff, v2  }
0x39: {  	v5 =	vld [tilespmem:s24+$0xFFFFE010]  }
0x3a: {  	[tilespmem:v6+s12+$0x0] =	vst.idx.add.s32.msk $0xffff, v2  }
0x3b: {  	[tilespmem:v7+s12+$0x0] =	vst.idx.add.s32.msk $0xffff, v2  }
0x3c: {  	v6 =	vshra.s32 v8, $0x1F;
	v7 =	vld [tilespmem:s24+$0xFFFFE000]  }
0x3d: {  	v6 =	vxor.u32 v8, v6;
	v8 =	vld [tilespmem:s24+$0xFFFFE030]  }
0x3e: {  	v6 =	vshll.u32 v6, $0x4  }
0x3f: {  	v6 =	vor.u32 v1, v6;
	v9 =	vshra.s32 v5, $0x1F  }
0x40: {  	s22 =	simm.s32 $0x2040;
	v6 =	vand.u32 $0xFFF, v6;
	v5 =	vxor.u32 v5, v9  }
0x41: {  	v9 =	vld [tilespmem:s22+$0xFFFFE010];
	v10 =	vshra.s32 v7, $0x1F;
	v5 =	vshll.u32 v5, $0x4  }
0x42: {  	v7 =	vxor.u32 v7, v10;
	v10 =	vshra.s32 v8, $0x1F;
	v5 =	vor.u32 v1, v5  }
0x43: {  	v7 =	vshll.u32 v7, $0x4;
	v8 =	vxor.u32 v8, v10;
	v5 =	vand.u32 $0xFFF, v5  }
0x44: {  	v10 =	vld [tilespmem:s22+$0xFFFFE000];
	v7 =	vor.u32 v1, v7;
	v8 =	vshll.u32 v8, $0x4  }
0x45: {  	[tilespmem:v6+s12+$0x0] =	vst.idx.add.s32.msk $0xffff, v2;
	v6 =	vand.u32 $0xFFF, v7;
	v7 =	vor.u32 v1, v8  }
0x46: {  	v11 =	vld [tilespmem:s24+$0xFFFFE020];
	v8 =	vshra.s32 v9, $0x1F;
	v7 =	vand.u32 $0xFFF, v7  }
0x47: {  	v8 =	vxor.u32 v9, v8  }
0x48: {  	v8 =	vshll.u32 v8, $0x4;
	[tilespmem:v5+s13+$0x0] =	vst.idx.add.s32.msk $0xffff, v2  }
0x49: {  	v5 =	vor.u32 v1, v8;
	v8 =	vld [tilespmem:s22+$0xFFFFE030]  }
0x4a: {  	v9 =	vshra.s32 v10, $0x1F;
	v5 =	vand.u32 $0xFFF, v5;
	[tilespmem:v6+s13+$0x0] =	vst.idx.add.s32.msk $0xffff, v2  }
0x4b: {  	v6 =	vxor.u32 v10, v9;
	v9 =	vshra.s32 v11, $0x1F;
	[tilespmem:v7+s13+$0x0] =	vst.idx.add.s32.msk $0xffff, v2  }
0x4c: {  	v6 =	vshll.u32 v6, $0x4;
	v7 =	vxor.u32 v11, v9;
	v9 =	vld [tilespmem:s25+$0x0]  }
0x4d: {  	v6 =	vor.u32 v1, v6;
	v7 =	vshll.u32 v7, $0x4;
	v10 =	vld [tilespmem:s25+$0x30]  }
0x4e: {  	v12 =	vld [tilespmem:s25+$0x10];
	v6 =	vand.u32 $0xFFF, v6;
	v7 =	vor.u32 v1, v7;
	v11 =	vshra.s32 v8, $0x1F  }
0x4f: {  	v8 =	vxor.u32 v8, v11;
	[tilespmem:v5+s12+$0x0] =	vst.idx.add.s32.msk $0xffff, v2;
	v5 =	vand.u32 $0xFFF, v7  }
0x50: {  	s23 =	simm.s32 $0x2080;
	v13 =	vld [tilespmem:s22+$0xFFFFE020];
	v7 =	vshll.u32 v8, $0x4  }
0x51: {  	s21 =	simm.s32 $0x12040;
	v15 =	vld [tilespmem:s23+$0xFFFFE030];
	v11 =	vshra.s32 v9, $0x1F;
	v7 =	vor.u32 v1, v7  }
0x52: {  	v8 =	vld [tilespmem:s21+$0xFFFFE010];
	v9 =	vxor.u32 v9, v11;
	v11 =	vshra.s32 v10, $0x1F;
	v7 =	vand.u32 $0xFFF, v7  }
0x53: {  	[tilespmem:v6+s12+$0x0] =	vst.idx.add.s32.msk $0xffff, v2;
	v6 =	vshll.u32 v9, $0x4;
	v9 =	vxor.u32 v10, v11;
	v11 =	vshra.s32 v12, $0x1F  }
0x54: {  	v11 =	vxor.u32 v12, v11;
	v6 =	vand.u32 $0xFF0, v6;
	[tilespmem:v5+s13+$0x0] =	vst.idx.add.s32.msk $0xffff, v2;
	v5 =	vshll.u32 v9, $0x4  }
0x55: {  	v12 =	vld [tilespmem:s23+$0xFFFFE010];
	v9 =	vshll.u32 v11, $0x4;
	v6 =	vor.u32 v3, v6;
	v5 =	vand.u32 $0xFF0, v5  }
0x56: {  	v14 =	vshra.s32 v13, $0x1F;
	v11 =	vld [tilespmem:s25+$0x20];
	v9 =	vand.u32 $0xFF0, v9;
	v5 =	vor.u32 v3, v5  }
0x57: {  	v13 =	vxor.u32 v13, v14;
	v14 =	vshra.s32 v8, $0x1F;
	v9 =	vor.u32 v3, v9;
	[tilespmem:v7+s12+$0x0] =	vst.idx.add.s32.msk $0xffff, v2  }
0x58: {  	v8 =	vxor.u32 v8, v14;
	v7 =	vshll.u32 v13, $0x4;
	v13 =	vld [tilespmem:s21+$0xFFFFE000]  }
0x59: {  	v8 =	vshll.u32 v8, $0x4;
	v7 =	vor.u32 v1, v7;
	v14 =	vld [tilespmem:s21+$0xFFFFE030]  }
0x5a: {  	v8 =	vor.u32 v1, v8;
	v7 =	vand.u32 $0xFFF, v7;
	[tilespmem:v6+s12+$0x0] =	vst.idx.add.s32.msk $0xffff, v2  }
0x5b: {  	v8 =	vand.u32 $0xFFF, v8;
	v6 =	vshra.s32 v11, $0x1F;
	[tilespmem:v5+s12+$0x0] =	vst.idx.add.s32.msk $0xffff, v2  }
0x5c: {  	v5 =	vxor.u32 v11, v6;
	[tilespmem:v9+s12+$0x0] =	vst.idx.add.s32.msk $0xffff, v2  }
0x5d: {  	v5 =	vshll.u32 v5, $0x4;
	v6 =	vshra.s32 v13, $0x1F;
	v9 =	vld [tilespmem:s24+$0x10]  }
0x5e: {  	v5 =	vand.u32 $0xFF0, v5;
	v6 =	vxor.u32 v13, v6;
	v11 =	vshra.s32 v14, $0x1F;
	v13 =	vld [tilespmem:s24+$0x30]  }
0x5f: {  	v6 =	vshll.u32 v6, $0x4;
	[tilespmem:v7+s12+$0x0] =	vst.idx.add.s32.msk $0xffff, v2;
	v7 =	vxor.u32 v14, v11;
	v5 =	vor.u32 v3, v5  }
0x60: {  	[tilespmem:v8+s13+$0x0] =	vst.idx.add.s32.msk $0xffff, v2;
	v6 =	vor.u32 v1, v6;
	v7 =	vshll.u32 v7, $0x4  }
0x61: {  	v8 =	vshra.s32 v12, $0x1F;
	v11 =	vld [tilespmem:s21+$0xFFFFE020];
	v6 =	vand.u32 $0xFFF, v6;
	v7 =	vor.u32 v1, v7  }
0x62: {  	v10 =	vld [tilespmem:s23+$0xFFFFE000];
	v8 =	vxor.u32 v12, v8;
	v7 =	vand.u32 $0xFFF, v7;
	v14 =	vshra.s32 v9, $0x1F  }
0x63: {  	v12 =	vld [tilespmem:s24+$0x0];
	v8 =	vshll.u32 v8, $0x4;
	v9 =	vxor.u32 v9, v14;
	v14 =	vshra.s32 v13, $0x1F  }
0x64: {  	v8 =	vor.u32 v1, v8;
	v9 =	vshll.u32 v9, $0x4;
	[tilespmem:v5+s12+$0x0] =	vst.idx.add.s32.msk $0xffff, v2;
	v5 =	vxor.u32 v13, v14  }
0x65: {  	v8 =	vand.u32 $0xFFF, v8;
	v9 =	vand.u32 $0xFF0, v9;
	v14 =	vld [tilespmem:s24+$0x20];
	v5 =	vshll.u32 v5, $0x4  }
0x66: {  	[tilespmem:v6+s13+$0x0] =	vst.idx.add.s32.msk $0xffff, v2;
	v6 =	vshra.s32 v11, $0x1F;
	v16 =	vor.u32 v3, v9;
	v5 =	vand.u32 $0xFF0, v5  }
0x67: {  	v9 =	vshra.s32 v10, $0x1F;
	v6 =	vxor.u32 v11, v6;
	[tilespmem:v7+s13+$0x0] =	vst.idx.add.s32.msk $0xffff, v2;
	v7 =	vor.u32 v3, v5  }
0x68: {  	v5 =	vxor.u32 v10, v9;
	v9 =	vshra.s32 v15, $0x1F;
	v11 =	vld [tilespmem:s22+$0x0];
	v10 =	vshll.u32 v6, $0x4  }
0x69: {  	v5 =	vshll.u32 v5, $0x4;
	v6 =	vxor.u32 v15, v9;
	v15 =	vld [tilespmem:s22+$0x30];
	v9 =	vshra.s32 v12, $0x1F  }
0x6a: {  	s25 =	simm.s32 $0x12080;
	[tilespmem:v8+s12+$0x0] =	vst.idx.add.s32.msk $0xffff, v2;
	v5 =	vor.u32 v1, v5;
	v8 =	vshll.u32 v6, $0x4;
	v10 =	vor.u32 v1, v10  }
0x6b: {  	v6 =	vld [tilespmem:s25+$0xFFFFE010];
	v12 =	vxor.u32 v12, v9;
	v17 =	vshra.s32 v14, $0x1F;
	v13 =	vand.u32 $0xFFF, v5  }
0x6c: {  	v18 =	vor.u32 v1, v8;
	v8 =	vld [tilespmem:s22+$0x10];
	v10 =	vand.u32 $0xFFF, v10;
	v63 =	vshll.u32 v12, $0x4  }
0x6d: {  	v5 =	vxor.u32 v14, v17;
	v9 =	vand.u32 $0xFFF, v18;
	[tilespmem:v16+s13+$0x0] =	vst.idx.add.s32.msk $0xffff, v2;
	v14 =	vshra.s32 v11, $0x1F  }
0x6e: {  	v5 =	vshll.u32 v5, $0x4;
	[tilespmem:v7+s13+$0x0] =	vst.idx.add.s32.msk $0xffff, v2;
	v7 =	vxor.u32 v11, v14;
	v11 =	vshra.s32 v15, $0x1F  }
0x6f: {  	s26 =	simm.s32 $0x8;
	s28 =	simm.s32 $0x20C0;
	s24 =	simm.s32 $0x12080;
	v14 =	vld [tilespmem:s23+$0xFFFFE020];
	v12 =	vshll.u32 v7, $0x4;
	v11 =	vxor.u32 v15, v11;
	v7 =	vand.u32 $0xFF0, v63  }
.LBB2_5:
0x70: {  	s26 =	sadd.s32 $0x4, s26;
	[tilespmem:v13+s12+$0x0] =	vst.idx.add.s32.msk $0xffff, v2;
	v7 =	vor.u32 v3, v7;
	v5 =	vand.u32 $0xFF0, v5  }
0x71: {  	v13 =	vld [tilespmem:s28+$0xFFFFE000];
	p0 =	slt.u32 s26, $0x1FC;
	v15 =	vshra.s32 v8, $0x1F;
	v5 =	vor.u32 v3, v5  }
0x72: {  	v8 =	vxor.u32 v8, v15;
	[tilespmem:v10+s13+$0x0] =	vst.idx.add.s32.msk $0xffff, v2  }
0x73: {  	v11 =	vshll.u32 v11, $0x4;
	v8 =	vshll.u32 v8, $0x4;
	v10 =	vld [tilespmem:s22+$0x20];
	s22 =	smov.u32 s23;
	s23 =	smov.u32 s28  }
0x74: {  	v12 =	vand.u32 $0xFF0, v12;
	v11 =	vand.u32 $0xFF0, v11;
	v15 =	vld [tilespmem:s28+$0xFFFFE010];
	v16 =	vshra.s32 v14, $0x1F  }
0x75: {  	v12 =	vor.u32 v3, v12;
	v8 =	vand.u32 $0xFF0, v8;
	v14 =	vxor.u32 v14, v16;
	[tilespmem:v7+s13+$0x0] =	vst.idx.add.s32.msk $0xffff, v2  }
0x76: {  	v11 =	vor.u32 v3, v11;
	v8 =	vor.u32 v3, v8;
	v7 =	vshll.u32 v14, $0x4;
	[tilespmem:v5+s13+$0x0] =	vst.idx.add.s32.msk $0xffff, v2  }
0x77: {  	v5 =	vshra.s32 v6, $0x1F;
	v7 =	vor.u32 v1, v7;
	[tilespmem:v9+s12+$0x0] =	vst.idx.add.s32.msk $0xffff, v2  }
0x78: {  	v5 =	vxor.u32 v6, v5;
	v9 =	vld [tilespmem:s25+$0xFFFFE000];
	v6 =	vand.u32 $0xFFF, v7;
	v7 =	vshra.s32 v10, $0x1F  }
0x79: {  	v5 =	vshll.u32 v5, $0x4;
	v14 =	vld [tilespmem:s25+$0xFFFFE030];
	v7 =	vxor.u32 v10, v7  }
0x7a: {  	v5 =	vor.u32 v1, v5;
	[tilespmem:v12+s12+$0x0] =	vst.idx.add.s32.msk $0xffff, v2;
	v7 =	vshll.u32 v7, $0x4  }
0x7b: {  	v10 =	vshra.s32 v15, $0x1F;
	v5 =	vand.u32 $0xFFF, v5;
	v7 =	vand.u32 $0xFF0, v7;
	[tilespmem:v11+s12+$0x0] =	vst.idx.add.s32.msk $0xffff, v2  }
0x7c: {  	v10 =	vxor.u32 v15, v10;
	[tilespmem:v8+s12+$0x0] =	vst.idx.add.s32.msk $0xffff, v2  }
0x7d: {  	v8 =	vshll.u32 v10, $0x4;
	v10 =	vshra.s32 v9, $0x1F;
	v11 =	vld [tilespmem:s21+$0x10]  }
0x7e: {  	s25 =	sadd.s32 $0x40, s25;
	v8 =	vor.u32 v1, v8;
	v9 =	vxor.u32 v9, v10;
	v10 =	vshra.s32 v14, $0x1F;
	v12 =	vld [tilespmem:s21+$0x30]  }
0x7f: {  	v7 =	vor.u32 v3, v7;
	v9 =	vshll.u32 v9, $0x4;
	[tilespmem:v6+s12+$0x0] =	vst.idx.add.s32.msk $0xffff, v2;
	v6 =	vxor.u32 v14, v10  }
0x80: {  	v8 =	vand.u32 $0xFFF, v8;
	v9 =	vor.u32 v1, v9;
	[tilespmem:v5+s13+$0x0] =	vst.idx.add.s32.msk $0xffff, v2;
	v5 =	vshll.u32 v6, $0x4  }
0x81: {  	v6 =	vand.u32 $0xFFF, v9;
	v9 =	vld [tilespmem:s24+$0xFFFFE020];
	v5 =	vor.u32 v1, v5  }
0x82: {  	v5 =	vand.u32 $0xFFF, v5;
	v10 =	vld [tilespmem:s21+$0x0];
	v14 =	vshra.s32 v11, $0x1F  }
0x83: {  	v15 =	vld [tilespmem:s28+$0xFFFFE030];
	v11 =	vxor.u32 v11, v14;
	v14 =	vshra.s32 v12, $0x1F  }
0x84: {  	v11 =	vshll.u32 v11, $0x4;
	[tilespmem:v7+s12+$0x0] =	vst.idx.add.s32.msk $0xffff, v2;
	v7 =	vxor.u32 v12, v14  }
0x85: {  	v11 =	vand.u32 $0xFF0, v11;
	v12 =	vld [tilespmem:s21+$0x20];
	v7 =	vshll.u32 v7, $0x4;
	s21 =	smov.u32 s24;
	s24 =	smov.u32 s25  }
0x86: {  	[tilespmem:v6+s13+$0x0] =	vst.idx.add.s32.msk $0xffff, v2;
	v6 =	vshra.s32 v9, $0x1F;
	v11 =	vor.u32 v3, v11;
	v7 =	vand.u32 $0xFF0, v7  }
0x87: {  	v14 =	vshra.s32 v13, $0x1F;
	v6 =	vxor.u32 v9, v6;
	[tilespmem:v5+s13+$0x0] =	vst.idx.add.s32.msk $0xffff, v2;
	v7 =	vor.u32 v3, v7  }
0x88: {  	v5 =	vxor.u32 v13, v14;
	v9 =	vshra.s32 v15, $0x1F;
	v14 =	vld [tilespmem:s22+$0x0];
	v16 =	vshll.u32 v6, $0x4  }
0x89: {  	v5 =	vshll.u32 v5, $0x4;
	v6 =	vxor.u32 v15, v9;
	v15 =	vld [tilespmem:s22+$0x30];
	v9 =	vshra.s32 v10, $0x1F  }
0x8a: {  	v5 =	vor.u32 v1, v5;
	[tilespmem:v8+s12+$0x0] =	vst.idx.add.s32.msk $0xffff, v2;
	v8 =	vshll.u32 v6, $0x4;
	v17 =	vshra.s32 v12, $0x1F  }
.Ltmp3:
0x8b: {  	v13 =	vand.u32 $0xFFF, v5;
	v6 =	vld [tilespmem:s25+$0xFFFFE010];
	v18 =	vor.u32 v1, v8;
	v5 =	vxor.u32 v12, v17;
	(pc) =	sbr.rel @p0 .LBB2_5-.Ltmp3, $4  }
0x8c: {  	v12 =	vor.u32 v1, v16;
	v16 =	vxor.u32 v10, v9;
	v8 =	vld [tilespmem:s22+$0x10];
	v5 =	vshll.u32 v5, $0x4  }
0x8d: {  	v9 =	vand.u32 $0xFFF, v18;
	v10 =	vand.u32 $0xFFF, v12;
	v17 =	vshra.s32 v14, $0x1F;
	[tilespmem:v7+s13+$0x0] =	vst.idx.add.s32.msk $0xffff, v2  }
0x8e: {  	v16 =	vshll.u32 v16, $0x4;
	v7 =	vxor.u32 v14, v17;
	v17 =	vshra.s32 v15, $0x1F;
	[tilespmem:v11+s13+$0x0] =	vst.idx.add.s32.msk $0xffff, v2  }
0x8f: {  	s28 =	sadd.s32 $0x40, s28;
	v14 =	vld [tilespmem:s23+$0xFFFFE020];
	v12 =	vshll.u32 v7, $0x4;
	v11 =	vxor.u32 v15, v17;
	v7 =	vand.u32 $0xFF0, v16  }
0x90: {  	_ =	sdelay $0x3  }
0x91: {  	v15 =	vshra.s32 v14, $0x1F  }
0x92: {  	[tilespmem:v13+s12+$0x0] =	vst.idx.add.s32.msk $0xffff, v2;
	v37 =	vxor.u32 v14, v15  }
0x93: {  	[tilespmem:v9+s12+$0x0] =	vst.idx.add.s32.msk $0xffff, v2;
	v13 =	vshll.u32 v37, $0x4  }
0x94: {  	v38 =	vld [tilespmem:s25+$0xFFFFE000];
	v9 =	vor.u32 v1, v13  }
0x95: {  	v39 =	vld [tilespmem:s25+$0xFFFFE030];
	v9 =	vand.u32 $0xFFF, v9;
	_ =	sdelay $0x2  }
0x96: {  	v40 =	vshra.s32 v6, $0x1F  }
0x97: {  	v6 =	vxor.u32 v6, v40;
	v41 =	vshra.s32 v38, $0x1F  }
0x98: {  	v6 =	vshll.u32 v6, $0x4;
	v42 =	vshra.s32 v39, $0x1F;
	v13 =	vxor.u32 v38, v41;
	[tilespmem:v9+s12+$0x0] =	vst.idx.add.s32.msk $0xffff, v2  }
0x99: {  	v6 =	vor.u32 v1, v6;
	v43 =	vxor.u32 v39, v42;
	v9 =	vshll.u32 v13, $0x4;
	v44 =	vld [tilespmem:s24+$0xFFFFE020]  }
0x9a: {  	v6 =	vand.u32 $0xFFF, v6;
	v13 =	vshll.u32 v43, $0x4;
	v9 =	vor.u32 v1, v9  }
0x9b: {  	v13 =	vor.u32 v1, v13;
	v9 =	vand.u32 $0xFFF, v9  }
0x9c: {  	v13 =	vand.u32 $0xFFF, v13  }
0x9d: {  	[tilespmem:v10+s13+$0x0] =	vst.idx.add.s32.msk $0xffff, v2  }
0x9e: {  	v10 =	vld [tilespmem:s22+$0x20];
	v45 =	vshra.s32 v44, $0x1F  }
0x9f: {  	v12 =	vand.u32 $0xFF0, v12;
	[tilespmem:v6+s13+$0x0] =	vst.idx.add.s32.msk $0xffff, v2;
	v6 =	vxor.u32 v44, v45  }
0xa0: {  	v12 =	vor.u32 v3, v12;
	[tilespmem:v9+s13+$0x0] =	vst.idx.add.s32.msk $0xffff, v2;
	v9 =	vshra.s32 v8, $0x1F;
	v6 =	vshll.u32 v6, $0x4  }
0xa1: {  	[tilespmem:v13+s13+$0x0] =	vst.idx.add.s32.msk $0xffff, v2;
	v8 =	vxor.u32 v8, v9;
	v9 =	vshll.u32 v11, $0x4;
	v6 =	vor.u32 v1, v6  }
0xa2: {  	v11 =	vld [tilespmem:s23+$0x0];
	v9 =	vand.u32 $0xFF0, v9;
	v6 =	vand.u32 $0xFFF, v6  }
0xa3: {  	v13 =	vld [tilespmem:s23+$0x30];
	v9 =	vor.u32 v3, v9  }
0xa4: {  	v46 =	vshra.s32 v10, $0x1F;
	v8 =	vshll.u32 v8, $0x4  }
0xa5: {  	v10 =	vxor.u32 v10, v46;
	v47 =	vld [tilespmem:s23+$0x10];
	v8 =	vand.u32 $0xFF0, v8  }
0xa6: {  	[tilespmem:v12+s12+$0x0] =	vst.idx.add.s32.msk $0xffff, v2;
	v10 =	vshll.u32 v10, $0x4;
	v8 =	vor.u32 v3, v8  }
0xa7: {  	v10 =	vand.u32 $0xFF0, v10;
	v48 =	vshra.s32 v11, $0x1F;
	[tilespmem:v6+s13+$0x0] =	vst.idx.add.s32.msk $0xffff, v2  }
0xa8: {  	v6 =	vor.u32 v3, v10;
	v10 =	vxor.u32 v11, v48;
	v11 =	vshra.s32 v13, $0x1F;
	[tilespmem:v9+s12+$0x0] =	vst.idx.add.s32.msk $0xffff, v2  }
0xa9: {  	v49 =	vld [tilespmem:s23+$0x20];
	v9 =	vshll.u32 v10, $0x4;
	v10 =	vxor.u32 v13, v11  }
0xaa: {  	v51 =	vld [tilespmem:s21+$0x0];
	v11 =	vshra.s32 v47, $0x1F;
	v10 =	vshll.u32 v10, $0x4;
	v9 =	vand.u32 $0xFF0, v9  }
0xab: {  	[tilespmem:v8+s12+$0x0] =	vst.idx.add.s32.msk $0xffff, v2;
	v8 =	vxor.u32 v47, v11;
	v10 =	vand.u32 $0xFF0, v10;
	v9 =	vor.u32 v3, v9  }
0xac: {  	v50 =	vld [tilespmem:s21+$0x30];
	v8 =	vshll.u32 v8, $0x4;
	v10 =	vor.u32 v3, v10  }
0xad: {  	v11 =	vld [tilespmem:s21+$0x10];
	v8 =	vand.u32 $0xFF0, v8  }
0xae: {  	v8 =	vor.u32 v3, v8;
	[tilespmem:v6+s12+$0x0] =	vst.idx.add.s32.msk $0xffff, v2;
	v52 =	vshra.s32 v49, $0x1F  }
0xaf: {  	v53 =	vld [tilespmem:s21+$0x20];
	v6 =	vxor.u32 v49, v52  }
0xb0: {  	v6 =	vshll.u32 v6, $0x4;
	[tilespmem:v9+s12+$0x0] =	vst.idx.add.s32.msk $0xffff, v2  }
0xb1: {  	v6 =	vand.u32 $0xFF0, v6;
	[tilespmem:v10+s12+$0x0] =	vst.idx.add.s32.msk $0xffff, v2  }
0xb2: {  	v5 =	vand.u32 $0xFF0, v5;
	v55 =	vld [tilespmem:s24+$0x0];
	v6 =	vor.u32 v3, v6  }
0xb3: {  	v7 =	vor.u32 v3, v7;
	v5 =	vor.u32 v3, v5;
	v9 =	vshra.s32 v11, $0x1F;
	[tilespmem:v8+s12+$0x0] =	vst.idx.add.s32.msk $0xffff, v2  }
0xb4: {  	v9 =	vxor.u32 v11, v9;
	v11 =	vshra.s32 v51, $0x1F;
	v8 =	vshra.s32 v50, $0x1F;
	v54 =	vld [tilespmem:s24+$0x30]  }
0xb5: {  	v9 =	vshll.u32 v9, $0x4;
	v11 =	vxor.u32 v51, v11;
	v10 =	vld [tilespmem:s24+$0x10];
	v8 =	vxor.u32 v50, v8  }
0xb6: {  	v9 =	vand.u32 $0xFF0, v9;
	v56 =	vshra.s32 v53, $0x1F;
	v11 =	vshll.u32 v11, $0x4  }
0xb7: {  	v8 =	vshll.u32 v8, $0x4;
	v9 =	vor.u32 v3, v9;
	v11 =	vand.u32 $0xFF0, v11;
	[tilespmem:v6+s12+$0x0] =	vst.idx.add.s32.msk $0xffff, v2  }
0xb8: {  	v8 =	vand.u32 $0xFF0, v8;
	v11 =	vor.u32 v3, v11;
	v60 =	vshra.s32 v55, $0x1F;
	v57 =	vld [tilespmem:s24+$0x20]  }
0xb9: {  	v6 =	vor.u32 v3, v8;
	v8 =	vxor.u32 v53, v56;
	v59 =	vshra.s32 v54, $0x1F  }
0xba: {  	v61 =	vxor.u32 v55, v60;
	v8 =	vshll.u32 v8, $0x4;
	v58 =	vshra.s32 v10, $0x1F  }
0xbb: {  	v13 =	vxor.u32 v54, v59;
	v63 =	vshll.u32 v61, $0x4;
	v8 =	vand.u32 $0xFF0, v8  }
0xbc: {  	v10 =	vxor.u32 v10, v58;
	v13 =	vshll.u32 v13, $0x4;
	v8 =	vor.u32 v3, v8  }
0xbd: {  	[tilespmem:v7+s13+$0x0] =	vst.idx.add.s32.msk $0xffff, v2;
	v10 =	vshll.u32 v10, $0x4;
	v7 =	vand.u32 $0xFF0, v13;
	v62 =	vshra.s32 v57, $0x1F  }
0xbe: {  	[tilespmem:v5+s13+$0x0] =	vst.idx.add.s32.msk $0xffff, v2;
	v10 =	vand.u32 $0xFF0, v10;
	v5 =	vor.u32 v3, v7;
	v7 =	vxor.u32 v57, v62  }
0xbf: {  	[tilespmem:v6+s13+$0x0] =	vst.idx.add.s32.msk $0xffff, v2;
	v6 =	vor.u32 v3, v10;
	v10 =	vand.u32 $0xFF0, v63;
	v7 =	vshll.u32 v7, $0x4  }
0xc0: {  	[tilespmem:v9+s13+$0x0] =	vst.idx.add.s32.msk $0xffff, v2;
	v9 =	vor.u32 v3, v10;
	v7 =	vand.u32 $0xFF0, v7  }
0xc1: {  	[tilespmem:v11+s13+$0x0] =	vst.idx.add.s32.msk $0xffff, v2;
	v7 =	vor.u32 v3, v7  }
0xc2: {  	[tilespmem:v8+s13+$0x0] =	vst.idx.add.s32.msk $0xffff, v2  }
0xc3: {  	[tilespmem:v5+s13+$0x0] =	vst.idx.add.s32.msk $0xffff, v2  }
0xc4: {  	[tilespmem:v6+s13+$0x0] =	vst.idx.add.s32.msk $0xffff, v2  }
0xc5: {  	p4 =	por $0x1, $0x1;
	[tilespmem:v9+s13+$0x0] =	vst.idx.add.s32.msk $0xffff, v2  }
.Ltmp4:
0xc6: {  	s22 =	simm.s32 $0x0;
	[tilespmem:v7+s13+$0x0] =	vst.idx.add.s32.msk $0xffff, v2;
	(pc) =	sbr.rel @!p4 .LBB2_7-.Ltmp4, $4  }
0xc7: {  	v9 =	vld [tilespmem:s22+$0x1A000]  }
0xc8: {  	v7 =	vld [tilespmem:s22+$0x1B000]  }
0xc9: {  	p0 =	por $0x0, $0x0;
	p1 =	por $0x0, $0x0;
	v10 =	vld [tilespmem:s22+$0x18000]  }
0xca: {  	p2 =	por $0x0, $0x0;
	p3 =	por $0x0, $0x0;
	s21 =	simm.s32 $0x0;
	v8 =	vld [tilespmem:s22+$0x19000]  }
0xcb: {  	p4 =	por $0x1, $0x1  }
.Ltmp5:
0xcc: {  	s24 =	simm.s32 $0x10;
	(pc) =	sbr.rel @!p4 .LBB2_9-.Ltmp5, $4  }
0xcd: {  	v12 =	vld [tilespmem:s24+$0x1A000]  }
0xce: {  	v11 =	vld [tilespmem:s24+$0x18000];
	v13 =	vadd.s32 v9, v7  }
0xcf: {  	v7 =	vld [tilespmem:s24+$0x1B000];
	(xrf0) =	vadd.scan.msk.s32 $0xffff, v13;
	v14 =	vadd.s32 v10, v8  }
0xd0: {  	p0 =	por $0x1, $0x1;
	v8 =	vld [tilespmem:s24+$0x19000];
	(xrf0) =	vadd.scan.msk.s32 $0xffff, v14  }
0xd1: {  	_ =	sdelay $0x3  }
0xd2: {  	v5, _, _ =	vpop (xrf0)  }
0xd3: {  	(v2sf) =	vpush v5, $0xF  }
0xd4: {  	v6, _, _ =	vpop (xrf0)  }
0xd5: {  	(v2sf) =	vpush v6, $0xF;
	_ =	sdelay $0x5  }
0xd6: {  	p4 =	por $0x1, $0x1  }
.Ltmp6:
0xd7: {  	s26 =	simm.s32 $0x20;
	(pc) =	sbr.rel @!p4 .LBB2_11-.Ltmp6, $4  }
0xd8: {  	v28 =	vld [tilespmem:s26+$0x18000]  }
0xd9: {  	v16 =	vld [tilespmem:s26+$0x1A000];
	v18 =	vadd.s32 v12, v7  }
0xda: {  	v7 =	vld [tilespmem:s26+$0x1B000];
	(xrf0) =	vadd.scan.msk.s32 $0xffff, v18;
	v15 =	vadd.s32 v11, v8  }
0xdb: {  	p1 =	por $0x1, $0x1;
	v8 =	vld [tilespmem:s26+$0x19000];
	v13 =	vsub.s32 v5, v13;
	(xrf0) =	vadd.scan.msk.s32 $0xffff, v15;
	v14 =	vsub.s32 v6, v14  }
0xdc: {  	_ =	sdelay $0x3  }
0xdd: {  	v5, _, _ =	vpop (xrf0)  }
0xde: {  	(v2sf) =	vpush v5, $0xF;
	v6, _, _ =	vpop (xrf0)  }
0xdf: {  	(v2sf) =	vpush v6, $0xF;
	_ =	sdelay $0x2  }
0xe0: {  	s31 =	simm.s32 $0x30;
	p4 =	por $0x1, $0x1  }
.Ltmp7:
0xe1: {  	v29 =	vld [tilespmem:s31+$0x1A000];
	(pc) =	sbr.rel @!p4 .LBB2_13-.Ltmp7, $4  }
0xe2: {  	v32 =	vld [tilespmem:s31+$0x18000]  }
0xe3: {  	v31 =	vadd.s32 v16, v7  }
0xe4: {  	v7 =	vld [tilespmem:s31+$0x1B000];
	(xrf0) =	vadd.scan.msk.s32 $0xffff, v31;
	v24 =	vadd.s32 v28, v8  }
0xe5: {  	p2 =	por $0x1, $0x1;
	v8 =	vld [tilespmem:s31+$0x19000];
	v17 =	vsub.s32 v5, v18;
	(xrf0) =	vadd.scan.msk.s32 $0xffff, v24;
	v19 =	vsub.s32 v6, v15  }
0xe6: {  	_ =	sdelay $0x3  }
0xe7: {  	v6, _, _ =	vpop (xrf0)  }
0xe8: {  	(v2sf) =	vpush v6, $0xF;
	v22, _, _ =	vpop (xrf0)  }
0xe9: {  	(v2sf) =	vpush v22, $0xF;
	_ =	sdelay $0x2  }
0xea: {  	s23 =	simm.s32 $0x40;
	v20 =	vadd.s32 s21, v13;
	p4 =	por $0x1, $0x1  }
.Ltmp8:
0xeb: {  	v5 =	vld [tilespmem:s23+$0x1A000];
	[tilespmem:s22+$0x1A000] =	vst v20;
	v20 =	vadd.s32 v9, v20;
	(pc) =	sbr.rel @!p4 .LBB2_15-.Ltmp8, $4  }
0xec: {  	v18 =	vadd.s32 v29, v7  }
0xed: {  	v23 =	vadd.s32 s21, v14;
	v7 =	vld [tilespmem:s23+$0x1B000];
	(xrf0) =	vadd.scan.msk.s32 $0xffff, v18  }
0xee: {  	s0 =	simm.s32 $0x140;
	p3 =	por $0x1, $0x1;
	s25 =	simm.s32 $0x0;
	v26 =	vmovc v17;
	[tilespmem:s22+$0x1B000] =	vst v20;
	v15 =	vadd.s32 v32, v8;
	v20 =	vmov v11;
	v21 =	vsub.s32 v6, v31;
	v6 =	vld [tilespmem:s23+$0x18000]  }
0xef: {  	s28 =	simm.s32 $0x0;
	s29 =	simm.s32 $0x10;
	s30 =	simm.s32 $0x0;
	v8 =	vld [tilespmem:s23+$0x19000];
	(xrf0) =	vadd.scan.msk.s32 $0xffff, v15;
	v31 =	vmovc v12;
	v25 =	vsub.s32 v22, v24;
	v22 =	vadd.s32 v10, v23;
	v24 =	vmov v19  }
.LBB2_16:
0xf0: {  	[tilespmem:s25+$0x19000] =	vst v22;
	v27 =	vmov v29;
	v29 =	vmov v5;
	v22 =	vmov v20  }
0xf1: {  	s3 =	sshra.s32 s0, $0x2;
	s7 =	spop (v2sf);
	v20 =	vmovc v28;
	v28 =	vmovc v32;
	v30 =	vmov v15;
	v33 =	vmov v24;
	v24 =	vmov v25;
	p4 =	sne.s32 s0, $0x3FC0  }
.Ltmp9:
0xf2: {  	s0 =	sadd.s32 $0x40, s0;
	v5 =	vld [tilespmem:s3+$0x1A000];
	v25 =	vadd.s32 v29, v7;
	[tilespmem:s25+$0x18000] =	vst v23;
	s28 =	sadd.s32 s28, s7;
	(pc) =	sbr.rel @p4 .LBB2_16-.Ltmp9, $4  }
0xf3: {  	s25 =	smov.u32 s29;
	s29 =	smov.u32 s26;
	v7 =	vld [tilespmem:s3+$0x1B000];
	(xrf0) =	vadd.scan.msk.s32 $0xffff, v25;
	v23, _, _ =	vpop (xrf0);
	v34 =	vadd.s32 s28, v26;
	s7 =	spop (v2sf);
	v32 =	vmov v6;
	v26 =	vmov v21  }
0xf4: {  	s26 =	smov.u32 s31;
	s31 =	smov.u32 s23;
	v6 =	vld [tilespmem:s3+$0x18000];
	v15 =	vadd.s32 v32, v8;
	v21 =	vsub.s32 v23, v18;
	(v2sf) =	vpush v23, $0xF;
	[tilespmem:s25+$0x1A000] =	vst v34;
	s30 =	sadd.s32 s30, s7;
	v18 =	vmovc v25  }
0xf5: {  	s23 =	smov.u32 s3;
	v8 =	vld [tilespmem:s3+$0x19000];
	(xrf0) =	vadd.scan.msk.s32 $0xffff, v15;
	v35, _, _ =	vpop (xrf0);
	v23 =	vadd.s32 s30, v33;
	v33 =	vadd.s32 v31, v34;
	v31 =	vmov v16  }
0xf6: {  	v16 =	vmovc v27;
	v25 =	vsub.s32 v35, v30;
	(v2sf) =	vpush v35, $0xF;
	v22 =	vadd.s32 v22, v23;
	[tilespmem:s25+$0x1B000] =	vst v33  }
0xf7: {  	s0 =	smov.u32 s26;
	v27 =	vmov v29;
	v30 =	vmov v28;
	v29 =	vmov v32;
	s26 =	smov.u32 s31  }
.LBB2_18:
0xf8: {  	_ = 	snop  }
0xf9: {  	v7 =	vadd.s32 v5, v7  }
0xfa: {  	(xrf0) =	vadd.scan.msk.s32 $0xffff, v7;
	v28, _, _ =	vpop @p0 (xrf0);
	v8 =	vadd.s32 v6, v8  }
0xfb: {  	s3 =	spop @p3 (v2sf);
	(v2sf) =	vpush @p0 v28, $0xF;
	(xrf0) =	vadd.scan.msk.s32 $0xffff, v8  }
0xfc: {  	[tilespmem:s25+$0x19000] =	vst @p3 v22;
	v32, _, _ =	vpop @p0 (xrf0)  }
0xfd: {  	[tilespmem:s25+$0x18000] =	vst @p3 v23;
	s25 =	smov.u32 @p0 s26;
	s22 =	smov.u32 @p1 s0;
	s7 =	spop @p3 (v2sf);
	(v2sf) =	vpush @p0 v32, $0xF  }
0xfe: {  	s26 =	simm.s32 $0x0;
	s3 =	sadd.s32 @p3 s28, s3;
	s28 =	simm.s32 $0x0  }
0xff: {  	v14 =	vpsel p1, v25, v14;
	v13 =	vpsel p1, v21, v13;
	v9 =	vpsel p1, v16, v9;
	s24 =	smov.u32 @p0 s25;
	s7 =	sadd.s32 @p3 s30, s7;
	s28 =	smov.u32 @p3 s3  }
0x100: {  	v18 =	vsub.s32 @p0 v28, v18;
	s30 =	simm.s32 $0x0;
	v28 =	vmov @p1 v30;
	s3 =	smov.u32 @p2 s29;
	s0 =	spop @p2 (v2sf);
	v26 =	vadd.s32 @p2 s28, v26;
	v62, _, _ =	vpop (xrf0)  }
0x101: {  	s30 =	smov.u32 @p3 s7;
	s7 =	smov.u32 @p2 s3;
	v10 =	vpsel p1, v28, v10;
	s25 =	spop @p2 (v2sf);
	v22 =	vadd.s32 @p2 v31, v26;
	[tilespmem:s3+$0x1A000] =	vst @p2 v26;
	(v2sf) =	vpush v62, $0xF;
	v63, _, _ =	vpop (xrf0)  }
0x102: {  	s0 =	sadd.s32 @p2 s28, s0;
	v24 =	vadd.s32 @p2 s30, v24;
	v15 =	vsub.s32 @p0 v32, v15;
	s25 =	sadd.s32 @p2 s30, s25;
	[tilespmem:s3+$0x1B000] =	vst @p2 v22;
	s3 =	simm.s32 $0x0;
	(v2sf) =	vpush v63, $0xF  }
0x103: {  	v20 =	vadd.s32 @p2 v20, v24;
	v15 =	vpsel p0, v15, v19;
	v19 =	vpsel p2, v24, v0;
	s26 =	smov.u32 @p2 s25;
	s3 =	smov.u32 @p2 s0  }
0x104: {  	v20 =	vpsel p2, v20, v0;
	[tilespmem:s7+$0x18000] =	vst @p2 v19;
	v14 =	vadd.s32 @p1 s26, v14;
	v13 =	vadd.s32 @p1 s3, v13  }
0x105: {  	v11 =	vpsel p0, v29, v11;
	s25 =	simm.s32 $0x0;
	s0 =	smov.u32 @p1 s22;
	[tilespmem:s7+$0x19000] =	vst @p2 v20;
	v10 =	vadd.s32 @p1 v10, v14;
	v9 =	vadd.s32 @p1 v9, v13  }
0x106: {  	v21 =	vmov @p0 v27;
	v17 =	vpsel p0, v18, v17;
	s7 =	smov.u32 @p0 s24;
	s22 =	smov.u32 @p1 s0;
	[tilespmem:s0+$0x1B000] =	vst @p1 v9;
	v9 =	vpsel p1, v10, v0;
	s24 =	spop @p1 (v2sf)  }
0x107: {  	v12 =	vpsel p0, v21, v12;
	v16 =	vmov @p0 v17;
	[tilespmem:s0+$0x1A000] =	vst @p1 v13;
	v13 =	vpsel p1, v14, v0;
	s0 =	simm.s32 $0x0;
	s3 =	sadd.s32 @p1 s3, s24;
	s24 =	spop @p1 (v2sf)  }
0x108: {  	s7 =	smov.u32 @p0 s7;
	v14 =	vpsel p0, v16, v0;
	v10 =	vpsel p0, v11, v0;
	v11 =	vpsel p0, v15, v0;
	[tilespmem:s22+$0x19000] =	vst @p1 v9;
	s0 =	smov.u32 @p1 s3;
	s24 =	sadd.s32 @p1 s26, s24  }
0x109: {  	[tilespmem:s22+$0x18000] =	vst @p1 v13;
	v9 =	vmov @p0 v11;
	v11 =	vpsel p0, v12, v0;
	s3 =	smov.u32 @p0 s7;
	v12 =	vadd.s32 @p0 s0, v14;
	s25 =	smov.u32 @p1 s24  }
0x10a: {  	[tilespmem:s3+$0x1A000] =	vst @p0 v12;
	v11 =	vadd.s32 @p0 v11, v12;
	v9 =	vadd.s32 @p0 s25, v9;
	s22 =	spop @p0 (v2sf)  }
0x10b: {  	s7 =	smov.u32 @p0 s3;
	[tilespmem:s3+$0x1B000] =	vst @p0 v11;
	s3 =	simm.s32 $0x0;
	v10 =	vadd.s32 @p0 v10, v9;
	v9 =	vpsel p0, v9, v0;
	s0 =	sadd.s32 @p0 s0, s22  }
0x10c: {  	v7 =	vsub.s32 v62, v7;
	v10 =	vpsel p0, v10, v0;
	[tilespmem:s7+$0x18000] =	vst @p0 v9;
	s22 =	spop @p0 (v2sf);
	s3 =	smov.u32 @p0 s0  }
0x10d: {  	[tilespmem:s7+$0x19000] =	vst @p0 v10;
	s0 =	sadd.s32 @p0 s25, s22;
	s22 =	simm.s32 $0x0;
	v7 =	vadd.s32 s3, v7  }
0x10e: {  	v8 =	vsub.s32 v63, v8;
	s22 =	smov.u32 @p0 s0;
	[tilespmem:s23+$0x1A000] =	vst v7;
	v5 =	vadd.s32 v5, v7  }
0x10f: {  	v8 =	vadd.s32 s22, v8;
	[tilespmem:s23+$0x1B000] =	vst v5  }
0x110: {  	v6 =	vadd.s32 v6, v8;
	s30 =	spop (v2sf);
	[tilespmem:s23+$0x18000] =	vst v8  }
0x111: {  	s22 =	simm.s32 $0x2000;
	[tilespmem:s23+$0x19000] =	vst v6;
	s23 =	simm.s32 $0x12000;
	s31 =	spop (v2sf)  }
.LBB2_19:
0x112: {  	v5 =	vld [tilespmem:s22+$0xFFFFE000];
	_ =	sdelay $0x4  }
0x113: {  	v6 =	vshra.s32 v5, $0x1F  }
0x114: {  	v6 =	vor.u32 $0x80000000, v6  }
0x115: {  	v5 =	vxor.u32 v5, v6  }
0x116: {  	v6 =	vshll.u32 v5, $0x4  }
0x117: {  	v6 =	vor.u32 v1, v6  }
0x118: {  	v6 =	vand.u32 $0xFFF, v6;
	_ =	sdelay $0x4  }
0x119: {  	v7 =	vld.idx.msk [tilespmem:v6+s12+$0x0], $0xffff;
	_ =	sdelay $0x4  }
0x11a: {  	v8 =	vshll.u32 v7, $0x4  }
0x11b: {  	v9 =	vshrl.u32 v7, $0xA;
	v8 =	vand.u32 $0x3FF0, v8  }
0x11c: {  	v8 =	vadd.s32 v9, v8;
	_ =	sdelay $0x2  }
0x11d: {  	v7 =	vadd.s32 $0x1, v7  }
0x11e: {  	[tilespmem:v6+s12+$0x0] =	vst.idx.msk $0xffff, v7  }
0x11f: {  	[tilespmem:v8+s14+$0x0] =	vst.idx.msk $0xffff, v5;
	v5 =	vor.u32 s21, v1  }
0x120: {  	[tilespmem:v8+s15+$0x0] =	vst.idx.msk $0xffff, v5  }
0x121: {  	v5 =	vld [tilespmem:s23+$0xFFFFE000];
	_ =	sdelay $0x4  }
0x122: {  	v6 =	vshra.s32 v5, $0x1F  }
0x123: {  	v6 =	vor.u32 $0x80000000, v6  }
0x124: {  	v5 =	vxor.u32 v5, v6  }
0x125: {  	v6 =	vshll.u32 v5, $0x4  }
0x126: {  	v6 =	vor.u32 v1, v6  }
0x127: {  	v6 =	vand.u32 $0xFFF, v6;
	_ =	sdelay $0x4  }
0x128: {  	v7 =	vld.idx.msk [tilespmem:v6+s13+$0x0], $0xffff;
	_ =	sdelay $0x4  }
0x129: {  	v50 =	vshll.u32 v7, $0x4  }
0x12a: {  	v51 =	vshrl.u32 v7, $0xA;
	v8 =	vand.u32 $0x3FF0, v50  }
0x12b: {  	v8 =	vadd.s32 v51, v8;
	_ =	sdelay $0x2  }
0x12c: {  	v7 =	vadd.s32 $0x1, v7  }
0x12d: {  	[tilespmem:v6+s13+$0x0] =	vst.idx.msk $0xffff, v7  }
0x12e: {  	[tilespmem:v8+s16+$0x0] =	vst.idx.msk $0xffff, v5  }
0x12f: {  	v5 =	vld [tilespmem:s22+$0x0];
	_ =	sdelay $0x4  }
0x130: {  	v6 =	vshra.s32 v5, $0x1F  }
0x131: {  	v6 =	vor.u32 $0x80000000, v6  }
0x132: {  	v5 =	vxor.u32 v5, v6  }
0x133: {  	v6 =	vshll.u32 v5, $0x4  }
0x134: {  	v6 =	vand.u32 $0xFF0, v6  }
0x135: {  	v6 =	vor.u32 v3, v6;
	_ =	sdelay $0x4  }
0x136: {  	v7 =	vld.idx.msk [tilespmem:v6+s12+$0x0], $0xffff;
	_ =	sdelay $0x4  }
0x137: {  	v52 =	vshll.u32 v7, $0x4  }
0x138: {  	v53 =	vshrl.u32 v7, $0xA;
	v8 =	vand.u32 $0x3FF0, v52  }
0x139: {  	v8 =	vadd.s32 v53, v8;
	_ =	sdelay $0x2  }
0x13a: {  	v7 =	vadd.s32 $0x1, v7  }
0x13b: {  	s0 =	sadd.s32 $0x2000, s21;
	[tilespmem:v6+s12+$0x0] =	vst.idx.msk $0xffff, v7  }
0x13c: {  	[tilespmem:v8+s14+$0x0] =	vst.idx.msk $0xffff, v5;
	v5 =	vor.u32 s0, v1  }
0x13d: {  	[tilespmem:v8+s15+$0x0] =	vst.idx.msk $0xffff, v5  }
0x13e: {  	v5 =	vld [tilespmem:s23+$0x0];
	_ =	sdelay $0x4  }
0x13f: {  	v6 =	vshra.s32 v5, $0x1F  }
0x140: {  	v6 =	vor.u32 $0x80000000, v6  }
0x141: {  	v5 =	vxor.u32 v5, v6  }
0x142: {  	v6 =	vshll.u32 v5, $0x4  }
0x143: {  	v6 =	vand.u32 $0xFF0, v6  }
0x144: {  	v6 =	vor.u32 v3, v6;
	_ =	sdelay $0x4  }
0x145: {  	v7 =	vld.idx.msk [tilespmem:v6+s13+$0x0], $0xffff;
	_ =	sdelay $0x4  }
0x146: {  	v54 =	vshll.u32 v7, $0x4  }
0x147: {  	v55 =	vshrl.u32 v7, $0xA;
	v8 =	vand.u32 $0x3FF0, v54  }
0x148: {  	v8 =	vadd.s32 v55, v8;
	_ =	sdelay $0x2  }
0x149: {  	v7 =	vadd.s32 $0x1, v7  }
0x14a: {  	[tilespmem:v6+s13+$0x0] =	vst.idx.msk $0xffff, v7  }
0x14b: {  	[tilespmem:v8+s16+$0x0] =	vst.idx.msk $0xffff, v5  }
0x14c: {  	v5 =	vld [tilespmem:s22+$0xFFFFE010];
	_ =	sdelay $0x4  }
0x14d: {  	v6 =	vshra.s32 v5, $0x1F  }
0x14e: {  	v6 =	vor.u32 $0x80000000, v6  }
0x14f: {  	v5 =	vxor.u32 v5, v6  }
0x150: {  	v6 =	vshll.u32 v5, $0x4  }
0x151: {  	v6 =	vor.u32 v1, v6  }
0x152: {  	v6 =	vand.u32 $0xFFF, v6;
	_ =	sdelay $0x4  }
0x153: {  	v7 =	vld.idx.msk [tilespmem:v6+s12+$0x0], $0xffff;
	_ =	sdelay $0x4  }
0x154: {  	v56 =	vshll.u32 v7, $0x4  }
0x155: {  	v57 =	vshrl.u32 v7, $0xA;
	v8 =	vand.u32 $0x3FF0, v56  }
0x156: {  	v8 =	vadd.s32 v57, v8;
	_ =	sdelay $0x2  }
0x157: {  	v7 =	vadd.s32 $0x1, v7  }
0x158: {  	s30 =	sadd.s32 $0x10, s21;
	[tilespmem:v6+s12+$0x0] =	vst.idx.msk $0xffff, v7  }
0x159: {  	[tilespmem:v8+s14+$0x0] =	vst.idx.msk $0xffff, v5;
	v5 =	vor.u32 s30, v1  }
0x15a: {  	[tilespmem:v8+s15+$0x0] =	vst.idx.msk $0xffff, v5  }
0x15b: {  	v5 =	vld [tilespmem:s23+$0xFFFFE010];
	_ =	sdelay $0x4  }
0x15c: {  	v6 =	vshra.s32 v5, $0x1F  }
0x15d: {  	v6 =	vor.u32 $0x80000000, v6  }
0x15e: {  	v5 =	vxor.u32 v5, v6  }
0x15f: {  	v6 =	vshll.u32 v5, $0x4  }
0x160: {  	v6 =	vor.u32 v1, v6  }
0x161: {  	v6 =	vand.u32 $0xFFF, v6;
	_ =	sdelay $0x4  }
0x162: {  	v7 =	vld.idx.msk [tilespmem:v6+s13+$0x0], $0xffff;
	_ =	sdelay $0x4  }
0x163: {  	v58 =	vshll.u32 v7, $0x4  }
0x164: {  	v59 =	vshrl.u32 v7, $0xA;
	v8 =	vand.u32 $0x3FF0, v58  }
0x165: {  	v8 =	vadd.s32 v59, v8;
	_ =	sdelay $0x2  }
0x166: {  	v7 =	vadd.s32 $0x1, v7  }
0x167: {  	[tilespmem:v6+s13+$0x0] =	vst.idx.msk $0xffff, v7  }
0x168: {  	[tilespmem:v8+s16+$0x0] =	vst.idx.msk $0xffff, v5  }
0x169: {  	v5 =	vld [tilespmem:s22+$0x10];
	_ =	sdelay $0x4  }
0x16a: {  	v6 =	vshra.s32 v5, $0x1F  }
0x16b: {  	v6 =	vor.u32 $0x80000000, v6  }
0x16c: {  	v5 =	vxor.u32 v5, v6  }
0x16d: {  	v6 =	vshll.u32 v5, $0x4  }
0x16e: {  	v6 =	vand.u32 $0xFF0, v6  }
0x16f: {  	v6 =	vor.u32 v3, v6;
	_ =	sdelay $0x4  }
0x170: {  	v7 =	vld.idx.msk [tilespmem:v6+s12+$0x0], $0xffff;
	_ =	sdelay $0x4  }
0x171: {  	v60 =	vshll.u32 v7, $0x4  }
0x172: {  	v61 =	vshrl.u32 v7, $0xA;
	v8 =	vand.u32 $0x3FF0, v60  }
0x173: {  	v8 =	vadd.s32 v61, v8;
	_ =	sdelay $0x2  }
0x174: {  	v7 =	vadd.s32 $0x1, v7  }
0x175: {  	s31 =	sadd.s32 $0x2010, s21;
	[tilespmem:v6+s12+$0x0] =	vst.idx.msk $0xffff, v7  }
0x176: {  	[tilespmem:v8+s14+$0x0] =	vst.idx.msk $0xffff, v5;
	v5 =	vor.u32 s31, v1  }
0x177: {  	[tilespmem:v8+s15+$0x0] =	vst.idx.msk $0xffff, v5  }
0x178: {  	v5 =	vld [tilespmem:s23+$0x10];
	_ =	sdelay $0x4  }
0x179: {  	v6 =	vshra.s32 v5, $0x1F  }
0x17a: {  	v6 =	vor.u32 $0x80000000, v6  }
0x17b: {  	v5 =	vxor.u32 v5, v6  }
0x17c: {  	v6 =	vshll.u32 v5, $0x4  }
0x17d: {  	v6 =	vand.u32 $0xFF0, v6  }
0x17e: {  	v6 =	vor.u32 v3, v6;
	_ =	sdelay $0x4  }
0x17f: {  	v7 =	vld.idx.msk [tilespmem:v6+s13+$0x0], $0xffff;
	_ =	sdelay $0x4  }
0x180: {  	v62 =	vshll.u32 v7, $0x4  }
0x181: {  	v63 =	vshrl.u32 v7, $0xA;
	v8 =	vand.u32 $0x3FF0, v62  }
0x182: {  	p0 =	sne.s32 s21, $0x1FE0;
	v8 =	vadd.s32 v63, v8  }
.Ltmp10:
0x183: {  	_ = 	snop;
	(pc) =	sbr.rel @p0 .LBB2_19-.Ltmp10, $4  }
0x184: {  	_ = 	snop  }
0x185: {  	v7 =	vadd.s32 $0x1, v7  }
0x186: {  	[tilespmem:v6+s13+$0x0] =	vst.idx.msk $0xffff, v7  }
0x187: {  	s21 =	sadd.s32 $0x20, s21;
	s22 =	sadd.s32 $0x20, s22;
	s23 =	sadd.s32 $0x20, s23;
	[tilespmem:v8+s16+$0x0] =	vst.idx.msk $0xffff, v5  }
0x188: {  	s0 =	simm.s32 $0x18020  }
0x189: {  	[tilespmem:s0+$0xFFFFFFF0] =	vst v0  }
0x18a: {  	[tilespmem:s0+$0x0] =	vst v0  }
0x18b: {  	[tilespmem:s0+$0x10] =	vst v0  }
0x18c: {  	s21 =	simm.s32 $0x1A020;
	[tilespmem:s0+$0xFFFFFFE0] =	vst v0  }
0x18d: {  	[tilespmem:s21+$0xFFFFFFF0] =	vst v0  }
0x18e: {  	[tilespmem:s21+$0x0] =	vst v0  }
0x18f: {  	s22 =	simm.s32 $0x0;
	[tilespmem:s21+$0x10] =	vst v0  }
0x190: {  	s24 =	simm.s32 $0x18060;
	s23 =	simm.s32 $0x16000;
	s0 =	simm.s32 $0xA000;
	[tilespmem:s21+$0xFFFFFFE0] =	vst v0  }
.LBB2_21:
0x191: {  	[tilespmem:s24+$0xFFFFFFF0] =	vst v0;
	s21 =	sadd.s32 $0x40, s21  }
0x192: {  	s22 =	sadd.s32 $0x4, s22;
	[tilespmem:s21+$0xFFFFFFF0] =	vst v0  }
0x193: {  	p0 =	slt.u32 s22, $0x1FC;
	[tilespmem:s24+$0x0] =	vst v0  }
.Ltmp11:
0x194: {  	[tilespmem:s21+$0x0] =	vst v0;
	(pc) =	sbr.rel @p0 .LBB2_21-.Ltmp11, $4  }
0x195: {  	[tilespmem:s24+$0x10] =	vst v0  }
0x196: {  	[tilespmem:s21+$0x10] =	vst v0  }
0x197: {  	[tilespmem:s24+$0xFFFFFFE0] =	vst v0  }
0x198: {  	s24 =	sadd.s32 $0x40, s24;
	[tilespmem:s21+$0xFFFFFFE0] =	vst v0  }
0x199: {  	v5 =	vld [tilespmem:s0+$0xFFFFE030];
	_ =	sdelay $0x4  }
0x19a: {  	v5 =	vshrl.u32 v5, $0x4  }
0x19b: {  	v5 =	vand.u32 $0xFF0, v5  }
0x19c: {  	v6 =	vld [tilespmem:s0+$0xFFFFE000];
	v5 =	vor.u32 v1, v5;
	_ =	sdelay $0x3  }
0x19d: {  	v7 =	vld [tilespmem:s0+$0xFFFFE010]  }
0x19e: {  	v6 =	vshrl.u32 v6, $0x4;
	[tilespmem:v5+s12+$0x0] =	vst.idx.add.s32.msk $0xffff, v2  }
0x19f: {  	v5 =	vand.u32 $0xFF0, v6;
	v6 =	vld [tilespmem:s23+$0xFFFFE030]  }
0x1a0: {  	v5 =	vor.u32 v1, v5  }
0x1a1: {  	v8 =	vld [tilespmem:s0+$0xFFFFE020]  }
0x1a2: {  	v7 =	vshrl.u32 v7, $0x4  }
0x1a3: {  	v7 =	vand.u32 $0xFF0, v7  }
0x1a4: {  	v7 =	vor.u32 v1, v7;
	v6 =	vshrl.u32 v6, $0x4  }
0x1a5: {  	[tilespmem:v5+s12+$0x0] =	vst.idx.add.s32.msk $0xffff, v2;
	v5 =	vand.u32 $0xFF0, v6  }
0x1a6: {  	v6 =	vshrl.u32 v8, $0x4;
	v8 =	vld [tilespmem:s23+$0xFFFFE000];
	v5 =	vor.u32 v1, v5  }
0x1a7: {  	v6 =	vand.u32 $0xFF0, v6  }
0x1a8: {  	v6 =	vor.u32 v1, v6  }
0x1a9: {  	[tilespmem:v7+s12+$0x0] =	vst.idx.add.s32.msk $0xffff, v2  }
0x1aa: {  	v7 =	vld [tilespmem:s23+$0xFFFFE010]  }
0x1ab: {  	v8 =	vshrl.u32 v8, $0x4;
	[tilespmem:v5+s13+$0x0] =	vst.idx.add.s32.msk $0xffff, v2  }
0x1ac: {  	v5 =	vand.u32 $0xFF0, v8;
	v8 =	vld [tilespmem:s0+$0x30]  }
0x1ad: {  	[tilespmem:v6+s12+$0x0] =	vst.idx.add.s32.msk $0xffff, v2;
	v5 =	vor.u32 v1, v5  }
0x1ae: {  	v6 =	vld [tilespmem:s23+$0xFFFFE020]  }
0x1af: {  	v7 =	vshrl.u32 v7, $0x4  }
0x1b0: {  	s21 =	simm.s32 $0xA040;
	v7 =	vand.u32 $0xFF0, v7  }
0x1b1: {  	v9 =	vld [tilespmem:s21+$0xFFFFE030];
	v7 =	vor.u32 v1, v7;
	v8 =	vshrl.u32 v8, $0x4  }
0x1b2: {  	[tilespmem:v5+s13+$0x0] =	vst.idx.add.s32.msk $0xffff, v2;
	v5 =	vand.u32 $0xFF0, v8  }
0x1b3: {  	v6 =	vshrl.u32 v6, $0x4;
	v8 =	vld [tilespmem:s0+$0x0];
	v5 =	vor.u32 v3, v5  }
0x1b4: {  	v10 =	vld [tilespmem:s21+$0xFFFFE010];
	v6 =	vand.u32 $0xFF0, v6  }
0x1b5: {  	v11 =	vld [tilespmem:s21+$0xFFFFE000];
	v6 =	vor.u32 v1, v6  }
0x1b6: {  	[tilespmem:v7+s13+$0x0] =	vst.idx.add.s32.msk $0xffff, v2;
	v7 =	vshrl.u32 v9, $0x4  }
0x1b7: {  	v9 =	vld [tilespmem:s21+$0xFFFFE020];
	v7 =	vand.u32 $0xFF0, v7  }
0x1b8: {  	v8 =	vshrl.u32 v8, $0x4;
	[tilespmem:v5+s12+$0x0] =	vst.idx.add.s32.msk $0xffff, v2;
	v5 =	vor.u32 v1, v7  }
0x1b9: {  	v7 =	vand.u32 $0xFF0, v8;
	v8 =	vshrl.u32 v10, $0x4;
	v10 =	vld [tilespmem:s23+$0x30]  }
0x1ba: {  	[tilespmem:v6+s13+$0x0] =	vst.idx.add.s32.msk $0xffff, v2;
	v6 =	vor.u32 v3, v7;
	v7 =	vand.u32 $0xFF0, v8;
	v8 =	vshrl.u32 v11, $0x4  }
0x1bb: {  	v11 =	vld [tilespmem:s0+$0x10];
	v7 =	vor.u32 v1, v7;
	v8 =	vand.u32 $0xFF0, v8  }
0x1bc: {  	v12 =	vld [tilespmem:s0+$0x20];
	v8 =	vor.u32 v1, v8  }
0x1bd: {  	s22 =	simm.s32 $0x16040;
	v9 =	vshrl.u32 v9, $0x4;
	[tilespmem:v5+s12+$0x0] =	vst.idx.add.s32.msk $0xffff, v2  }
0x1be: {  	v5 =	vand.u32 $0xFF0, v9;
	v9 =	vshrl.u32 v10, $0x4;
	v10 =	vld [tilespmem:s22+$0xFFFFE030]  }
0x1bf: {  	v5 =	vor.u32 v1, v5;
	[tilespmem:v6+s12+$0x0] =	vst.idx.add.s32.msk $0xffff, v2;
	v6 =	vand.u32 $0xFF0, v9  }
0x1c0: {  	v9 =	vshrl.u32 v11, $0x4;
	[tilespmem:v7+s12+$0x0] =	vst.idx.add.s32.msk $0xffff, v2;
	v6 =	vor.u32 v3, v6  }
0x1c1: {  	v7 =	vand.u32 $0xFF0, v9;
	[tilespmem:v8+s12+$0x0] =	vst.idx.add.s32.msk $0xffff, v2  }
0x1c2: {  	v7 =	vor.u32 v3, v7;
	v8 =	vld [tilespmem:s22+$0xFFFFE000]  }
0x1c3: {  	v9 =	vld [tilespmem:s22+$0xFFFFE010];
	v10 =	vshrl.u32 v10, $0x4  }
0x1c4: {  	[tilespmem:v5+s12+$0x0] =	vst.idx.add.s32.msk $0xffff, v2;
	v5 =	vand.u32 $0xFF0, v10  }
0x1c5: {  	v10 =	vshrl.u32 v12, $0x4;
	[tilespmem:v6+s13+$0x0] =	vst.idx.add.s32.msk $0xffff, v2;
	v5 =	vor.u32 v1, v5  }
0x1c6: {  	v6 =	vand.u32 $0xFF0, v10;
	v10 =	vld [tilespmem:s22+$0xFFFFE020]  }
0x1c7: {  	v6 =	vor.u32 v3, v6;
	[tilespmem:v7+s12+$0x0] =	vst.idx.add.s32.msk $0xffff, v2;
	v7 =	vshrl.u32 v8, $0x4  }
0x1c8: {  	v8 =	vshrl.u32 v9, $0x4;
	v9 =	vld [tilespmem:s23+$0x0];
	v7 =	vand.u32 $0xFF0, v7  }
0x1c9: {  	v11 =	vor.u32 v1, v7;
	v7 =	vand.u32 $0xFF0, v8;
	v8 =	vld [tilespmem:s23+$0x10]  }
0x1ca: {  	[tilespmem:v5+s13+$0x0] =	vst.idx.add.s32.msk $0xffff, v2  }
0x1cb: {  	v63 =	vor.u32 v1, v7;
	v13 =	vld [tilespmem:s21+$0x30]  }
0x1cc: {  	[tilespmem:v6+s12+$0x0] =	vst.idx.add.s32.msk $0xffff, v2  }
0x1cd: {  	v7 =	vld [tilespmem:s23+$0x20]  }
0x1ce: {  	v5 =	vshrl.u32 v10, $0x4  }
0x1cf: {  	v5 =	vand.u32 $0xFF0, v5;
	v6 =	vshrl.u32 v9, $0x4;
	[tilespmem:v11+s13+$0x0] =	vst.idx.add.s32.msk $0xffff, v2;
	v9 =	vshrl.u32 v8, $0x4  }
0x1d0: {  	v8 =	vor.u32 v1, v5;
	v5 =	vand.u32 $0xFF0, v6;
	[tilespmem:v63+s13+$0x0] =	vst.idx.add.s32.msk $0xffff, v2;
	v6 =	vand.u32 $0xFF0, v9  }
0x1d1: {  	s24 =	simm.s32 $0x4;
	s25 =	simm.s32 $0xA080;
	s23 =	simm.s32 $0x16040;
	v5 =	vor.u32 v3, v5;
	v9 =	vld [tilespmem:s21+$0x0];
	v6 =	vor.u32 v3, v6;
	v10 =	vshrl.u32 v13, $0x4  }
.LBB2_23:
0x1d2: {  	v11 =	vld [tilespmem:s25+$0xFFFFE030];
	s24 =	sadd.s32 $0x4, s24;
	v10 =	vand.u32 $0xFF0, v10;
	v7 =	vshrl.u32 v7, $0x4  }
0x1d3: {  	v12 =	vld [tilespmem:s25+$0xFFFFE010];
	p0 =	slt.u32 s24, $0x1FC;
	v10 =	vor.u32 v3, v10;
	v7 =	vand.u32 $0xFF0, v7  }
0x1d4: {  	v13 =	vld [tilespmem:s25+$0xFFFFE020];
	v14 =	vor.u32 v3, v7  }
0x1d5: {  	v7 =	vld [tilespmem:s25+$0xFFFFE000]  }
0x1d6: {  	v9 =	vshrl.u32 v9, $0x4;
	[tilespmem:v8+s13+$0x0] =	vst.idx.add.s32.msk $0xffff, v2  }
0x1d7: {  	v8 =	vshrl.u32 v11, $0x4;
	v9 =	vand.u32 $0xFF0, v9;
	v11 =	vld [tilespmem:s21+$0x10]  }
0x1d8: {  	v12 =	vshrl.u32 v12, $0x4;
	v8 =	vand.u32 $0xFF0, v8;
	v9 =	vor.u32 v3, v9;
	[tilespmem:v10+s12+$0x0] =	vst.idx.add.s32.msk $0xffff, v2  }
0x1d9: {  	v10 =	vand.u32 $0xFF0, v12;
	v12 =	vshrl.u32 v13, $0x4;
	v8 =	vor.u32 v1, v8;
	v13 =	vld [tilespmem:s22+$0x30]  }
0x1da: {  	v7 =	vshrl.u32 v7, $0x4;
	v10 =	vor.u32 v1, v10;
	v12 =	vand.u32 $0xFF0, v12;
	v15 =	vld [tilespmem:s21+$0x20];
	s21 =	smov.u32 s25  }
0x1db: {  	v7 =	vand.u32 $0xFF0, v7;
	v12 =	vor.u32 v1, v12;
	[tilespmem:v5+s13+$0x0] =	vst.idx.add.s32.msk $0xffff, v2  }
0x1dc: {  	v5 =	vor.u32 v1, v7;
	v7 =	vshrl.u32 v11, $0x4;
	[tilespmem:v6+s13+$0x0] =	vst.idx.add.s32.msk $0xffff, v2  }
0x1dd: {  	[tilespmem:v9+s12+$0x0] =	vst.idx.add.s32.msk $0xffff, v2;
	v6 =	vand.u32 $0xFF0, v7  }
0x1de: {  	s22 =	sadd.s32 $0x40, s22;
	[tilespmem:v8+s12+$0x0] =	vst.idx.add.s32.msk $0xffff, v2;
	v6 =	vor.u32 v3, v6;
	v7 =	vshrl.u32 v13, $0x4  }
0x1df: {  	v8 =	vld [tilespmem:s22+$0xFFFFE030];
	v9 =	vshrl.u32 v15, $0x4;
	v7 =	vand.u32 $0xFF0, v7  }
0x1e0: {  	[tilespmem:v10+s12+$0x0] =	vst.idx.add.s32.msk $0xffff, v2;
	v9 =	vand.u32 $0xFF0, v9;
	v7 =	vor.u32 v3, v7  }
0x1e1: {  	[tilespmem:v5+s12+$0x0] =	vst.idx.add.s32.msk $0xffff, v2;
	v5 =	vor.u32 v3, v9  }
0x1e2: {  	[tilespmem:v12+s12+$0x0] =	vst.idx.add.s32.msk $0xffff, v2  }
0x1e3: {  	v9 =	vld [tilespmem:s22+$0xFFFFE000]  }
0x1e4: {  	v10 =	vld [tilespmem:s22+$0xFFFFE010];
	v8 =	vshrl.u32 v8, $0x4  }
0x1e5: {  	v8 =	vand.u32 $0xFF0, v8;
	[tilespmem:v7+s13+$0x0] =	vst.idx.add.s32.msk $0xffff, v2  }
0x1e6: {  	v7 =	vld [tilespmem:s22+$0xFFFFE020];
	v8 =	vor.u32 v1, v8  }
0x1e7: {  	[tilespmem:v6+s12+$0x0] =	vst.idx.add.s32.msk $0xffff, v2  }
0x1e8: {  	v6 =	vshrl.u32 v9, $0x4;
	[tilespmem:v5+s12+$0x0] =	vst.idx.add.s32.msk $0xffff, v2  }
0x1e9: {  	v5 =	vand.u32 $0xFF0, v6;
	v6 =	vshrl.u32 v10, $0x4;
	v9 =	vld [tilespmem:s23+$0x0]  }
0x1ea: {  	v5 =	vor.u32 v1, v5;
	v6 =	vand.u32 $0xFF0, v6;
	v10 =	vld [tilespmem:s23+$0x10]  }
0x1eb: {  	v6 =	vor.u32 v1, v6;
	v7 =	vshrl.u32 v7, $0x4;
	[tilespmem:v8+s13+$0x0] =	vst.idx.add.s32.msk $0xffff, v2  }
0x1ec: {  	v7 =	vand.u32 $0xFF0, v7;
	v11 =	vld [tilespmem:s25+$0x30]  }
.Ltmp12:
0x1ed: {  	v8 =	vor.u32 v1, v7;
	v7 =	vld [tilespmem:s23+$0x20];
	s23 =	smov.u32 s22;
	(pc) =	sbr.rel @p0 .LBB2_23-.Ltmp12, $4  }
0x1ee: {  	v9 =	vshrl.u32 v9, $0x4;
	[tilespmem:v14+s13+$0x0] =	vst.idx.add.s32.msk $0xffff, v2  }
0x1ef: {  	[tilespmem:v5+s13+$0x0] =	vst.idx.add.s32.msk $0xffff, v2;
	v5 =	vand.u32 $0xFF0, v9;
	v9 =	vshrl.u32 v10, $0x4  }
0x1f0: {  	[tilespmem:v6+s13+$0x0] =	vst.idx.add.s32.msk $0xffff, v2;
	v5 =	vor.u32 v3, v5;
	v6 =	vand.u32 $0xFF0, v9  }
0x1f1: {  	s25 =	sadd.s32 $0x40, s25;
	v9 =	vld [tilespmem:s21+$0x0];
	v10 =	vshrl.u32 v11, $0x4;
	v6 =	vor.u32 v3, v6  }
0x1f2: {  	_ =	sdelay $0x3  }
0x1f3: {  	[tilespmem:v8+s13+$0x0] =	vst.idx.add.s32.msk $0xffff, v2  }
0x1f4: {  	v8 =	vld [tilespmem:s21+$0x10];
	_ =	sdelay $0x1  }
0x1f5: {  	v11 =	vld [tilespmem:s21+$0x20]  }
0x1f6: {  	v10 =	vand.u32 $0xFF0, v10  }
0x1f7: {  	v10 =	vor.u32 v3, v10;
	v9 =	vshrl.u32 v9, $0x4  }
0x1f8: {  	v9 =	vand.u32 $0xFF0, v9;
	v8 =	vshrl.u32 v8, $0x4  }
0x1f9: {  	v9 =	vor.u32 v3, v9;
	v8 =	vand.u32 $0xFF0, v8  }
0x1fa: {  	v11 =	vshrl.u32 v11, $0x4;
	v8 =	vor.u32 v3, v8  }
0x1fb: {  	v11 =	vand.u32 $0xFF0, v11  }
0x1fc: {  	[tilespmem:v10+s12+$0x0] =	vst.idx.add.s32.msk $0xffff, v2;
	v11 =	vor.u32 v3, v11  }
0x1fd: {  	v10 =	vld [tilespmem:s22+$0x30]  }
0x1fe: {  	[tilespmem:v9+s12+$0x0] =	vst.idx.add.s32.msk $0xffff, v2  }
0x1ff: {  	[tilespmem:v8+s12+$0x0] =	vst.idx.add.s32.msk $0xffff, v2  }
0x200: {  	v8 =	vld [tilespmem:s23+$0x0]  }
0x201: {  	[tilespmem:v11+s12+$0x0] =	vst.idx.add.s32.msk $0xffff, v2  }
0x202: {  	v9 =	vld [tilespmem:s23+$0x10]  }
0x203: {  	v11 =	vld [tilespmem:s23+$0x20]  }
0x204: {  	v7 =	vshrl.u32 v7, $0x4  }
0x205: {  	v7 =	vand.u32 $0xFF0, v7;
	v10 =	vshrl.u32 v10, $0x4  }
0x206: {  	v7 =	vor.u32 v3, v7;
	v10 =	vand.u32 $0xFF0, v10;
	v8 =	vshrl.u32 v8, $0x4  }
0x207: {  	v10 =	vor.u32 v3, v10;
	v8 =	vand.u32 $0xFF0, v8;
	v9 =	vshrl.u32 v9, $0x4  }
0x208: {  	v8 =	vor.u32 v3, v8;
	v9 =	vand.u32 $0xFF0, v9;
	v11 =	vshrl.u32 v11, $0x4  }
0x209: {  	[tilespmem:v5+s13+$0x0] =	vst.idx.add.s32.msk $0xffff, v2;
	v5 =	vor.u32 v3, v9;
	v9 =	vand.u32 $0xFF0, v11  }
0x20a: {  	[tilespmem:v6+s13+$0x0] =	vst.idx.add.s32.msk $0xffff, v2;
	v6 =	vor.u32 v3, v9  }
0x20b: {  	[tilespmem:v7+s13+$0x0] =	vst.idx.add.s32.msk $0xffff, v2  }
0x20c: {  	[tilespmem:v10+s13+$0x0] =	vst.idx.add.s32.msk $0xffff, v2  }
0x20d: {  	[tilespmem:v8+s13+$0x0] =	vst.idx.add.s32.msk $0xffff, v2  }
0x20e: {  	p4 =	por $0x1, $0x1;
	[tilespmem:v5+s13+$0x0] =	vst.idx.add.s32.msk $0xffff, v2  }
.Ltmp13:
0x20f: {  	s22 =	simm.s32 $0x0;
	[tilespmem:v6+s13+$0x0] =	vst.idx.add.s32.msk $0xffff, v2;
	(pc) =	sbr.rel @!p4 .LBB2_25-.Ltmp13, $4  }
0x210: {  	v9 =	vld [tilespmem:s22+$0x1A000]  }
0x211: {  	v7 =	vld [tilespmem:s22+$0x1B000]  }
0x212: {  	p0 =	por $0x0, $0x0;
	p1 =	por $0x0, $0x0;
	v10 =	vld [tilespmem:s22+$0x18000]  }
0x213: {  	p2 =	por $0x0, $0x0;
	p3 =	por $0x0, $0x0;
	s21 =	simm.s32 $0x0;
	v8 =	vld [tilespmem:s22+$0x19000]  }
0x214: {  	p4 =	por $0x1, $0x1  }
.Ltmp14:
0x215: {  	s24 =	simm.s32 $0x10;
	(pc) =	sbr.rel @!p4 .LBB2_27-.Ltmp14, $4  }
0x216: {  	v12 =	vld [tilespmem:s24+$0x1A000]  }
0x217: {  	v11 =	vld [tilespmem:s24+$0x18000];
	v13 =	vadd.s32 v9, v7  }
0x218: {  	v7 =	vld [tilespmem:s24+$0x1B000];
	(xrf0) =	vadd.scan.msk.s32 $0xffff, v13;
	v14 =	vadd.s32 v10, v8  }
0x219: {  	p0 =	por $0x1, $0x1;
	v8 =	vld [tilespmem:s24+$0x19000];
	(xrf0) =	vadd.scan.msk.s32 $0xffff, v14  }
0x21a: {  	_ =	sdelay $0x3  }
0x21b: {  	v5, _, _ =	vpop (xrf0)  }
0x21c: {  	(v2sf) =	vpush v5, $0xF  }
0x21d: {  	v6, _, _ =	vpop (xrf0)  }
0x21e: {  	(v2sf) =	vpush v6, $0xF;
	_ =	sdelay $0x5  }
0x21f: {  	p4 =	por $0x1, $0x1  }
.Ltmp15:
0x220: {  	s26 =	simm.s32 $0x20;
	(pc) =	sbr.rel @!p4 .LBB2_29-.Ltmp15, $4  }
0x221: {  	v28 =	vld [tilespmem:s26+$0x18000]  }
0x222: {  	v16 =	vld [tilespmem:s26+$0x1A000];
	v18 =	vadd.s32 v12, v7  }
0x223: {  	v7 =	vld [tilespmem:s26+$0x1B000];
	(xrf0) =	vadd.scan.msk.s32 $0xffff, v18;
	v15 =	vadd.s32 v11, v8  }
0x224: {  	p1 =	por $0x1, $0x1;
	v8 =	vld [tilespmem:s26+$0x19000];
	v13 =	vsub.s32 v5, v13;
	(xrf0) =	vadd.scan.msk.s32 $0xffff, v15;
	v14 =	vsub.s32 v6, v14  }
0x225: {  	_ =	sdelay $0x3  }
0x226: {  	v5, _, _ =	vpop (xrf0)  }
0x227: {  	(v2sf) =	vpush v5, $0xF;
	v6, _, _ =	vpop (xrf0)  }
0x228: {  	(v2sf) =	vpush v6, $0xF;
	_ =	sdelay $0x2  }
0x229: {  	s31 =	simm.s32 $0x30;
	p4 =	por $0x1, $0x1  }
.Ltmp16:
0x22a: {  	v29 =	vld [tilespmem:s31+$0x1A000];
	(pc) =	sbr.rel @!p4 .LBB2_31-.Ltmp16, $4  }
0x22b: {  	v32 =	vld [tilespmem:s31+$0x18000]  }
0x22c: {  	v31 =	vadd.s32 v16, v7  }
0x22d: {  	v7 =	vld [tilespmem:s31+$0x1B000];
	(xrf0) =	vadd.scan.msk.s32 $0xffff, v31;
	v24 =	vadd.s32 v28, v8  }
0x22e: {  	p2 =	por $0x1, $0x1;
	v8 =	vld [tilespmem:s31+$0x19000];
	v17 =	vsub.s32 v5, v18;
	(xrf0) =	vadd.scan.msk.s32 $0xffff, v24;
	v19 =	vsub.s32 v6, v15  }
0x22f: {  	_ =	sdelay $0x3  }
0x230: {  	v6, _, _ =	vpop (xrf0)  }
0x231: {  	(v2sf) =	vpush v6, $0xF;
	v22, _, _ =	vpop (xrf0)  }
0x232: {  	(v2sf) =	vpush v22, $0xF;
	_ =	sdelay $0x2  }
0x233: {  	s23 =	simm.s32 $0x40;
	v20 =	vadd.s32 s21, v13;
	p4 =	por $0x1, $0x1  }
.Ltmp17:
0x234: {  	v5 =	vld [tilespmem:s23+$0x1A000];
	[tilespmem:s22+$0x1A000] =	vst v20;
	v20 =	vadd.s32 v9, v20;
	(pc) =	sbr.rel @!p4 .LBB2_33-.Ltmp17, $4  }
0x235: {  	v18 =	vadd.s32 v29, v7  }
0x236: {  	v23 =	vadd.s32 s21, v14;
	v7 =	vld [tilespmem:s23+$0x1B000];
	(xrf0) =	vadd.scan.msk.s32 $0xffff, v18  }
0x237: {  	s0 =	simm.s32 $0x140;
	p3 =	por $0x1, $0x1;
	s25 =	simm.s32 $0x0;
	v26 =	vmovc v17;
	[tilespmem:s22+$0x1B000] =	vst v20;
	v15 =	vadd.s32 v32, v8;
	v20 =	vmov v11;
	v21 =	vsub.s32 v6, v31;
	v6 =	vld [tilespmem:s23+$0x18000]  }
0x238: {  	s28 =	simm.s32 $0x0;
	s29 =	simm.s32 $0x10;
	s30 =	simm.s32 $0x0;
	v8 =	vld [tilespmem:s23+$0x19000];
	(xrf0) =	vadd.scan.msk.s32 $0xffff, v15;
	v31 =	vmovc v12;
	v25 =	vsub.s32 v22, v24;
	v22 =	vadd.s32 v10, v23;
	v24 =	vmov v19  }
.LBB2_34:
0x239: {  	[tilespmem:s25+$0x19000] =	vst v22;
	v27 =	vmov v29;
	v29 =	vmov v5;
	v22 =	vmov v20  }
0x23a: {  	s3 =	sshra.s32 s0, $0x2;
	s7 =	spop (v2sf);
	v20 =	vmovc v28;
	v28 =	vmovc v32;
	v30 =	vmov v15;
	v33 =	vmov v24;
	v24 =	vmov v25;
	p4 =	sne.s32 s0, $0x3FC0  }
.Ltmp18:
0x23b: {  	s0 =	sadd.s32 $0x40, s0;
	v5 =	vld [tilespmem:s3+$0x1A000];
	v25 =	vadd.s32 v29, v7;
	[tilespmem:s25+$0x18000] =	vst v23;
	s28 =	sadd.s32 s28, s7;
	(pc) =	sbr.rel @p4 .LBB2_34-.Ltmp18, $4  }
0x23c: {  	s25 =	smov.u32 s29;
	s29 =	smov.u32 s26;
	v7 =	vld [tilespmem:s3+$0x1B000];
	(xrf0) =	vadd.scan.msk.s32 $0xffff, v25;
	v23, _, _ =	vpop (xrf0);
	v34 =	vadd.s32 s28, v26;
	s7 =	spop (v2sf);
	v32 =	vmov v6;
	v26 =	vmov v21  }
0x23d: {  	s26 =	smov.u32 s31;
	s31 =	smov.u32 s23;
	v6 =	vld [tilespmem:s3+$0x18000];
	v15 =	vadd.s32 v32, v8;
	v21 =	vsub.s32 v23, v18;
	(v2sf) =	vpush v23, $0xF;
	[tilespmem:s25+$0x1A000] =	vst v34;
	s30 =	sadd.s32 s30, s7;
	v18 =	vmovc v25  }
0x23e: {  	s23 =	smov.u32 s3;
	v8 =	vld [tilespmem:s3+$0x19000];
	(xrf0) =	vadd.scan.msk.s32 $0xffff, v15;
	v35, _, _ =	vpop (xrf0);
	v23 =	vadd.s32 s30, v33;
	v33 =	vadd.s32 v31, v34;
	v31 =	vmov v16  }
0x23f: {  	v16 =	vmovc v27;
	v25 =	vsub.s32 v35, v30;
	(v2sf) =	vpush v35, $0xF;
	v22 =	vadd.s32 v22, v23;
	[tilespmem:s25+$0x1B000] =	vst v33  }
0x240: {  	s0 =	smov.u32 s26;
	v27 =	vmov v29;
	v30 =	vmov v28;
	v29 =	vmov v32;
	s26 =	smov.u32 s31  }
.LBB2_36:
0x241: {  	_ = 	snop  }
0x242: {  	v7 =	vadd.s32 v5, v7  }
0x243: {  	(xrf0) =	vadd.scan.msk.s32 $0xffff, v7;
	v28, _, _ =	vpop @p0 (xrf0);
	v8 =	vadd.s32 v6, v8  }
0x244: {  	s3 =	spop @p3 (v2sf);
	(v2sf) =	vpush @p0 v28, $0xF;
	(xrf0) =	vadd.scan.msk.s32 $0xffff, v8  }
0x245: {  	[tilespmem:s25+$0x19000] =	vst @p3 v22;
	v32, _, _ =	vpop @p0 (xrf0)  }
0x246: {  	[tilespmem:s25+$0x18000] =	vst @p3 v23;
	s25 =	smov.u32 @p0 s26;
	s22 =	smov.u32 @p1 s0;
	s7 =	spop @p3 (v2sf);
	(v2sf) =	vpush @p0 v32, $0xF  }
0x247: {  	s26 =	simm.s32 $0x0;
	s3 =	sadd.s32 @p3 s28, s3;
	s28 =	simm.s32 $0x0  }
0x248: {  	v14 =	vpsel p1, v25, v14;
	v13 =	vpsel p1, v21, v13;
	v9 =	vpsel p1, v16, v9;
	s24 =	smov.u32 @p0 s25;
	s7 =	sadd.s32 @p3 s30, s7;
	s28 =	smov.u32 @p3 s3  }
0x249: {  	v18 =	vsub.s32 @p0 v28, v18;
	s30 =	simm.s32 $0x0;
	v28 =	vmov @p1 v30;
	s3 =	smov.u32 @p2 s29;
	s0 =	spop @p2 (v2sf);
	v26 =	vadd.s32 @p2 s28, v26;
	v62, _, _ =	vpop (xrf0)  }
0x24a: {  	s30 =	smov.u32 @p3 s7;
	s7 =	smov.u32 @p2 s3;
	v10 =	vpsel p1, v28, v10;
	s25 =	spop @p2 (v2sf);
	v22 =	vadd.s32 @p2 v31, v26;
	[tilespmem:s3+$0x1A000] =	vst @p2 v26;
	(v2sf) =	vpush v62, $0xF;
	v63, _, _ =	vpop (xrf0)  }
0x24b: {  	s0 =	sadd.s32 @p2 s28, s0;
	v24 =	vadd.s32 @p2 s30, v24;
	v15 =	vsub.s32 @p0 v32, v15;
	s25 =	sadd.s32 @p2 s30, s25;
	[tilespmem:s3+$0x1B000] =	vst @p2 v22;
	s3 =	simm.s32 $0x0;
	(v2sf) =	vpush v63, $0xF  }
0x24c: {  	v20 =	vadd.s32 @p2 v20, v24;
	v15 =	vpsel p0, v15, v19;
	v19 =	vpsel p2, v24, v0;
	s26 =	smov.u32 @p2 s25;
	s3 =	smov.u32 @p2 s0  }
0x24d: {  	v20 =	vpsel p2, v20, v0;
	[tilespmem:s7+$0x18000] =	vst @p2 v19;
	v14 =	vadd.s32 @p1 s26, v14;
	v13 =	vadd.s32 @p1 s3, v13  }
0x24e: {  	v11 =	vpsel p0, v29, v11;
	s25 =	simm.s32 $0x0;
	s0 =	smov.u32 @p1 s22;
	[tilespmem:s7+$0x19000] =	vst @p2 v20;
	v10 =	vadd.s32 @p1 v10, v14;
	v9 =	vadd.s32 @p1 v9, v13  }
0x24f: {  	v21 =	vmov @p0 v27;
	v17 =	vpsel p0, v18, v17;
	s7 =	smov.u32 @p0 s24;
	s22 =	smov.u32 @p1 s0;
	[tilespmem:s0+$0x1B000] =	vst @p1 v9;
	v9 =	vpsel p1, v10, v0;
	s24 =	spop @p1 (v2sf)  }
0x250: {  	v12 =	vpsel p0, v21, v12;
	v16 =	vmov @p0 v17;
	[tilespmem:s0+$0x1A000] =	vst @p1 v13;
	v13 =	vpsel p1, v14, v0;
	s0 =	simm.s32 $0x0;
	s3 =	sadd.s32 @p1 s3, s24;
	s24 =	spop @p1 (v2sf)  }
0x251: {  	s7 =	smov.u32 @p0 s7;
	v14 =	vpsel p0, v16, v0;
	v10 =	vpsel p0, v11, v0;
	v11 =	vpsel p0, v15, v0;
	[tilespmem:s22+$0x19000] =	vst @p1 v9;
	s0 =	smov.u32 @p1 s3;
	s24 =	sadd.s32 @p1 s26, s24  }
0x252: {  	[tilespmem:s22+$0x18000] =	vst @p1 v13;
	v9 =	vmov @p0 v11;
	v11 =	vpsel p0, v12, v0;
	s3 =	smov.u32 @p0 s7;
	v12 =	vadd.s32 @p0 s0, v14;
	s25 =	smov.u32 @p1 s24  }
0x253: {  	[tilespmem:s3+$0x1A000] =	vst @p0 v12;
	v11 =	vadd.s32 @p0 v11, v12;
	v9 =	vadd.s32 @p0 s25, v9;
	s22 =	spop @p0 (v2sf)  }
0x254: {  	s7 =	smov.u32 @p0 s3;
	[tilespmem:s3+$0x1B000] =	vst @p0 v11;
	s3 =	simm.s32 $0x0;
	v10 =	vadd.s32 @p0 v10, v9;
	v9 =	vpsel p0, v9, v0;
	s0 =	sadd.s32 @p0 s0, s22  }
0x255: {  	v7 =	vsub.s32 v62, v7;
	v10 =	vpsel p0, v10, v0;
	[tilespmem:s7+$0x18000] =	vst @p0 v9;
	s22 =	spop @p0 (v2sf);
	s3 =	smov.u32 @p0 s0  }
0x256: {  	[tilespmem:s7+$0x19000] =	vst @p0 v10;
	s0 =	sadd.s32 @p0 s25, s22;
	s22 =	simm.s32 $0x0;
	v7 =	vadd.s32 s3, v7  }
0x257: {  	v8 =	vsub.s32 v63, v8;
	s22 =	smov.u32 @p0 s0;
	[tilespmem:s23+$0x1A000] =	vst v7;
	v5 =	vadd.s32 v5, v7  }
0x258: {  	v8 =	vadd.s32 s22, v8;
	[tilespmem:s23+$0x1B000] =	vst v5  }
0x259: {  	v6 =	vadd.s32 v6, v8;
	s30 =	spop (v2sf);
	[tilespmem:s23+$0x18000] =	vst v8  }
0x25a: {  	[tilespmem:s23+$0x19000] =	vst v6;
	s31 =	spop (v2sf)  }
.LBB2_37:
0x25b: {  	s0 =	sshra.s32 s21, $0x2  }
0x25c: {  	v5 =	vld [tilespmem:s0+$0x8000];
	_ =	sdelay $0x4  }
0x25d: {  	v6 =	vshrl.u32 v5, $0x4  }
0x25e: {  	v6 =	vand.u32 $0xFF0, v6  }
0x25f: {  	v6 =	vor.u32 v1, v6;
	_ =	sdelay $0x4  }
0x260: {  	v7 =	vld.idx.msk [tilespmem:v6+s12+$0x0], $0xffff;
	_ =	sdelay $0x4  }
0x261: {  	v8 =	vshll.u32 v7, $0x4  }
0x262: {  	v9 =	vshrl.u32 v7, $0xA;
	v8 =	vand.u32 $0x3FF0, v8  }
0x263: {  	v8 =	vadd.s32 v9, v8;
	_ =	sdelay $0x2  }
0x264: {  	v7 =	vadd.s32 $0x1, v7  }
0x265: {  	[tilespmem:v6+s12+$0x0] =	vst.idx.msk $0xffff, v7  }
0x266: {  	[tilespmem:v8+s2+$0x0] =	vst.idx.msk $0xffff, v5  }
0x267: {  	v5 =	vld [tilespmem:s0+$0xC000];
	_ =	sdelay $0x4  }
0x268: {  	[tilespmem:v8+s17+$0x0] =	vst.idx.msk $0xffff, v5  }
0x269: {  	v5 =	vld [tilespmem:s0+$0x14000];
	_ =	sdelay $0x4  }
0x26a: {  	v6 =	vshrl.u32 v5, $0x4  }
0x26b: {  	v6 =	vand.u32 $0xFF0, v6  }
0x26c: {  	v6 =	vor.u32 v1, v6;
	_ =	sdelay $0x4  }
0x26d: {  	v7 =	vld.idx.msk [tilespmem:v6+s13+$0x0], $0xffff;
	_ =	sdelay $0x4  }
0x26e: {  	v50 =	vshll.u32 v7, $0x4  }
0x26f: {  	v51 =	vshrl.u32 v7, $0xA;
	v8 =	vand.u32 $0x3FF0, v50  }
0x270: {  	v8 =	vadd.s32 v51, v8;
	_ =	sdelay $0x2  }
0x271: {  	v7 =	vadd.s32 $0x1, v7  }
0x272: {  	[tilespmem:v6+s13+$0x0] =	vst.idx.msk $0xffff, v7  }
0x273: {  	[tilespmem:v8+s11+$0x0] =	vst.idx.msk $0xffff, v5  }
0x274: {  	v5 =	vld [tilespmem:s0+$0xA000];
	_ =	sdelay $0x4  }
0x275: {  	v6 =	vshrl.u32 v5, $0x4  }
0x276: {  	v6 =	vand.u32 $0xFF0, v6  }
0x277: {  	v6 =	vor.u32 v3, v6;
	_ =	sdelay $0x4  }
0x278: {  	v7 =	vld.idx.msk [tilespmem:v6+s12+$0x0], $0xffff;
	_ =	sdelay $0x4  }
0x279: {  	v52 =	vshll.u32 v7, $0x4  }
0x27a: {  	v53 =	vshrl.u32 v7, $0xA;
	v8 =	vand.u32 $0x3FF0, v52  }
0x27b: {  	v8 =	vadd.s32 v53, v8;
	_ =	sdelay $0x2  }
0x27c: {  	v7 =	vadd.s32 $0x1, v7  }
0x27d: {  	[tilespmem:v6+s12+$0x0] =	vst.idx.msk $0xffff, v7  }
0x27e: {  	[tilespmem:v8+s2+$0x0] =	vst.idx.msk $0xffff, v5  }
0x27f: {  	v5 =	vld [tilespmem:s0+$0xE000];
	_ =	sdelay $0x4  }
0x280: {  	[tilespmem:v8+s17+$0x0] =	vst.idx.msk $0xffff, v5  }
0x281: {  	v5 =	vld [tilespmem:s0+$0x16000];
	_ =	sdelay $0x4  }
0x282: {  	v6 =	vshrl.u32 v5, $0x4  }
0x283: {  	v6 =	vand.u32 $0xFF0, v6  }
0x284: {  	v6 =	vor.u32 v3, v6;
	_ =	sdelay $0x4  }
0x285: {  	v7 =	vld.idx.msk [tilespmem:v6+s13+$0x0], $0xffff;
	_ =	sdelay $0x4  }
0x286: {  	v54 =	vshll.u32 v7, $0x4  }
0x287: {  	v55 =	vshrl.u32 v7, $0xA;
	v8 =	vand.u32 $0x3FF0, v54  }
0x288: {  	v8 =	vadd.s32 v55, v8;
	_ =	sdelay $0x2  }
0x289: {  	v7 =	vadd.s32 $0x1, v7  }
0x28a: {  	[tilespmem:v6+s13+$0x0] =	vst.idx.msk $0xffff, v7  }
0x28b: {  	[tilespmem:v8+s11+$0x0] =	vst.idx.msk $0xffff, v5  }
0x28c: {  	v5 =	vld [tilespmem:s0+$0x8010];
	_ =	sdelay $0x4  }
0x28d: {  	v6 =	vshrl.u32 v5, $0x4  }
0x28e: {  	v6 =	vand.u32 $0xFF0, v6  }
0x28f: {  	v6 =	vor.u32 v1, v6;
	_ =	sdelay $0x4  }
0x290: {  	v7 =	vld.idx.msk [tilespmem:v6+s12+$0x0], $0xffff;
	_ =	sdelay $0x4  }
0x291: {  	v56 =	vshll.u32 v7, $0x4  }
0x292: {  	v57 =	vshrl.u32 v7, $0xA;
	v8 =	vand.u32 $0x3FF0, v56  }
0x293: {  	v8 =	vadd.s32 v57, v8;
	_ =	sdelay $0x2  }
0x294: {  	v7 =	vadd.s32 $0x1, v7  }
0x295: {  	[tilespmem:v6+s12+$0x0] =	vst.idx.msk $0xffff, v7  }
0x296: {  	[tilespmem:v8+s2+$0x0] =	vst.idx.msk $0xffff, v5  }
0x297: {  	v5 =	vld [tilespmem:s0+$0xC010];
	_ =	sdelay $0x4  }
0x298: {  	[tilespmem:v8+s17+$0x0] =	vst.idx.msk $0xffff, v5  }
0x299: {  	v5 =	vld [tilespmem:s0+$0x14010];
	_ =	sdelay $0x4  }
0x29a: {  	v6 =	vshrl.u32 v5, $0x4  }
0x29b: {  	v6 =	vand.u32 $0xFF0, v6  }
0x29c: {  	v6 =	vor.u32 v1, v6;
	_ =	sdelay $0x4  }
0x29d: {  	v7 =	vld.idx.msk [tilespmem:v6+s13+$0x0], $0xffff;
	_ =	sdelay $0x4  }
0x29e: {  	v58 =	vshll.u32 v7, $0x4  }
0x29f: {  	v59 =	vshrl.u32 v7, $0xA;
	v8 =	vand.u32 $0x3FF0, v58  }
0x2a0: {  	v8 =	vadd.s32 v59, v8;
	_ =	sdelay $0x2  }
0x2a1: {  	v7 =	vadd.s32 $0x1, v7  }
0x2a2: {  	[tilespmem:v6+s13+$0x0] =	vst.idx.msk $0xffff, v7  }
0x2a3: {  	[tilespmem:v8+s11+$0x0] =	vst.idx.msk $0xffff, v5  }
0x2a4: {  	v5 =	vld [tilespmem:s0+$0xA010];
	_ =	sdelay $0x4  }
0x2a5: {  	v6 =	vshrl.u32 v5, $0x4  }
0x2a6: {  	v6 =	vand.u32 $0xFF0, v6  }
0x2a7: {  	v6 =	vor.u32 v3, v6;
	_ =	sdelay $0x4  }
0x2a8: {  	v7 =	vld.idx.msk [tilespmem:v6+s12+$0x0], $0xffff;
	_ =	sdelay $0x4  }
0x2a9: {  	v60 =	vshll.u32 v7, $0x4  }
0x2aa: {  	v61 =	vshrl.u32 v7, $0xA;
	v8 =	vand.u32 $0x3FF0, v60  }
0x2ab: {  	v8 =	vadd.s32 v61, v8;
	_ =	sdelay $0x2  }
0x2ac: {  	v7 =	vadd.s32 $0x1, v7  }
0x2ad: {  	[tilespmem:v6+s12+$0x0] =	vst.idx.msk $0xffff, v7  }
0x2ae: {  	[tilespmem:v8+s2+$0x0] =	vst.idx.msk $0xffff, v5  }
0x2af: {  	v5 =	vld [tilespmem:s0+$0xE010];
	_ =	sdelay $0x4  }
0x2b0: {  	[tilespmem:v8+s17+$0x0] =	vst.idx.msk $0xffff, v5  }
0x2b1: {  	v5 =	vld [tilespmem:s0+$0x16010];
	_ =	sdelay $0x4  }
0x2b2: {  	v6 =	vshrl.u32 v5, $0x4  }
0x2b3: {  	v6 =	vand.u32 $0xFF0, v6  }
0x2b4: {  	v6 =	vor.u32 v3, v6;
	_ =	sdelay $0x4  }
0x2b5: {  	v7 =	vld.idx.msk [tilespmem:v6+s13+$0x0], $0xffff;
	_ =	sdelay $0x4  }
0x2b6: {  	v62 =	vshll.u32 v7, $0x4  }
0x2b7: {  	v63 =	vshrl.u32 v7, $0xA;
	v8 =	vand.u32 $0x3FF0, v62  }
0x2b8: {  	p0 =	sne.s32 s21, $0x7F80;
	v8 =	vadd.s32 v63, v8  }
.Ltmp19:
0x2b9: {  	_ = 	snop;
	(pc) =	sbr.rel @p0 .LBB2_37-.Ltmp19, $4  }
0x2ba: {  	_ = 	snop  }
0x2bb: {  	v7 =	vadd.s32 $0x1, v7  }
0x2bc: {  	[tilespmem:v6+s13+$0x0] =	vst.idx.msk $0xffff, v7  }
0x2bd: {  	s21 =	sadd.s32 $0x80, s21;
	[tilespmem:v8+s11+$0x0] =	vst.idx.msk $0xffff, v5  }
0x2be: {  	s0 =	simm.s32 $0x18020  }
0x2bf: {  	[tilespmem:s0+$0xFFFFFFF0] =	vst v0  }
0x2c0: {  	[tilespmem:s0+$0x0] =	vst v0  }
0x2c1: {  	[tilespmem:s0+$0x10] =	vst v0  }
0x2c2: {  	s21 =	simm.s32 $0x1A020;
	[tilespmem:s0+$0xFFFFFFE0] =	vst v0  }
0x2c3: {  	[tilespmem:s21+$0xFFFFFFF0] =	vst v0  }
0x2c4: {  	[tilespmem:s21+$0x0] =	vst v0  }
0x2c5: {  	[tilespmem:s21+$0x10] =	vst v0  }
0x2c6: {  	s23 =	simm.s32 $0x0;
	s24 =	simm.s32 $0x18060;
	[tilespmem:s21+$0xFFFFFFE0] =	vst v0  }
.LBB2_39:
0x2c7: {  	[tilespmem:s24+$0xFFFFFFF0] =	vst v0;
	s21 =	sadd.s32 $0x40, s21  }
0x2c8: {  	s23 =	sadd.s32 $0x4, s23;
	[tilespmem:s21+$0xFFFFFFF0] =	vst v0  }
0x2c9: {  	p0 =	slt.u32 s23, $0x1FC;
	[tilespmem:s24+$0x0] =	vst v0  }
.Ltmp20:
0x2ca: {  	[tilespmem:s21+$0x0] =	vst v0;
	(pc) =	sbr.rel @p0 .LBB2_39-.Ltmp20, $4  }
0x2cb: {  	[tilespmem:s24+$0x10] =	vst v0  }
0x2cc: {  	[tilespmem:s21+$0x10] =	vst v0  }
0x2cd: {  	s22 =	simm.s32 $0x2000;
	[tilespmem:s24+$0xFFFFFFE0] =	vst v0  }
0x2ce: {  	s0 =	simm.s32 $0x12000;
	s24 =	sadd.s32 $0x40, s24;
	[tilespmem:s21+$0xFFFFFFE0] =	vst v0  }
0x2cf: {  	v5 =	vld [tilespmem:s22+$0xFFFFE030];
	_ =	sdelay $0x4  }
0x2d0: {  	v5 =	vshrl.u32 v5, $0xC  }
0x2d1: {  	v5 =	vand.u32 $0xFF0, v5  }
0x2d2: {  	v6 =	vld [tilespmem:s22+$0xFFFFE000];
	v5 =	vor.u32 v1, v5;
	_ =	sdelay $0x3  }
0x2d3: {  	v7 =	vld [tilespmem:s22+$0xFFFFE010]  }
0x2d4: {  	v6 =	vshrl.u32 v6, $0xC;
	[tilespmem:v5+s12+$0x0] =	vst.idx.add.s32.msk $0xffff, v2  }
0x2d5: {  	v5 =	vand.u32 $0xFF0, v6;
	v6 =	vld [tilespmem:s0+$0xFFFFE030]  }
0x2d6: {  	v5 =	vor.u32 v1, v5  }
0x2d7: {  	v8 =	vld [tilespmem:s22+$0xFFFFE020]  }
0x2d8: {  	v7 =	vshrl.u32 v7, $0xC  }
0x2d9: {  	v7 =	vand.u32 $0xFF0, v7  }
0x2da: {  	v7 =	vor.u32 v1, v7;
	v6 =	vshrl.u32 v6, $0xC  }
0x2db: {  	[tilespmem:v5+s12+$0x0] =	vst.idx.add.s32.msk $0xffff, v2;
	v5 =	vand.u32 $0xFF0, v6  }
0x2dc: {  	v6 =	vshrl.u32 v8, $0xC;
	v8 =	vld [tilespmem:s0+$0xFFFFE000];
	v5 =	vor.u32 v1, v5  }
0x2dd: {  	v6 =	vand.u32 $0xFF0, v6  }
0x2de: {  	v6 =	vor.u32 v1, v6  }
0x2df: {  	[tilespmem:v7+s12+$0x0] =	vst.idx.add.s32.msk $0xffff, v2  }
0x2e0: {  	v7 =	vld [tilespmem:s0+$0xFFFFE010]  }
0x2e1: {  	v8 =	vshrl.u32 v8, $0xC;
	[tilespmem:v5+s13+$0x0] =	vst.idx.add.s32.msk $0xffff, v2  }
0x2e2: {  	v5 =	vand.u32 $0xFF0, v8;
	v8 =	vld [tilespmem:s22+$0x30]  }
0x2e3: {  	[tilespmem:v6+s12+$0x0] =	vst.idx.add.s32.msk $0xffff, v2;
	v5 =	vor.u32 v1, v5  }
0x2e4: {  	v6 =	vld [tilespmem:s0+$0xFFFFE020]  }
0x2e5: {  	v7 =	vshrl.u32 v7, $0xC  }
0x2e6: {  	s21 =	simm.s32 $0x2040;
	v7 =	vand.u32 $0xFF0, v7  }
0x2e7: {  	v9 =	vld [tilespmem:s21+$0xFFFFE030];
	v7 =	vor.u32 v1, v7;
	v8 =	vshrl.u32 v8, $0xC  }
0x2e8: {  	[tilespmem:v5+s13+$0x0] =	vst.idx.add.s32.msk $0xffff, v2;
	v5 =	vand.u32 $0xFF0, v8  }
0x2e9: {  	v6 =	vshrl.u32 v6, $0xC;
	v8 =	vld [tilespmem:s22+$0x0];
	v5 =	vor.u32 v3, v5  }
0x2ea: {  	v10 =	vld [tilespmem:s21+$0xFFFFE010];
	v6 =	vand.u32 $0xFF0, v6  }
0x2eb: {  	v11 =	vld [tilespmem:s21+$0xFFFFE000];
	v6 =	vor.u32 v1, v6  }
0x2ec: {  	[tilespmem:v7+s13+$0x0] =	vst.idx.add.s32.msk $0xffff, v2;
	v7 =	vshrl.u32 v9, $0xC  }
0x2ed: {  	v9 =	vld [tilespmem:s21+$0xFFFFE020];
	v7 =	vand.u32 $0xFF0, v7  }
0x2ee: {  	v8 =	vshrl.u32 v8, $0xC;
	[tilespmem:v5+s12+$0x0] =	vst.idx.add.s32.msk $0xffff, v2;
	v5 =	vor.u32 v1, v7  }
0x2ef: {  	v7 =	vand.u32 $0xFF0, v8;
	v8 =	vshrl.u32 v10, $0xC;
	v10 =	vld [tilespmem:s0+$0x30]  }
0x2f0: {  	[tilespmem:v6+s13+$0x0] =	vst.idx.add.s32.msk $0xffff, v2;
	v6 =	vor.u32 v3, v7;
	v7 =	vand.u32 $0xFF0, v8;
	v8 =	vshrl.u32 v11, $0xC  }
0x2f1: {  	v11 =	vld [tilespmem:s22+$0x10];
	v7 =	vor.u32 v1, v7;
	v8 =	vand.u32 $0xFF0, v8  }
0x2f2: {  	v12 =	vld [tilespmem:s22+$0x20];
	v8 =	vor.u32 v1, v8  }
0x2f3: {  	v9 =	vshrl.u32 v9, $0xC;
	s22 =	simm.s32 $0x12040;
	[tilespmem:v5+s12+$0x0] =	vst.idx.add.s32.msk $0xffff, v2  }
0x2f4: {  	v5 =	vand.u32 $0xFF0, v9;
	v9 =	vshrl.u32 v10, $0xC;
	v10 =	vld [tilespmem:s22+$0xFFFFE030]  }
0x2f5: {  	v5 =	vor.u32 v1, v5;
	[tilespmem:v6+s12+$0x0] =	vst.idx.add.s32.msk $0xffff, v2;
	v6 =	vand.u32 $0xFF0, v9  }
0x2f6: {  	v9 =	vshrl.u32 v11, $0xC;
	[tilespmem:v7+s12+$0x0] =	vst.idx.add.s32.msk $0xffff, v2;
	v6 =	vor.u32 v3, v6  }
0x2f7: {  	v7 =	vand.u32 $0xFF0, v9;
	[tilespmem:v8+s12+$0x0] =	vst.idx.add.s32.msk $0xffff, v2  }
0x2f8: {  	v7 =	vor.u32 v3, v7;
	v8 =	vld [tilespmem:s22+$0xFFFFE000]  }
0x2f9: {  	v9 =	vld [tilespmem:s22+$0xFFFFE010];
	v10 =	vshrl.u32 v10, $0xC  }
0x2fa: {  	[tilespmem:v5+s12+$0x0] =	vst.idx.add.s32.msk $0xffff, v2;
	v5 =	vand.u32 $0xFF0, v10  }
0x2fb: {  	v10 =	vshrl.u32 v12, $0xC;
	[tilespmem:v6+s13+$0x0] =	vst.idx.add.s32.msk $0xffff, v2;
	v5 =	vor.u32 v1, v5  }
0x2fc: {  	v6 =	vand.u32 $0xFF0, v10;
	v10 =	vld [tilespmem:s22+$0xFFFFE020]  }
0x2fd: {  	v6 =	vor.u32 v3, v6;
	[tilespmem:v7+s12+$0x0] =	vst.idx.add.s32.msk $0xffff, v2;
	v7 =	vshrl.u32 v8, $0xC  }
0x2fe: {  	v8 =	vshrl.u32 v9, $0xC;
	v9 =	vld [tilespmem:s0+$0x0];
	v7 =	vand.u32 $0xFF0, v7  }
0x2ff: {  	v11 =	vor.u32 v1, v7;
	v7 =	vand.u32 $0xFF0, v8;
	v8 =	vld [tilespmem:s0+$0x10]  }
0x300: {  	[tilespmem:v5+s13+$0x0] =	vst.idx.add.s32.msk $0xffff, v2  }
0x301: {  	v63 =	vor.u32 v1, v7;
	v13 =	vld [tilespmem:s21+$0x30]  }
0x302: {  	[tilespmem:v6+s12+$0x0] =	vst.idx.add.s32.msk $0xffff, v2  }
0x303: {  	v7 =	vld [tilespmem:s0+$0x20]  }
0x304: {  	v5 =	vshrl.u32 v10, $0xC  }
0x305: {  	v5 =	vand.u32 $0xFF0, v5;
	v6 =	vshrl.u32 v9, $0xC;
	[tilespmem:v11+s13+$0x0] =	vst.idx.add.s32.msk $0xffff, v2;
	v9 =	vshrl.u32 v8, $0xC  }
0x306: {  	v8 =	vor.u32 v1, v5;
	v5 =	vand.u32 $0xFF0, v6;
	[tilespmem:v63+s13+$0x0] =	vst.idx.add.s32.msk $0xffff, v2;
	v6 =	vand.u32 $0xFF0, v9  }
0x307: {  	s24 =	simm.s32 $0x4;
	s25 =	simm.s32 $0x2080;
	s23 =	simm.s32 $0x12040;
	v5 =	vor.u32 v3, v5;
	v9 =	vld [tilespmem:s21+$0x0];
	v6 =	vor.u32 v3, v6;
	v10 =	vshrl.u32 v13, $0xC  }
.LBB2_41:
0x308: {  	v11 =	vld [tilespmem:s25+$0xFFFFE030];
	s24 =	sadd.s32 $0x4, s24;
	v10 =	vand.u32 $0xFF0, v10;
	v7 =	vshrl.u32 v7, $0xC  }
0x309: {  	v12 =	vld [tilespmem:s25+$0xFFFFE010];
	p0 =	slt.u32 s24, $0x1FC;
	v10 =	vor.u32 v3, v10;
	v7 =	vand.u32 $0xFF0, v7  }
0x30a: {  	v13 =	vld [tilespmem:s25+$0xFFFFE020];
	v14 =	vor.u32 v3, v7  }
0x30b: {  	v7 =	vld [tilespmem:s25+$0xFFFFE000]  }
0x30c: {  	v9 =	vshrl.u32 v9, $0xC;
	[tilespmem:v8+s13+$0x0] =	vst.idx.add.s32.msk $0xffff, v2  }
0x30d: {  	v8 =	vshrl.u32 v11, $0xC;
	v9 =	vand.u32 $0xFF0, v9;
	v11 =	vld [tilespmem:s21+$0x10]  }
0x30e: {  	v12 =	vshrl.u32 v12, $0xC;
	v8 =	vand.u32 $0xFF0, v8;
	v9 =	vor.u32 v3, v9;
	[tilespmem:v10+s12+$0x0] =	vst.idx.add.s32.msk $0xffff, v2  }
0x30f: {  	v10 =	vand.u32 $0xFF0, v12;
	v12 =	vshrl.u32 v13, $0xC;
	v8 =	vor.u32 v1, v8;
	v13 =	vld [tilespmem:s22+$0x30]  }
0x310: {  	v7 =	vshrl.u32 v7, $0xC;
	v10 =	vor.u32 v1, v10;
	v12 =	vand.u32 $0xFF0, v12;
	v15 =	vld [tilespmem:s21+$0x20];
	s21 =	smov.u32 s25  }
0x311: {  	v7 =	vand.u32 $0xFF0, v7;
	v12 =	vor.u32 v1, v12;
	[tilespmem:v5+s13+$0x0] =	vst.idx.add.s32.msk $0xffff, v2  }
0x312: {  	v5 =	vor.u32 v1, v7;
	v7 =	vshrl.u32 v11, $0xC;
	[tilespmem:v6+s13+$0x0] =	vst.idx.add.s32.msk $0xffff, v2  }
0x313: {  	[tilespmem:v9+s12+$0x0] =	vst.idx.add.s32.msk $0xffff, v2;
	v6 =	vand.u32 $0xFF0, v7  }
0x314: {  	s22 =	sadd.s32 $0x40, s22;
	[tilespmem:v8+s12+$0x0] =	vst.idx.add.s32.msk $0xffff, v2;
	v6 =	vor.u32 v3, v6;
	v7 =	vshrl.u32 v13, $0xC  }
0x315: {  	v8 =	vld [tilespmem:s22+$0xFFFFE030];
	v9 =	vshrl.u32 v15, $0xC;
	v7 =	vand.u32 $0xFF0, v7  }
0x316: {  	[tilespmem:v10+s12+$0x0] =	vst.idx.add.s32.msk $0xffff, v2;
	v9 =	vand.u32 $0xFF0, v9;
	v7 =	vor.u32 v3, v7  }
0x317: {  	[tilespmem:v5+s12+$0x0] =	vst.idx.add.s32.msk $0xffff, v2;
	v5 =	vor.u32 v3, v9  }
0x318: {  	[tilespmem:v12+s12+$0x0] =	vst.idx.add.s32.msk $0xffff, v2  }
0x319: {  	v9 =	vld [tilespmem:s22+$0xFFFFE000]  }
0x31a: {  	v10 =	vld [tilespmem:s22+$0xFFFFE010];
	v8 =	vshrl.u32 v8, $0xC  }
0x31b: {  	v8 =	vand.u32 $0xFF0, v8;
	[tilespmem:v7+s13+$0x0] =	vst.idx.add.s32.msk $0xffff, v2  }
0x31c: {  	v7 =	vld [tilespmem:s22+$0xFFFFE020];
	v8 =	vor.u32 v1, v8  }
0x31d: {  	[tilespmem:v6+s12+$0x0] =	vst.idx.add.s32.msk $0xffff, v2  }
0x31e: {  	v6 =	vshrl.u32 v9, $0xC;
	[tilespmem:v5+s12+$0x0] =	vst.idx.add.s32.msk $0xffff, v2  }
0x31f: {  	v5 =	vand.u32 $0xFF0, v6;
	v6 =	vshrl.u32 v10, $0xC;
	v9 =	vld [tilespmem:s23+$0x0]  }
0x320: {  	v5 =	vor.u32 v1, v5;
	v6 =	vand.u32 $0xFF0, v6;
	v10 =	vld [tilespmem:s23+$0x10]  }
0x321: {  	v6 =	vor.u32 v1, v6;
	v7 =	vshrl.u32 v7, $0xC;
	[tilespmem:v8+s13+$0x0] =	vst.idx.add.s32.msk $0xffff, v2  }
0x322: {  	v7 =	vand.u32 $0xFF0, v7;
	v11 =	vld [tilespmem:s25+$0x30]  }
.Ltmp21:
0x323: {  	v8 =	vor.u32 v1, v7;
	v7 =	vld [tilespmem:s23+$0x20];
	s23 =	smov.u32 s22;
	(pc) =	sbr.rel @p0 .LBB2_41-.Ltmp21, $4  }
0x324: {  	v9 =	vshrl.u32 v9, $0xC;
	[tilespmem:v14+s13+$0x0] =	vst.idx.add.s32.msk $0xffff, v2  }
0x325: {  	[tilespmem:v5+s13+$0x0] =	vst.idx.add.s32.msk $0xffff, v2;
	v5 =	vand.u32 $0xFF0, v9;
	v9 =	vshrl.u32 v10, $0xC  }
0x326: {  	[tilespmem:v6+s13+$0x0] =	vst.idx.add.s32.msk $0xffff, v2;
	v5 =	vor.u32 v3, v5;
	v6 =	vand.u32 $0xFF0, v9  }
0x327: {  	s25 =	sadd.s32 $0x40, s25;
	v9 =	vld [tilespmem:s21+$0x0];
	v10 =	vshrl.u32 v11, $0xC;
	v6 =	vor.u32 v3, v6  }
0x328: {  	_ =	sdelay $0x3  }
0x329: {  	[tilespmem:v8+s13+$0x0] =	vst.idx.add.s32.msk $0xffff, v2  }
0x32a: {  	v8 =	vld [tilespmem:s21+$0x10];
	_ =	sdelay $0x1  }
0x32b: {  	v11 =	vld [tilespmem:s21+$0x20]  }
0x32c: {  	v10 =	vand.u32 $0xFF0, v10  }
0x32d: {  	v10 =	vor.u32 v3, v10;
	v9 =	vshrl.u32 v9, $0xC  }
0x32e: {  	v9 =	vand.u32 $0xFF0, v9;
	v8 =	vshrl.u32 v8, $0xC  }
0x32f: {  	v9 =	vor.u32 v3, v9;
	v8 =	vand.u32 $0xFF0, v8  }
0x330: {  	v11 =	vshrl.u32 v11, $0xC;
	v8 =	vor.u32 v3, v8  }
0x331: {  	v11 =	vand.u32 $0xFF0, v11  }
0x332: {  	[tilespmem:v10+s12+$0x0] =	vst.idx.add.s32.msk $0xffff, v2;
	v11 =	vor.u32 v3, v11  }
0x333: {  	v10 =	vld [tilespmem:s22+$0x30]  }
0x334: {  	[tilespmem:v9+s12+$0x0] =	vst.idx.add.s32.msk $0xffff, v2  }
0x335: {  	[tilespmem:v8+s12+$0x0] =	vst.idx.add.s32.msk $0xffff, v2  }
0x336: {  	v8 =	vld [tilespmem:s23+$0x0]  }
0x337: {  	[tilespmem:v11+s12+$0x0] =	vst.idx.add.s32.msk $0xffff, v2  }
0x338: {  	v9 =	vld [tilespmem:s23+$0x10]  }
0x339: {  	v11 =	vld [tilespmem:s23+$0x20]  }
0x33a: {  	v7 =	vshrl.u32 v7, $0xC  }
0x33b: {  	v7 =	vand.u32 $0xFF0, v7;
	v10 =	vshrl.u32 v10, $0xC  }
0x33c: {  	v7 =	vor.u32 v3, v7;
	v10 =	vand.u32 $0xFF0, v10;
	v8 =	vshrl.u32 v8, $0xC  }
0x33d: {  	v10 =	vor.u32 v3, v10;
	v8 =	vand.u32 $0xFF0, v8;
	v9 =	vshrl.u32 v9, $0xC  }
0x33e: {  	v8 =	vor.u32 v3, v8;
	v9 =	vand.u32 $0xFF0, v9;
	v11 =	vshrl.u32 v11, $0xC  }
0x33f: {  	[tilespmem:v5+s13+$0x0] =	vst.idx.add.s32.msk $0xffff, v2;
	v5 =	vor.u32 v3, v9;
	v9 =	vand.u32 $0xFF0, v11  }
0x340: {  	[tilespmem:v6+s13+$0x0] =	vst.idx.add.s32.msk $0xffff, v2;
	v6 =	vor.u32 v3, v9  }
0x341: {  	[tilespmem:v7+s13+$0x0] =	vst.idx.add.s32.msk $0xffff, v2  }
0x342: {  	[tilespmem:v10+s13+$0x0] =	vst.idx.add.s32.msk $0xffff, v2  }
0x343: {  	[tilespmem:v8+s13+$0x0] =	vst.idx.add.s32.msk $0xffff, v2  }
0x344: {  	p4 =	por $0x1, $0x1;
	[tilespmem:v5+s13+$0x0] =	vst.idx.add.s32.msk $0xffff, v2  }
.Ltmp22:
0x345: {  	s22 =	simm.s32 $0x0;
	[tilespmem:v6+s13+$0x0] =	vst.idx.add.s32.msk $0xffff, v2;
	(pc) =	sbr.rel @!p4 .LBB2_43-.Ltmp22, $4  }
0x346: {  	v9 =	vld [tilespmem:s22+$0x1A000]  }
0x347: {  	v7 =	vld [tilespmem:s22+$0x1B000]  }
0x348: {  	p0 =	por $0x0, $0x0;
	p1 =	por $0x0, $0x0;
	v10 =	vld [tilespmem:s22+$0x18000]  }
0x349: {  	p2 =	por $0x0, $0x0;
	p3 =	por $0x0, $0x0;
	s21 =	simm.s32 $0x0;
	v8 =	vld [tilespmem:s22+$0x19000]  }
0x34a: {  	p4 =	por $0x1, $0x1  }
.Ltmp23:
0x34b: {  	s24 =	simm.s32 $0x10;
	(pc) =	sbr.rel @!p4 .LBB2_45-.Ltmp23, $4  }
0x34c: {  	v12 =	vld [tilespmem:s24+$0x1A000]  }
0x34d: {  	v11 =	vld [tilespmem:s24+$0x18000];
	v13 =	vadd.s32 v9, v7  }
0x34e: {  	v7 =	vld [tilespmem:s24+$0x1B000];
	(xrf0) =	vadd.scan.msk.s32 $0xffff, v13;
	v14 =	vadd.s32 v10, v8  }
0x34f: {  	p0 =	por $0x1, $0x1;
	v8 =	vld [tilespmem:s24+$0x19000];
	(xrf0) =	vadd.scan.msk.s32 $0xffff, v14  }
0x350: {  	_ =	sdelay $0x3  }
0x351: {  	v5, _, _ =	vpop (xrf0)  }
0x352: {  	(v2sf) =	vpush v5, $0xF  }
0x353: {  	v6, _, _ =	vpop (xrf0)  }
0x354: {  	(v2sf) =	vpush v6, $0xF;
	_ =	sdelay $0x5  }
0x355: {  	p4 =	por $0x1, $0x1  }
.Ltmp24:
0x356: {  	s26 =	simm.s32 $0x20;
	(pc) =	sbr.rel @!p4 .LBB2_47-.Ltmp24, $4  }
0x357: {  	v28 =	vld [tilespmem:s26+$0x18000]  }
0x358: {  	v16 =	vld [tilespmem:s26+$0x1A000];
	v18 =	vadd.s32 v12, v7  }
0x359: {  	v7 =	vld [tilespmem:s26+$0x1B000];
	(xrf0) =	vadd.scan.msk.s32 $0xffff, v18;
	v15 =	vadd.s32 v11, v8  }
0x35a: {  	p1 =	por $0x1, $0x1;
	v8 =	vld [tilespmem:s26+$0x19000];
	v13 =	vsub.s32 v5, v13;
	(xrf0) =	vadd.scan.msk.s32 $0xffff, v15;
	v14 =	vsub.s32 v6, v14  }
0x35b: {  	_ =	sdelay $0x3  }
0x35c: {  	v5, _, _ =	vpop (xrf0)  }
0x35d: {  	(v2sf) =	vpush v5, $0xF;
	v6, _, _ =	vpop (xrf0)  }
0x35e: {  	(v2sf) =	vpush v6, $0xF;
	_ =	sdelay $0x2  }
0x35f: {  	s31 =	simm.s32 $0x30;
	p4 =	por $0x1, $0x1  }
.Ltmp25:
0x360: {  	v29 =	vld [tilespmem:s31+$0x1A000];
	(pc) =	sbr.rel @!p4 .LBB2_49-.Ltmp25, $4  }
0x361: {  	v32 =	vld [tilespmem:s31+$0x18000]  }
0x362: {  	v31 =	vadd.s32 v16, v7  }
0x363: {  	v7 =	vld [tilespmem:s31+$0x1B000];
	(xrf0) =	vadd.scan.msk.s32 $0xffff, v31;
	v24 =	vadd.s32 v28, v8  }
0x364: {  	p2 =	por $0x1, $0x1;
	v8 =	vld [tilespmem:s31+$0x19000];
	v17 =	vsub.s32 v5, v18;
	(xrf0) =	vadd.scan.msk.s32 $0xffff, v24;
	v19 =	vsub.s32 v6, v15  }
0x365: {  	_ =	sdelay $0x3  }
0x366: {  	v6, _, _ =	vpop (xrf0)  }
0x367: {  	(v2sf) =	vpush v6, $0xF;
	v22, _, _ =	vpop (xrf0)  }
0x368: {  	(v2sf) =	vpush v22, $0xF;
	_ =	sdelay $0x2  }
0x369: {  	s23 =	simm.s32 $0x40;
	v20 =	vadd.s32 s21, v13;
	p4 =	por $0x1, $0x1  }
.Ltmp26:
0x36a: {  	v5 =	vld [tilespmem:s23+$0x1A000];
	[tilespmem:s22+$0x1A000] =	vst v20;
	v20 =	vadd.s32 v9, v20;
	(pc) =	sbr.rel @!p4 .LBB2_51-.Ltmp26, $4  }
0x36b: {  	v18 =	vadd.s32 v29, v7  }
0x36c: {  	v23 =	vadd.s32 s21, v14;
	v7 =	vld [tilespmem:s23+$0x1B000];
	(xrf0) =	vadd.scan.msk.s32 $0xffff, v18  }
0x36d: {  	s0 =	simm.s32 $0x140;
	p3 =	por $0x1, $0x1;
	s25 =	simm.s32 $0x0;
	v26 =	vmovc v17;
	[tilespmem:s22+$0x1B000] =	vst v20;
	v15 =	vadd.s32 v32, v8;
	v20 =	vmov v11;
	v21 =	vsub.s32 v6, v31;
	v6 =	vld [tilespmem:s23+$0x18000]  }
0x36e: {  	s28 =	simm.s32 $0x0;
	s29 =	simm.s32 $0x10;
	s30 =	simm.s32 $0x0;
	v8 =	vld [tilespmem:s23+$0x19000];
	(xrf0) =	vadd.scan.msk.s32 $0xffff, v15;
	v31 =	vmovc v12;
	v25 =	vsub.s32 v22, v24;
	v22 =	vadd.s32 v10, v23;
	v24 =	vmov v19  }
.LBB2_52:
0x36f: {  	[tilespmem:s25+$0x19000] =	vst v22;
	v27 =	vmov v29;
	v29 =	vmov v5;
	v22 =	vmov v20  }
0x370: {  	s3 =	sshra.s32 s0, $0x2;
	s7 =	spop (v2sf);
	v20 =	vmovc v28;
	v28 =	vmovc v32;
	v30 =	vmov v15;
	v33 =	vmov v24;
	v24 =	vmov v25;
	p4 =	sne.s32 s0, $0x3FC0  }
.Ltmp27:
0x371: {  	s0 =	sadd.s32 $0x40, s0;
	v5 =	vld [tilespmem:s3+$0x1A000];
	v25 =	vadd.s32 v29, v7;
	[tilespmem:s25+$0x18000] =	vst v23;
	s28 =	sadd.s32 s28, s7;
	(pc) =	sbr.rel @p4 .LBB2_52-.Ltmp27, $4  }
0x372: {  	s25 =	smov.u32 s29;
	s29 =	smov.u32 s26;
	v7 =	vld [tilespmem:s3+$0x1B000];
	(xrf0) =	vadd.scan.msk.s32 $0xffff, v25;
	v23, _, _ =	vpop (xrf0);
	v34 =	vadd.s32 s28, v26;
	s7 =	spop (v2sf);
	v32 =	vmov v6;
	v26 =	vmov v21  }
0x373: {  	s26 =	smov.u32 s31;
	s31 =	smov.u32 s23;
	v6 =	vld [tilespmem:s3+$0x18000];
	v15 =	vadd.s32 v32, v8;
	v21 =	vsub.s32 v23, v18;
	(v2sf) =	vpush v23, $0xF;
	[tilespmem:s25+$0x1A000] =	vst v34;
	s30 =	sadd.s32 s30, s7;
	v18 =	vmovc v25  }
0x374: {  	s23 =	smov.u32 s3;
	v8 =	vld [tilespmem:s3+$0x19000];
	(xrf0) =	vadd.scan.msk.s32 $0xffff, v15;
	v35, _, _ =	vpop (xrf0);
	v23 =	vadd.s32 s30, v33;
	v33 =	vadd.s32 v31, v34;
	v31 =	vmov v16  }
0x375: {  	v16 =	vmovc v27;
	v25 =	vsub.s32 v35, v30;
	(v2sf) =	vpush v35, $0xF;
	v22 =	vadd.s32 v22, v23;
	[tilespmem:s25+$0x1B000] =	vst v33  }
0x376: {  	s0 =	smov.u32 s26;
	v27 =	vmov v29;
	v30 =	vmov v28;
	v29 =	vmov v32;
	s26 =	smov.u32 s31  }
.LBB2_54:
0x377: {  	_ = 	snop  }
0x378: {  	v7 =	vadd.s32 v5, v7  }
0x379: {  	(xrf0) =	vadd.scan.msk.s32 $0xffff, v7;
	v28, _, _ =	vpop @p0 (xrf0);
	v8 =	vadd.s32 v6, v8  }
0x37a: {  	s3 =	spop @p3 (v2sf);
	(v2sf) =	vpush @p0 v28, $0xF;
	(xrf0) =	vadd.scan.msk.s32 $0xffff, v8  }
0x37b: {  	[tilespmem:s25+$0x19000] =	vst @p3 v22;
	v32, _, _ =	vpop @p0 (xrf0)  }
0x37c: {  	[tilespmem:s25+$0x18000] =	vst @p3 v23;
	s25 =	smov.u32 @p0 s26;
	s22 =	smov.u32 @p1 s0;
	s7 =	spop @p3 (v2sf);
	(v2sf) =	vpush @p0 v32, $0xF  }
0x37d: {  	s26 =	simm.s32 $0x0;
	s3 =	sadd.s32 @p3 s28, s3;
	s28 =	simm.s32 $0x0  }
0x37e: {  	v14 =	vpsel p1, v25, v14;
	v13 =	vpsel p1, v21, v13;
	v9 =	vpsel p1, v16, v9;
	s24 =	smov.u32 @p0 s25;
	s7 =	sadd.s32 @p3 s30, s7;
	s28 =	smov.u32 @p3 s3  }
0x37f: {  	v18 =	vsub.s32 @p0 v28, v18;
	s30 =	simm.s32 $0x0;
	v28 =	vmov @p1 v30;
	s3 =	smov.u32 @p2 s29;
	s0 =	spop @p2 (v2sf);
	v26 =	vadd.s32 @p2 s28, v26;
	v62, _, _ =	vpop (xrf0)  }
0x380: {  	s30 =	smov.u32 @p3 s7;
	s7 =	smov.u32 @p2 s3;
	v10 =	vpsel p1, v28, v10;
	s25 =	spop @p2 (v2sf);
	v22 =	vadd.s32 @p2 v31, v26;
	[tilespmem:s3+$0x1A000] =	vst @p2 v26;
	(v2sf) =	vpush v62, $0xF;
	v63, _, _ =	vpop (xrf0)  }
0x381: {  	s0 =	sadd.s32 @p2 s28, s0;
	v24 =	vadd.s32 @p2 s30, v24;
	v15 =	vsub.s32 @p0 v32, v15;
	s25 =	sadd.s32 @p2 s30, s25;
	[tilespmem:s3+$0x1B000] =	vst @p2 v22;
	s3 =	simm.s32 $0x0;
	(v2sf) =	vpush v63, $0xF  }
0x382: {  	v20 =	vadd.s32 @p2 v20, v24;
	v15 =	vpsel p0, v15, v19;
	v19 =	vpsel p2, v24, v0;
	s26 =	smov.u32 @p2 s25;
	s3 =	smov.u32 @p2 s0  }
0x383: {  	v20 =	vpsel p2, v20, v0;
	[tilespmem:s7+$0x18000] =	vst @p2 v19;
	v14 =	vadd.s32 @p1 s26, v14;
	v13 =	vadd.s32 @p1 s3, v13  }
0x384: {  	v11 =	vpsel p0, v29, v11;
	s25 =	simm.s32 $0x0;
	s0 =	smov.u32 @p1 s22;
	[tilespmem:s7+$0x19000] =	vst @p2 v20;
	v10 =	vadd.s32 @p1 v10, v14;
	v9 =	vadd.s32 @p1 v9, v13  }
0x385: {  	v21 =	vmov @p0 v27;
	v17 =	vpsel p0, v18, v17;
	s7 =	smov.u32 @p0 s24;
	s22 =	smov.u32 @p1 s0;
	[tilespmem:s0+$0x1B000] =	vst @p1 v9;
	v9 =	vpsel p1, v10, v0;
	s24 =	spop @p1 (v2sf)  }
0x386: {  	v12 =	vpsel p0, v21, v12;
	v16 =	vmov @p0 v17;
	[tilespmem:s0+$0x1A000] =	vst @p1 v13;
	v13 =	vpsel p1, v14, v0;
	s0 =	simm.s32 $0x0;
	s3 =	sadd.s32 @p1 s3, s24;
	s24 =	spop @p1 (v2sf)  }
0x387: {  	s7 =	smov.u32 @p0 s7;
	v14 =	vpsel p0, v16, v0;
	v10 =	vpsel p0, v11, v0;
	v11 =	vpsel p0, v15, v0;
	[tilespmem:s22+$0x19000] =	vst @p1 v9;
	s0 =	smov.u32 @p1 s3;
	s24 =	sadd.s32 @p1 s26, s24  }
0x388: {  	[tilespmem:s22+$0x18000] =	vst @p1 v13;
	v9 =	vmov @p0 v11;
	v11 =	vpsel p0, v12, v0;
	s3 =	smov.u32 @p0 s7;
	v12 =	vadd.s32 @p0 s0, v14;
	s25 =	smov.u32 @p1 s24  }
0x389: {  	[tilespmem:s3+$0x1A000] =	vst @p0 v12;
	v11 =	vadd.s32 @p0 v11, v12;
	v9 =	vadd.s32 @p0 s25, v9;
	s22 =	spop @p0 (v2sf)  }
0x38a: {  	s7 =	smov.u32 @p0 s3;
	[tilespmem:s3+$0x1B000] =	vst @p0 v11;
	s3 =	simm.s32 $0x0;
	v10 =	vadd.s32 @p0 v10, v9;
	v9 =	vpsel p0, v9, v0;
	s0 =	sadd.s32 @p0 s0, s22  }
0x38b: {  	v7 =	vsub.s32 v62, v7;
	v10 =	vpsel p0, v10, v0;
	[tilespmem:s7+$0x18000] =	vst @p0 v9;
	s22 =	spop @p0 (v2sf);
	s3 =	smov.u32 @p0 s0  }
0x38c: {  	[tilespmem:s7+$0x19000] =	vst @p0 v10;
	s0 =	sadd.s32 @p0 s25, s22;
	s22 =	simm.s32 $0x0;
	v7 =	vadd.s32 s3, v7  }
0x38d: {  	v8 =	vsub.s32 v63, v8;
	s22 =	smov.u32 @p0 s0;
	[tilespmem:s23+$0x1A000] =	vst v7;
	v5 =	vadd.s32 v5, v7  }
0x38e: {  	v8 =	vadd.s32 s22, v8;
	[tilespmem:s23+$0x1B000] =	vst v5  }
0x38f: {  	v6 =	vadd.s32 v6, v8;
	s30 =	spop (v2sf);
	[tilespmem:s23+$0x18000] =	vst v8  }
0x390: {  	[tilespmem:s23+$0x19000] =	vst v6;
	s31 =	spop (v2sf)  }
.LBB2_55:
0x391: {  	s0 =	sshra.s32 s21, $0x2  }
0x392: {  	v5 =	vld [tilespmem:s0+$0x0];
	_ =	sdelay $0x4  }
0x393: {  	v6 =	vshrl.u32 v5, $0xC  }
0x394: {  	v6 =	vand.u32 $0xFF0, v6  }
0x395: {  	v6 =	vor.u32 v1, v6;
	_ =	sdelay $0x4  }
0x396: {  	v7 =	vld.idx.msk [tilespmem:v6+s12+$0x0], $0xffff;
	_ =	sdelay $0x4  }
0x397: {  	v8 =	vshll.u32 v7, $0x4  }
0x398: {  	v9 =	vshrl.u32 v7, $0xA;
	v8 =	vand.u32 $0x3FF0, v8  }
0x399: {  	v8 =	vadd.s32 v9, v8;
	_ =	sdelay $0x2  }
0x39a: {  	v7 =	vadd.s32 $0x1, v7  }
0x39b: {  	[tilespmem:v6+s12+$0x0] =	vst.idx.msk $0xffff, v7  }
0x39c: {  	[tilespmem:v8+s14+$0x0] =	vst.idx.msk $0xffff, v5  }
0x39d: {  	v5 =	vld [tilespmem:s0+$0x4000];
	_ =	sdelay $0x4  }
0x39e: {  	[tilespmem:v8+s15+$0x0] =	vst.idx.msk $0xffff, v5  }
0x39f: {  	v5 =	vld [tilespmem:s0+$0x10000];
	_ =	sdelay $0x4  }
0x3a0: {  	v6 =	vshrl.u32 v5, $0xC  }
0x3a1: {  	v6 =	vand.u32 $0xFF0, v6  }
0x3a2: {  	v6 =	vor.u32 v1, v6;
	_ =	sdelay $0x4  }
0x3a3: {  	v7 =	vld.idx.msk [tilespmem:v6+s13+$0x0], $0xffff;
	_ =	sdelay $0x4  }
0x3a4: {  	v50 =	vshll.u32 v7, $0x4  }
0x3a5: {  	v51 =	vshrl.u32 v7, $0xA;
	v8 =	vand.u32 $0x3FF0, v50  }
0x3a6: {  	v8 =	vadd.s32 v51, v8;
	_ =	sdelay $0x2  }
0x3a7: {  	v7 =	vadd.s32 $0x1, v7  }
0x3a8: {  	[tilespmem:v6+s13+$0x0] =	vst.idx.msk $0xffff, v7  }
0x3a9: {  	[tilespmem:v8+s16+$0x0] =	vst.idx.msk $0xffff, v5  }
0x3aa: {  	v5 =	vld [tilespmem:s0+$0x2000];
	_ =	sdelay $0x4  }
0x3ab: {  	v6 =	vshrl.u32 v5, $0xC  }
0x3ac: {  	v6 =	vand.u32 $0xFF0, v6  }
0x3ad: {  	v6 =	vor.u32 v3, v6;
	_ =	sdelay $0x4  }
0x3ae: {  	v7 =	vld.idx.msk [tilespmem:v6+s12+$0x0], $0xffff;
	_ =	sdelay $0x4  }
0x3af: {  	v52 =	vshll.u32 v7, $0x4  }
0x3b0: {  	v53 =	vshrl.u32 v7, $0xA;
	v8 =	vand.u32 $0x3FF0, v52  }
0x3b1: {  	v8 =	vadd.s32 v53, v8;
	_ =	sdelay $0x2  }
0x3b2: {  	v7 =	vadd.s32 $0x1, v7  }
0x3b3: {  	[tilespmem:v6+s12+$0x0] =	vst.idx.msk $0xffff, v7  }
0x3b4: {  	[tilespmem:v8+s14+$0x0] =	vst.idx.msk $0xffff, v5  }
0x3b5: {  	v5 =	vld [tilespmem:s0+$0x6000];
	_ =	sdelay $0x4  }
0x3b6: {  	[tilespmem:v8+s15+$0x0] =	vst.idx.msk $0xffff, v5  }
0x3b7: {  	v5 =	vld [tilespmem:s0+$0x12000];
	_ =	sdelay $0x4  }
0x3b8: {  	v6 =	vshrl.u32 v5, $0xC  }
0x3b9: {  	v6 =	vand.u32 $0xFF0, v6  }
0x3ba: {  	v6 =	vor.u32 v3, v6;
	_ =	sdelay $0x4  }
0x3bb: {  	v7 =	vld.idx.msk [tilespmem:v6+s13+$0x0], $0xffff;
	_ =	sdelay $0x4  }
0x3bc: {  	v54 =	vshll.u32 v7, $0x4  }
0x3bd: {  	v55 =	vshrl.u32 v7, $0xA;
	v8 =	vand.u32 $0x3FF0, v54  }
0x3be: {  	v8 =	vadd.s32 v55, v8;
	_ =	sdelay $0x2  }
0x3bf: {  	v7 =	vadd.s32 $0x1, v7  }
0x3c0: {  	[tilespmem:v6+s13+$0x0] =	vst.idx.msk $0xffff, v7  }
0x3c1: {  	[tilespmem:v8+s16+$0x0] =	vst.idx.msk $0xffff, v5  }
0x3c2: {  	v5 =	vld [tilespmem:s0+$0x10];
	_ =	sdelay $0x4  }
0x3c3: {  	v6 =	vshrl.u32 v5, $0xC  }
0x3c4: {  	v6 =	vand.u32 $0xFF0, v6  }
0x3c5: {  	v6 =	vor.u32 v1, v6;
	_ =	sdelay $0x4  }
0x3c6: {  	v7 =	vld.idx.msk [tilespmem:v6+s12+$0x0], $0xffff;
	_ =	sdelay $0x4  }
0x3c7: {  	v56 =	vshll.u32 v7, $0x4  }
0x3c8: {  	v57 =	vshrl.u32 v7, $0xA;
	v8 =	vand.u32 $0x3FF0, v56  }
0x3c9: {  	v8 =	vadd.s32 v57, v8;
	_ =	sdelay $0x2  }
0x3ca: {  	v7 =	vadd.s32 $0x1, v7  }
0x3cb: {  	[tilespmem:v6+s12+$0x0] =	vst.idx.msk $0xffff, v7  }
0x3cc: {  	[tilespmem:v8+s14+$0x0] =	vst.idx.msk $0xffff, v5  }
0x3cd: {  	v5 =	vld [tilespmem:s0+$0x4010];
	_ =	sdelay $0x4  }
0x3ce: {  	[tilespmem:v8+s15+$0x0] =	vst.idx.msk $0xffff, v5  }
0x3cf: {  	v5 =	vld [tilespmem:s0+$0x10010];
	_ =	sdelay $0x4  }
0x3d0: {  	v6 =	vshrl.u32 v5, $0xC  }
0x3d1: {  	v6 =	vand.u32 $0xFF0, v6  }
0x3d2: {  	v6 =	vor.u32 v1, v6;
	_ =	sdelay $0x4  }
0x3d3: {  	v7 =	vld.idx.msk [tilespmem:v6+s13+$0x0], $0xffff;
	_ =	sdelay $0x4  }
0x3d4: {  	v58 =	vshll.u32 v7, $0x4  }
0x3d5: {  	v59 =	vshrl.u32 v7, $0xA;
	v8 =	vand.u32 $0x3FF0, v58  }
0x3d6: {  	v8 =	vadd.s32 v59, v8;
	_ =	sdelay $0x2  }
0x3d7: {  	v7 =	vadd.s32 $0x1, v7  }
0x3d8: {  	[tilespmem:v6+s13+$0x0] =	vst.idx.msk $0xffff, v7  }
0x3d9: {  	[tilespmem:v8+s16+$0x0] =	vst.idx.msk $0xffff, v5  }
0x3da: {  	v5 =	vld [tilespmem:s0+$0x2010];
	_ =	sdelay $0x4  }
0x3db: {  	v6 =	vshrl.u32 v5, $0xC  }
0x3dc: {  	v6 =	vand.u32 $0xFF0, v6  }
0x3dd: {  	v6 =	vor.u32 v3, v6;
	_ =	sdelay $0x4  }
0x3de: {  	v7 =	vld.idx.msk [tilespmem:v6+s12+$0x0], $0xffff;
	_ =	sdelay $0x4  }
0x3df: {  	v60 =	vshll.u32 v7, $0x4  }
0x3e0: {  	v61 =	vshrl.u32 v7, $0xA;
	v8 =	vand.u32 $0x3FF0, v60  }
0x3e1: {  	v8 =	vadd.s32 v61, v8;
	_ =	sdelay $0x2  }
0x3e2: {  	v7 =	vadd.s32 $0x1, v7  }
0x3e3: {  	[tilespmem:v6+s12+$0x0] =	vst.idx.msk $0xffff, v7  }
0x3e4: {  	[tilespmem:v8+s14+$0x0] =	vst.idx.msk $0xffff, v5  }
0x3e5: {  	v5 =	vld [tilespmem:s0+$0x6010];
	_ =	sdelay $0x4  }
0x3e6: {  	[tilespmem:v8+s15+$0x0] =	vst.idx.msk $0xffff, v5  }
0x3e7: {  	v5 =	vld [tilespmem:s0+$0x12010];
	_ =	sdelay $0x4  }
0x3e8: {  	v6 =	vshrl.u32 v5, $0xC  }
0x3e9: {  	v6 =	vand.u32 $0xFF0, v6  }
0x3ea: {  	v6 =	vor.u32 v3, v6;
	_ =	sdelay $0x4  }
0x3eb: {  	v7 =	vld.idx.msk [tilespmem:v6+s13+$0x0], $0xffff;
	_ =	sdelay $0x4  }
0x3ec: {  	v62 =	vshll.u32 v7, $0x4  }
0x3ed: {  	v63 =	vshrl.u32 v7, $0xA;
	v8 =	vand.u32 $0x3FF0, v62  }
0x3ee: {  	p0 =	sne.s32 s21, $0x7F80;
	v8 =	vadd.s32 v63, v8  }
.Ltmp28:
0x3ef: {  	_ = 	snop;
	(pc) =	sbr.rel @p0 .LBB2_55-.Ltmp28, $4  }
0x3f0: {  	_ = 	snop  }
0x3f1: {  	v7 =	vadd.s32 $0x1, v7  }
0x3f2: {  	[tilespmem:v6+s13+$0x0] =	vst.idx.msk $0xffff, v7  }
0x3f3: {  	s21 =	sadd.s32 $0x80, s21;
	[tilespmem:v8+s16+$0x0] =	vst.idx.msk $0xffff, v5  }
0x3f4: {  	s0 =	simm.s32 $0x18020  }
0x3f5: {  	[tilespmem:s0+$0xFFFFFFF0] =	vst v0  }
0x3f6: {  	[tilespmem:s0+$0x0] =	vst v0  }
0x3f7: {  	[tilespmem:s0+$0x10] =	vst v0  }
0x3f8: {  	s21 =	simm.s32 $0x1A020;
	[tilespmem:s0+$0xFFFFFFE0] =	vst v0  }
0x3f9: {  	[tilespmem:s21+$0xFFFFFFF0] =	vst v0  }
0x3fa: {  	[tilespmem:s21+$0x0] =	vst v0  }
0x3fb: {  	[tilespmem:s21+$0x10] =	vst v0  }
0x3fc: {  	s23 =	simm.s32 $0x0;
	s24 =	simm.s32 $0x18060;
	[tilespmem:s21+$0xFFFFFFE0] =	vst v0  }
.LBB2_57:
0x3fd: {  	[tilespmem:s24+$0xFFFFFFF0] =	vst v0;
	s21 =	sadd.s32 $0x40, s21  }
0x3fe: {  	s23 =	sadd.s32 $0x4, s23;
	[tilespmem:s21+$0xFFFFFFF0] =	vst v0  }
0x3ff: {  	p0 =	slt.u32 s23, $0x1FC;
	[tilespmem:s24+$0x0] =	vst v0  }
.Ltmp29:
0x400: {  	[tilespmem:s21+$0x0] =	vst v0;
	(pc) =	sbr.rel @p0 .LBB2_57-.Ltmp29, $4  }
0x401: {  	[tilespmem:s24+$0x10] =	vst v0  }
0x402: {  	[tilespmem:s21+$0x10] =	vst v0  }
0x403: {  	s22 =	simm.s32 $0xA000;
	[tilespmem:s24+$0xFFFFFFE0] =	vst v0  }
0x404: {  	s0 =	simm.s32 $0x16000;
	s24 =	sadd.s32 $0x40, s24;
	[tilespmem:s21+$0xFFFFFFE0] =	vst v0  }
0x405: {  	v5 =	vld [tilespmem:s22+$0xFFFFE030];
	_ =	sdelay $0x4  }
0x406: {  	v5 =	vshrl.u32 v5, $0x14  }
0x407: {  	v5 =	vand.u32 $0xFF0, v5  }
0x408: {  	v6 =	vld [tilespmem:s22+$0xFFFFE000];
	v5 =	vor.u32 v1, v5;
	_ =	sdelay $0x3  }
0x409: {  	v7 =	vld [tilespmem:s22+$0xFFFFE010]  }
0x40a: {  	v6 =	vshrl.u32 v6, $0x14;
	[tilespmem:v5+s12+$0x0] =	vst.idx.add.s32.msk $0xffff, v2  }
0x40b: {  	v5 =	vand.u32 $0xFF0, v6;
	v6 =	vld [tilespmem:s0+$0xFFFFE030]  }
0x40c: {  	v5 =	vor.u32 v1, v5  }
0x40d: {  	v8 =	vld [tilespmem:s22+$0xFFFFE020]  }
0x40e: {  	v7 =	vshrl.u32 v7, $0x14  }
0x40f: {  	v7 =	vand.u32 $0xFF0, v7  }
0x410: {  	v7 =	vor.u32 v1, v7;
	v6 =	vshrl.u32 v6, $0x14  }
0x411: {  	[tilespmem:v5+s12+$0x0] =	vst.idx.add.s32.msk $0xffff, v2;
	v5 =	vand.u32 $0xFF0, v6  }
0x412: {  	v6 =	vshrl.u32 v8, $0x14;
	v8 =	vld [tilespmem:s0+$0xFFFFE000];
	v5 =	vor.u32 v1, v5  }
0x413: {  	v6 =	vand.u32 $0xFF0, v6  }
0x414: {  	v6 =	vor.u32 v1, v6  }
0x415: {  	[tilespmem:v7+s12+$0x0] =	vst.idx.add.s32.msk $0xffff, v2  }
0x416: {  	v7 =	vld [tilespmem:s0+$0xFFFFE010]  }
0x417: {  	v8 =	vshrl.u32 v8, $0x14;
	[tilespmem:v5+s13+$0x0] =	vst.idx.add.s32.msk $0xffff, v2  }
0x418: {  	v5 =	vand.u32 $0xFF0, v8;
	v8 =	vld [tilespmem:s22+$0x30]  }
0x419: {  	[tilespmem:v6+s12+$0x0] =	vst.idx.add.s32.msk $0xffff, v2;
	v5 =	vor.u32 v1, v5  }
0x41a: {  	v6 =	vld [tilespmem:s0+$0xFFFFE020]  }
0x41b: {  	v7 =	vshrl.u32 v7, $0x14  }
0x41c: {  	s21 =	simm.s32 $0xA040;
	v7 =	vand.u32 $0xFF0, v7  }
0x41d: {  	v9 =	vld [tilespmem:s21+$0xFFFFE030];
	v7 =	vor.u32 v1, v7;
	v8 =	vshrl.u32 v8, $0x14  }
0x41e: {  	[tilespmem:v5+s13+$0x0] =	vst.idx.add.s32.msk $0xffff, v2;
	v5 =	vand.u32 $0xFF0, v8  }
0x41f: {  	v6 =	vshrl.u32 v6, $0x14;
	v8 =	vld [tilespmem:s22+$0x0];
	v5 =	vor.u32 v3, v5  }
0x420: {  	v10 =	vld [tilespmem:s21+$0xFFFFE010];
	v6 =	vand.u32 $0xFF0, v6  }
0x421: {  	v11 =	vld [tilespmem:s21+$0xFFFFE000];
	v6 =	vor.u32 v1, v6  }
0x422: {  	[tilespmem:v7+s13+$0x0] =	vst.idx.add.s32.msk $0xffff, v2;
	v7 =	vshrl.u32 v9, $0x14  }
0x423: {  	v9 =	vld [tilespmem:s21+$0xFFFFE020];
	v7 =	vand.u32 $0xFF0, v7  }
0x424: {  	v8 =	vshrl.u32 v8, $0x14;
	[tilespmem:v5+s12+$0x0] =	vst.idx.add.s32.msk $0xffff, v2;
	v5 =	vor.u32 v1, v7  }
0x425: {  	v7 =	vand.u32 $0xFF0, v8;
	v8 =	vshrl.u32 v10, $0x14;
	v10 =	vld [tilespmem:s0+$0x30]  }
0x426: {  	[tilespmem:v6+s13+$0x0] =	vst.idx.add.s32.msk $0xffff, v2;
	v6 =	vor.u32 v3, v7;
	v7 =	vand.u32 $0xFF0, v8;
	v8 =	vshrl.u32 v11, $0x14  }
0x427: {  	v11 =	vld [tilespmem:s22+$0x10];
	v7 =	vor.u32 v1, v7;
	v8 =	vand.u32 $0xFF0, v8  }
0x428: {  	v12 =	vld [tilespmem:s22+$0x20];
	v8 =	vor.u32 v1, v8  }
0x429: {  	v9 =	vshrl.u32 v9, $0x14;
	s22 =	simm.s32 $0x16040;
	[tilespmem:v5+s12+$0x0] =	vst.idx.add.s32.msk $0xffff, v2  }
0x42a: {  	v5 =	vand.u32 $0xFF0, v9;
	v9 =	vshrl.u32 v10, $0x14;
	v10 =	vld [tilespmem:s22+$0xFFFFE030]  }
0x42b: {  	v5 =	vor.u32 v1, v5;
	[tilespmem:v6+s12+$0x0] =	vst.idx.add.s32.msk $0xffff, v2;
	v6 =	vand.u32 $0xFF0, v9  }
0x42c: {  	v9 =	vshrl.u32 v11, $0x14;
	[tilespmem:v7+s12+$0x0] =	vst.idx.add.s32.msk $0xffff, v2;
	v6 =	vor.u32 v3, v6  }
0x42d: {  	v7 =	vand.u32 $0xFF0, v9;
	[tilespmem:v8+s12+$0x0] =	vst.idx.add.s32.msk $0xffff, v2  }
0x42e: {  	v7 =	vor.u32 v3, v7;
	v8 =	vld [tilespmem:s22+$0xFFFFE000]  }
0x42f: {  	v9 =	vld [tilespmem:s22+$0xFFFFE010];
	v10 =	vshrl.u32 v10, $0x14  }
0x430: {  	[tilespmem:v5+s12+$0x0] =	vst.idx.add.s32.msk $0xffff, v2;
	v5 =	vand.u32 $0xFF0, v10  }
0x431: {  	v10 =	vshrl.u32 v12, $0x14;
	[tilespmem:v6+s13+$0x0] =	vst.idx.add.s32.msk $0xffff, v2;
	v5 =	vor.u32 v1, v5  }
0x432: {  	v6 =	vand.u32 $0xFF0, v10;
	v10 =	vld [tilespmem:s22+$0xFFFFE020]  }
0x433: {  	v6 =	vor.u32 v3, v6;
	[tilespmem:v7+s12+$0x0] =	vst.idx.add.s32.msk $0xffff, v2;
	v7 =	vshrl.u32 v8, $0x14  }
0x434: {  	v8 =	vshrl.u32 v9, $0x14;
	v9 =	vld [tilespmem:s0+$0x0];
	v7 =	vand.u32 $0xFF0, v7  }
0x435: {  	v11 =	vor.u32 v1, v7;
	v7 =	vand.u32 $0xFF0, v8;
	v8 =	vld [tilespmem:s0+$0x10]  }
0x436: {  	[tilespmem:v5+s13+$0x0] =	vst.idx.add.s32.msk $0xffff, v2  }
0x437: {  	v63 =	vor.u32 v1, v7;
	v13 =	vld [tilespmem:s21+$0x30]  }
0x438: {  	[tilespmem:v6+s12+$0x0] =	vst.idx.add.s32.msk $0xffff, v2  }
0x439: {  	v7 =	vld [tilespmem:s0+$0x20]  }
0x43a: {  	v5 =	vshrl.u32 v10, $0x14  }
0x43b: {  	v5 =	vand.u32 $0xFF0, v5;
	v6 =	vshrl.u32 v9, $0x14;
	[tilespmem:v11+s13+$0x0] =	vst.idx.add.s32.msk $0xffff, v2;
	v9 =	vshrl.u32 v8, $0x14  }
0x43c: {  	v8 =	vor.u32 v1, v5;
	v5 =	vand.u32 $0xFF0, v6;
	[tilespmem:v63+s13+$0x0] =	vst.idx.add.s32.msk $0xffff, v2;
	v6 =	vand.u32 $0xFF0, v9  }
0x43d: {  	s24 =	simm.s32 $0x4;
	s25 =	simm.s32 $0xA080;
	s23 =	simm.s32 $0x16040;
	v5 =	vor.u32 v3, v5;
	v9 =	vld [tilespmem:s21+$0x0];
	v6 =	vor.u32 v3, v6;
	v10 =	vshrl.u32 v13, $0x14  }
.LBB2_59:
0x43e: {  	v11 =	vld [tilespmem:s25+$0xFFFFE030];
	s24 =	sadd.s32 $0x4, s24;
	v10 =	vand.u32 $0xFF0, v10;
	v7 =	vshrl.u32 v7, $0x14  }
0x43f: {  	v12 =	vld [tilespmem:s25+$0xFFFFE010];
	p0 =	slt.u32 s24, $0x1FC;
	v10 =	vor.u32 v3, v10;
	v7 =	vand.u32 $0xFF0, v7  }
0x440: {  	v13 =	vld [tilespmem:s25+$0xFFFFE020];
	v14 =	vor.u32 v3, v7  }
0x441: {  	v7 =	vld [tilespmem:s25+$0xFFFFE000]  }
0x442: {  	v9 =	vshrl.u32 v9, $0x14;
	[tilespmem:v8+s13+$0x0] =	vst.idx.add.s32.msk $0xffff, v2  }
0x443: {  	v8 =	vshrl.u32 v11, $0x14;
	v9 =	vand.u32 $0xFF0, v9;
	v11 =	vld [tilespmem:s21+$0x10]  }
0x444: {  	v12 =	vshrl.u32 v12, $0x14;
	v8 =	vand.u32 $0xFF0, v8;
	v9 =	vor.u32 v3, v9;
	[tilespmem:v10+s12+$0x0] =	vst.idx.add.s32.msk $0xffff, v2  }
0x445: {  	v10 =	vand.u32 $0xFF0, v12;
	v12 =	vshrl.u32 v13, $0x14;
	v8 =	vor.u32 v1, v8;
	v13 =	vld [tilespmem:s22+$0x30]  }
0x446: {  	v7 =	vshrl.u32 v7, $0x14;
	v10 =	vor.u32 v1, v10;
	v12 =	vand.u32 $0xFF0, v12;
	v15 =	vld [tilespmem:s21+$0x20];
	s21 =	smov.u32 s25  }
0x447: {  	v7 =	vand.u32 $0xFF0, v7;
	v12 =	vor.u32 v1, v12;
	[tilespmem:v5+s13+$0x0] =	vst.idx.add.s32.msk $0xffff, v2  }
0x448: {  	v5 =	vor.u32 v1, v7;
	v7 =	vshrl.u32 v11, $0x14;
	[tilespmem:v6+s13+$0x0] =	vst.idx.add.s32.msk $0xffff, v2  }
0x449: {  	[tilespmem:v9+s12+$0x0] =	vst.idx.add.s32.msk $0xffff, v2;
	v6 =	vand.u32 $0xFF0, v7  }
0x44a: {  	s22 =	sadd.s32 $0x40, s22;
	[tilespmem:v8+s12+$0x0] =	vst.idx.add.s32.msk $0xffff, v2;
	v6 =	vor.u32 v3, v6;
	v7 =	vshrl.u32 v13, $0x14  }
0x44b: {  	v8 =	vld [tilespmem:s22+$0xFFFFE030];
	v9 =	vshrl.u32 v15, $0x14;
	v7 =	vand.u32 $0xFF0, v7  }
0x44c: {  	[tilespmem:v10+s12+$0x0] =	vst.idx.add.s32.msk $0xffff, v2;
	v9 =	vand.u32 $0xFF0, v9;
	v7 =	vor.u32 v3, v7  }
0x44d: {  	[tilespmem:v5+s12+$0x0] =	vst.idx.add.s32.msk $0xffff, v2;
	v5 =	vor.u32 v3, v9  }
0x44e: {  	[tilespmem:v12+s12+$0x0] =	vst.idx.add.s32.msk $0xffff, v2  }
0x44f: {  	v9 =	vld [tilespmem:s22+$0xFFFFE000]  }
0x450: {  	v10 =	vld [tilespmem:s22+$0xFFFFE010];
	v8 =	vshrl.u32 v8, $0x14  }
0x451: {  	v8 =	vand.u32 $0xFF0, v8;
	[tilespmem:v7+s13+$0x0] =	vst.idx.add.s32.msk $0xffff, v2  }
0x452: {  	v7 =	vld [tilespmem:s22+$0xFFFFE020];
	v8 =	vor.u32 v1, v8  }
0x453: {  	[tilespmem:v6+s12+$0x0] =	vst.idx.add.s32.msk $0xffff, v2  }
0x454: {  	v6 =	vshrl.u32 v9, $0x14;
	[tilespmem:v5+s12+$0x0] =	vst.idx.add.s32.msk $0xffff, v2  }
0x455: {  	v5 =	vand.u32 $0xFF0, v6;
	v6 =	vshrl.u32 v10, $0x14;
	v9 =	vld [tilespmem:s23+$0x0]  }
0x456: {  	v5 =	vor.u32 v1, v5;
	v6 =	vand.u32 $0xFF0, v6;
	v10 =	vld [tilespmem:s23+$0x10]  }
0x457: {  	v6 =	vor.u32 v1, v6;
	v7 =	vshrl.u32 v7, $0x14;
	[tilespmem:v8+s13+$0x0] =	vst.idx.add.s32.msk $0xffff, v2  }
0x458: {  	v7 =	vand.u32 $0xFF0, v7;
	v11 =	vld [tilespmem:s25+$0x30]  }
.Ltmp30:
0x459: {  	v8 =	vor.u32 v1, v7;
	v7 =	vld [tilespmem:s23+$0x20];
	s23 =	smov.u32 s22;
	(pc) =	sbr.rel @p0 .LBB2_59-.Ltmp30, $4  }
0x45a: {  	v9 =	vshrl.u32 v9, $0x14;
	[tilespmem:v14+s13+$0x0] =	vst.idx.add.s32.msk $0xffff, v2  }
0x45b: {  	[tilespmem:v5+s13+$0x0] =	vst.idx.add.s32.msk $0xffff, v2;
	v5 =	vand.u32 $0xFF0, v9;
	v9 =	vshrl.u32 v10, $0x14  }
0x45c: {  	[tilespmem:v6+s13+$0x0] =	vst.idx.add.s32.msk $0xffff, v2;
	v5 =	vor.u32 v3, v5;
	v6 =	vand.u32 $0xFF0, v9  }
0x45d: {  	s25 =	sadd.s32 $0x40, s25;
	v9 =	vld [tilespmem:s21+$0x0];
	v10 =	vshrl.u32 v11, $0x14;
	v6 =	vor.u32 v3, v6  }
0x45e: {  	_ =	sdelay $0x3  }
0x45f: {  	[tilespmem:v8+s13+$0x0] =	vst.idx.add.s32.msk $0xffff, v2  }
0x460: {  	v8 =	vld [tilespmem:s21+$0x10];
	_ =	sdelay $0x1  }
0x461: {  	v11 =	vld [tilespmem:s21+$0x20]  }
0x462: {  	v10 =	vand.u32 $0xFF0, v10  }
0x463: {  	v10 =	vor.u32 v3, v10;
	v9 =	vshrl.u32 v9, $0x14  }
0x464: {  	v9 =	vand.u32 $0xFF0, v9;
	v8 =	vshrl.u32 v8, $0x14  }
0x465: {  	v9 =	vor.u32 v3, v9;
	v8 =	vand.u32 $0xFF0, v8  }
0x466: {  	v11 =	vshrl.u32 v11, $0x14;
	v8 =	vor.u32 v3, v8  }
0x467: {  	v11 =	vand.u32 $0xFF0, v11  }
0x468: {  	[tilespmem:v10+s12+$0x0] =	vst.idx.add.s32.msk $0xffff, v2;
	v11 =	vor.u32 v3, v11  }
0x469: {  	v10 =	vld [tilespmem:s22+$0x30]  }
0x46a: {  	[tilespmem:v9+s12+$0x0] =	vst.idx.add.s32.msk $0xffff, v2  }
0x46b: {  	[tilespmem:v8+s12+$0x0] =	vst.idx.add.s32.msk $0xffff, v2  }
0x46c: {  	v8 =	vld [tilespmem:s23+$0x0]  }
0x46d: {  	[tilespmem:v11+s12+$0x0] =	vst.idx.add.s32.msk $0xffff, v2  }
0x46e: {  	v9 =	vld [tilespmem:s23+$0x10]  }
0x46f: {  	v11 =	vld [tilespmem:s23+$0x20]  }
0x470: {  	v7 =	vshrl.u32 v7, $0x14  }
0x471: {  	v7 =	vand.u32 $0xFF0, v7;
	v10 =	vshrl.u32 v10, $0x14  }
0x472: {  	v7 =	vor.u32 v3, v7;
	v10 =	vand.u32 $0xFF0, v10;
	v8 =	vshrl.u32 v8, $0x14  }
0x473: {  	v10 =	vor.u32 v3, v10;
	v8 =	vand.u32 $0xFF0, v8;
	v9 =	vshrl.u32 v9, $0x14  }
0x474: {  	v8 =	vor.u32 v3, v8;
	v9 =	vand.u32 $0xFF0, v9;
	v11 =	vshrl.u32 v11, $0x14  }
0x475: {  	[tilespmem:v5+s13+$0x0] =	vst.idx.add.s32.msk $0xffff, v2;
	v5 =	vor.u32 v3, v9;
	v9 =	vand.u32 $0xFF0, v11  }
0x476: {  	[tilespmem:v6+s13+$0x0] =	vst.idx.add.s32.msk $0xffff, v2;
	v6 =	vor.u32 v3, v9  }
0x477: {  	[tilespmem:v7+s13+$0x0] =	vst.idx.add.s32.msk $0xffff, v2  }
0x478: {  	[tilespmem:v10+s13+$0x0] =	vst.idx.add.s32.msk $0xffff, v2  }
0x479: {  	[tilespmem:v8+s13+$0x0] =	vst.idx.add.s32.msk $0xffff, v2  }
0x47a: {  	p4 =	por $0x1, $0x1;
	[tilespmem:v5+s13+$0x0] =	vst.idx.add.s32.msk $0xffff, v2  }
.Ltmp31:
0x47b: {  	s22 =	simm.s32 $0x0;
	[tilespmem:v6+s13+$0x0] =	vst.idx.add.s32.msk $0xffff, v2;
	(pc) =	sbr.rel @!p4 .LBB2_61-.Ltmp31, $4  }
0x47c: {  	v9 =	vld [tilespmem:s22+$0x1A000]  }
0x47d: {  	v7 =	vld [tilespmem:s22+$0x1B000]  }
0x47e: {  	p0 =	por $0x0, $0x0;
	p1 =	por $0x0, $0x0;
	v10 =	vld [tilespmem:s22+$0x18000]  }
0x47f: {  	p2 =	por $0x0, $0x0;
	p3 =	por $0x0, $0x0;
	s21 =	simm.s32 $0x0;
	v8 =	vld [tilespmem:s22+$0x19000]  }
0x480: {  	p4 =	por $0x1, $0x1  }
.Ltmp32:
0x481: {  	s24 =	simm.s32 $0x10;
	(pc) =	sbr.rel @!p4 .LBB2_63-.Ltmp32, $4  }
0x482: {  	v12 =	vld [tilespmem:s24+$0x1A000]  }
0x483: {  	v11 =	vld [tilespmem:s24+$0x18000];
	v13 =	vadd.s32 v9, v7  }
0x484: {  	v7 =	vld [tilespmem:s24+$0x1B000];
	(xrf0) =	vadd.scan.msk.s32 $0xffff, v13;
	v14 =	vadd.s32 v10, v8  }
0x485: {  	p0 =	por $0x1, $0x1;
	v8 =	vld [tilespmem:s24+$0x19000];
	(xrf0) =	vadd.scan.msk.s32 $0xffff, v14  }
0x486: {  	_ =	sdelay $0x3  }
0x487: {  	v5, _, _ =	vpop (xrf0)  }
0x488: {  	(v2sf) =	vpush v5, $0xF  }
0x489: {  	v6, _, _ =	vpop (xrf0)  }
0x48a: {  	(v2sf) =	vpush v6, $0xF;
	_ =	sdelay $0x5  }
0x48b: {  	p4 =	por $0x1, $0x1  }
.Ltmp33:
0x48c: {  	s26 =	simm.s32 $0x20;
	(pc) =	sbr.rel @!p4 .LBB2_65-.Ltmp33, $4  }
0x48d: {  	v28 =	vld [tilespmem:s26+$0x18000]  }
0x48e: {  	v16 =	vld [tilespmem:s26+$0x1A000];
	v18 =	vadd.s32 v12, v7  }
0x48f: {  	v7 =	vld [tilespmem:s26+$0x1B000];
	(xrf0) =	vadd.scan.msk.s32 $0xffff, v18;
	v15 =	vadd.s32 v11, v8  }
0x490: {  	p1 =	por $0x1, $0x1;
	v8 =	vld [tilespmem:s26+$0x19000];
	v13 =	vsub.s32 v5, v13;
	(xrf0) =	vadd.scan.msk.s32 $0xffff, v15;
	v14 =	vsub.s32 v6, v14  }
0x491: {  	_ =	sdelay $0x3  }
0x492: {  	v5, _, _ =	vpop (xrf0)  }
0x493: {  	(v2sf) =	vpush v5, $0xF;
	v6, _, _ =	vpop (xrf0)  }
0x494: {  	(v2sf) =	vpush v6, $0xF;
	_ =	sdelay $0x2  }
0x495: {  	s31 =	simm.s32 $0x30;
	p4 =	por $0x1, $0x1  }
.Ltmp34:
0x496: {  	v29 =	vld [tilespmem:s31+$0x1A000];
	(pc) =	sbr.rel @!p4 .LBB2_67-.Ltmp34, $4  }
0x497: {  	v32 =	vld [tilespmem:s31+$0x18000]  }
0x498: {  	v31 =	vadd.s32 v16, v7  }
0x499: {  	v7 =	vld [tilespmem:s31+$0x1B000];
	(xrf0) =	vadd.scan.msk.s32 $0xffff, v31;
	v24 =	vadd.s32 v28, v8  }
0x49a: {  	p2 =	por $0x1, $0x1;
	v8 =	vld [tilespmem:s31+$0x19000];
	v17 =	vsub.s32 v5, v18;
	(xrf0) =	vadd.scan.msk.s32 $0xffff, v24;
	v19 =	vsub.s32 v6, v15  }
0x49b: {  	_ =	sdelay $0x3  }
0x49c: {  	v6, _, _ =	vpop (xrf0)  }
0x49d: {  	(v2sf) =	vpush v6, $0xF;
	v22, _, _ =	vpop (xrf0)  }
0x49e: {  	(v2sf) =	vpush v22, $0xF;
	_ =	sdelay $0x2  }
0x49f: {  	s23 =	simm.s32 $0x40;
	v20 =	vadd.s32 s21, v13;
	p4 =	por $0x1, $0x1  }
.Ltmp35:
0x4a0: {  	v5 =	vld [tilespmem:s23+$0x1A000];
	[tilespmem:s22+$0x1A000] =	vst v20;
	v20 =	vadd.s32 v9, v20;
	(pc) =	sbr.rel @!p4 .LBB2_69-.Ltmp35, $4  }
0x4a1: {  	v18 =	vadd.s32 v29, v7  }
0x4a2: {  	v23 =	vadd.s32 s21, v14;
	v7 =	vld [tilespmem:s23+$0x1B000];
	(xrf0) =	vadd.scan.msk.s32 $0xffff, v18  }
0x4a3: {  	s0 =	simm.s32 $0x140;
	p3 =	por $0x1, $0x1;
	s25 =	simm.s32 $0x0;
	v26 =	vmovc v17;
	[tilespmem:s22+$0x1B000] =	vst v20;
	v15 =	vadd.s32 v32, v8;
	v20 =	vmov v11;
	v21 =	vsub.s32 v6, v31;
	v6 =	vld [tilespmem:s23+$0x18000]  }
0x4a4: {  	s28 =	simm.s32 $0x0;
	s29 =	simm.s32 $0x10;
	s30 =	simm.s32 $0x0;
	v8 =	vld [tilespmem:s23+$0x19000];
	(xrf0) =	vadd.scan.msk.s32 $0xffff, v15;
	v31 =	vmovc v12;
	v25 =	vsub.s32 v22, v24;
	v22 =	vadd.s32 v10, v23;
	v24 =	vmov v19  }
.LBB2_70:
0x4a5: {  	[tilespmem:s25+$0x19000] =	vst v22;
	v27 =	vmov v29;
	v29 =	vmov v5;
	v22 =	vmov v20  }
0x4a6: {  	s3 =	sshra.s32 s0, $0x2;
	s7 =	spop (v2sf);
	v20 =	vmovc v28;
	v28 =	vmovc v32;
	v30 =	vmov v15;
	v33 =	vmov v24;
	v24 =	vmov v25;
	p4 =	sne.s32 s0, $0x3FC0  }
.Ltmp36:
0x4a7: {  	s0 =	sadd.s32 $0x40, s0;
	v5 =	vld [tilespmem:s3+$0x1A000];
	v25 =	vadd.s32 v29, v7;
	[tilespmem:s25+$0x18000] =	vst v23;
	s28 =	sadd.s32 s28, s7;
	(pc) =	sbr.rel @p4 .LBB2_70-.Ltmp36, $4  }
0x4a8: {  	s25 =	smov.u32 s29;
	s29 =	smov.u32 s26;
	v7 =	vld [tilespmem:s3+$0x1B000];
	(xrf0) =	vadd.scan.msk.s32 $0xffff, v25;
	v23, _, _ =	vpop (xrf0);
	v34 =	vadd.s32 s28, v26;
	s7 =	spop (v2sf);
	v32 =	vmov v6;
	v26 =	vmov v21  }
0x4a9: {  	s26 =	smov.u32 s31;
	s31 =	smov.u32 s23;
	v6 =	vld [tilespmem:s3+$0x18000];
	v15 =	vadd.s32 v32, v8;
	v21 =	vsub.s32 v23, v18;
	(v2sf) =	vpush v23, $0xF;
	[tilespmem:s25+$0x1A000] =	vst v34;
	s30 =	sadd.s32 s30, s7;
	v18 =	vmovc v25  }
0x4aa: {  	s23 =	smov.u32 s3;
	v8 =	vld [tilespmem:s3+$0x19000];
	(xrf0) =	vadd.scan.msk.s32 $0xffff, v15;
	v35, _, _ =	vpop (xrf0);
	v23 =	vadd.s32 s30, v33;
	v33 =	vadd.s32 v31, v34;
	v31 =	vmov v16  }
0x4ab: {  	v16 =	vmovc v27;
	v25 =	vsub.s32 v35, v30;
	(v2sf) =	vpush v35, $0xF;
	v22 =	vadd.s32 v22, v23;
	[tilespmem:s25+$0x1B000] =	vst v33  }
0x4ac: {  	s0 =	smov.u32 s26;
	v27 =	vmov v29;
	v30 =	vmov v28;
	v29 =	vmov v32;
	s26 =	smov.u32 s31  }
.LBB2_72:
0x4ad: {  	_ = 	snop  }
0x4ae: {  	v7 =	vadd.s32 v5, v7  }
0x4af: {  	(xrf0) =	vadd.scan.msk.s32 $0xffff, v7;
	v28, _, _ =	vpop @p0 (xrf0);
	v8 =	vadd.s32 v6, v8  }
0x4b0: {  	s3 =	spop @p3 (v2sf);
	(v2sf) =	vpush @p0 v28, $0xF;
	(xrf0) =	vadd.scan.msk.s32 $0xffff, v8  }
0x4b1: {  	[tilespmem:s25+$0x19000] =	vst @p3 v22;
	v32, _, _ =	vpop @p0 (xrf0)  }
0x4b2: {  	[tilespmem:s25+$0x18000] =	vst @p3 v23;
	s25 =	smov.u32 @p0 s26;
	s22 =	smov.u32 @p1 s0;
	s7 =	spop @p3 (v2sf);
	(v2sf) =	vpush @p0 v32, $0xF  }
0x4b3: {  	s26 =	simm.s32 $0x0;
	s3 =	sadd.s32 @p3 s28, s3;
	s28 =	simm.s32 $0x0  }
0x4b4: {  	v14 =	vpsel p1, v25, v14;
	v13 =	vpsel p1, v21, v13;
	v9 =	vpsel p1, v16, v9;
	s24 =	smov.u32 @p0 s25;
	s7 =	sadd.s32 @p3 s30, s7;
	s28 =	smov.u32 @p3 s3  }
0x4b5: {  	v18 =	vsub.s32 @p0 v28, v18;
	s30 =	simm.s32 $0x0;
	v28 =	vmov @p1 v30;
	s3 =	smov.u32 @p2 s29;
	s0 =	spop @p2 (v2sf);
	v26 =	vadd.s32 @p2 s28, v26;
	v62, _, _ =	vpop (xrf0)  }
0x4b6: {  	s30 =	smov.u32 @p3 s7;
	s7 =	smov.u32 @p2 s3;
	v10 =	vpsel p1, v28, v10;
	s25 =	spop @p2 (v2sf);
	v22 =	vadd.s32 @p2 v31, v26;
	[tilespmem:s3+$0x1A000] =	vst @p2 v26;
	(v2sf) =	vpush v62, $0xF;
	v63, _, _ =	vpop (xrf0)  }
0x4b7: {  	s0 =	sadd.s32 @p2 s28, s0;
	v24 =	vadd.s32 @p2 s30, v24;
	v15 =	vsub.s32 @p0 v32, v15;
	s25 =	sadd.s32 @p2 s30, s25;
	[tilespmem:s3+$0x1B000] =	vst @p2 v22;
	s3 =	simm.s32 $0x0;
	(v2sf) =	vpush v63, $0xF  }
0x4b8: {  	v20 =	vadd.s32 @p2 v20, v24;
	v15 =	vpsel p0, v15, v19;
	v19 =	vpsel p2, v24, v0;
	s26 =	smov.u32 @p2 s25;
	s3 =	smov.u32 @p2 s0  }
0x4b9: {  	v20 =	vpsel p2, v20, v0;
	[tilespmem:s7+$0x18000] =	vst @p2 v19;
	v14 =	vadd.s32 @p1 s26, v14;
	v13 =	vadd.s32 @p1 s3, v13  }
0x4ba: {  	v11 =	vpsel p0, v29, v11;
	s25 =	simm.s32 $0x0;
	s0 =	smov.u32 @p1 s22;
	[tilespmem:s7+$0x19000] =	vst @p2 v20;
	v10 =	vadd.s32 @p1 v10, v14;
	v9 =	vadd.s32 @p1 v9, v13  }
0x4bb: {  	v21 =	vmov @p0 v27;
	v17 =	vpsel p0, v18, v17;
	s7 =	smov.u32 @p0 s24;
	s22 =	smov.u32 @p1 s0;
	[tilespmem:s0+$0x1B000] =	vst @p1 v9;
	v9 =	vpsel p1, v10, v0;
	s24 =	spop @p1 (v2sf)  }
0x4bc: {  	v12 =	vpsel p0, v21, v12;
	v16 =	vmov @p0 v17;
	[tilespmem:s0+$0x1A000] =	vst @p1 v13;
	v13 =	vpsel p1, v14, v0;
	s0 =	simm.s32 $0x0;
	s3 =	sadd.s32 @p1 s3, s24;
	s24 =	spop @p1 (v2sf)  }
0x4bd: {  	s7 =	smov.u32 @p0 s7;
	v14 =	vpsel p0, v16, v0;
	v10 =	vpsel p0, v11, v0;
	v11 =	vpsel p0, v15, v0;
	[tilespmem:s22+$0x19000] =	vst @p1 v9;
	s0 =	smov.u32 @p1 s3;
	s24 =	sadd.s32 @p1 s26, s24  }
0x4be: {  	[tilespmem:s22+$0x18000] =	vst @p1 v13;
	v9 =	vmov @p0 v11;
	v11 =	vpsel p0, v12, v0;
	s3 =	smov.u32 @p0 s7;
	v12 =	vadd.s32 @p0 s0, v14;
	s25 =	smov.u32 @p1 s24  }
0x4bf: {  	[tilespmem:s3+$0x1A000] =	vst @p0 v12;
	v11 =	vadd.s32 @p0 v11, v12;
	v9 =	vadd.s32 @p0 s25, v9;
	s22 =	spop @p0 (v2sf)  }
0x4c0: {  	s7 =	smov.u32 @p0 s3;
	[tilespmem:s3+$0x1B000] =	vst @p0 v11;
	s3 =	simm.s32 $0x0;
	v10 =	vadd.s32 @p0 v10, v9;
	v9 =	vpsel p0, v9, v0;
	s0 =	sadd.s32 @p0 s0, s22  }
0x4c1: {  	v7 =	vsub.s32 v62, v7;
	v10 =	vpsel p0, v10, v0;
	[tilespmem:s7+$0x18000] =	vst @p0 v9;
	s22 =	spop @p0 (v2sf);
	s3 =	smov.u32 @p0 s0  }
0x4c2: {  	[tilespmem:s7+$0x19000] =	vst @p0 v10;
	s0 =	sadd.s32 @p0 s25, s22;
	s22 =	simm.s32 $0x0;
	v7 =	vadd.s32 s3, v7  }
0x4c3: {  	v8 =	vsub.s32 v63, v8;
	s22 =	smov.u32 @p0 s0;
	[tilespmem:s23+$0x1A000] =	vst v7;
	v5 =	vadd.s32 v5, v7  }
0x4c4: {  	v8 =	vadd.s32 s22, v8;
	[tilespmem:s23+$0x1B000] =	vst v5  }
0x4c5: {  	v6 =	vadd.s32 v6, v8;
	s30 =	spop (v2sf);
	[tilespmem:s23+$0x18000] =	vst v8  }
0x4c6: {  	[tilespmem:s23+$0x19000] =	vst v6;
	s31 =	spop (v2sf)  }
.LBB2_73:
0x4c7: {  	s0 =	sshra.s32 s21, $0x2  }
0x4c8: {  	v5 =	vld [tilespmem:s0+$0x8000];
	_ =	sdelay $0x4  }
0x4c9: {  	v5 =	vshrl.u32 v5, $0x14  }
0x4ca: {  	v5 =	vand.u32 $0xFF0, v5  }
0x4cb: {  	v5 =	vor.u32 v1, v5;
	_ =	sdelay $0x4  }
0x4cc: {  	v6 =	vld.idx.msk [tilespmem:v5+s12+$0x0], $0xffff;
	_ =	sdelay $0x4  }
0x4cd: {  	v7 =	vadd.s32 $0x1, v6;
	v8 =	vshll.u32 v6, $0x4  }
0x4ce: {  	v6 =	vshrl.u32 v6, $0xA;
	[tilespmem:v5+s12+$0x0] =	vst.idx.msk $0xffff, v7;
	v5 =	vand.u32 $0x3FF0, v8  }
0x4cf: {  	v5 =	vadd.s32 v6, v5;
	v6 =	vld [tilespmem:s0+$0xC000];
	_ =	sdelay $0x4  }
0x4d0: {  	[tilespmem:v5+s17+$0x0] =	vst.idx.msk $0xffff, v6  }
0x4d1: {  	v5 =	vld [tilespmem:s0+$0xA000];
	_ =	sdelay $0x4  }
0x4d2: {  	v5 =	vshrl.u32 v5, $0x14  }
0x4d3: {  	v5 =	vand.u32 $0xFF0, v5  }
0x4d4: {  	v5 =	vor.u32 v3, v5;
	_ =	sdelay $0x4  }
0x4d5: {  	v6 =	vld.idx.msk [tilespmem:v5+s12+$0x0], $0xffff;
	_ =	sdelay $0x4  }
0x4d6: {  	v7 =	vadd.s32 $0x1, v6;
	v61 =	vshll.u32 v6, $0x4  }
0x4d7: {  	v6 =	vshrl.u32 v6, $0xA;
	[tilespmem:v5+s12+$0x0] =	vst.idx.msk $0xffff, v7;
	v5 =	vand.u32 $0x3FF0, v61  }
0x4d8: {  	v5 =	vadd.s32 v6, v5;
	v6 =	vld [tilespmem:s0+$0xE000];
	_ =	sdelay $0x4  }
0x4d9: {  	[tilespmem:v5+s17+$0x0] =	vst.idx.msk $0xffff, v6  }
0x4da: {  	v5 =	vld [tilespmem:s0+$0x8010];
	_ =	sdelay $0x4  }
0x4db: {  	v5 =	vshrl.u32 v5, $0x14  }
0x4dc: {  	v5 =	vand.u32 $0xFF0, v5  }
0x4dd: {  	v5 =	vor.u32 v1, v5;
	_ =	sdelay $0x4  }
0x4de: {  	v6 =	vld.idx.msk [tilespmem:v5+s12+$0x0], $0xffff;
	_ =	sdelay $0x4  }
0x4df: {  	v7 =	vadd.s32 $0x1, v6;
	v62 =	vshll.u32 v6, $0x4  }
0x4e0: {  	v6 =	vshrl.u32 v6, $0xA;
	[tilespmem:v5+s12+$0x0] =	vst.idx.msk $0xffff, v7;
	v5 =	vand.u32 $0x3FF0, v62  }
0x4e1: {  	v5 =	vadd.s32 v6, v5;
	v6 =	vld [tilespmem:s0+$0xC010];
	_ =	sdelay $0x4  }
0x4e2: {  	[tilespmem:v5+s17+$0x0] =	vst.idx.msk $0xffff, v6  }
0x4e3: {  	v5 =	vld [tilespmem:s0+$0xA010];
	_ =	sdelay $0x4  }
0x4e4: {  	v5 =	vshrl.u32 v5, $0x14  }
0x4e5: {  	v5 =	vand.u32 $0xFF0, v5  }
0x4e6: {  	v5 =	vor.u32 v3, v5;
	_ =	sdelay $0x4  }
0x4e7: {  	v6 =	vld.idx.msk [tilespmem:v5+s12+$0x0], $0xffff;
	_ =	sdelay $0x4  }
0x4e8: {  	v7 =	vadd.s32 $0x1, v6;
	v63 =	vshll.u32 v6, $0x4  }
0x4e9: {  	v6 =	vshrl.u32 v6, $0xA;
	[tilespmem:v5+s12+$0x0] =	vst.idx.msk $0xffff, v7;
	v5 =	vand.u32 $0x3FF0, v63  }
0x4ea: {  	p0 =	sne.s32 s21, $0x7F80;
	v5 =	vadd.s32 v6, v5;
	v6 =	vld [tilespmem:s0+$0xE010]  }
.Ltmp37:
0x4eb: {  	_ = 	snop;
	(pc) =	sbr.rel @p0 .LBB2_73-.Ltmp37, $2  }
0x4ec: {  	_ =	sdelay $0x2  }
0x4ed: {  	s21 =	sadd.s32 $0x80, s21;
	[tilespmem:v5+s17+$0x0] =	vst.idx.msk $0xffff, v6  }
0x4ee: {  	s0 =	simm.s32 $0x0;
	s21 =	simm.s32 $0x14000  }
.LBB2_75:
0x4ef: {  	v5 =	vld [tilespmem:s21+$0x0];
	_ =	sdelay $0x4  }
0x4f0: {  	v6 =	vshrl.u32 v5, $0x14  }
0x4f1: {  	v6 =	vand.u32 $0xFF0, v6  }
0x4f2: {  	v6 =	vor.u32 v1, v6;
	_ =	sdelay $0x4  }
0x4f3: {  	v7 =	vld.idx.msk [tilespmem:v6+s13+$0x0], $0xffff;
	_ =	sdelay $0x4  }
0x4f4: {  	v8 =	vshll.u32 v7, $0x4  }
0x4f5: {  	v9 =	vshrl.u32 v7, $0xA;
	v8 =	vand.u32 $0x3FF0, v8  }
0x4f6: {  	v8 =	vadd.s32 v9, v8;
	_ =	sdelay $0x2  }
0x4f7: {  	v7 =	vadd.s32 $0x1, v7  }
0x4f8: {  	[tilespmem:v6+s13+$0x0] =	vst.idx.msk $0xffff, v7  }
0x4f9: {  	v6 =	vld.idx.msk [tilespmem:v8+s17+$0x0], $0xffff;
	_ =	sdelay $0x4  }
0x4fa: {  	vm0 =	vgt.s32 v5, $0xFFFFFFFF  }
0x4fb: {  	v7 =	vsel vm0, $0xFFFFFFFF, v4  }
0x4fc: {  	v5 =	vxor.u32 v5, v7  }
0x4fd: {  	s3 =	sand.u32 $0x1FE0, s0;
	[tilespmem:v6+s2+$0x0] =	vst.idx.msk $0xffff, v5  }
0x4fe: {  	v5 =	vld [tilespmem:s3+$0x16000];
	_ =	sdelay $0x4  }
0x4ff: {  	v6 =	vshrl.u32 v5, $0x14  }
0x500: {  	v6 =	vand.u32 $0xFF0, v6  }
0x501: {  	v6 =	vor.u32 v3, v6;
	_ =	sdelay $0x4  }
0x502: {  	v7 =	vld.idx.msk [tilespmem:v6+s13+$0x0], $0xffff;
	_ =	sdelay $0x4  }
0x503: {  	v58 =	vshll.u32 v7, $0x4  }
0x504: {  	v59 =	vshrl.u32 v7, $0xA;
	v8 =	vand.u32 $0x3FF0, v58  }
0x505: {  	v8 =	vadd.s32 v59, v8;
	_ =	sdelay $0x2  }
0x506: {  	v7 =	vadd.s32 $0x1, v7  }
0x507: {  	[tilespmem:v6+s13+$0x0] =	vst.idx.msk $0xffff, v7  }
0x508: {  	v6 =	vld.idx.msk [tilespmem:v8+s17+$0x0], $0xffff;
	_ =	sdelay $0x4  }
0x509: {  	vm13 =	vgt.s32 v5, $0xFFFFFFFF  }
0x50a: {  	v7 =	vsel vm13, $0xFFFFFFFF, v4  }
0x50b: {  	v5 =	vxor.u32 v5, v7  }
0x50c: {  	[tilespmem:v6+s2+$0x0] =	vst.idx.msk $0xffff, v5  }
0x50d: {  	v5 =	vld [tilespmem:s21+$0x10];
	_ =	sdelay $0x4  }
0x50e: {  	v6 =	vshrl.u32 v5, $0x14  }
0x50f: {  	v6 =	vand.u32 $0xFF0, v6  }
0x510: {  	v6 =	vor.u32 v1, v6;
	_ =	sdelay $0x4  }
0x511: {  	v7 =	vld.idx.msk [tilespmem:v6+s13+$0x0], $0xffff;
	_ =	sdelay $0x4  }
0x512: {  	v60 =	vshll.u32 v7, $0x4  }
0x513: {  	v61 =	vshrl.u32 v7, $0xA;
	v8 =	vand.u32 $0x3FF0, v60  }
0x514: {  	v8 =	vadd.s32 v61, v8;
	_ =	sdelay $0x2  }
0x515: {  	v7 =	vadd.s32 $0x1, v7  }
0x516: {  	[tilespmem:v6+s13+$0x0] =	vst.idx.msk $0xffff, v7  }
0x517: {  	v6 =	vld.idx.msk [tilespmem:v8+s17+$0x0], $0xffff;
	_ =	sdelay $0x4  }
0x518: {  	vm14 =	vgt.s32 v5, $0xFFFFFFFF  }
0x519: {  	v7 =	vsel vm14, $0xFFFFFFFF, v4  }
0x51a: {  	v5 =	vxor.u32 v5, v7  }
0x51b: {  	[tilespmem:v6+s2+$0x0] =	vst.idx.msk $0xffff, v5  }
0x51c: {  	v5 =	vld [tilespmem:s21+$0x2010];
	_ =	sdelay $0x4  }
0x51d: {  	v6 =	vshrl.u32 v5, $0x14  }
0x51e: {  	v6 =	vand.u32 $0xFF0, v6  }
0x51f: {  	v6 =	vor.u32 v3, v6;
	_ =	sdelay $0x4  }
0x520: {  	v7 =	vld.idx.msk [tilespmem:v6+s13+$0x0], $0xffff;
	_ =	sdelay $0x4  }
0x521: {  	v62 =	vshll.u32 v7, $0x4  }
0x522: {  	v63 =	vshrl.u32 v7, $0xA;
	v8 =	vand.u32 $0x3FF0, v62  }
0x523: {  	v8 =	vadd.s32 v63, v8;
	_ =	sdelay $0x2  }
0x524: {  	v7 =	vadd.s32 $0x1, v7  }
0x525: {  	[tilespmem:v6+s13+$0x0] =	vst.idx.msk $0xffff, v7  }
0x526: {  	v6 =	vld.idx.msk [tilespmem:v8+s17+$0x0], $0xffff;
	_ =	sdelay $0x2  }
0x527: {  	p0 =	sne.s32 s0, $0x1FE0  }
.Ltmp38:
0x528: {  	_ = 	snop;
	(pc) =	sbr.rel @p0 .LBB2_75-.Ltmp38, $4  }
0x529: {  	vm15 =	vgt.s32 v5, $0xFFFFFFFF  }
0x52a: {  	v7 =	vsel vm15, $0xFFFFFFFF, v4  }
0x52b: {  	v5 =	vxor.u32 v5, v7  }
0x52c: {  	s0 =	sadd.s32 $0x20, s0;
	s21 =	sadd.s32 $0x20, s21;
	[tilespmem:v6+s2+$0x0] =	vst.idx.msk $0xffff, v5  }
0x52d: {  	s0 =	sadd.s32 s1, s20;
	s19 =	sadd.s32 $0x1, s19  }
0x52e: {  	[hbm4b:s0+s8] =	stream.strided.scatter [tilespmem:s2], [sflag:$0x1], $0x4000, s9, s8, $0x38;
	[tilespmem:$0x1C000] =	vst v63  }
0x52f: {  	p0 =	sne.s32 s19, $0x8  }
.Ltmp39:
0x530: {  	_ = 	snop;
	(pc) =	sbr.rel @p0 .LBB2_2-.Ltmp39, $4  }
.Ltmp40:
0x531: {  	_ = 	snop;
	(pc) =	sbr.rel @!p0 .LBB2_77-.Ltmp40, $4  }
0x532: {  	_ =	swait.ge [sflag:s10], $0x4000  }
0x533: {  	[sflag:s10] =	ssyncset.done $0x0  }
0x534: {  	[sflag:s10] =	ssyncadd.s32 $0xFFFFC000  }
0x535: {  	_ = 	snop  }
.LBB2_7:
.Ltmp41:
0x536: {  	(pc) =	sbr.rel .LBB2_18-.Ltmp41, $2  }
0x537: {  	_ =	sdelay $0x2  }
0x538: {  	s28 =	simm.s32 $0x0;
	s30 =	simm.s32 $0x0;
	s23 =	simm.s32 $0x0;
	v5 =	vmov v9;
	v6 =	vmov v10  }
.LBB2_25:
.Ltmp42:
0x539: {  	(pc) =	sbr.rel .LBB2_36-.Ltmp42, $2  }
0x53a: {  	_ =	sdelay $0x2  }
0x53b: {  	s28 =	simm.s32 $0x0;
	s30 =	simm.s32 $0x0;
	s23 =	simm.s32 $0x0;
	v5 =	vmov v9;
	v6 =	vmov v10  }
.LBB2_43:
.Ltmp43:
0x53c: {  	(pc) =	sbr.rel .LBB2_54-.Ltmp43, $2  }
0x53d: {  	_ =	sdelay $0x2  }
0x53e: {  	s28 =	simm.s32 $0x0;
	s30 =	simm.s32 $0x0;
	s23 =	simm.s32 $0x0;
	v5 =	vmov v9;
	v6 =	vmov v10  }
.LBB2_61:
.Ltmp44:
0x53f: {  	(pc) =	sbr.rel .LBB2_72-.Ltmp44, $2  }
0x540: {  	_ =	sdelay $0x2  }
0x541: {  	s28 =	simm.s32 $0x0;
	s30 =	simm.s32 $0x0;
	s23 =	simm.s32 $0x0;
	v5 =	vmov v9;
	v6 =	vmov v10  }
.LBB2_9:
.Ltmp45:
0x542: {  	(pc) =	sbr.rel .LBB2_18-.Ltmp45, $3  }
0x543: {  	_ =	sdelay $0x1  }
0x544: {  	v27 =	vmov v9;
	s28 =	simm.s32 $0x0  }
0x545: {  	v29 =	vmovc v10;
	v15 =	vmovc v14;
	v18 =	vmov v13;
	s30 =	simm.s32 $0x0;
	s26 =	simm.s32 $0x0;
	s23 =	simm.s32 $0x10;
	v5 =	vmov v12;
	v6 =	vmov v11  }
.LBB2_27:
.Ltmp46:
0x546: {  	(pc) =	sbr.rel .LBB2_36-.Ltmp46, $3  }
0x547: {  	_ =	sdelay $0x1  }
0x548: {  	v27 =	vmov v9;
	s28 =	simm.s32 $0x0  }
0x549: {  	v29 =	vmovc v10;
	v15 =	vmovc v14;
	v18 =	vmov v13;
	s30 =	simm.s32 $0x0;
	s26 =	simm.s32 $0x0;
	s23 =	simm.s32 $0x10;
	v5 =	vmov v12;
	v6 =	vmov v11  }
.LBB2_45:
.Ltmp47:
0x54a: {  	(pc) =	sbr.rel .LBB2_54-.Ltmp47, $3  }
0x54b: {  	_ =	sdelay $0x1  }
0x54c: {  	v27 =	vmov v9;
	s28 =	simm.s32 $0x0  }
0x54d: {  	v29 =	vmovc v10;
	v15 =	vmovc v14;
	v18 =	vmov v13;
	s30 =	simm.s32 $0x0;
	s26 =	simm.s32 $0x0;
	s23 =	simm.s32 $0x10;
	v5 =	vmov v12;
	v6 =	vmov v11  }
.LBB2_63:
.Ltmp48:
0x54e: {  	(pc) =	sbr.rel .LBB2_72-.Ltmp48, $3  }
0x54f: {  	_ =	sdelay $0x1  }
0x550: {  	v27 =	vmov v9;
	s28 =	simm.s32 $0x0  }
0x551: {  	v29 =	vmovc v10;
	v15 =	vmovc v14;
	v18 =	vmov v13;
	s30 =	simm.s32 $0x0;
	s26 =	simm.s32 $0x0;
	s23 =	simm.s32 $0x10;
	v5 =	vmov v12;
	v6 =	vmov v11  }
.LBB2_11:
.Ltmp49:
0x552: {  	(pc) =	sbr.rel .LBB2_18-.Ltmp49, $3  }
0x553: {  	_ =	sdelay $0x1  }
0x554: {  	v27 =	vmov v12;
	v30 =	vmov v10;
	v29 =	vmov v11;
	s28 =	simm.s32 $0x0;
	s0 =	simm.s32 $0x0  }
0x555: {  	v25 =	vmovc v14;
	v21 =	vmovc v13;
	s30 =	simm.s32 $0x0;
	s26 =	simm.s32 $0x10;
	s23 =	simm.s32 $0x20;
	v6 =	vmov v28;
	v5 =	vmov v16;
	v16 =	vmov v9  }
.LBB2_29:
.Ltmp50:
0x556: {  	(pc) =	sbr.rel .LBB2_36-.Ltmp50, $3  }
0x557: {  	_ =	sdelay $0x1  }
0x558: {  	v27 =	vmov v12;
	v30 =	vmov v10;
	v29 =	vmov v11;
	s28 =	simm.s32 $0x0;
	s0 =	simm.s32 $0x0  }
0x559: {  	v25 =	vmovc v14;
	v21 =	vmovc v13;
	s30 =	simm.s32 $0x0;
	s26 =	simm.s32 $0x10;
	s23 =	simm.s32 $0x20;
	v6 =	vmov v28;
	v5 =	vmov v16;
	v16 =	vmov v9  }
.LBB2_47:
.Ltmp51:
0x55a: {  	(pc) =	sbr.rel .LBB2_54-.Ltmp51, $3  }
0x55b: {  	_ =	sdelay $0x1  }
0x55c: {  	v27 =	vmov v12;
	v30 =	vmov v10;
	v29 =	vmov v11;
	s28 =	simm.s32 $0x0;
	s0 =	simm.s32 $0x0  }
0x55d: {  	v25 =	vmovc v14;
	v21 =	vmovc v13;
	s30 =	simm.s32 $0x0;
	s26 =	simm.s32 $0x10;
	s23 =	simm.s32 $0x20;
	v6 =	vmov v28;
	v5 =	vmov v16;
	v16 =	vmov v9  }
.LBB2_65:
.Ltmp52:
0x55e: {  	(pc) =	sbr.rel .LBB2_72-.Ltmp52, $3  }
0x55f: {  	_ =	sdelay $0x1  }
0x560: {  	v27 =	vmov v12;
	v30 =	vmov v10;
	v29 =	vmov v11;
	s28 =	simm.s32 $0x0;
	s0 =	simm.s32 $0x0  }
0x561: {  	v25 =	vmovc v14;
	v21 =	vmovc v13;
	s30 =	simm.s32 $0x0;
	s26 =	simm.s32 $0x10;
	s23 =	simm.s32 $0x20;
	v6 =	vmov v28;
	v5 =	vmov v16;
	v16 =	vmov v9  }
.LBB2_13:
.Ltmp53:
0x562: {  	(pc) =	sbr.rel .LBB2_18-.Ltmp53, $4  }
0x563: {  	_ = 	snop  }
0x564: {  	v27 =	vmovc v16;
	v5 =	vmov v29;
	v20 =	vmov v10;
	v30 =	vmov v11  }
0x565: {  	s28 =	simm.s32 $0x0;
	s29 =	simm.s32 $0x0;
	v29 =	vmovc v28;
	v15 =	vmovc v24;
	v24 =	vmov v14;
	v25 =	vmov v19;
	v26 =	vmov v13;
	_ =	sdelay $0x1  }
0x566: {  	v21 =	vmovc v17;
	s0 =	simm.s32 $0x10;
	v18 =	vmovc v31;
	s30 =	simm.s32 $0x0;
	s23 =	simm.s32 $0x30;
	v31 =	vmov v9;
	v16 =	vmov v12;
	v6 =	vmov v32  }
.LBB2_31:
.Ltmp54:
0x567: {  	(pc) =	sbr.rel .LBB2_36-.Ltmp54, $4  }
0x568: {  	_ = 	snop  }
0x569: {  	v27 =	vmovc v16;
	v5 =	vmov v29;
	v20 =	vmov v10;
	v30 =	vmov v11  }
0x56a: {  	s28 =	simm.s32 $0x0;
	s29 =	simm.s32 $0x0;
	v29 =	vmovc v28;
	v15 =	vmovc v24;
	v24 =	vmov v14;
	v25 =	vmov v19;
	v26 =	vmov v13;
	_ =	sdelay $0x1  }
0x56b: {  	v21 =	vmovc v17;
	s0 =	simm.s32 $0x10;
	v18 =	vmovc v31;
	s30 =	simm.s32 $0x0;
	s23 =	simm.s32 $0x30;
	v31 =	vmov v9;
	v16 =	vmov v12;
	v6 =	vmov v32  }
.LBB2_49:
.Ltmp55:
0x56c: {  	(pc) =	sbr.rel .LBB2_54-.Ltmp55, $4  }
0x56d: {  	_ = 	snop  }
0x56e: {  	v27 =	vmovc v16;
	v5 =	vmov v29;
	v20 =	vmov v10;
	v30 =	vmov v11  }
0x56f: {  	s28 =	simm.s32 $0x0;
	s29 =	simm.s32 $0x0;
	v29 =	vmovc v28;
	v15 =	vmovc v24;
	v24 =	vmov v14;
	v25 =	vmov v19;
	v26 =	vmov v13;
	_ =	sdelay $0x1  }
0x570: {  	v21 =	vmovc v17;
	s0 =	simm.s32 $0x10;
	v18 =	vmovc v31;
	s30 =	simm.s32 $0x0;
	s23 =	simm.s32 $0x30;
	v31 =	vmov v9;
	v16 =	vmov v12;
	v6 =	vmov v32  }
.LBB2_67:
.Ltmp56:
0x571: {  	(pc) =	sbr.rel .LBB2_72-.Ltmp56, $4  }
0x572: {  	_ = 	snop  }
0x573: {  	v27 =	vmovc v16;
	v5 =	vmov v29;
	v20 =	vmov v10;
	v30 =	vmov v11  }
0x574: {  	s28 =	simm.s32 $0x0;
	s29 =	simm.s32 $0x0;
	v29 =	vmovc v28;
	v15 =	vmovc v24;
	v24 =	vmov v14;
	v25 =	vmov v19;
	v26 =	vmov v13;
	_ =	sdelay $0x1  }
0x575: {  	v21 =	vmovc v17;
	s0 =	simm.s32 $0x10;
	v18 =	vmovc v31;
	s30 =	simm.s32 $0x0;
	s23 =	simm.s32 $0x30;
	v31 =	vmov v9;
	v16 =	vmov v12;
	v6 =	vmov v32  }
.LBB2_15:
.Ltmp57:
0x576: {  	(pc) =	sbr.rel .LBB2_18-.Ltmp57, $3  }
0x577: {  	_ =	sdelay $0x1  }
0x578: {  	s25 =	simm.s32 $0x0;
	s28 =	simm.s32 $0x0;
	s29 =	simm.s32 $0x10;
	v27 =	vmov v29;
	v20 =	vmov v11  }
0x579: {  	v30 =	vmovc v28;
	v29 =	vmovc v32;
	v24 =	vmov v19;
	v26 =	vmov v17;
	s0 =	simm.s32 $0x20;
	s30 =	simm.s32 $0x0;
	s26 =	simm.s32 $0x30;
	v31 =	vmov v12  }
.LBB2_33:
.Ltmp58:
0x57a: {  	(pc) =	sbr.rel .LBB2_36-.Ltmp58, $3  }
0x57b: {  	_ =	sdelay $0x1  }
0x57c: {  	s25 =	simm.s32 $0x0;
	s28 =	simm.s32 $0x0;
	s29 =	simm.s32 $0x10;
	v27 =	vmov v29;
	v20 =	vmov v11  }
0x57d: {  	v30 =	vmovc v28;
	v29 =	vmovc v32;
	v24 =	vmov v19;
	v26 =	vmov v17;
	s0 =	simm.s32 $0x20;
	s30 =	simm.s32 $0x0;
	s26 =	simm.s32 $0x30;
	v31 =	vmov v12  }
.LBB2_51:
.Ltmp59:
0x57e: {  	(pc) =	sbr.rel .LBB2_54-.Ltmp59, $3  }
0x57f: {  	_ =	sdelay $0x1  }
0x580: {  	s25 =	simm.s32 $0x0;
	s28 =	simm.s32 $0x0;
	s29 =	simm.s32 $0x10;
	v27 =	vmov v29;
	v20 =	vmov v11  }
0x581: {  	v30 =	vmovc v28;
	v29 =	vmovc v32;
	v24 =	vmov v19;
	v26 =	vmov v17;
	s0 =	simm.s32 $0x20;
	s30 =	simm.s32 $0x0;
	s26 =	simm.s32 $0x30;
	v31 =	vmov v12  }
.LBB2_69:
.Ltmp60:
0x582: {  	(pc) =	sbr.rel .LBB2_72-.Ltmp60, $3  }
0x583: {  	_ =	sdelay $0x1  }
0x584: {  	s25 =	simm.s32 $0x0;
	s28 =	simm.s32 $0x0;
	s29 =	simm.s32 $0x10;
	v27 =	vmov v29;
	v20 =	vmov v11  }
0x585: {  	v30 =	vmovc v28;
	v29 =	vmovc v32;
	v24 =	vmov v19;
	v26 =	vmov v17;
	s0 =	simm.s32 $0x20;
	s30 =	simm.s32 $0x0;
	s26 =	simm.s32 $0x30;
	v31 =	vmov v12  }
.LBB2_78:
0x586: {  	_ =	sfence.sel $0x180000  }
0x587: {  	[bflag:$0x0] =	sbarrier.arrive $0xFFFF  }
0x588: {  	_ =	strace $0x90000047  }
0x589: {  	s0 =	stileid.u32;
	[bflag:$0x2] =	sbarrier.arrive $0xFFFF  }
0x58a: {  	p0 =	sne.s32 s0, $0x0;
	s0 =	rddreg [dreg:$0x2]  }
0x58b: {  	s0 =	sadd.s32 @!p0 $0x100000, s0  }
0x58c: {  	[sflag:s0] =	ssyncadd.tile.s32 @!p0 $0x1;
	_ =	shalt  }
.Lfunc_end2:
_tile_overlayer_lowered:
.L_overlay_start_2:
0x58d: {  	(tag) =	ssettag $0x2  }
0x58e: {  	s0 =	rddreg [dreg:$0x0];
	s2 =	stileid.u32  }
0x58f: {  	s1 =	rddreg [dreg:$0x1];
	p0 =	sne.s32 s2, $0x0  }
0x590: {  	s3 =	rddreg [dreg:$0x2];
	[bflag:$0x3] =	sbarrier.arrive $0xFFFF;
	s2 =	simm.s32 @!p0 $0x1C01  }
0x591: {  	[timem:s3], [sflag:s2] =	dma.local @!p0 [hbm:s0], s1  }
0x592: {  	s0 =	simm.s32 @!p0 $0x1  }
0x593: {  	_ =	swait.ge @!p0 [sflag:s0], s1  }
0x594: {  	s1 =	ssub.s32 @!p0 $0x0, s1;
	[sflag:s0] =	ssyncset.done @!p0 $0x0  }
0x595: {  	[sflag:s0] =	ssyncadd.s32 @!p0 s1  }
0x596: {  	[bflag:$0x3] =	sbarrier.arrive $0xFFFF  }
0x597: {  	_ =	shalt  }

</sc_bundles>
